<compile_context>
chip_gen: v7x
topology: tpu7x:2x2x1
jax: 0.10.2.dev20260603
libtpu: 0.0.44.dev20260713+nightly
codegen_flags: <defaults>
</compile_context>

<pallas_src>
import functools

import jax
import jax.numpy as jnp
from jax import lax
from jax.experimental import pallas as pl
from jax.experimental.pallas import tpu as pltpu
from jax.experimental.pallas import tpu_sc as plsc

_N = 4096
_D = 64
_KTOP = 167772
_TOTAL = _N * _N

_NC = 2
_NS = 16
_NW = _NC * _NS
_ROWS_W = _N // _NW
_WROWS = 8
_NWIN = _ROWS_W // _WROWS
_UNROLL = 8


def _v_body(m1_ref, m2_ref, v_ref):
    s = lax.dot_general(m1_ref[...], m2_ref[...], (((1,), (1,)), ((), ())),
                        preferred_element_type=jnp.float32)
    v_ref[...] = jnp.maximum(s, 0.0)


def _compute_v(M1, M2):
    blk = 512
    return pl.pallas_call(
        _v_body,
        grid=(_N // blk,),
        in_specs=[pl.BlockSpec((blk, _D), lambda i: (i, 0)),
                  pl.BlockSpec((_N, _D), lambda i: (0, 0))],
        out_specs=pl.BlockSpec((blk, _N), lambda i: (i, 0)),
        out_shape=jax.ShapeDtypeStruct((_N, _N), jnp.float32),
    )(M1, M2)


def _make_hist(nbins, mode):
    hist_words = nbins * 16
    hcols = hist_words // 8
    colbits = hcols.bit_length() - 1
    mesh = plsc.VectorSubcoreMesh(core_axis_name="c", subcore_axis_name="s")
    with_sel = mode != 1

    def body(*refs):
        if with_sel:
            v_hbm, r_hbm, out_hbm, win0, win1, hist_v, sel_v, sem0, sem1 = refs
        else:
            v_hbm, out_hbm, win0, win1, hist_v, sem0, sem1 = refs
        wid = lax.axis_index("s") * _NC + lax.axis_index("c")
        row_base = wid * _ROWS_W
        lane = lax.iota(jnp.int32, 16)
        ones = jnp.ones((16,), jnp.int32)

        @plsc.parallel_loop(0, hist_words // 16, unroll=_UNROLL)
        def _(i):
            hist_v[pl.ds(i * 16, 16)] = jnp.zeros((16,), jnp.int32)

        if with_sel:
            pltpu.sync_copy(r_hbm.at[0, pl.ds(0, 16)], sel_v)
            sel = sel_v[...]
            sel20 = lax.shift_left(sel, 20)
        else:
            sel = sel20 = None

        def process(win):
            @plsc.parallel_loop(0, _N // 16, unroll=2)
            def _(i):
                for r in range(_WROWS):
                    v = win[r, pl.ds(i * 16, 16)]
                    bits = lax.bitcast_convert_type(v, jnp.int32)
                    if mode == 1:
                        bucket = lax.shift_right_logical(bits, 20)
                        mk = None
                    elif mode == 2:
                        bucket = jnp.bitwise_and(
                            lax.shift_right_logical(bits, 9), 0x7FF)
                        mk = lax.shift_right_logical(bits, 20) == sel
                    else:
                        bucket = jnp.bitwise_and(bits, 0x1FF)
                        mk = lax.shift_right_logical(bits, 9) == sel
                    idx = jnp.bitwise_or(lax.shift_left(bucket, 4), lane)
                    plsc.addupdate_scatter(hist_v, [idx], ones, mask=mk)

        def dma(w, buf, sem):
            return pltpu.make_async_copy(
                v_hbm.at[pl.ds(row_base + w * _WROWS, _WROWS), :], buf, sem)

        dma(0, win0, sem0).start()

        def pair_body(p, _):
            w0 = 2 * p
            dma(w0 + 1, win1, sem1).start()
            dma(w0, win0, sem0).wait()
            process(win0)

            @pl.when(p < _NWIN // 2 - 1)
            def _():
                dma(w0 + 2, win0, sem0).start()

            dma(w0 + 1, win1, sem1).wait()
            process(win1)
            return 0
        lax.fori_loop(0, _NWIN // 2, pair_body, 0)

        for r in range(8):
            pltpu.sync_copy(hist_v.at[pl.ds(r * hcols, hcols)],
                            out_hbm.at[wid * 8 + r, :])

    scratch = [pltpu.VMEM((_WROWS, _N), jnp.float32),
               pltpu.VMEM((_WROWS, _N), jnp.float32),
               pltpu.VMEM((hist_words,), jnp.int32)]
    if with_sel:
        scratch.append(pltpu.VMEM((16,), jnp.int32))
    scratch += [pltpu.SemaphoreType.DMA, pltpu.SemaphoreType.DMA]
    return pl.kernel(
        body,
        out_type=jax.ShapeDtypeStruct((_NW * 8, hcols), jnp.int32),
        mesh=mesh,
        scratch_types=scratch,
        compiler_params=pltpu.CompilerParams(
            needs_layout_passes=False, use_tc_tiling_on_sc=True),
    )


def _search(h, jb, nbits, k):
    p = jnp.int32(0)
    for i in range(nbits):
        c = p + jnp.int32(1 << (nbits - 1 - i))
        ic = jnp.sum(jnp.where(jb >= c, h, 0))
        p = jnp.where(ic >= k, c, p)
    ca = jnp.sum(jnp.where(jb > p, h, 0))
    return p, k - ca


def _hist_slab(h_ref):
    full = h_ref[...]
    rows, hcols = full.shape
    h = jnp.sum(jnp.reshape(full, (rows // 8, 8, hcols)), axis=0)
    r = lax.broadcasted_iota(jnp.int32, (8, hcols), 0)
    c = lax.broadcasted_iota(jnp.int32, (8, hcols), 1)
    jb = lax.shift_right_logical(r * hcols + c, 4)
    return h, jb


def _r1_body(h_ref, out_ref):
    h, jb = _hist_slab(h_ref)
    b, kp = _search(h, jb, 11, jnp.int32(_KTOP))
    row = lax.broadcasted_iota(jnp.int32, (8, 128), 0)
    out_ref[...] = jnp.where(row == 0, b, kp)


def _r2_body(h_ref, r_ref, out_ref):
    b1 = r_ref[0, 0]
    k1 = r_ref[1, 0]
    h, jb = _hist_slab(h_ref)
    b2, k2 = _search(h, jb, 11, k1)
    c2 = jnp.bitwise_or(lax.shift_left(b1, 11), b2)
    row = lax.broadcasted_iota(jnp.int32, (8, 128), 0)
    out_ref[...] = jnp.where(row == 0, c2, k2)


def _reduce1(h1):
    return pl.pallas_call(
        _r1_body,
        out_shape=jax.ShapeDtypeStruct((8, 128), jnp.int32),
    )(h1)


def _reduce2(h2, r1):
    return pl.pallas_call(
        _r2_body,
        out_shape=jax.ShapeDtypeStruct((8, 128), jnp.int32),
    )(h2, r1)


def _mask_body(m1_ref, m2_ref, h_ref, r_ref, out_ref, thr_ref):
    @pl.when(pl.program_id(0) == 0)
    def _():
        c2 = r_ref[0, 0]
        k2 = r_ref[1, 0]
        h, jb = _hist_slab(h_ref)
        b3, _ = _search(h, jb, 9, k2)
        thr_ref[0] = jnp.bitwise_or(lax.shift_left(c2, 9), b3)

    s = lax.dot_general(m1_ref[...], m2_ref[...], (((1,), (1,)), ((), ())),
                        preferred_element_type=jnp.float32)
    a = jax.nn.sigmoid(jnp.maximum(s, 0.0))
    kth = jax.nn.sigmoid(lax.bitcast_convert_type(
        jnp.full((1, 1), thr_ref[0], jnp.int32), jnp.float32))
    out_ref[...] = jnp.where(a > kth, a, 0.0)


def _apply_mask(M1, M2, h3, r2):
    blk = 512
    return pl.pallas_call(
        _mask_body,
        grid=(_N // blk,),
        in_specs=[pl.BlockSpec((blk, _D), lambda i: (i, 0)),
                  pl.BlockSpec((_N, _D), lambda i: (0, 0)),
                  pl.BlockSpec((_NW * 8, 1024), lambda i: (0, 0)),
                  pl.BlockSpec((8, 128), lambda i: (0, 0))],
        out_specs=pl.BlockSpec((blk, _N), lambda i: (i, 0)),
        out_shape=jax.ShapeDtypeStruct((_N, _N), jnp.float32),
        scratch_shapes=[pltpu.SMEM((1,), jnp.int32)],
    )(M1, M2, h3, r2)


_hist1 = _make_hist(2048, 1)
_hist2 = _make_hist(2048, 2)
_hist3 = _make_hist(512, 3)


def kernel(x, M1, M2):
    del x
    V = _compute_v(M1, M2)
    h1 = _hist1(V)
    r1 = _reduce1(h1)
    h2 = _hist2(V, r1)
    r2 = _reduce2(h2, r1)
    h3 = _hist3(V, r2)
    return _apply_mask(M1, M2, h3, r2)

# --- scband reference (transcript-rebuilt; emitter-appended) ---
"""Pipeline reference for scband-graph-learner-35794257445247 (READ-ONLY COPY).

The authoritative reference and input builder live on the scoring server;
editing this copy changes nothing except your own understanding.
"""

import jax, jax.numpy as jnp
import numpy as np

NUM_NODE = 4096
RETAIN_RATIO = 0.01
K = int(RETAIN_RATIO * NUM_NODE * NUM_NODE)


def setup_inputs(seed: int = 0) -> dict:
    key = jax.random.key(seed)
    k1, k2, k3 = jax.random.split(key, 3)
    # xavier_uniform_ with gain = calculate_gain('relu') = sqrt(2)
    gain = np.sqrt(2.0)
    bound = gain * np.sqrt(6.0 / (NUM_NODE + 64))
    M1 = jax.random.uniform(k1, (NUM_NODE, 64), minval=-bound, maxval=bound, dtype=jnp.float32)
    M2 = jax.random.uniform(k2, (NUM_NODE, 64), minval=-bound, maxval=bound, dtype=jnp.float32)
    x = jax.random.normal(k3, (NUM_NODE, 64), dtype=jnp.float32)
    return {"x": x, "M1": M1, "M2": M2}


def reference(x, M1, M2):
    # x is accepted by the original forward but unused
    adj_mx = jax.nn.relu(jnp.matmul(M1, M2.T))
    adj_mx = jax.nn.sigmoid(adj_mx)
    edges_w = adj_mx.reshape(NUM_NODE * NUM_NODE)
    kth = jnp.min(jax.lax.top_k(edges_w, K)[0])
    adj_mx = jnp.where(adj_mx > kth, adj_mx, jnp.zeros_like(adj_mx))
    # The original then converts to scipy CSR / dgl graph on host; the
    # device-side computation (the masked dense adjacency) is returned here.
    return adj_mx

if __name__ == "__main__":
    import jax
    _d = setup_inputs()
    print(jax.jit(kernel)(*tuple(_d.values())))

</pallas_src>

<mosaic_0001>
#map = affine_map<(d0, d1) -> (0, 0)>
module attributes {stable_mosaic.version = 14 : i64} {
  func.func @body(%arg0: i32, %arg1: i32, %arg2: memref<4096x4096xf32, #tpu.memory_space<hbm>>, %arg3: memref<8x128xi32, #tpu.memory_space<hbm>>, %arg4: memref<256x1024xi32, #tpu.memory_space<hbm>>, %arg5: memref<8x4096xf32, #tpu.memory_space<vmem>>, %arg6: memref<8x4096xf32, #tpu.memory_space<vmem>>, %arg7: memref<8192xi32, #tpu.memory_space<vmem>>, %arg8: memref<16xi32, #tpu.memory_space<vmem>>, %arg9: memref<!tpu.dma_semaphore, #tpu.memory_space<semaphore_mem>>, %arg10: memref<!tpu.dma_semaphore, #tpu.memory_space<semaphore_mem>>) attributes {dimension_semantics = [#tpu.dimension_semantics<core_parallel>, #tpu.dimension_semantics<subcore_parallel>], iteration_bounds = array<i64: 2, 16>, scalar_prefetch = 0 : i64, scratch_operands = 6 : i64, tpu.core_type = #tpu.core_type<sc_vector_subcore>, window_params = [{transform_indices = #map}, {transform_indices = #map}, {transform_indices = #map}]} {
    %mul3A = arith.constant 2 : i32
    %mul3A_0 = arith.muli %arg1, %mul3A : i32
    %add3A = arith.addi %mul3A_0, %arg0 : i32
    %mul3A_1 = arith.constant 128 : i32
    %mul3A_2 = arith.muli %add3A, %mul3A_1 : i32
    %iota3A = tpu.iota {dimensions = array<i32: 0>} : vector<16xi32>
    %broadcast_in_dim3A = arith.constant 1 : i32
    %broadcast_in_dim3A_3 = vector.broadcast %broadcast_in_dim3A : i32 to vector<16xi32>
    %parallel_loop3A = arith.constant 0 : i32
    %parallel_loop3A_4 = arith.constant 512 : i32
    %parallel_loop3A_5 = arith.constant 1 : i32
    scf.for %parallel_loop3A_52 = %parallel_loop3A to %parallel_loop3A_4 step %parallel_loop3A_5  : i32 {
      %parallel_loop3A_53 = arith.constant 0 : i32
      %parallel_loop3A_54 = vector.broadcast %parallel_loop3A_53 : i32 to vector<16xi32>
      %parallel_loop3A_55 = arith.constant 16 : i32
      %parallel_loop3A_56 = arith.muli %parallel_loop3A_52, %parallel_loop3A_55 : i32
      %parallel_loop3A_57 = arith.index_cast %parallel_loop3A_56 : i32 to index
      %parallel_loop3A_58 = tpu.vector_load %arg7[%parallel_loop3A_57] {strides = array<i32>} : memref<8192xi32, #tpu.memory_space<vmem>>, vector<16xi32>,
      tpu.vector_store %arg7[%parallel_loop3A_57], %parallel_loop3A_54 {strides = array<i32>} : memref<8192xi32, #tpu.memory_space<vmem>>, vector<16xi32>,
    } {sc.loop_unroll_factor = 8 : i64, sc.parallel_access}
    %run_scoped3A = arith.constant 0 : i32
    "tpu.region"() ({
      %run_scoped3A_52 = tpu.sem_alloc : memref<!tpu.dma_semaphore, #tpu.memory_space<semaphore_mem>>
      %dma_start3A_53 = arith.constant 0 : i32
      %dma_start3A_54 = tpu.memref_slice %arg3[%run_scoped3A, %dma_start3A_53] : memref<8x128xi32, #tpu.memory_space<hbm>> -> memref<1x16xi32, #tpu.memory_space<hbm>>
      %dma_start3A_55 = tpu.memref_squeeze %dma_start3A_54 : memref<1x16xi32, #tpu.memory_space<hbm>> -> memref<16xi32, #tpu.memory_space<hbm>>
      %dma_start3A_56 = arith.constant 0 : i32
      %dma_start3A_57 = tpu.memref_slice %arg3[%run_scoped3A, %dma_start3A_56] : memref<8x128xi32, #tpu.memory_space<hbm>> -> memref<1x16xi32, #tpu.memory_space<hbm>>
      %dma_start3A_58 = tpu.memref_squeeze %dma_start3A_57 : memref<1x16xi32, #tpu.memory_space<hbm>> -> memref<16xi32, #tpu.memory_space<hbm>>
      tpu.enqueue_dma source(%dma_start3A_58 : memref<16xi32, #tpu.memory_space<hbm>>) target(%arg8 : memref<16xi32, #tpu.memory_space<vmem>>) target_semaphore(%run_scoped3A_52 : memref<!tpu.dma_semaphore, #tpu.memory_space<semaphore_mem>>)
      %dma_wait3A = arith.constant 0 : i32
      %dma_wait3A_59 = tpu.memref_slice %arg3[%run_scoped3A, %dma_wait3A] : memref<8x128xi32, #tpu.memory_space<hbm>> -> memref<1x16xi32, #tpu.memory_space<hbm>>
      %dma_wait3A_60 = tpu.memref_squeeze %dma_wait3A_59 : memref<1x16xi32, #tpu.memory_space<hbm>> -> memref<16xi32, #tpu.memory_space<hbm>>
      %dma_wait3A_61 = arith.constant 0 : i32
      %dma_wait3A_62 = tpu.memref_slice %arg3[%run_scoped3A, %dma_wait3A_61] : memref<8x128xi32, #tpu.memory_space<hbm>> -> memref<1x16xi32, #tpu.memory_space<hbm>>
      %dma_wait3A_63 = tpu.memref_squeeze %dma_wait3A_62 : memref<1x16xi32, #tpu.memory_space<hbm>> -> memref<16xi32, #tpu.memory_space<hbm>>
      tpu.wait_dma2 semaphore(%run_scoped3A_52 : memref<!tpu.dma_semaphore, #tpu.memory_space<semaphore_mem>>) src(%dma_wait3A_63 : memref<16xi32, #tpu.memory_space<hbm>>) dst(%arg8 : memref<16xi32, #tpu.memory_space<vmem>>)
      tpu.yield
    }) : () -> ()
    %get3A = arith.constant 0 : index
    %get3A_6 = tpu.vector_load %arg8[%get3A] {strides = array<i32>} : memref<16xi32, #tpu.memory_space<vmem>>, vector<16xi32>,
    %shift_left3A = arith.constant 20 : i32
    %shift_left3A_7 = vector.broadcast %shift_left3A : i32 to vector<16xi32>
    %shift_left3A_8 = arith.shli %get3A_6, %shift_left3A_7 : vector<16xi32>
    %add3A_9 = arith.constant 0 : i32
    %add3A_10 = arith.addi %mul3A_2, %add3A_9 : i32
    %dma_start3A = arith.constant 0 : i32
    %dma_start3A_11 = tpu.memref_slice %arg2[%add3A_10, %dma_start3A] : memref<4096x4096xf32, #tpu.memory_space<hbm>> -> memref<8x4096xf32, #tpu.memory_space<hbm>>
    %dma_start3A_12 = arith.constant 0 : i32
    %dma_start3A_13 = tpu.memref_slice %arg2[%add3A_10, %dma_start3A_12] : memref<4096x4096xf32, #tpu.memory_space<hbm>> -> memref<8x4096xf32, #tpu.memory_space<hbm>>
    tpu.enqueue_dma source(%dma_start3A_13 : memref<8x4096xf32, #tpu.memory_space<hbm>>) target(%arg5 : memref<8x4096xf32, #tpu.memory_space<vmem>>) target_semaphore(%arg9 : memref<!tpu.dma_semaphore, #tpu.memory_space<semaphore_mem>>)
    %scan3A = arith.constant 0 : i32
    %scan3A_14 = arith.constant 0 : i32
    %scan3A_15 = arith.constant 8 : i32
    %scan3A_16 = arith.addi %scan3A_14, %scan3A_15 : i32
    %scan3A_17 = arith.constant 1 : i32
    %scan3A_18 = scf.for %scan3A_52 = %scan3A_14 to %scan3A_16 step %scan3A_17 iter_args(%scan3A_53 = %scan3A) -> (i32)  : i32 {
      %mul3A_54 = arith.constant 2 : i32
      %mul3A_55 = arith.muli %mul3A_54, %scan3A_52 : i32
      %add3A_56 = arith.constant 1 : i32
      %add3A_57 = arith.addi %mul3A_55, %add3A_56 : i32
      %mul3A_58 = arith.constant 8 : i32
      %mul3A_59 = arith.muli %add3A_57, %mul3A_58 : i32
      %add3A_60 = arith.addi %mul3A_2, %mul3A_59 : i32
      %dma_start3A_61 = arith.constant 0 : i32
      %dma_start3A_62 = tpu.memref_slice %arg2[%add3A_60, %dma_start3A_61] : memref<4096x4096xf32, #tpu.memory_space<hbm>> -> memref<8x4096xf32, #tpu.memory_space<hbm>>
      %dma_start3A_63 = arith.constant 0 : i32
      %dma_start3A_64 = tpu.memref_slice %arg2[%add3A_60, %dma_start3A_63] : memref<4096x4096xf32, #tpu.memory_space<hbm>> -> memref<8x4096xf32, #tpu.memory_space<hbm>>
      tpu.enqueue_dma source(%dma_start3A_64 : memref<8x4096xf32, #tpu.memory_space<hbm>>) target(%arg6 : memref<8x4096xf32, #tpu.memory_space<vmem>>) target_semaphore(%arg10 : memref<!tpu.dma_semaphore, #tpu.memory_space<semaphore_mem>>)
      %mul3A_65 = arith.constant 8 : i32
      %mul3A_66 = arith.muli %mul3A_55, %mul3A_65 : i32
      %add3A_67 = arith.addi %mul3A_2, %mul3A_66 : i32
      %dma_wait3A = arith.constant 0 : i32
      %dma_wait3A_68 = tpu.memref_slice %arg2[%add3A_67, %dma_wait3A] : memref<4096x4096xf32, #tpu.memory_space<hbm>> -> memref<8x4096xf32, #tpu.memory_space<hbm>>
      %dma_wait3A_69 = arith.constant 0 : i32
      %dma_wait3A_70 = tpu.memref_slice %arg2[%add3A_67, %dma_wait3A_69] : memref<4096x4096xf32, #tpu.memory_space<hbm>> -> memref<8x4096xf32, #tpu.memory_space<hbm>>
      tpu.wait_dma2 semaphore(%arg9 : memref<!tpu.dma_semaphore, #tpu.memory_space<semaphore_mem>>) src(%dma_wait3A_70 : memref<8x4096xf32, #tpu.memory_space<hbm>>) dst(%arg5 : memref<8x4096xf32, #tpu.memory_space<vmem>>)
      %parallel_loop3A_71 = arith.constant 0 : i32
      %parallel_loop3A_72 = arith.constant 256 : i32
      %parallel_loop3A_73 = arith.constant 1 : i32
      scf.for %parallel_loop3A_89 = %parallel_loop3A_71 to %parallel_loop3A_72 step %parallel_loop3A_73  : i32 {
        %parallel_loop3A_90 = arith.constant 16 : i32
        %parallel_loop3A_91 = arith.muli %parallel_loop3A_89, %parallel_loop3A_90 : i32
        %parallel_loop3A_92 = arith.constant 0 : i32
        %parallel_loop3A_93 = arith.index_cast %parallel_loop3A_92 : i32 to index
        %parallel_loop3A_94 = arith.index_cast %parallel_loop3A_91 : i32 to index
        %parallel_loop3A_95 = tpu.vector_load %arg5[%parallel_loop3A_93, %parallel_loop3A_94] {strides = array<i32>} : memref<8x4096xf32, #tpu.memory_space<vmem>>, vector<16xf32>,
        %parallel_loop3A_96 = tpu.bitcast %parallel_loop3A_95 : vector<16xf32> -> vector<16xi32>
        %parallel_loop3A_97 = arith.constant 511 : i32
        %parallel_loop3A_98 = vector.broadcast %parallel_loop3A_97 : i32 to vector<16xi32>
        %parallel_loop3A_99 = arith.andi %parallel_loop3A_96, %parallel_loop3A_98 : vector<16xi32>
        %parallel_loop3A_100 = arith.constant 9 : i32
        %parallel_loop3A_101 = vector.broadcast %parallel_loop3A_100 : i32 to vector<16xi32>
        %parallel_loop3A_102 = arith.shrui %parallel_loop3A_96, %parallel_loop3A_101 : vector<16xi32>
        %parallel_loop3A_103 = arith.cmpi eq, %parallel_loop3A_102, %get3A_6 : vector<16xi32>
        %parallel_loop3A_104 = arith.constant 4 : i32
        %parallel_loop3A_105 = vector.broadcast %parallel_loop3A_104 : i32 to vector<16xi32>
        %parallel_loop3A_106 = arith.shli %parallel_loop3A_99, %parallel_loop3A_105 : vector<16xi32>
        %parallel_loop3A_107 = arith.ori %parallel_loop3A_106, %iota3A : vector<16xi32>
        tpu.vector_store_idx %arg7[%parallel_loop3A_107], %broadcast_in_dim3A_3 masked %parallel_loop3A_103 {add = true} : memref<8192xi32, #tpu.memory_space<vmem>>[vector<16xi32>], vector<16xi32>, vector<16xi1>
        %parallel_loop3A_108 = arith.constant 16 : i32
        %parallel_loop3A_109 = arith.muli %parallel_loop3A_89, %parallel_loop3A_108 : i32
        %parallel_loop3A_110 = arith.constant 1 : i32
        %parallel_loop3A_111 = arith.index_cast %parallel_loop3A_110 : i32 to index
        %parallel_loop3A_112 = arith.index_cast %parallel_loop3A_109 : i32 to index
        %parallel_loop3A_113 = tpu.vector_load %arg5[%parallel_loop3A_111, %parallel_loop3A_112] {strides = array<i32>} : memref<8x4096xf32, #tpu.memory_space<vmem>>, vector<16xf32>,
        %parallel_loop3A_114 = tpu.bitcast %parallel_loop3A_113 : vector<16xf32> -> vector<16xi32>
        %parallel_loop3A_115 = arith.constant 511 : i32
        %parallel_loop3A_116 = vector.broadcast %parallel_loop3A_115 : i32 to vector<16xi32>
        %parallel_loop3A_117 = arith.andi %parallel_loop3A_114, %parallel_loop3A_116 : vector<16xi32>
        %parallel_loop3A_118 = arith.constant 9 : i32
        %parallel_loop3A_119 = vector.broadcast %parallel_loop3A_118 : i32 to vector<16xi32>
        %parallel_loop3A_120 = arith.shrui %parallel_loop3A_114, %parallel_loop3A_119 : vector<16xi32>
        %parallel_loop3A_121 = arith.cmpi eq, %parallel_loop3A_120, %get3A_6 : vector<16xi32>
        %parallel_loop3A_122 = arith.constant 4 : i32
        %parallel_loop3A_123 = vector.broadcast %parallel_loop3A_122 : i32 to vector<16xi32>
        %parallel_loop3A_124 = arith.shli %parallel_loop3A_117, %parallel_loop3A_123 : vector<16xi32>
        %parallel_loop3A_125 = arith.ori %parallel_loop3A_124, %iota3A : vector<16xi32>
        tpu.vector_store_idx %arg7[%parallel_loop3A_125], %broadcast_in_dim3A_3 masked %parallel_loop3A_121 {add = true} : memref<8192xi32, #tpu.memory_space<vmem>>[vector<16xi32>], vector<16xi32>, vector<16xi1>
        %parallel_loop3A_126 = arith.constant 16 : i32
        %parallel_loop3A_127 = arith.muli %parallel_loop3A_89, %parallel_loop3A_126 : i32
        %parallel_loop3A_128 = arith.constant 2 : i32
        %parallel_loop3A_129 = arith.index_cast %parallel_loop3A_128 : i32 to index
        %parallel_loop3A_130 = arith.index_cast %parallel_loop3A_127 : i32 to index
        %parallel_loop3A_131 = tpu.vector_load %arg5[%parallel_loop3A_129, %parallel_loop3A_130] {strides = array<i32>} : memref<8x4096xf32, #tpu.memory_space<vmem>>, vector<16xf32>,
        %parallel_loop3A_132 = tpu.bitcast %parallel_loop3A_131 : vector<16xf32> -> vector<16xi32>
        %parallel_loop3A_133 = arith.constant 511 : i32
        %parallel_loop3A_134 = vector.broadcast %parallel_loop3A_133 : i32 to vector<16xi32>
        %parallel_loop3A_135 = arith.andi %parallel_loop3A_132, %parallel_loop3A_134 : vector<16xi32>
        %parallel_loop3A_136 = arith.constant 9 : i32
        %parallel_loop3A_137 = vector.broadcast %parallel_loop3A_136 : i32 to vector<16xi32>
        %parallel_loop3A_138 = arith.shrui %parallel_loop3A_132, %parallel_loop3A_137 : vector<16xi32>
        %parallel_loop3A_139 = arith.cmpi eq, %parallel_loop3A_138, %get3A_6 : vector<16xi32>
        %parallel_loop3A_140 = arith.constant 4 : i32
        %parallel_loop3A_141 = vector.broadcast %parallel_loop3A_140 : i32 to vector<16xi32>
        %parallel_loop3A_142 = arith.shli %parallel_loop3A_135, %parallel_loop3A_141 : vector<16xi32>
        %parallel_loop3A_143 = arith.ori %parallel_loop3A_142, %iota3A : vector<16xi32>
        tpu.vector_store_idx %arg7[%parallel_loop3A_143], %broadcast_in_dim3A_3 masked %parallel_loop3A_139 {add = true} : memref<8192xi32, #tpu.memory_space<vmem>>[vector<16xi32>], vector<16xi32>, vector<16xi1>
        %parallel_loop3A_144 = arith.constant 16 : i32
        %parallel_loop3A_145 = arith.muli %parallel_loop3A_89, %parallel_loop3A_144 : i32
        %parallel_loop3A_146 = arith.constant 3 : i32
        %parallel_loop3A_147 = arith.index_cast %parallel_loop3A_146 : i32 to index
        %parallel_loop3A_148 = arith.index_cast %parallel_loop3A_145 : i32 to index
        %parallel_loop3A_149 = tpu.vector_load %arg5[%parallel_loop3A_147, %parallel_loop3A_148] {strides = array<i32>} : memref<8x4096xf32, #tpu.memory_space<vmem>>, vector<16xf32>,
        %parallel_loop3A_150 = tpu.bitcast %parallel_loop3A_149 : vector<16xf32> -> vector<16xi32>
        %parallel_loop3A_151 = arith.constant 511 : i32
        %parallel_loop3A_152 = vector.broadcast %parallel_loop3A_151 : i32 to vector<16xi32>
        %parallel_loop3A_153 = arith.andi %parallel_loop3A_150, %parallel_loop3A_152 : vector<16xi32>
        %parallel_loop3A_154 = arith.constant 9 : i32
        %parallel_loop3A_155 = vector.broadcast %parallel_loop3A_154 : i32 to vector<16xi32>
        %parallel_loop3A_156 = arith.shrui %parallel_loop3A_150, %parallel_loop3A_155 : vector<16xi32>
        %parallel_loop3A_157 = arith.cmpi eq, %parallel_loop3A_156, %get3A_6 : vector<16xi32>
        %parallel_loop3A_158 = arith.constant 4 : i32
        %parallel_loop3A_159 = vector.broadcast %parallel_loop3A_158 : i32 to vector<16xi32>
        %parallel_loop3A_160 = arith.shli %parallel_loop3A_153, %parallel_loop3A_159 : vector<16xi32>
        %parallel_loop3A_161 = arith.ori %parallel_loop3A_160, %iota3A : vector<16xi32>
        tpu.vector_store_idx %arg7[%parallel_loop3A_161], %broadcast_in_dim3A_3 masked %parallel_loop3A_157 {add = true} : memref<8192xi32, #tpu.memory_space<vmem>>[vector<16xi32>], vector<16xi32>, vector<16xi1>
        %parallel_loop3A_162 = arith.constant 16 : i32
        %parallel_loop3A_163 = arith.muli %parallel_loop3A_89, %parallel_loop3A_162 : i32
        %parallel_loop3A_164 = arith.constant 4 : i32
        %parallel_loop3A_165 = arith.index_cast %parallel_loop3A_164 : i32 to index
        %parallel_loop3A_166 = arith.index_cast %parallel_loop3A_163 : i32 to index
        %parallel_loop3A_167 = tpu.vector_load %arg5[%parallel_loop3A_165, %parallel_loop3A_166] {strides = array<i32>} : memref<8x4096xf32, #tpu.memory_space<vmem>>, vector<16xf32>,
        %parallel_loop3A_168 = tpu.bitcast %parallel_loop3A_167 : vector<16xf32> -> vector<16xi32>
        %parallel_loop3A_169 = arith.constant 511 : i32
        %parallel_loop3A_170 = vector.broadcast %parallel_loop3A_169 : i32 to vector<16xi32>
        %parallel_loop3A_171 = arith.andi %parallel_loop3A_168, %parallel_loop3A_170 : vector<16xi32>
        %parallel_loop3A_172 = arith.constant 9 : i32
        %parallel_loop3A_173 = vector.broadcast %parallel_loop3A_172 : i32 to vector<16xi32>
        %parallel_loop3A_174 = arith.shrui %parallel_loop3A_168, %parallel_loop3A_173 : vector<16xi32>
        %parallel_loop3A_175 = arith.cmpi eq, %parallel_loop3A_174, %get3A_6 : vector<16xi32>
        %parallel_loop3A_176 = arith.constant 4 : i32
        %parallel_loop3A_177 = vector.broadcast %parallel_loop3A_176 : i32 to vector<16xi32>
        %parallel_loop3A_178 = arith.shli %parallel_loop3A_171, %parallel_loop3A_177 : vector<16xi32>
        %parallel_loop3A_179 = arith.ori %parallel_loop3A_178, %iota3A : vector<16xi32>
        tpu.vector_store_idx %arg7[%parallel_loop3A_179], %broadcast_in_dim3A_3 masked %parallel_loop3A_175 {add = true} : memref<8192xi32, #tpu.memory_space<vmem>>[vector<16xi32>], vector<16xi32>, vector<16xi1>
        %parallel_loop3A_180 = arith.constant 16 : i32
        %parallel_loop3A_181 = arith.muli %parallel_loop3A_89, %parallel_loop3A_180 : i32
        %parallel_loop3A_182 = arith.constant 5 : i32
        %parallel_loop3A_183 = arith.index_cast %parallel_loop3A_182 : i32 to index
        %parallel_loop3A_184 = arith.index_cast %parallel_loop3A_181 : i32 to index
        %parallel_loop3A_185 = tpu.vector_load %arg5[%parallel_loop3A_183, %parallel_loop3A_184] {strides = array<i32>} : memref<8x4096xf32, #tpu.memory_space<vmem>>, vector<16xf32>,
        %parallel_loop3A_186 = tpu.bitcast %parallel_loop3A_185 : vector<16xf32> -> vector<16xi32>
        %parallel_loop3A_187 = arith.constant 511 : i32
        %parallel_loop3A_188 = vector.broadcast %parallel_loop3A_187 : i32 to vector<16xi32>
        %parallel_loop3A_189 = arith.andi %parallel_loop3A_186, %parallel_loop3A_188 : vector<16xi32>
        %parallel_loop3A_190 = arith.constant 9 : i32
        %parallel_loop3A_191 = vector.broadcast %parallel_loop3A_190 : i32 to vector<16xi32>
        %parallel_loop3A_192 = arith.shrui %parallel_loop3A_186, %parallel_loop3A_191 : vector<16xi32>
        %parallel_loop3A_193 = arith.cmpi eq, %parallel_loop3A_192, %get3A_6 : vector<16xi32>
        %parallel_loop3A_194 = arith.constant 4 : i32
        %parallel_loop3A_195 = vector.broadcast %parallel_loop3A_194 : i32 to vector<16xi32>
        %parallel_loop3A_196 = arith.shli %parallel_loop3A_189, %parallel_loop3A_195 : vector<16xi32>
        %parallel_loop3A_197 = arith.ori %parallel_loop3A_196, %iota3A : vector<16xi32>
        tpu.vector_store_idx %arg7[%parallel_loop3A_197], %broadcast_in_dim3A_3 masked %parallel_loop3A_193 {add = true} : memref<8192xi32, #tpu.memory_space<vmem>>[vector<16xi32>], vector<16xi32>, vector<16xi1>
        %parallel_loop3A_198 = arith.constant 16 : i32
        %parallel_loop3A_199 = arith.muli %parallel_loop3A_89, %parallel_loop3A_198 : i32
        %parallel_loop3A_200 = arith.constant 6 : i32
        %parallel_loop3A_201 = arith.index_cast %parallel_loop3A_200 : i32 to index
        %parallel_loop3A_202 = arith.index_cast %parallel_loop3A_199 : i32 to index
        %parallel_loop3A_203 = tpu.vector_load %arg5[%parallel_loop3A_201, %parallel_loop3A_202] {strides = array<i32>} : memref<8x4096xf32, #tpu.memory_space<vmem>>, vector<16xf32>,
        %parallel_loop3A_204 = tpu.bitcast %parallel_loop3A_203 : vector<16xf32> -> vector<16xi32>
        %parallel_loop3A_205 = arith.constant 511 : i32
        %parallel_loop3A_206 = vector.broadcast %parallel_loop3A_205 : i32 to vector<16xi32>
        %parallel_loop3A_207 = arith.andi %parallel_loop3A_204, %parallel_loop3A_206 : vector<16xi32>
        %parallel_loop3A_208 = arith.constant 9 : i32
        %parallel_loop3A_209 = vector.broadcast %parallel_loop3A_208 : i32 to vector<16xi32>
        %parallel_loop3A_210 = arith.shrui %parallel_loop3A_204, %parallel_loop3A_209 : vector<16xi32>
        %parallel_loop3A_211 = arith.cmpi eq, %parallel_loop3A_210, %get3A_6 : vector<16xi32>
        %parallel_loop3A_212 = arith.constant 4 : i32
        %parallel_loop3A_213 = vector.broadcast %parallel_loop3A_212 : i32 to vector<16xi32>
        %parallel_loop3A_214 = arith.shli %parallel_loop3A_207, %parallel_loop3A_213 : vector<16xi32>
        %parallel_loop3A_215 = arith.ori %parallel_loop3A_214, %iota3A : vector<16xi32>
        tpu.vector_store_idx %arg7[%parallel_loop3A_215], %broadcast_in_dim3A_3 masked %parallel_loop3A_211 {add = true} : memref<8192xi32, #tpu.memory_space<vmem>>[vector<16xi32>], vector<16xi32>, vector<16xi1>
        %parallel_loop3A_216 = arith.constant 16 : i32
        %parallel_loop3A_217 = arith.muli %parallel_loop3A_89, %parallel_loop3A_216 : i32
        %parallel_loop3A_218 = arith.constant 7 : i32
        %parallel_loop3A_219 = arith.index_cast %parallel_loop3A_218 : i32 to index
        %parallel_loop3A_220 = arith.index_cast %parallel_loop3A_217 : i32 to index
        %parallel_loop3A_221 = tpu.vector_load %arg5[%parallel_loop3A_219, %parallel_loop3A_220] {strides = array<i32>} : memref<8x4096xf32, #tpu.memory_space<vmem>>, vector<16xf32>,
        %parallel_loop3A_222 = tpu.bitcast %parallel_loop3A_221 : vector<16xf32> -> vector<16xi32>
        %parallel_loop3A_223 = arith.constant 511 : i32
        %parallel_loop3A_224 = vector.broadcast %parallel_loop3A_223 : i32 to vector<16xi32>
        %parallel_loop3A_225 = arith.andi %parallel_loop3A_222, %parallel_loop3A_224 : vector<16xi32>
        %parallel_loop3A_226 = arith.constant 9 : i32
        %parallel_loop3A_227 = vector.broadcast %parallel_loop3A_226 : i32 to vector<16xi32>
        %parallel_loop3A_228 = arith.shrui %parallel_loop3A_222, %parallel_loop3A_227 : vector<16xi32>
        %parallel_loop3A_229 = arith.cmpi eq, %parallel_loop3A_228, %get3A_6 : vector<16xi32>
        %parallel_loop3A_230 = arith.constant 4 : i32
        %parallel_loop3A_231 = vector.broadcast %parallel_loop3A_230 : i32 to vector<16xi32>
        %parallel_loop3A_232 = arith.shli %parallel_loop3A_225, %parallel_loop3A_231 : vector<16xi32>
        %parallel_loop3A_233 = arith.ori %parallel_loop3A_232, %iota3A : vector<16xi32>
        tpu.vector_store_idx %arg7[%parallel_loop3A_233], %broadcast_in_dim3A_3 masked %parallel_loop3A_229 {add = true} : memref<8192xi32, #tpu.memory_space<vmem>>[vector<16xi32>], vector<16xi32>, vector<16xi1>
      } {sc.loop_unroll_factor = 2 : i64, sc.parallel_access}
      %lt3A = arith.constant 7 : i32
      %lt3A_74 = arith.cmpi slt, %scan3A_52, %lt3A : i32
      %convert_element_type3A = arith.extui %lt3A_74 : i1 to i32
      %cond3A = arith.constant 0 : i32
      %cond3A_75 = arith.cmpi ne, %convert_element_type3A, %cond3A : i32
      scf.if %cond3A_75 {
        %add3A_89 = arith.constant 2 : i32
        %add3A_90 = arith.addi %mul3A_55, %add3A_89 : i32
        %mul3A_91 = arith.constant 8 : i32
        %mul3A_92 = arith.muli %add3A_90, %mul3A_91 : i32
        %add3A_93 = arith.addi %mul3A_2, %mul3A_92 : i32
        %dma_start3A_94 = arith.constant 0 : i32
        %dma_start3A_95 = tpu.memref_slice %arg2[%add3A_93, %dma_start3A_94] : memref<4096x4096xf32, #tpu.memory_space<hbm>> -> memref<8x4096xf32, #tpu.memory_space<hbm>>
        %dma_start3A_96 = arith.constant 0 : i32
        %dma_start3A_97 = tpu.memref_slice %arg2[%add3A_93, %dma_start3A_96] : memref<4096x4096xf32, #tpu.memory_space<hbm>> -> memref<8x4096xf32, #tpu.memory_space<hbm>>
        tpu.enqueue_dma source(%dma_start3A_97 : memref<8x4096xf32, #tpu.memory_space<hbm>>) target(%arg5 : memref<8x4096xf32, #tpu.memory_space<vmem>>) target_semaphore(%arg9 : memref<!tpu.dma_semaphore, #tpu.memory_space<semaphore_mem>>)
      } else {
      }
      %add3A_76 = arith.constant 1 : i32
      %add3A_77 = arith.addi %mul3A_55, %add3A_76 : i32
      %mul3A_78 = arith.constant 8 : i32
      %mul3A_79 = arith.muli %add3A_77, %mul3A_78 : i32
      %add3A_80 = arith.addi %mul3A_2, %mul3A_79 : i32
      %dma_wait3A_81 = arith.constant 0 : i32
      %dma_wait3A_82 = tpu.memref_slice %arg2[%add3A_80, %dma_wait3A_81] : memref<4096x4096xf32, #tpu.memory_space<hbm>> -> memref<8x4096xf32, #tpu.memory_space<hbm>>
      %dma_wait3A_83 = arith.constant 0 : i32
      %dma_wait3A_84 = tpu.memref_slice %arg2[%add3A_80, %dma_wait3A_83] : memref<4096x4096xf32, #tpu.memory_space<hbm>> -> memref<8x4096xf32, #tpu.memory_space<hbm>>
      tpu.wait_dma2 semaphore(%arg10 : memref<!tpu.dma_semaphore, #tpu.memory_space<semaphore_mem>>) src(%dma_wait3A_84 : memref<8x4096xf32, #tpu.memory_space<hbm>>) dst(%arg6 : memref<8x4096xf32, #tpu.memory_space<vmem>>)
      %parallel_loop3A_85 = arith.constant 0 : i32
      %parallel_loop3A_86 = arith.constant 256 : i32
      %parallel_loop3A_87 = arith.constant 1 : i32
      scf.for %parallel_loop3A_89 = %parallel_loop3A_85 to %parallel_loop3A_86 step %parallel_loop3A_87  : i32 {
        %parallel_loop3A_90 = arith.constant 16 : i32
        %parallel_loop3A_91 = arith.muli %parallel_loop3A_89, %parallel_loop3A_90 : i32
        %parallel_loop3A_92 = arith.constant 0 : i32
        %parallel_loop3A_93 = arith.index_cast %parallel_loop3A_92 : i32 to index
        %parallel_loop3A_94 = arith.index_cast %parallel_loop3A_91 : i32 to index
        %parallel_loop3A_95 = tpu.vector_load %arg6[%parallel_loop3A_93, %parallel_loop3A_94] {strides = array<i32>} : memref<8x4096xf32, #tpu.memory_space<vmem>>, vector<16xf32>,
        %parallel_loop3A_96 = tpu.bitcast %parallel_loop3A_95 : vector<16xf32> -> vector<16xi32>
        %parallel_loop3A_97 = arith.constant 511 : i32
        %parallel_loop3A_98 = vector.broadcast %parallel_loop3A_97 : i32 to vector<16xi32>
        %parallel_loop3A_99 = arith.andi %parallel_loop3A_96, %parallel_loop3A_98 : vector<16xi32>
        %parallel_loop3A_100 = arith.constant 9 : i32
        %parallel_loop3A_101 = vector.broadcast %parallel_loop3A_100 : i32 to vector<16xi32>
        %parallel_loop3A_102 = arith.shrui %parallel_loop3A_96, %parallel_loop3A_101 : vector<16xi32>
        %parallel_loop3A_103 = arith.cmpi eq, %parallel_loop3A_102, %get3A_6 : vector<16xi32>
        %parallel_loop3A_104 = arith.constant 4 : i32
        %parallel_loop3A_105 = vector.broadcast %parallel_loop3A_104 : i32 to vector<16xi32>
        %parallel_loop3A_106 = arith.shli %parallel_loop3A_99, %parallel_loop3A_105 : vector<16xi32>
        %parallel_loop3A_107 = arith.ori %parallel_loop3A_106, %iota3A : vector<16xi32>
        tpu.vector_store_idx %arg7[%parallel_loop3A_107], %broadcast_in_dim3A_3 masked %parallel_loop3A_103 {add = true} : memref<8192xi32, #tpu.memory_space<vmem>>[vector<16xi32>], vector<16xi32>, vector<16xi1>
        %parallel_loop3A_108 = arith.constant 16 : i32
        %parallel_loop3A_109 = arith.muli %parallel_loop3A_89, %parallel_loop3A_108 : i32
        %parallel_loop3A_110 = arith.constant 1 : i32
        %parallel_loop3A_111 = arith.index_cast %parallel_loop3A_110 : i32 to index
        %parallel_loop3A_112 = arith.index_cast %parallel_loop3A_109 : i32 to index
        %parallel_loop3A_113 = tpu.vector_load %arg6[%parallel_loop3A_111, %parallel_loop3A_112] {strides = array<i32>} : memref<8x4096xf32, #tpu.memory_space<vmem>>, vector<16xf32>,
        %parallel_loop3A_114 = tpu.bitcast %parallel_loop3A_113 : vector<16xf32> -> vector<16xi32>
        %parallel_loop3A_115 = arith.constant 511 : i32
        %parallel_loop3A_116 = vector.broadcast %parallel_loop3A_115 : i32 to vector<16xi32>
        %parallel_loop3A_117 = arith.andi %parallel_loop3A_114, %parallel_loop3A_116 : vector<16xi32>
        %parallel_loop3A_118 = arith.constant 9 : i32
        %parallel_loop3A_119 = vector.broadcast %parallel_loop3A_118 : i32 to vector<16xi32>
        %parallel_loop3A_120 = arith.shrui %parallel_loop3A_114, %parallel_loop3A_119 : vector<16xi32>
        %parallel_loop3A_121 = arith.cmpi eq, %parallel_loop3A_120, %get3A_6 : vector<16xi32>
        %parallel_loop3A_122 = arith.constant 4 : i32
        %parallel_loop3A_123 = vector.broadcast %parallel_loop3A_122 : i32 to vector<16xi32>
        %parallel_loop3A_124 = arith.shli %parallel_loop3A_117, %parallel_loop3A_123 : vector<16xi32>
        %parallel_loop3A_125 = arith.ori %parallel_loop3A_124, %iota3A : vector<16xi32>
        tpu.vector_store_idx %arg7[%parallel_loop3A_125], %broadcast_in_dim3A_3 masked %parallel_loop3A_121 {add = true} : memref<8192xi32, #tpu.memory_space<vmem>>[vector<16xi32>], vector<16xi32>, vector<16xi1>
        %parallel_loop3A_126 = arith.constant 16 : i32
        %parallel_loop3A_127 = arith.muli %parallel_loop3A_89, %parallel_loop3A_126 : i32
        %parallel_loop3A_128 = arith.constant 2 : i32
        %parallel_loop3A_129 = arith.index_cast %parallel_loop3A_128 : i32 to index
        %parallel_loop3A_130 = arith.index_cast %parallel_loop3A_127 : i32 to index
        %parallel_loop3A_131 = tpu.vector_load %arg6[%parallel_loop3A_129, %parallel_loop3A_130] {strides = array<i32>} : memref<8x4096xf32, #tpu.memory_space<vmem>>, vector<16xf32>,
        %parallel_loop3A_132 = tpu.bitcast %parallel_loop3A_131 : vector<16xf32> -> vector<16xi32>
        %parallel_loop3A_133 = arith.constant 511 : i32
        %parallel_loop3A_134 = vector.broadcast %parallel_loop3A_133 : i32 to vector<16xi32>
        %parallel_loop3A_135 = arith.andi %parallel_loop3A_132, %parallel_loop3A_134 : vector<16xi32>
        %parallel_loop3A_136 = arith.constant 9 : i32
        %parallel_loop3A_137 = vector.broadcast %parallel_loop3A_136 : i32 to vector<16xi32>
        %parallel_loop3A_138 = arith.shrui %parallel_loop3A_132, %parallel_loop3A_137 : vector<16xi32>
        %parallel_loop3A_139 = arith.cmpi eq, %parallel_loop3A_138, %get3A_6 : vector<16xi32>
        %parallel_loop3A_140 = arith.constant 4 : i32
        %parallel_loop3A_141 = vector.broadcast %parallel_loop3A_140 : i32 to vector<16xi32>
        %parallel_loop3A_142 = arith.shli %parallel_loop3A_135, %parallel_loop3A_141 : vector<16xi32>
        %parallel_loop3A_143 = arith.ori %parallel_loop3A_142, %iota3A : vector<16xi32>
        tpu.vector_store_idx %arg7[%parallel_loop3A_143], %broadcast_in_dim3A_3 masked %parallel_loop3A_139 {add = true} : memref<8192xi32, #tpu.memory_space<vmem>>[vector<16xi32>], vector<16xi32>, vector<16xi1>
        %parallel_loop3A_144 = arith.constant 16 : i32
        %parallel_loop3A_145 = arith.muli %parallel_loop3A_89, %parallel_loop3A_144 : i32
        %parallel_loop3A_146 = arith.constant 3 : i32
        %parallel_loop3A_147 = arith.index_cast %parallel_loop3A_146 : i32 to index
        %parallel_loop3A_148 = arith.index_cast %parallel_loop3A_145 : i32 to index
        %parallel_loop3A_149 = tpu.vector_load %arg6[%parallel_loop3A_147, %parallel_loop3A_148] {strides = array<i32>} : memref<8x4096xf32, #tpu.memory_space<vmem>>, vector<16xf32>,
        %parallel_loop3A_150 = tpu.bitcast %parallel_loop3A_149 : vector<16xf32> -> vector<16xi32>
        %parallel_loop3A_151 = arith.constant 511 : i32
        %parallel_loop3A_152 = vector.broadcast %parallel_loop3A_151 : i32 to vector<16xi32>
        %parallel_loop3A_153 = arith.andi %parallel_loop3A_150, %parallel_loop3A_152 : vector<16xi32>
        %parallel_loop3A_154 = arith.constant 9 : i32
        %parallel_loop3A_155 = vector.broadcast %parallel_loop3A_154 : i32 to vector<16xi32>
        %parallel_loop3A_156 = arith.shrui %parallel_loop3A_150, %parallel_loop3A_155 : vector<16xi32>
        %parallel_loop3A_157 = arith.cmpi eq, %parallel_loop3A_156, %get3A_6 : vector<16xi32>
        %parallel_loop3A_158 = arith.constant 4 : i32
        %parallel_loop3A_159 = vector.broadcast %parallel_loop3A_158 : i32 to vector<16xi32>
        %parallel_loop3A_160 = arith.shli %parallel_loop3A_153, %parallel_loop3A_159 : vector<16xi32>
        %parallel_loop3A_161 = arith.ori %parallel_loop3A_160, %iota3A : vector<16xi32>
        tpu.vector_store_idx %arg7[%parallel_loop3A_161], %broadcast_in_dim3A_3 masked %parallel_loop3A_157 {add = true} : memref<8192xi32, #tpu.memory_space<vmem>>[vector<16xi32>], vector<16xi32>, vector<16xi1>
        %parallel_loop3A_162 = arith.constant 16 : i32
        %parallel_loop3A_163 = arith.muli %parallel_loop3A_89, %parallel_loop3A_162 : i32
        %parallel_loop3A_164 = arith.constant 4 : i32
        %parallel_loop3A_165 = arith.index_cast %parallel_loop3A_164 : i32 to index
        %parallel_loop3A_166 = arith.index_cast %parallel_loop3A_163 : i32 to index
        %parallel_loop3A_167 = tpu.vector_load %arg6[%parallel_loop3A_165, %parallel_loop3A_166] {strides = array<i32>} : memref<8x4096xf32, #tpu.memory_space<vmem>>, vector<16xf32>,
        %parallel_loop3A_168 = tpu.bitcast %parallel_loop3A_167 : vector<16xf32> -> vector<16xi32>
        %parallel_loop3A_169 = arith.constant 511 : i32
        %parallel_loop3A_170 = vector.broadcast %parallel_loop3A_169 : i32 to vector<16xi32>
        %parallel_loop3A_171 = arith.andi %parallel_loop3A_168, %parallel_loop3A_170 : vector<16xi32>
        %parallel_loop3A_172 = arith.constant 9 : i32
        %parallel_loop3A_173 = vector.broadcast %parallel_loop3A_172 : i32 to vector<16xi32>
        %parallel_loop3A_174 = arith.shrui %parallel_loop3A_168, %parallel_loop3A_173 : vector<16xi32>
        %parallel_loop3A_175 = arith.cmpi eq, %parallel_loop3A_174, %get3A_6 : vector<16xi32>
        %parallel_loop3A_176 = arith.constant 4 : i32
        %parallel_loop3A_177 = vector.broadcast %parallel_loop3A_176 : i32 to vector<16xi32>
        %parallel_loop3A_178 = arith.shli %parallel_loop3A_171, %parallel_loop3A_177 : vector<16xi32>
        %parallel_loop3A_179 = arith.ori %parallel_loop3A_178, %iota3A : vector<16xi32>
        tpu.vector_store_idx %arg7[%parallel_loop3A_179], %broadcast_in_dim3A_3 masked %parallel_loop3A_175 {add = true} : memref<8192xi32, #tpu.memory_space<vmem>>[vector<16xi32>], vector<16xi32>, vector<16xi1>
        %parallel_loop3A_180 = arith.constant 16 : i32
        %parallel_loop3A_181 = arith.muli %parallel_loop3A_89, %parallel_loop3A_180 : i32
        %parallel_loop3A_182 = arith.constant 5 : i32
        %parallel_loop3A_183 = arith.index_cast %parallel_loop3A_182 : i32 to index
        %parallel_loop3A_184 = arith.index_cast %parallel_loop3A_181 : i32 to index
        %parallel_loop3A_185 = tpu.vector_load %arg6[%parallel_loop3A_183, %parallel_loop3A_184] {strides = array<i32>} : memref<8x4096xf32, #tpu.memory_space<vmem>>, vector<16xf32>,
        %parallel_loop3A_186 = tpu.bitcast %parallel_loop3A_185 : vector<16xf32> -> vector<16xi32>
        %parallel_loop3A_187 = arith.constant 511 : i32
        %parallel_loop3A_188 = vector.broadcast %parallel_loop3A_187 : i32 to vector<16xi32>
        %parallel_loop3A_189 = arith.andi %parallel_loop3A_186, %parallel_loop3A_188 : vector<16xi32>
        %parallel_loop3A_190 = arith.constant 9 : i32
        %parallel_loop3A_191 = vector.broadcast %parallel_loop3A_190 : i32 to vector<16xi32>
        %parallel_loop3A_192 = arith.shrui %parallel_loop3A_186, %parallel_loop3A_191 : vector<16xi32>
        %parallel_loop3A_193 = arith.cmpi eq, %parallel_loop3A_192, %get3A_6 : vector<16xi32>
        %parallel_loop3A_194 = arith.constant 4 : i32
        %parallel_loop3A_195 = vector.broadcast %parallel_loop3A_194 : i32 to vector<16xi32>
        %parallel_loop3A_196 = arith.shli %parallel_loop3A_189, %parallel_loop3A_195 : vector<16xi32>
        %parallel_loop3A_197 = arith.ori %parallel_loop3A_196, %iota3A : vector<16xi32>
        tpu.vector_store_idx %arg7[%parallel_loop3A_197], %broadcast_in_dim3A_3 masked %parallel_loop3A_193 {add = true} : memref<8192xi32, #tpu.memory_space<vmem>>[vector<16xi32>], vector<16xi32>, vector<16xi1>
        %parallel_loop3A_198 = arith.constant 16 : i32
        %parallel_loop3A_199 = arith.muli %parallel_loop3A_89, %parallel_loop3A_198 : i32
        %parallel_loop3A_200 = arith.constant 6 : i32
        %parallel_loop3A_201 = arith.index_cast %parallel_loop3A_200 : i32 to index
        %parallel_loop3A_202 = arith.index_cast %parallel_loop3A_199 : i32 to index
        %parallel_loop3A_203 = tpu.vector_load %arg6[%parallel_loop3A_201, %parallel_loop3A_202] {strides = array<i32>} : memref<8x4096xf32, #tpu.memory_space<vmem>>, vector<16xf32>,
        %parallel_loop3A_204 = tpu.bitcast %parallel_loop3A_203 : vector<16xf32> -> vector<16xi32>
        %parallel_loop3A_205 = arith.constant 511 : i32
        %parallel_loop3A_206 = vector.broadcast %parallel_loop3A_205 : i32 to vector<16xi32>
        %parallel_loop3A_207 = arith.andi %parallel_loop3A_204, %parallel_loop3A_206 : vector<16xi32>
        %parallel_loop3A_208 = arith.constant 9 : i32
        %parallel_loop3A_209 = vector.broadcast %parallel_loop3A_208 : i32 to vector<16xi32>
        %parallel_loop3A_210 = arith.shrui %parallel_loop3A_204, %parallel_loop3A_209 : vector<16xi32>
        %parallel_loop3A_211 = arith.cmpi eq, %parallel_loop3A_210, %get3A_6 : vector<16xi32>
        %parallel_loop3A_212 = arith.constant 4 : i32
        %parallel_loop3A_213 = vector.broadcast %parallel_loop3A_212 : i32 to vector<16xi32>
        %parallel_loop3A_214 = arith.shli %parallel_loop3A_207, %parallel_loop3A_213 : vector<16xi32>
        %parallel_loop3A_215 = arith.ori %parallel_loop3A_214, %iota3A : vector<16xi32>
        tpu.vector_store_idx %arg7[%parallel_loop3A_215], %broadcast_in_dim3A_3 masked %parallel_loop3A_211 {add = true} : memref<8192xi32, #tpu.memory_space<vmem>>[vector<16xi32>], vector<16xi32>, vector<16xi1>
        %parallel_loop3A_216 = arith.constant 16 : i32
        %parallel_loop3A_217 = arith.muli %parallel_loop3A_89, %parallel_loop3A_216 : i32
        %parallel_loop3A_218 = arith.constant 7 : i32
        %parallel_loop3A_219 = arith.index_cast %parallel_loop3A_218 : i32 to index
        %parallel_loop3A_220 = arith.index_cast %parallel_loop3A_217 : i32 to index
        %parallel_loop3A_221 = tpu.vector_load %arg6[%parallel_loop3A_219, %parallel_loop3A_220] {strides = array<i32>} : memref<8x4096xf32, #tpu.memory_space<vmem>>, vector<16xf32>,
        %parallel_loop3A_222 = tpu.bitcast %parallel_loop3A_221 : vector<16xf32> -> vector<16xi32>
        %parallel_loop3A_223 = arith.constant 511 : i32
        %parallel_loop3A_224 = vector.broadcast %parallel_loop3A_223 : i32 to vector<16xi32>
        %parallel_loop3A_225 = arith.andi %parallel_loop3A_222, %parallel_loop3A_224 : vector<16xi32>
        %parallel_loop3A_226 = arith.constant 9 : i32
        %parallel_loop3A_227 = vector.broadcast %parallel_loop3A_226 : i32 to vector<16xi32>
        %parallel_loop3A_228 = arith.shrui %parallel_loop3A_222, %parallel_loop3A_227 : vector<16xi32>
        %parallel_loop3A_229 = arith.cmpi eq, %parallel_loop3A_228, %get3A_6 : vector<16xi32>
        %parallel_loop3A_230 = arith.constant 4 : i32
        %parallel_loop3A_231 = vector.broadcast %parallel_loop3A_230 : i32 to vector<16xi32>
        %parallel_loop3A_232 = arith.shli %parallel_loop3A_225, %parallel_loop3A_231 : vector<16xi32>
        %parallel_loop3A_233 = arith.ori %parallel_loop3A_232, %iota3A : vector<16xi32>
        tpu.vector_store_idx %arg7[%parallel_loop3A_233], %broadcast_in_dim3A_3 masked %parallel_loop3A_229 {add = true} : memref<8192xi32, #tpu.memory_space<vmem>>[vector<16xi32>], vector<16xi32>, vector<16xi1>
      } {sc.loop_unroll_factor = 2 : i64, sc.parallel_access}
      %scan3A_88 = arith.constant 0 : i32
      scf.yield %scan3A_88 : i32
    }
    %scan3A_19 = arith.constant 8 : i32
    %mul3A_20 = arith.constant 8 : i32
    %mul3A_21 = arith.muli %add3A, %mul3A_20 : i32
    %add3A_22 = arith.constant 0 : i32
    %add3A_23 = arith.addi %mul3A_21, %add3A_22 : i32
    "tpu.region"() ({
      %run_scoped3A_52 = tpu.sem_alloc : memref<!tpu.dma_semaphore, #tpu.memory_space<semaphore_mem>>
      %dma_start3A_53 = arith.constant 0 : i32
      %dma_start3A_54 = tpu.memref_slice %arg7[%dma_start3A_53] : memref<8192xi32, #tpu.memory_space<vmem>> -> memref<1024xi32, #tpu.memory_space<vmem>>
      %dma_start3A_55 = arith.constant 0 : i32
      %dma_start3A_56 = tpu.memref_slice %arg4[%add3A_23, %dma_start3A_55] : memref<256x1024xi32, #tpu.memory_space<hbm>> -> memref<1x1024xi32, #tpu.memory_space<hbm>>
      %dma_start3A_57 = tpu.memref_squeeze %dma_start3A_56 : memref<1x1024xi32, #tpu.memory_space<hbm>> -> memref<1024xi32, #tpu.memory_space<hbm>>
      %dma_start3A_58 = arith.constant 0 : i32
      %dma_start3A_59 = tpu.memref_slice %arg4[%add3A_23, %dma_start3A_58] : memref<256x1024xi32, #tpu.memory_space<hbm>> -> memref<1x1024xi32, #tpu.memory_space<hbm>>
      %dma_start3A_60 = tpu.memref_squeeze %dma_start3A_59 : memref<1x1024xi32, #tpu.memory_space<hbm>> -> memref<1024xi32, #tpu.memory_space<hbm>>
      %dma_start3A_61 = arith.constant 0 : i32
      %dma_start3A_62 = tpu.memref_slice %arg7[%dma_start3A_61] : memref<8192xi32, #tpu.memory_space<vmem>> -> memref<1024xi32, #tpu.memory_space<vmem>>
      tpu.enqueue_dma source(%dma_start3A_62 : memref<1024xi32, #tpu.memory_space<vmem>>) target(%dma_start3A_60 : memref<1024xi32, #tpu.memory_space<hbm>>) target_semaphore(%run_scoped3A_52 : memref<!tpu.dma_semaphore, #tpu.memory_space<semaphore_mem>>)
      %dma_wait3A = arith.constant 0 : i32
      %dma_wait3A_63 = tpu.memref_slice %arg7[%dma_wait3A] : memref<8192xi32, #tpu.memory_space<vmem>> -> memref<1024xi32, #tpu.memory_space<vmem>>
      %dma_wait3A_64 = arith.constant 0 : i32
      %dma_wait3A_65 = tpu.memref_slice %arg4[%add3A_23, %dma_wait3A_64] : memref<256x1024xi32, #tpu.memory_space<hbm>> -> memref<1x1024xi32, #tpu.memory_space<hbm>>
      %dma_wait3A_66 = tpu.memref_squeeze %dma_wait3A_65 : memref<1x1024xi32, #tpu.memory_space<hbm>> -> memref<1024xi32, #tpu.memory_space<hbm>>
      %dma_wait3A_67 = arith.constant 0 : i32
      %dma_wait3A_68 = tpu.memref_slice %arg4[%add3A_23, %dma_wait3A_67] : memref<256x1024xi32, #tpu.memory_space<hbm>> -> memref<1x1024xi32, #tpu.memory_space<hbm>>
      %dma_wait3A_69 = tpu.memref_squeeze %dma_wait3A_68 : memref<1x1024xi32, #tpu.memory_space<hbm>> -> memref<1024xi32, #tpu.memory_space<hbm>>
      %dma_wait3A_70 = arith.constant 0 : i32
      %dma_wait3A_71 = tpu.memref_slice %arg7[%dma_wait3A_70] : memref<8192xi32, #tpu.memory_space<vmem>> -> memref<1024xi32, #tpu.memory_space<vmem>>
      tpu.wait_dma2 semaphore(%run_scoped3A_52 : memref<!tpu.dma_semaphore, #tpu.memory_space<semaphore_mem>>) src(%dma_wait3A_71 : memref<1024xi32, #tpu.memory_space<vmem>>) dst(%dma_wait3A_69 : memref<1024xi32, #tpu.memory_space<hbm>>)
      tpu.yield
    }) : () -> ()
    %mul3A_24 = arith.constant 8 : i32
    %mul3A_25 = arith.muli %add3A, %mul3A_24 : i32
    %add3A_26 = arith.constant 1 : i32
    %add3A_27 = arith.addi %mul3A_25, %add3A_26 : i32
    "tpu.region"() ({
      %run_scoped3A_52 = tpu.sem_alloc : memref<!tpu.dma_semaphore, #tpu.memory_space<semaphore_mem>>
      %dma_start3A_53 = arith.constant 1024 : i32
      %dma_start3A_54 = tpu.memref_slice %arg7[%dma_start3A_53] : memref<8192xi32, #tpu.memory_space<vmem>> -> memref<1024xi32, #tpu.memory_space<vmem>>
      %dma_start3A_55 = arith.constant 0 : i32
      %dma_start3A_56 = tpu.memref_slice %arg4[%add3A_27, %dma_start3A_55] : memref<256x1024xi32, #tpu.memory_space<hbm>> -> memref<1x1024xi32, #tpu.memory_space<hbm>>
      %dma_start3A_57 = tpu.memref_squeeze %dma_start3A_56 : memref<1x1024xi32, #tpu.memory_space<hbm>> -> memref<1024xi32, #tpu.memory_space<hbm>>
      %dma_start3A_58 = arith.constant 0 : i32
      %dma_start3A_59 = tpu.memref_slice %arg4[%add3A_27, %dma_start3A_58] : memref<256x1024xi32, #tpu.memory_space<hbm>> -> memref<1x1024xi32, #tpu.memory_space<hbm>>
      %dma_start3A_60 = tpu.memref_squeeze %dma_start3A_59 : memref<1x1024xi32, #tpu.memory_space<hbm>> -> memref<1024xi32, #tpu.memory_space<hbm>>
      %dma_start3A_61 = arith.constant 1024 : i32
      %dma_start3A_62 = tpu.memref_slice %arg7[%dma_start3A_61] : memref<8192xi32, #tpu.memory_space<vmem>> -> memref<1024xi32, #tpu.memory_space<vmem>>
      tpu.enqueue_dma source(%dma_start3A_62 : memref<1024xi32, #tpu.memory_space<vmem>>) target(%dma_start3A_60 : memref<1024xi32, #tpu.memory_space<hbm>>) target_semaphore(%run_scoped3A_52 : memref<!tpu.dma_semaphore, #tpu.memory_space<semaphore_mem>>)
      %dma_wait3A = arith.constant 1024 : i32
      %dma_wait3A_63 = tpu.memref_slice %arg7[%dma_wait3A] : memref<8192xi32, #tpu.memory_space<vmem>> -> memref<1024xi32, #tpu.memory_space<vmem>>
      %dma_wait3A_64 = arith.constant 0 : i32
      %dma_wait3A_65 = tpu.memref_slice %arg4[%add3A_27, %dma_wait3A_64] : memref<256x1024xi32, #tpu.memory_space<hbm>> -> memref<1x1024xi32, #tpu.memory_space<hbm>>
      %dma_wait3A_66 = tpu.memref_squeeze %dma_wait3A_65 : memref<1x1024xi32, #tpu.memory_space<hbm>> -> memref<1024xi32, #tpu.memory_space<hbm>>
      %dma_wait3A_67 = arith.constant 0 : i32
      %dma_wait3A_68 = tpu.memref_slice %arg4[%add3A_27, %dma_wait3A_67] : memref<256x1024xi32, #tpu.memory_space<hbm>> -> memref<1x1024xi32, #tpu.memory_space<hbm>>
      %dma_wait3A_69 = tpu.memref_squeeze %dma_wait3A_68 : memref<1x1024xi32, #tpu.memory_space<hbm>> -> memref<1024xi32, #tpu.memory_space<hbm>>
      %dma_wait3A_70 = arith.constant 1024 : i32
      %dma_wait3A_71 = tpu.memref_slice %arg7[%dma_wait3A_70] : memref<8192xi32, #tpu.memory_space<vmem>> -> memref<1024xi32, #tpu.memory_space<vmem>>
      tpu.wait_dma2 semaphore(%run_scoped3A_52 : memref<!tpu.dma_semaphore, #tpu.memory_space<semaphore_mem>>) src(%dma_wait3A_71 : memref<1024xi32, #tpu.memory_space<vmem>>) dst(%dma_wait3A_69 : memref<1024xi32, #tpu.memory_space<hbm>>)
      tpu.yield
    }) : () -> ()
    %mul3A_28 = arith.constant 8 : i32
    %mul3A_29 = arith.muli %add3A, %mul3A_28 : i32
    %add3A_30 = arith.constant 2 : i32
    %add3A_31 = arith.addi %mul3A_29, %add3A_30 : i32
    "tpu.region"() ({
      %run_scoped3A_52 = tpu.sem_alloc : memref<!tpu.dma_semaphore, #tpu.memory_space<semaphore_mem>>
      %dma_start3A_53 = arith.constant 2048 : i32
      %dma_start3A_54 = tpu.memref_slice %arg7[%dma_start3A_53] : memref<8192xi32, #tpu.memory_space<vmem>> -> memref<1024xi32, #tpu.memory_space<vmem>>
      %dma_start3A_55 = arith.constant 0 : i32
      %dma_start3A_56 = tpu.memref_slice %arg4[%add3A_31, %dma_start3A_55] : memref<256x1024xi32, #tpu.memory_space<hbm>> -> memref<1x1024xi32, #tpu.memory_space<hbm>>
      %dma_start3A_57 = tpu.memref_squeeze %dma_start3A_56 : memref<1x1024xi32, #tpu.memory_space<hbm>> -> memref<1024xi32, #tpu.memory_space<hbm>>
      %dma_start3A_58 = arith.constant 0 : i32
      %dma_start3A_59 = tpu.memref_slice %arg4[%add3A_31, %dma_start3A_58] : memref<256x1024xi32, #tpu.memory_space<hbm>> -> memref<1x1024xi32, #tpu.memory_space<hbm>>
      %dma_start3A_60 = tpu.memref_squeeze %dma_start3A_59 : memref<1x1024xi32, #tpu.memory_space<hbm>> -> memref<1024xi32, #tpu.memory_space<hbm>>
      %dma_start3A_61 = arith.constant 2048 : i32
      %dma_start3A_62 = tpu.memref_slice %arg7[%dma_start3A_61] : memref<8192xi32, #tpu.memory_space<vmem>> -> memref<1024xi32, #tpu.memory_space<vmem>>
      tpu.enqueue_dma source(%dma_start3A_62 : memref<1024xi32, #tpu.memory_space<vmem>>) target(%dma_start3A_60 : memref<1024xi32, #tpu.memory_space<hbm>>) target_semaphore(%run_scoped3A_52 : memref<!tpu.dma_semaphore, #tpu.memory_space<semaphore_mem>>)
      %dma_wait3A = arith.constant 2048 : i32
      %dma_wait3A_63 = tpu.memref_slice %arg7[%dma_wait3A] : memref<8192xi32, #tpu.memory_space<vmem>> -> memref<1024xi32, #tpu.memory_space<vmem>>
      %dma_wait3A_64 = arith.constant 0 : i32
      %dma_wait3A_65 = tpu.memref_slice %arg4[%add3A_31, %dma_wait3A_64] : memref<256x1024xi32, #tpu.memory_space<hbm>> -> memref<1x1024xi32, #tpu.memory_space<hbm>>
      %dma_wait3A_66 = tpu.memref_squeeze %dma_wait3A_65 : memref<1x1024xi32, #tpu.memory_space<hbm>> -> memref<1024xi32, #tpu.memory_space<hbm>>
      %dma_wait3A_67 = arith.constant 0 : i32
      %dma_wait3A_68 = tpu.memref_slice %arg4[%add3A_31, %dma_wait3A_67] : memref<256x1024xi32, #tpu.memory_space<hbm>> -> memref<1x1024xi32, #tpu.memory_space<hbm>>
      %dma_wait3A_69 = tpu.memref_squeeze %dma_wait3A_68 : memref<1x1024xi32, #tpu.memory_space<hbm>> -> memref<1024xi32, #tpu.memory_space<hbm>>
      %dma_wait3A_70 = arith.constant 2048 : i32
      %dma_wait3A_71 = tpu.memref_slice %arg7[%dma_wait3A_70] : memref<8192xi32, #tpu.memory_space<vmem>> -> memref<1024xi32, #tpu.memory_space<vmem>>
      tpu.wait_dma2 semaphore(%run_scoped3A_52 : memref<!tpu.dma_semaphore, #tpu.memory_space<semaphore_mem>>) src(%dma_wait3A_71 : memref<1024xi32, #tpu.memory_space<vmem>>) dst(%dma_wait3A_69 : memref<1024xi32, #tpu.memory_space<hbm>>)
      tpu.yield
    }) : () -> ()
    %mul3A_32 = arith.constant 8 : i32
    %mul3A_33 = arith.muli %add3A, %mul3A_32 : i32
    %add3A_34 = arith.constant 3 : i32
    %add3A_35 = arith.addi %mul3A_33, %add3A_34 : i32
    "tpu.region"() ({
      %run_scoped3A_52 = tpu.sem_alloc : memref<!tpu.dma_semaphore, #tpu.memory_space<semaphore_mem>>
      %dma_start3A_53 = arith.constant 3072 : i32
      %dma_start3A_54 = tpu.memref_slice %arg7[%dma_start3A_53] : memref<8192xi32, #tpu.memory_space<vmem>> -> memref<1024xi32, #tpu.memory_space<vmem>>
      %dma_start3A_55 = arith.constant 0 : i32
      %dma_start3A_56 = tpu.memref_slice %arg4[%add3A_35, %dma_start3A_55] : memref<256x1024xi32, #tpu.memory_space<hbm>> -> memref<1x1024xi32, #tpu.memory_space<hbm>>
      %dma_start3A_57 = tpu.memref_squeeze %dma_start3A_56 : memref<1x1024xi32, #tpu.memory_space<hbm>> -> memref<1024xi32, #tpu.memory_space<hbm>>
      %dma_start3A_58 = arith.constant 0 : i32
      %dma_start3A_59 = tpu.memref_slice %arg4[%add3A_35, %dma_start3A_58] : memref<256x1024xi32, #tpu.memory_space<hbm>> -> memref<1x1024xi32, #tpu.memory_space<hbm>>
      %dma_start3A_60 = tpu.memref_squeeze %dma_start3A_59 : memref<1x1024xi32, #tpu.memory_space<hbm>> -> memref<1024xi32, #tpu.memory_space<hbm>>
      %dma_start3A_61 = arith.constant 3072 : i32
      %dma_start3A_62 = tpu.memref_slice %arg7[%dma_start3A_61] : memref<8192xi32, #tpu.memory_space<vmem>> -> memref<1024xi32, #tpu.memory_space<vmem>>
      tpu.enqueue_dma source(%dma_start3A_62 : memref<1024xi32, #tpu.memory_space<vmem>>) target(%dma_start3A_60 : memref<1024xi32, #tpu.memory_space<hbm>>) target_semaphore(%run_scoped3A_52 : memref<!tpu.dma_semaphore, #tpu.memory_space<semaphore_mem>>)
      %dma_wait3A = arith.constant 3072 : i32
      %dma_wait3A_63 = tpu.memref_slice %arg7[%dma_wait3A] : memref<8192xi32, #tpu.memory_space<vmem>> -> memref<1024xi32, #tpu.memory_space<vmem>>
      %dma_wait3A_64 = arith.constant 0 : i32
      %dma_wait3A_65 = tpu.memref_slice %arg4[%add3A_35, %dma_wait3A_64] : memref<256x1024xi32, #tpu.memory_space<hbm>> -> memref<1x1024xi32, #tpu.memory_space<hbm>>
      %dma_wait3A_66 = tpu.memref_squeeze %dma_wait3A_65 : memref<1x1024xi32, #tpu.memory_space<hbm>> -> memref<1024xi32, #tpu.memory_space<hbm>>
      %dma_wait3A_67 = arith.constant 0 : i32
      %dma_wait3A_68 = tpu.memref_slice %arg4[%add3A_35, %dma_wait3A_67] : memref<256x1024xi32, #tpu.memory_space<hbm>> -> memref<1x1024xi32, #tpu.memory_space<hbm>>
      %dma_wait3A_69 = tpu.memref_squeeze %dma_wait3A_68 : memref<1x1024xi32, #tpu.memory_space<hbm>> -> memref<1024xi32, #tpu.memory_space<hbm>>
      %dma_wait3A_70 = arith.constant 3072 : i32
      %dma_wait3A_71 = tpu.memref_slice %arg7[%dma_wait3A_70] : memref<8192xi32, #tpu.memory_space<vmem>> -> memref<1024xi32, #tpu.memory_space<vmem>>
      tpu.wait_dma2 semaphore(%run_scoped3A_52 : memref<!tpu.dma_semaphore, #tpu.memory_space<semaphore_mem>>) src(%dma_wait3A_71 : memref<1024xi32, #tpu.memory_space<vmem>>) dst(%dma_wait3A_69 : memref<1024xi32, #tpu.memory_space<hbm>>)
      tpu.yield
    }) : () -> ()
    %mul3A_36 = arith.constant 8 : i32
    %mul3A_37 = arith.muli %add3A, %mul3A_36 : i32
    %add3A_38 = arith.constant 4 : i32
    %add3A_39 = arith.addi %mul3A_37, %add3A_38 : i32
    "tpu.region"() ({
      %run_scoped3A_52 = tpu.sem_alloc : memref<!tpu.dma_semaphore, #tpu.memory_space<semaphore_mem>>
      %dma_start3A_53 = arith.constant 4096 : i32
      %dma_start3A_54 = tpu.memref_slice %arg7[%dma_start3A_53] : memref<8192xi32, #tpu.memory_space<vmem>> -> memref<1024xi32, #tpu.memory_space<vmem>>
      %dma_start3A_55 = arith.constant 0 : i32
      %dma_start3A_56 = tpu.memref_slice %arg4[%add3A_39, %dma_start3A_55] : memref<256x1024xi32, #tpu.memory_space<hbm>> -> memref<1x1024xi32, #tpu.memory_space<hbm>>
      %dma_start3A_57 = tpu.memref_squeeze %dma_start3A_56 : memref<1x1024xi32, #tpu.memory_space<hbm>> -> memref<1024xi32, #tpu.memory_space<hbm>>
      %dma_start3A_58 = arith.constant 0 : i32
      %dma_start3A_59 = tpu.memref_slice %arg4[%add3A_39, %dma_start3A_58] : memref<256x1024xi32, #tpu.memory_space<hbm>> -> memref<1x1024xi32, #tpu.memory_space<hbm>>
      %dma_start3A_60 = tpu.memref_squeeze %dma_start3A_59 : memref<1x1024xi32, #tpu.memory_space<hbm>> -> memref<1024xi32, #tpu.memory_space<hbm>>
      %dma_start3A_61 = arith.constant 4096 : i32
      %dma_start3A_62 = tpu.memref_slice %arg7[%dma_start3A_61] : memref<8192xi32, #tpu.memory_space<vmem>> -> memref<1024xi32, #tpu.memory_space<vmem>>
      tpu.enqueue_dma source(%dma_start3A_62 : memref<1024xi32, #tpu.memory_space<vmem>>) target(%dma_start3A_60 : memref<1024xi32, #tpu.memory_space<hbm>>) target_semaphore(%run_scoped3A_52 : memref<!tpu.dma_semaphore, #tpu.memory_space<semaphore_mem>>)
      %dma_wait3A = arith.constant 4096 : i32
      %dma_wait3A_63 = tpu.memref_slice %arg7[%dma_wait3A] : memref<8192xi32, #tpu.memory_space<vmem>> -> memref<1024xi32, #tpu.memory_space<vmem>>
      %dma_wait3A_64 = arith.constant 0 : i32
      %dma_wait3A_65 = tpu.memref_slice %arg4[%add3A_39, %dma_wait3A_64] : memref<256x1024xi32, #tpu.memory_space<hbm>> -> memref<1x1024xi32, #tpu.memory_space<hbm>>
      %dma_wait3A_66 = tpu.memref_squeeze %dma_wait3A_65 : memref<1x1024xi32, #tpu.memory_space<hbm>> -> memref<1024xi32, #tpu.memory_space<hbm>>
      %dma_wait3A_67 = arith.constant 0 : i32
      %dma_wait3A_68 = tpu.memref_slice %arg4[%add3A_39, %dma_wait3A_67] : memref<256x1024xi32, #tpu.memory_space<hbm>> -> memref<1x1024xi32, #tpu.memory_space<hbm>>
      %dma_wait3A_69 = tpu.memref_squeeze %dma_wait3A_68 : memref<1x1024xi32, #tpu.memory_space<hbm>> -> memref<1024xi32, #tpu.memory_space<hbm>>
      %dma_wait3A_70 = arith.constant 4096 : i32
      %dma_wait3A_71 = tpu.memref_slice %arg7[%dma_wait3A_70] : memref<8192xi32, #tpu.memory_space<vmem>> -> memref<1024xi32, #tpu.memory_space<vmem>>
      tpu.wait_dma2 semaphore(%run_scoped3A_52 : memref<!tpu.dma_semaphore, #tpu.memory_space<semaphore_mem>>) src(%dma_wait3A_71 : memref<1024xi32, #tpu.memory_space<vmem>>) dst(%dma_wait3A_69 : memref<1024xi32, #tpu.memory_space<hbm>>)
      tpu.yield
    }) : () -> ()
    %mul3A_40 = arith.constant 8 : i32
    %mul3A_41 = arith.muli %add3A, %mul3A_40 : i32
    %add3A_42 = arith.constant 5 : i32
    %add3A_43 = arith.addi %mul3A_41, %add3A_42 : i32
    "tpu.region"() ({
      %run_scoped3A_52 = tpu.sem_alloc : memref<!tpu.dma_semaphore, #tpu.memory_space<semaphore_mem>>
      %dma_start3A_53 = arith.constant 5120 : i32
      %dma_start3A_54 = tpu.memref_slice %arg7[%dma_start3A_53] : memref<8192xi32, #tpu.memory_space<vmem>> -> memref<1024xi32, #tpu.memory_space<vmem>>
      %dma_start3A_55 = arith.constant 0 : i32
      %dma_start3A_56 = tpu.memref_slice %arg4[%add3A_43, %dma_start3A_55] : memref<256x1024xi32, #tpu.memory_space<hbm>> -> memref<1x1024xi32, #tpu.memory_space<hbm>>
      %dma_start3A_57 = tpu.memref_squeeze %dma_start3A_56 : memref<1x1024xi32, #tpu.memory_space<hbm>> -> memref<1024xi32, #tpu.memory_space<hbm>>
      %dma_start3A_58 = arith.constant 0 : i32
      %dma_start3A_59 = tpu.memref_slice %arg4[%add3A_43, %dma_start3A_58] : memref<256x1024xi32, #tpu.memory_space<hbm>> -> memref<1x1024xi32, #tpu.memory_space<hbm>>
      %dma_start3A_60 = tpu.memref_squeeze %dma_start3A_59 : memref<1x1024xi32, #tpu.memory_space<hbm>> -> memref<1024xi32, #tpu.memory_space<hbm>>
      %dma_start3A_61 = arith.constant 5120 : i32
      %dma_start3A_62 = tpu.memref_slice %arg7[%dma_start3A_61] : memref<8192xi32, #tpu.memory_space<vmem>> -> memref<1024xi32, #tpu.memory_space<vmem>>
      tpu.enqueue_dma source(%dma_start3A_62 : memref<1024xi32, #tpu.memory_space<vmem>>) target(%dma_start3A_60 : memref<1024xi32, #tpu.memory_space<hbm>>) target_semaphore(%run_scoped3A_52 : memref<!tpu.dma_semaphore, #tpu.memory_space<semaphore_mem>>)
      %dma_wait3A = arith.constant 5120 : i32
      %dma_wait3A_63 = tpu.memref_slice %arg7[%dma_wait3A] : memref<8192xi32, #tpu.memory_space<vmem>> -> memref<1024xi32, #tpu.memory_space<vmem>>
      %dma_wait3A_64 = arith.constant 0 : i32
      %dma_wait3A_65 = tpu.memref_slice %arg4[%add3A_43, %dma_wait3A_64] : memref<256x1024xi32, #tpu.memory_space<hbm>> -> memref<1x1024xi32, #tpu.memory_space<hbm>>
      %dma_wait3A_66 = tpu.memref_squeeze %dma_wait3A_65 : memref<1x1024xi32, #tpu.memory_space<hbm>> -> memref<1024xi32, #tpu.memory_space<hbm>>
      %dma_wait3A_67 = arith.constant 0 : i32
      %dma_wait3A_68 = tpu.memref_slice %arg4[%add3A_43, %dma_wait3A_67] : memref<256x1024xi32, #tpu.memory_space<hbm>> -> memref<1x1024xi32, #tpu.memory_space<hbm>>
      %dma_wait3A_69 = tpu.memref_squeeze %dma_wait3A_68 : memref<1x1024xi32, #tpu.memory_space<hbm>> -> memref<1024xi32, #tpu.memory_space<hbm>>
      %dma_wait3A_70 = arith.constant 5120 : i32
      %dma_wait3A_71 = tpu.memref_slice %arg7[%dma_wait3A_70] : memref<8192xi32, #tpu.memory_space<vmem>> -> memref<1024xi32, #tpu.memory_space<vmem>>
      tpu.wait_dma2 semaphore(%run_scoped3A_52 : memref<!tpu.dma_semaphore, #tpu.memory_space<semaphore_mem>>) src(%dma_wait3A_71 : memref<1024xi32, #tpu.memory_space<vmem>>) dst(%dma_wait3A_69 : memref<1024xi32, #tpu.memory_space<hbm>>)
      tpu.yield
    }) : () -> ()
    %mul3A_44 = arith.constant 8 : i32
    %mul3A_45 = arith.muli %add3A, %mul3A_44 : i32
    %add3A_46 = arith.constant 6 : i32
    %add3A_47 = arith.addi %mul3A_45, %add3A_46 : i32
    "tpu.region"() ({
      %run_scoped3A_52 = tpu.sem_alloc : memref<!tpu.dma_semaphore, #tpu.memory_space<semaphore_mem>>
      %dma_start3A_53 = arith.constant 6144 : i32
      %dma_start3A_54 = tpu.memref_slice %arg7[%dma_start3A_53] : memref<8192xi32, #tpu.memory_space<vmem>> -> memref<1024xi32, #tpu.memory_space<vmem>>
      %dma_start3A_55 = arith.constant 0 : i32
      %dma_start3A_56 = tpu.memref_slice %arg4[%add3A_47, %dma_start3A_55] : memref<256x1024xi32, #tpu.memory_space<hbm>> -> memref<1x1024xi32, #tpu.memory_space<hbm>>
      %dma_start3A_57 = tpu.memref_squeeze %dma_start3A_56 : memref<1x1024xi32, #tpu.memory_space<hbm>> -> memref<1024xi32, #tpu.memory_space<hbm>>
      %dma_start3A_58 = arith.constant 0 : i32
      %dma_start3A_59 = tpu.memref_slice %arg4[%add3A_47, %dma_start3A_58] : memref<256x1024xi32, #tpu.memory_space<hbm>> -> memref<1x1024xi32, #tpu.memory_space<hbm>>
      %dma_start3A_60 = tpu.memref_squeeze %dma_start3A_59 : memref<1x1024xi32, #tpu.memory_space<hbm>> -> memref<1024xi32, #tpu.memory_space<hbm>>
      %dma_start3A_61 = arith.constant 6144 : i32
      %dma_start3A_62 = tpu.memref_slice %arg7[%dma_start3A_61] : memref<8192xi32, #tpu.memory_space<vmem>> -> memref<1024xi32, #tpu.memory_space<vmem>>
      tpu.enqueue_dma source(%dma_start3A_62 : memref<1024xi32, #tpu.memory_space<vmem>>) target(%dma_start3A_60 : memref<1024xi32, #tpu.memory_space<hbm>>) target_semaphore(%run_scoped3A_52 : memref<!tpu.dma_semaphore, #tpu.memory_space<semaphore_mem>>)
      %dma_wait3A = arith.constant 6144 : i32
      %dma_wait3A_63 = tpu.memref_slice %arg7[%dma_wait3A] : memref<8192xi32, #tpu.memory_space<vmem>> -> memref<1024xi32, #tpu.memory_space<vmem>>
      %dma_wait3A_64 = arith.constant 0 : i32
      %dma_wait3A_65 = tpu.memref_slice %arg4[%add3A_47, %dma_wait3A_64] : memref<256x1024xi32, #tpu.memory_space<hbm>> -> memref<1x1024xi32, #tpu.memory_space<hbm>>
      %dma_wait3A_66 = tpu.memref_squeeze %dma_wait3A_65 : memref<1x1024xi32, #tpu.memory_space<hbm>> -> memref<1024xi32, #tpu.memory_space<hbm>>
      %dma_wait3A_67 = arith.constant 0 : i32
      %dma_wait3A_68 = tpu.memref_slice %arg4[%add3A_47, %dma_wait3A_67] : memref<256x1024xi32, #tpu.memory_space<hbm>> -> memref<1x1024xi32, #tpu.memory_space<hbm>>
      %dma_wait3A_69 = tpu.memref_squeeze %dma_wait3A_68 : memref<1x1024xi32, #tpu.memory_space<hbm>> -> memref<1024xi32, #tpu.memory_space<hbm>>
      %dma_wait3A_70 = arith.constant 6144 : i32
      %dma_wait3A_71 = tpu.memref_slice %arg7[%dma_wait3A_70] : memref<8192xi32, #tpu.memory_space<vmem>> -> memref<1024xi32, #tpu.memory_space<vmem>>
      tpu.wait_dma2 semaphore(%run_scoped3A_52 : memref<!tpu.dma_semaphore, #tpu.memory_space<semaphore_mem>>) src(%dma_wait3A_71 : memref<1024xi32, #tpu.memory_space<vmem>>) dst(%dma_wait3A_69 : memref<1024xi32, #tpu.memory_space<hbm>>)
      tpu.yield
    }) : () -> ()
    %mul3A_48 = arith.constant 8 : i32
    %mul3A_49 = arith.muli %add3A, %mul3A_48 : i32
    %add3A_50 = arith.constant 7 : i32
    %add3A_51 = arith.addi %mul3A_49, %add3A_50 : i32
    "tpu.region"() ({
      %run_scoped3A_52 = tpu.sem_alloc : memref<!tpu.dma_semaphore, #tpu.memory_space<semaphore_mem>>
      %dma_start3A_53 = arith.constant 7168 : i32
      %dma_start3A_54 = tpu.memref_slice %arg7[%dma_start3A_53] : memref<8192xi32, #tpu.memory_space<vmem>> -> memref<1024xi32, #tpu.memory_space<vmem>>
      %dma_start3A_55 = arith.constant 0 : i32
      %dma_start3A_56 = tpu.memref_slice %arg4[%add3A_51, %dma_start3A_55] : memref<256x1024xi32, #tpu.memory_space<hbm>> -> memref<1x1024xi32, #tpu.memory_space<hbm>>
      %dma_start3A_57 = tpu.memref_squeeze %dma_start3A_56 : memref<1x1024xi32, #tpu.memory_space<hbm>> -> memref<1024xi32, #tpu.memory_space<hbm>>
      %dma_start3A_58 = arith.constant 0 : i32
      %dma_start3A_59 = tpu.memref_slice %arg4[%add3A_51, %dma_start3A_58] : memref<256x1024xi32, #tpu.memory_space<hbm>> -> memref<1x1024xi32, #tpu.memory_space<hbm>>
      %dma_start3A_60 = tpu.memref_squeeze %dma_start3A_59 : memref<1x1024xi32, #tpu.memory_space<hbm>> -> memref<1024xi32, #tpu.memory_space<hbm>>
      %dma_start3A_61 = arith.constant 7168 : i32
      %dma_start3A_62 = tpu.memref_slice %arg7[%dma_start3A_61] : memref<8192xi32, #tpu.memory_space<vmem>> -> memref<1024xi32, #tpu.memory_space<vmem>>
      tpu.enqueue_dma source(%dma_start3A_62 : memref<1024xi32, #tpu.memory_space<vmem>>) target(%dma_start3A_60 : memref<1024xi32, #tpu.memory_space<hbm>>) target_semaphore(%run_scoped3A_52 : memref<!tpu.dma_semaphore, #tpu.memory_space<semaphore_mem>>)
      %dma_wait3A = arith.constant 7168 : i32
      %dma_wait3A_63 = tpu.memref_slice %arg7[%dma_wait3A] : memref<8192xi32, #tpu.memory_space<vmem>> -> memref<1024xi32, #tpu.memory_space<vmem>>
      %dma_wait3A_64 = arith.constant 0 : i32
      %dma_wait3A_65 = tpu.memref_slice %arg4[%add3A_51, %dma_wait3A_64] : memref<256x1024xi32, #tpu.memory_space<hbm>> -> memref<1x1024xi32, #tpu.memory_space<hbm>>
      %dma_wait3A_66 = tpu.memref_squeeze %dma_wait3A_65 : memref<1x1024xi32, #tpu.memory_space<hbm>> -> memref<1024xi32, #tpu.memory_space<hbm>>
      %dma_wait3A_67 = arith.constant 0 : i32
      %dma_wait3A_68 = tpu.memref_slice %arg4[%add3A_51, %dma_wait3A_67] : memref<256x1024xi32, #tpu.memory_space<hbm>> -> memref<1x1024xi32, #tpu.memory_space<hbm>>
      %dma_wait3A_69 = tpu.memref_squeeze %dma_wait3A_68 : memref<1x1024xi32, #tpu.memory_space<hbm>> -> memref<1024xi32, #tpu.memory_space<hbm>>
      %dma_wait3A_70 = arith.constant 7168 : i32
      %dma_wait3A_71 = tpu.memref_slice %arg7[%dma_wait3A_70] : memref<8192xi32, #tpu.memory_space<vmem>> -> memref<1024xi32, #tpu.memory_space<vmem>>
      tpu.wait_dma2 semaphore(%run_scoped3A_52 : memref<!tpu.dma_semaphore, #tpu.memory_space<semaphore_mem>>) src(%dma_wait3A_71 : memref<1024xi32, #tpu.memory_space<vmem>>) dst(%dma_wait3A_69 : memref<1024xi32, #tpu.memory_space<hbm>>)
      tpu.yield
    }) : () -> ()
    return
  }
}

#map = affine_map<(d0, d1) -> (0, 0)>
module attributes {stable_mosaic.version = 14 : i64} {
  func.func @body(%arg0: i32, %arg1: i32, %arg2: memref<4096x4096xf32, #tpu.memory_space<hbm>>, %arg3: memref<256x4096xi32, #tpu.memory_space<hbm>>, %arg4: memref<8x4096xf32, #tpu.memory_space<vmem>>, %arg5: memref<8x4096xf32, #tpu.memory_space<vmem>>, %arg6: memref<32768xi32, #tpu.memory_space<vmem>>, %arg7: memref<!tpu.dma_semaphore, #tpu.memory_space<semaphore_mem>>, %arg8: memref<!tpu.dma_semaphore, #tpu.memory_space<semaphore_mem>>) attributes {dimension_semantics = [#tpu.dimension_semantics<core_parallel>, #tpu.dimension_semantics<subcore_parallel>], iteration_bounds = array<i64: 2, 16>, scalar_prefetch = 0 : i64, scratch_operands = 5 : i64, tpu.core_type = #tpu.core_type<sc_vector_subcore>, window_params = [{transform_indices = #map}, {transform_indices = #map}]} {
    %mul3A = arith.constant 2 : i32
    %mul3A_0 = arith.muli %arg1, %mul3A : i32
    %add3A = arith.addi %mul3A_0, %arg0 : i32
    %mul3A_1 = arith.constant 128 : i32
    %mul3A_2 = arith.muli %add3A, %mul3A_1 : i32
    %iota3A = tpu.iota {dimensions = array<i32: 0>} : vector<16xi32>
    %broadcast_in_dim3A = arith.constant 1 : i32
    %broadcast_in_dim3A_3 = vector.broadcast %broadcast_in_dim3A : i32 to vector<16xi32>
    %parallel_loop3A = arith.constant 0 : i32
    %parallel_loop3A_4 = arith.constant 2048 : i32
    %parallel_loop3A_5 = arith.constant 1 : i32
    scf.for %parallel_loop3A_49 = %parallel_loop3A to %parallel_loop3A_4 step %parallel_loop3A_5  : i32 {
      %parallel_loop3A_50 = arith.constant 0 : i32
      %parallel_loop3A_51 = vector.broadcast %parallel_loop3A_50 : i32 to vector<16xi32>
      %parallel_loop3A_52 = arith.constant 16 : i32
      %parallel_loop3A_53 = arith.muli %parallel_loop3A_49, %parallel_loop3A_52 : i32
      %parallel_loop3A_54 = arith.index_cast %parallel_loop3A_53 : i32 to index
      %parallel_loop3A_55 = tpu.vector_load %arg6[%parallel_loop3A_54] {strides = array<i32>} : memref<32768xi32, #tpu.memory_space<vmem>>, vector<16xi32>,
      tpu.vector_store %arg6[%parallel_loop3A_54], %parallel_loop3A_51 {strides = array<i32>} : memref<32768xi32, #tpu.memory_space<vmem>>, vector<16xi32>,
    } {sc.loop_unroll_factor = 8 : i64, sc.parallel_access}
    %add3A_6 = arith.constant 0 : i32
    %add3A_7 = arith.addi %mul3A_2, %add3A_6 : i32
    %dma_start3A = arith.constant 0 : i32
    %dma_start3A_8 = tpu.memref_slice %arg2[%add3A_7, %dma_start3A] : memref<4096x4096xf32, #tpu.memory_space<hbm>> -> memref<8x4096xf32, #tpu.memory_space<hbm>>
    %dma_start3A_9 = arith.constant 0 : i32
    %dma_start3A_10 = tpu.memref_slice %arg2[%add3A_7, %dma_start3A_9] : memref<4096x4096xf32, #tpu.memory_space<hbm>> -> memref<8x4096xf32, #tpu.memory_space<hbm>>
    tpu.enqueue_dma source(%dma_start3A_10 : memref<8x4096xf32, #tpu.memory_space<hbm>>) target(%arg4 : memref<8x4096xf32, #tpu.memory_space<vmem>>) target_semaphore(%arg7 : memref<!tpu.dma_semaphore, #tpu.memory_space<semaphore_mem>>)
    %scan3A = arith.constant 0 : i32
    %scan3A_11 = arith.constant 0 : i32
    %scan3A_12 = arith.constant 8 : i32
    %scan3A_13 = arith.addi %scan3A_11, %scan3A_12 : i32
    %scan3A_14 = arith.constant 1 : i32
    %scan3A_15 = scf.for %scan3A_49 = %scan3A_11 to %scan3A_13 step %scan3A_14 iter_args(%scan3A_50 = %scan3A) -> (i32)  : i32 {
      %mul3A_51 = arith.constant 2 : i32
      %mul3A_52 = arith.muli %mul3A_51, %scan3A_49 : i32
      %add3A_53 = arith.constant 1 : i32
      %add3A_54 = arith.addi %mul3A_52, %add3A_53 : i32
      %mul3A_55 = arith.constant 8 : i32
      %mul3A_56 = arith.muli %add3A_54, %mul3A_55 : i32
      %add3A_57 = arith.addi %mul3A_2, %mul3A_56 : i32
      %dma_start3A_58 = arith.constant 0 : i32
      %dma_start3A_59 = tpu.memref_slice %arg2[%add3A_57, %dma_start3A_58] : memref<4096x4096xf32, #tpu.memory_space<hbm>> -> memref<8x4096xf32, #tpu.memory_space<hbm>>
      %dma_start3A_60 = arith.constant 0 : i32
      %dma_start3A_61 = tpu.memref_slice %arg2[%add3A_57, %dma_start3A_60] : memref<4096x4096xf32, #tpu.memory_space<hbm>> -> memref<8x4096xf32, #tpu.memory_space<hbm>>
      tpu.enqueue_dma source(%dma_start3A_61 : memref<8x4096xf32, #tpu.memory_space<hbm>>) target(%arg5 : memref<8x4096xf32, #tpu.memory_space<vmem>>) target_semaphore(%arg8 : memref<!tpu.dma_semaphore, #tpu.memory_space<semaphore_mem>>)
      %mul3A_62 = arith.constant 8 : i32
      %mul3A_63 = arith.muli %mul3A_52, %mul3A_62 : i32
      %add3A_64 = arith.addi %mul3A_2, %mul3A_63 : i32
      %dma_wait3A = arith.constant 0 : i32
      %dma_wait3A_65 = tpu.memref_slice %arg2[%add3A_64, %dma_wait3A] : memref<4096x4096xf32, #tpu.memory_space<hbm>> -> memref<8x4096xf32, #tpu.memory_space<hbm>>
      %dma_wait3A_66 = arith.constant 0 : i32
      %dma_wait3A_67 = tpu.memref_slice %arg2[%add3A_64, %dma_wait3A_66] : memref<4096x4096xf32, #tpu.memory_space<hbm>> -> memref<8x4096xf32, #tpu.memory_space<hbm>>
      tpu.wait_dma2 semaphore(%arg7 : memref<!tpu.dma_semaphore, #tpu.memory_space<semaphore_mem>>) src(%dma_wait3A_67 : memref<8x4096xf32, #tpu.memory_space<hbm>>) dst(%arg4 : memref<8x4096xf32, #tpu.memory_space<vmem>>)
      %parallel_loop3A_68 = arith.constant 0 : i32
      %parallel_loop3A_69 = arith.constant 256 : i32
      %parallel_loop3A_70 = arith.constant 1 : i32
      scf.for %parallel_loop3A_86 = %parallel_loop3A_68 to %parallel_loop3A_69 step %parallel_loop3A_70  : i32 {
        %parallel_loop3A_87 = arith.constant 16 : i32
        %parallel_loop3A_88 = arith.muli %parallel_loop3A_86, %parallel_loop3A_87 : i32
        %parallel_loop3A_89 = arith.constant 0 : i32
        %parallel_loop3A_90 = arith.index_cast %parallel_loop3A_89 : i32 to index
        %parallel_loop3A_91 = arith.index_cast %parallel_loop3A_88 : i32 to index
        %parallel_loop3A_92 = tpu.vector_load %arg4[%parallel_loop3A_90, %parallel_loop3A_91] {strides = array<i32>} : memref<8x4096xf32, #tpu.memory_space<vmem>>, vector<16xf32>,
        %parallel_loop3A_93 = tpu.bitcast %parallel_loop3A_92 : vector<16xf32> -> vector<16xi32>
        %parallel_loop3A_94 = arith.constant 20 : i32
        %parallel_loop3A_95 = vector.broadcast %parallel_loop3A_94 : i32 to vector<16xi32>
        %parallel_loop3A_96 = arith.shrui %parallel_loop3A_93, %parallel_loop3A_95 : vector<16xi32>
        %parallel_loop3A_97 = arith.constant 4 : i32
        %parallel_loop3A_98 = vector.broadcast %parallel_loop3A_97 : i32 to vector<16xi32>
        %parallel_loop3A_99 = arith.shli %parallel_loop3A_96, %parallel_loop3A_98 : vector<16xi32>
        %parallel_loop3A_100 = arith.ori %parallel_loop3A_99, %iota3A : vector<16xi32>
        tpu.vector_store_idx %arg6[%parallel_loop3A_100], %broadcast_in_dim3A_3 {add = true} : memref<32768xi32, #tpu.memory_space<vmem>>[vector<16xi32>], vector<16xi32>,
        %parallel_loop3A_101 = arith.constant 16 : i32
        %parallel_loop3A_102 = arith.muli %parallel_loop3A_86, %parallel_loop3A_101 : i32
        %parallel_loop3A_103 = arith.constant 1 : i32
        %parallel_loop3A_104 = arith.index_cast %parallel_loop3A_103 : i32 to index
        %parallel_loop3A_105 = arith.index_cast %parallel_loop3A_102 : i32 to index
        %parallel_loop3A_106 = tpu.vector_load %arg4[%parallel_loop3A_104, %parallel_loop3A_105] {strides = array<i32>} : memref<8x4096xf32, #tpu.memory_space<vmem>>, vector<16xf32>,
        %parallel_loop3A_107 = tpu.bitcast %parallel_loop3A_106 : vector<16xf32> -> vector<16xi32>
        %parallel_loop3A_108 = arith.constant 20 : i32
        %parallel_loop3A_109 = vector.broadcast %parallel_loop3A_108 : i32 to vector<16xi32>
        %parallel_loop3A_110 = arith.shrui %parallel_loop3A_107, %parallel_loop3A_109 : vector<16xi32>
        %parallel_loop3A_111 = arith.constant 4 : i32
        %parallel_loop3A_112 = vector.broadcast %parallel_loop3A_111 : i32 to vector<16xi32>
        %parallel_loop3A_113 = arith.shli %parallel_loop3A_110, %parallel_loop3A_112 : vector<16xi32>
        %parallel_loop3A_114 = arith.ori %parallel_loop3A_113, %iota3A : vector<16xi32>
        tpu.vector_store_idx %arg6[%parallel_loop3A_114], %broadcast_in_dim3A_3 {add = true} : memref<32768xi32, #tpu.memory_space<vmem>>[vector<16xi32>], vector<16xi32>,
        %parallel_loop3A_115 = arith.constant 16 : i32
        %parallel_loop3A_116 = arith.muli %parallel_loop3A_86, %parallel_loop3A_115 : i32
        %parallel_loop3A_117 = arith.constant 2 : i32
        %parallel_loop3A_118 = arith.index_cast %parallel_loop3A_117 : i32 to index
        %parallel_loop3A_119 = arith.index_cast %parallel_loop3A_116 : i32 to index
        %parallel_loop3A_120 = tpu.vector_load %arg4[%parallel_loop3A_118, %parallel_loop3A_119] {strides = array<i32>} : memref<8x4096xf32, #tpu.memory_space<vmem>>, vector<16xf32>,
        %parallel_loop3A_121 = tpu.bitcast %parallel_loop3A_120 : vector<16xf32> -> vector<16xi32>
        %parallel_loop3A_122 = arith.constant 20 : i32
        %parallel_loop3A_123 = vector.broadcast %parallel_loop3A_122 : i32 to vector<16xi32>
        %parallel_loop3A_124 = arith.shrui %parallel_loop3A_121, %parallel_loop3A_123 : vector<16xi32>
        %parallel_loop3A_125 = arith.constant 4 : i32
        %parallel_loop3A_126 = vector.broadcast %parallel_loop3A_125 : i32 to vector<16xi32>
        %parallel_loop3A_127 = arith.shli %parallel_loop3A_124, %parallel_loop3A_126 : vector<16xi32>
        %parallel_loop3A_128 = arith.ori %parallel_loop3A_127, %iota3A : vector<16xi32>
        tpu.vector_store_idx %arg6[%parallel_loop3A_128], %broadcast_in_dim3A_3 {add = true} : memref<32768xi32, #tpu.memory_space<vmem>>[vector<16xi32>], vector<16xi32>,
        %parallel_loop3A_129 = arith.constant 16 : i32
        %parallel_loop3A_130 = arith.muli %parallel_loop3A_86, %parallel_loop3A_129 : i32
        %parallel_loop3A_131 = arith.constant 3 : i32
        %parallel_loop3A_132 = arith.index_cast %parallel_loop3A_131 : i32 to index
        %parallel_loop3A_133 = arith.index_cast %parallel_loop3A_130 : i32 to index
        %parallel_loop3A_134 = tpu.vector_load %arg4[%parallel_loop3A_132, %parallel_loop3A_133] {strides = array<i32>} : memref<8x4096xf32, #tpu.memory_space<vmem>>, vector<16xf32>,
        %parallel_loop3A_135 = tpu.bitcast %parallel_loop3A_134 : vector<16xf32> -> vector<16xi32>
        %parallel_loop3A_136 = arith.constant 20 : i32
        %parallel_loop3A_137 = vector.broadcast %parallel_loop3A_136 : i32 to vector<16xi32>
        %parallel_loop3A_138 = arith.shrui %parallel_loop3A_135, %parallel_loop3A_137 : vector<16xi32>
        %parallel_loop3A_139 = arith.constant 4 : i32
        %parallel_loop3A_140 = vector.broadcast %parallel_loop3A_139 : i32 to vector<16xi32>
        %parallel_loop3A_141 = arith.shli %parallel_loop3A_138, %parallel_loop3A_140 : vector<16xi32>
        %parallel_loop3A_142 = arith.ori %parallel_loop3A_141, %iota3A : vector<16xi32>
        tpu.vector_store_idx %arg6[%parallel_loop3A_142], %broadcast_in_dim3A_3 {add = true} : memref<32768xi32, #tpu.memory_space<vmem>>[vector<16xi32>], vector<16xi32>,
        %parallel_loop3A_143 = arith.constant 16 : i32
        %parallel_loop3A_144 = arith.muli %parallel_loop3A_86, %parallel_loop3A_143 : i32
        %parallel_loop3A_145 = arith.constant 4 : i32
        %parallel_loop3A_146 = arith.index_cast %parallel_loop3A_145 : i32 to index
        %parallel_loop3A_147 = arith.index_cast %parallel_loop3A_144 : i32 to index
        %parallel_loop3A_148 = tpu.vector_load %arg4[%parallel_loop3A_146, %parallel_loop3A_147] {strides = array<i32>} : memref<8x4096xf32, #tpu.memory_space<vmem>>, vector<16xf32>,
        %parallel_loop3A_149 = tpu.bitcast %parallel_loop3A_148 : vector<16xf32> -> vector<16xi32>
        %parallel_loop3A_150 = arith.constant 20 : i32
        %parallel_loop3A_151 = vector.broadcast %parallel_loop3A_150 : i32 to vector<16xi32>
        %parallel_loop3A_152 = arith.shrui %parallel_loop3A_149, %parallel_loop3A_151 : vector<16xi32>
        %parallel_loop3A_153 = arith.constant 4 : i32
        %parallel_loop3A_154 = vector.broadcast %parallel_loop3A_153 : i32 to vector<16xi32>
        %parallel_loop3A_155 = arith.shli %parallel_loop3A_152, %parallel_loop3A_154 : vector<16xi32>
        %parallel_loop3A_156 = arith.ori %parallel_loop3A_155, %iota3A : vector<16xi32>
        tpu.vector_store_idx %arg6[%parallel_loop3A_156], %broadcast_in_dim3A_3 {add = true} : memref<32768xi32, #tpu.memory_space<vmem>>[vector<16xi32>], vector<16xi32>,
        %parallel_loop3A_157 = arith.constant 16 : i32
        %parallel_loop3A_158 = arith.muli %parallel_loop3A_86, %parallel_loop3A_157 : i32
        %parallel_loop3A_159 = arith.constant 5 : i32
        %parallel_loop3A_160 = arith.index_cast %parallel_loop3A_159 : i32 to index
        %parallel_loop3A_161 = arith.index_cast %parallel_loop3A_158 : i32 to index
        %parallel_loop3A_162 = tpu.vector_load %arg4[%parallel_loop3A_160, %parallel_loop3A_161] {strides = array<i32>} : memref<8x4096xf32, #tpu.memory_space<vmem>>, vector<16xf32>,
        %parallel_loop3A_163 = tpu.bitcast %parallel_loop3A_162 : vector<16xf32> -> vector<16xi32>
        %parallel_loop3A_164 = arith.constant 20 : i32
        %parallel_loop3A_165 = vector.broadcast %parallel_loop3A_164 : i32 to vector<16xi32>
        %parallel_loop3A_166 = arith.shrui %parallel_loop3A_163, %parallel_loop3A_165 : vector<16xi32>
        %parallel_loop3A_167 = arith.constant 4 : i32
        %parallel_loop3A_168 = vector.broadcast %parallel_loop3A_167 : i32 to vector<16xi32>
        %parallel_loop3A_169 = arith.shli %parallel_loop3A_166, %parallel_loop3A_168 : vector<16xi32>
        %parallel_loop3A_170 = arith.ori %parallel_loop3A_169, %iota3A : vector<16xi32>
        tpu.vector_store_idx %arg6[%parallel_loop3A_170], %broadcast_in_dim3A_3 {add = true} : memref<32768xi32, #tpu.memory_space<vmem>>[vector<16xi32>], vector<16xi32>,
        %parallel_loop3A_171 = arith.constant 16 : i32
        %parallel_loop3A_172 = arith.muli %parallel_loop3A_86, %parallel_loop3A_171 : i32
        %parallel_loop3A_173 = arith.constant 6 : i32
        %parallel_loop3A_174 = arith.index_cast %parallel_loop3A_173 : i32 to index
        %parallel_loop3A_175 = arith.index_cast %parallel_loop3A_172 : i32 to index
        %parallel_loop3A_176 = tpu.vector_load %arg4[%parallel_loop3A_174, %parallel_loop3A_175] {strides = array<i32>} : memref<8x4096xf32, #tpu.memory_space<vmem>>, vector<16xf32>,
        %parallel_loop3A_177 = tpu.bitcast %parallel_loop3A_176 : vector<16xf32> -> vector<16xi32>
        %parallel_loop3A_178 = arith.constant 20 : i32
        %parallel_loop3A_179 = vector.broadcast %parallel_loop3A_178 : i32 to vector<16xi32>
        %parallel_loop3A_180 = arith.shrui %parallel_loop3A_177, %parallel_loop3A_179 : vector<16xi32>
        %parallel_loop3A_181 = arith.constant 4 : i32
        %parallel_loop3A_182 = vector.broadcast %parallel_loop3A_181 : i32 to vector<16xi32>
        %parallel_loop3A_183 = arith.shli %parallel_loop3A_180, %parallel_loop3A_182 : vector<16xi32>
        %parallel_loop3A_184 = arith.ori %parallel_loop3A_183, %iota3A : vector<16xi32>
        tpu.vector_store_idx %arg6[%parallel_loop3A_184], %broadcast_in_dim3A_3 {add = true} : memref<32768xi32, #tpu.memory_space<vmem>>[vector<16xi32>], vector<16xi32>,
        %parallel_loop3A_185 = arith.constant 16 : i32
        %parallel_loop3A_186 = arith.muli %parallel_loop3A_86, %parallel_loop3A_185 : i32
        %parallel_loop3A_187 = arith.constant 7 : i32
        %parallel_loop3A_188 = arith.index_cast %parallel_loop3A_187 : i32 to index
        %parallel_loop3A_189 = arith.index_cast %parallel_loop3A_186 : i32 to index
        %parallel_loop3A_190 = tpu.vector_load %arg4[%parallel_loop3A_188, %parallel_loop3A_189] {strides = array<i32>} : memref<8x4096xf32, #tpu.memory_space<vmem>>, vector<16xf32>,
        %parallel_loop3A_191 = tpu.bitcast %parallel_loop3A_190 : vector<16xf32> -> vector<16xi32>
        %parallel_loop3A_192 = arith.constant 20 : i32
        %parallel_loop3A_193 = vector.broadcast %parallel_loop3A_192 : i32 to vector<16xi32>
        %parallel_loop3A_194 = arith.shrui %parallel_loop3A_191, %parallel_loop3A_193 : vector<16xi32>
        %parallel_loop3A_195 = arith.constant 4 : i32
        %parallel_loop3A_196 = vector.broadcast %parallel_loop3A_195 : i32 to vector<16xi32>
        %parallel_loop3A_197 = arith.shli %parallel_loop3A_194, %parallel_loop3A_196 : vector<16xi32>
        %parallel_loop3A_198 = arith.ori %parallel_loop3A_197, %iota3A : vector<16xi32>
        tpu.vector_store_idx %arg6[%parallel_loop3A_198], %broadcast_in_dim3A_3 {add = true} : memref<32768xi32, #tpu.memory_space<vmem>>[vector<16xi32>], vector<16xi32>,
      } {sc.loop_unroll_factor = 2 : i64, sc.parallel_access}
      %lt3A = arith.constant 7 : i32
      %lt3A_71 = arith.cmpi slt, %scan3A_49, %lt3A : i32
      %convert_element_type3A = arith.extui %lt3A_71 : i1 to i32
      %cond3A = arith.constant 0 : i32
      %cond3A_72 = arith.cmpi ne, %convert_element_type3A, %cond3A : i32
      scf.if %cond3A_72 {
        %add3A_86 = arith.constant 2 : i32
        %add3A_87 = arith.addi %mul3A_52, %add3A_86 : i32
        %mul3A_88 = arith.constant 8 : i32
        %mul3A_89 = arith.muli %add3A_87, %mul3A_88 : i32
        %add3A_90 = arith.addi %mul3A_2, %mul3A_89 : i32
        %dma_start3A_91 = arith.constant 0 : i32
        %dma_start3A_92 = tpu.memref_slice %arg2[%add3A_90, %dma_start3A_91] : memref<4096x4096xf32, #tpu.memory_space<hbm>> -> memref<8x4096xf32, #tpu.memory_space<hbm>>
        %dma_start3A_93 = arith.constant 0 : i32
        %dma_start3A_94 = tpu.memref_slice %arg2[%add3A_90, %dma_start3A_93] : memref<4096x4096xf32, #tpu.memory_space<hbm>> -> memref<8x4096xf32, #tpu.memory_space<hbm>>
        tpu.enqueue_dma source(%dma_start3A_94 : memref<8x4096xf32, #tpu.memory_space<hbm>>) target(%arg4 : memref<8x4096xf32, #tpu.memory_space<vmem>>) target_semaphore(%arg7 : memref<!tpu.dma_semaphore, #tpu.memory_space<semaphore_mem>>)
      } else {
      }
      %add3A_73 = arith.constant 1 : i32
      %add3A_74 = arith.addi %mul3A_52, %add3A_73 : i32
      %mul3A_75 = arith.constant 8 : i32
      %mul3A_76 = arith.muli %add3A_74, %mul3A_75 : i32
      %add3A_77 = arith.addi %mul3A_2, %mul3A_76 : i32
      %dma_wait3A_78 = arith.constant 0 : i32
      %dma_wait3A_79 = tpu.memref_slice %arg2[%add3A_77, %dma_wait3A_78] : memref<4096x4096xf32, #tpu.memory_space<hbm>> -> memref<8x4096xf32, #tpu.memory_space<hbm>>
      %dma_wait3A_80 = arith.constant 0 : i32
      %dma_wait3A_81 = tpu.memref_slice %arg2[%add3A_77, %dma_wait3A_80] : memref<4096x4096xf32, #tpu.memory_space<hbm>> -> memref<8x4096xf32, #tpu.memory_space<hbm>>
      tpu.wait_dma2 semaphore(%arg8 : memref<!tpu.dma_semaphore, #tpu.memory_space<semaphore_mem>>) src(%dma_wait3A_81 : memref<8x4096xf32, #tpu.memory_space<hbm>>) dst(%arg5 : memref<8x4096xf32, #tpu.memory_space<vmem>>)
      %parallel_loop3A_82 = arith.constant 0 : i32
      %parallel_loop3A_83 = arith.constant 256 : i32
      %parallel_loop3A_84 = arith.constant 1 : i32
      scf.for %parallel_loop3A_86 = %parallel_loop3A_82 to %parallel_loop3A_83 step %parallel_loop3A_84  : i32 {
        %parallel_loop3A_87 = arith.constant 16 : i32
        %parallel_loop3A_88 = arith.muli %parallel_loop3A_86, %parallel_loop3A_87 : i32
        %parallel_loop3A_89 = arith.constant 0 : i32
        %parallel_loop3A_90 = arith.index_cast %parallel_loop3A_89 : i32 to index
        %parallel_loop3A_91 = arith.index_cast %parallel_loop3A_88 : i32 to index
        %parallel_loop3A_92 = tpu.vector_load %arg5[%parallel_loop3A_90, %parallel_loop3A_91] {strides = array<i32>} : memref<8x4096xf32, #tpu.memory_space<vmem>>, vector<16xf32>,
        %parallel_loop3A_93 = tpu.bitcast %parallel_loop3A_92 : vector<16xf32> -> vector<16xi32>
        %parallel_loop3A_94 = arith.constant 20 : i32
        %parallel_loop3A_95 = vector.broadcast %parallel_loop3A_94 : i32 to vector<16xi32>
        %parallel_loop3A_96 = arith.shrui %parallel_loop3A_93, %parallel_loop3A_95 : vector<16xi32>
        %parallel_loop3A_97 = arith.constant 4 : i32
        %parallel_loop3A_98 = vector.broadcast %parallel_loop3A_97 : i32 to vector<16xi32>
        %parallel_loop3A_99 = arith.shli %parallel_loop3A_96, %parallel_loop3A_98 : vector<16xi32>
        %parallel_loop3A_100 = arith.ori %parallel_loop3A_99, %iota3A : vector<16xi32>
        tpu.vector_store_idx %arg6[%parallel_loop3A_100], %broadcast_in_dim3A_3 {add = true} : memref<32768xi32, #tpu.memory_space<vmem>>[vector<16xi32>], vector<16xi32>,
        %parallel_loop3A_101 = arith.constant 16 : i32
        %parallel_loop3A_102 = arith.muli %parallel_loop3A_86, %parallel_loop3A_101 : i32
        %parallel_loop3A_103 = arith.constant 1 : i32
        %parallel_loop3A_104 = arith.index_cast %parallel_loop3A_103 : i32 to index
        %parallel_loop3A_105 = arith.index_cast %parallel_loop3A_102 : i32 to index
        %parallel_loop3A_106 = tpu.vector_load %arg5[%parallel_loop3A_104, %parallel_loop3A_105] {strides = array<i32>} : memref<8x4096xf32, #tpu.memory_space<vmem>>, vector<16xf32>,
        %parallel_loop3A_107 = tpu.bitcast %parallel_loop3A_106 : vector<16xf32> -> vector<16xi32>
        %parallel_loop3A_108 = arith.constant 20 : i32
        %parallel_loop3A_109 = vector.broadcast %parallel_loop3A_108 : i32 to vector<16xi32>
        %parallel_loop3A_110 = arith.shrui %parallel_loop3A_107, %parallel_loop3A_109 : vector<16xi32>
        %parallel_loop3A_111 = arith.constant 4 : i32
        %parallel_loop3A_112 = vector.broadcast %parallel_loop3A_111 : i32 to vector<16xi32>
        %parallel_loop3A_113 = arith.shli %parallel_loop3A_110, %parallel_loop3A_112 : vector<16xi32>
        %parallel_loop3A_114 = arith.ori %parallel_loop3A_113, %iota3A : vector<16xi32>
        tpu.vector_store_idx %arg6[%parallel_loop3A_114], %broadcast_in_dim3A_3 {add = true} : memref<32768xi32, #tpu.memory_space<vmem>>[vector<16xi32>], vector<16xi32>,
        %parallel_loop3A_115 = arith.constant 16 : i32
        %parallel_loop3A_116 = arith.muli %parallel_loop3A_86, %parallel_loop3A_115 : i32
        %parallel_loop3A_117 = arith.constant 2 : i32
        %parallel_loop3A_118 = arith.index_cast %parallel_loop3A_117 : i32 to index
        %parallel_loop3A_119 = arith.index_cast %parallel_loop3A_116 : i32 to index
        %parallel_loop3A_120 = tpu.vector_load %arg5[%parallel_loop3A_118, %parallel_loop3A_119] {strides = array<i32>} : memref<8x4096xf32, #tpu.memory_space<vmem>>, vector<16xf32>,
        %parallel_loop3A_121 = tpu.bitcast %parallel_loop3A_120 : vector<16xf32> -> vector<16xi32>
        %parallel_loop3A_122 = arith.constant 20 : i32
        %parallel_loop3A_123 = vector.broadcast %parallel_loop3A_122 : i32 to vector<16xi32>
        %parallel_loop3A_124 = arith.shrui %parallel_loop3A_121, %parallel_loop3A_123 : vector<16xi32>
        %parallel_loop3A_125 = arith.constant 4 : i32
        %parallel_loop3A_126 = vector.broadcast %parallel_loop3A_125 : i32 to vector<16xi32>
        %parallel_loop3A_127 = arith.shli %parallel_loop3A_124, %parallel_loop3A_126 : vector<16xi32>
        %parallel_loop3A_128 = arith.ori %parallel_loop3A_127, %iota3A : vector<16xi32>
        tpu.vector_store_idx %arg6[%parallel_loop3A_128], %broadcast_in_dim3A_3 {add = true} : memref<32768xi32, #tpu.memory_space<vmem>>[vector<16xi32>], vector<16xi32>,
        %parallel_loop3A_129 = arith.constant 16 : i32
        %parallel_loop3A_130 = arith.muli %parallel_loop3A_86, %parallel_loop3A_129 : i32
        %parallel_loop3A_131 = arith.constant 3 : i32
        %parallel_loop3A_132 = arith.index_cast %parallel_loop3A_131 : i32 to index
        %parallel_loop3A_133 = arith.index_cast %parallel_loop3A_130 : i32 to index
        %parallel_loop3A_134 = tpu.vector_load %arg5[%parallel_loop3A_132, %parallel_loop3A_133] {strides = array<i32>} : memref<8x4096xf32, #tpu.memory_space<vmem>>, vector<16xf32>,
        %parallel_loop3A_135 = tpu.bitcast %parallel_loop3A_134 : vector<16xf32> -> vector<16xi32>
        %parallel_loop3A_136 = arith.constant 20 : i32
        %parallel_loop3A_137 = vector.broadcast %parallel_loop3A_136 : i32 to vector<16xi32>
        %parallel_loop3A_138 = arith.shrui %parallel_loop3A_135, %parallel_loop3A_137 : vector<16xi32>
        %parallel_loop3A_139 = arith.constant 4 : i32
        %parallel_loop3A_140 = vector.broadcast %parallel_loop3A_139 : i32 to vector<16xi32>
        %parallel_loop3A_141 = arith.shli %parallel_loop3A_138, %parallel_loop3A_140 : vector<16xi32>
        %parallel_loop3A_142 = arith.ori %parallel_loop3A_141, %iota3A : vector<16xi32>
        tpu.vector_store_idx %arg6[%parallel_loop3A_142], %broadcast_in_dim3A_3 {add = true} : memref<32768xi32, #tpu.memory_space<vmem>>[vector<16xi32>], vector<16xi32>,
        %parallel_loop3A_143 = arith.constant 16 : i32
        %parallel_loop3A_144 = arith.muli %parallel_loop3A_86, %parallel_loop3A_143 : i32
        %parallel_loop3A_145 = arith.constant 4 : i32
        %parallel_loop3A_146 = arith.index_cast %parallel_loop3A_145 : i32 to index
        %parallel_loop3A_147 = arith.index_cast %parallel_loop3A_144 : i32 to index
        %parallel_loop3A_148 = tpu.vector_load %arg5[%parallel_loop3A_146, %parallel_loop3A_147] {strides = array<i32>} : memref<8x4096xf32, #tpu.memory_space<vmem>>, vector<16xf32>,
        %parallel_loop3A_149 = tpu.bitcast %parallel_loop3A_148 : vector<16xf32> -> vector<16xi32>
        %parallel_loop3A_150 = arith.constant 20 : i32
        %parallel_loop3A_151 = vector.broadcast %parallel_loop3A_150 : i32 to vector<16xi32>
        %parallel_loop3A_152 = arith.shrui %parallel_loop3A_149, %parallel_loop3A_151 : vector<16xi32>
        %parallel_loop3A_153 = arith.constant 4 : i32
        %parallel_loop3A_154 = vector.broadcast %parallel_loop3A_153 : i32 to vector<16xi32>
        %parallel_loop3A_155 = arith.shli %parallel_loop3A_152, %parallel_loop3A_154 : vector<16xi32>
        %parallel_loop3A_156 = arith.ori %parallel_loop3A_155, %iota3A : vector<16xi32>
        tpu.vector_store_idx %arg6[%parallel_loop3A_156], %broadcast_in_dim3A_3 {add = true} : memref<32768xi32, #tpu.memory_space<vmem>>[vector<16xi32>], vector<16xi32>,
        %parallel_loop3A_157 = arith.constant 16 : i32
        %parallel_loop3A_158 = arith.muli %parallel_loop3A_86, %parallel_loop3A_157 : i32
        %parallel_loop3A_159 = arith.constant 5 : i32
        %parallel_loop3A_160 = arith.index_cast %parallel_loop3A_159 : i32 to index
        %parallel_loop3A_161 = arith.index_cast %parallel_loop3A_158 : i32 to index
        %parallel_loop3A_162 = tpu.vector_load %arg5[%parallel_loop3A_160, %parallel_loop3A_161] {strides = array<i32>} : memref<8x4096xf32, #tpu.memory_space<vmem>>, vector<16xf32>,
        %parallel_loop3A_163 = tpu.bitcast %parallel_loop3A_162 : vector<16xf32> -> vector<16xi32>
        %parallel_loop3A_164 = arith.constant 20 : i32
        %parallel_loop3A_165 = vector.broadcast %parallel_loop3A_164 : i32 to vector<16xi32>
        %parallel_loop3A_166 = arith.shrui %parallel_loop3A_163, %parallel_loop3A_165 : vector<16xi32>
        %parallel_loop3A_167 = arith.constant 4 : i32
        %parallel_loop3A_168 = vector.broadcast %parallel_loop3A_167 : i32 to vector<16xi32>
        %parallel_loop3A_169 = arith.shli %parallel_loop3A_166, %parallel_loop3A_168 : vector<16xi32>
        %parallel_loop3A_170 = arith.ori %parallel_loop3A_169, %iota3A : vector<16xi32>
        tpu.vector_store_idx %arg6[%parallel_loop3A_170], %broadcast_in_dim3A_3 {add = true} : memref<32768xi32, #tpu.memory_space<vmem>>[vector<16xi32>], vector<16xi32>,
        %parallel_loop3A_171 = arith.constant 16 : i32
        %parallel_loop3A_172 = arith.muli %parallel_loop3A_86, %parallel_loop3A_171 : i32
        %parallel_loop3A_173 = arith.constant 6 : i32
        %parallel_loop3A_174 = arith.index_cast %parallel_loop3A_173 : i32 to index
        %parallel_loop3A_175 = arith.index_cast %parallel_loop3A_172 : i32 to index
        %parallel_loop3A_176 = tpu.vector_load %arg5[%parallel_loop3A_174, %parallel_loop3A_175] {strides = array<i32>} : memref<8x4096xf32, #tpu.memory_space<vmem>>, vector<16xf32>,
        %parallel_loop3A_177 = tpu.bitcast %parallel_loop3A_176 : vector<16xf32> -> vector<16xi32>
        %parallel_loop3A_178 = arith.constant 20 : i32
        %parallel_loop3A_179 = vector.broadcast %parallel_loop3A_178 : i32 to vector<16xi32>
        %parallel_loop3A_180 = arith.shrui %parallel_loop3A_177, %parallel_loop3A_179 : vector<16xi32>
        %parallel_loop3A_181 = arith.constant 4 : i32
        %parallel_loop3A_182 = vector.broadcast %parallel_loop3A_181 : i32 to vector<16xi32>
        %parallel_loop3A_183 = arith.shli %parallel_loop3A_180, %parallel_loop3A_182 : vector<16xi32>
        %parallel_loop3A_184 = arith.ori %parallel_loop3A_183, %iota3A : vector<16xi32>
        tpu.vector_store_idx %arg6[%parallel_loop3A_184], %broadcast_in_dim3A_3 {add = true} : memref<32768xi32, #tpu.memory_space<vmem>>[vector<16xi32>], vector<16xi32>,
        %parallel_loop3A_185 = arith.constant 16 : i32
        %parallel_loop3A_186 = arith.muli %parallel_loop3A_86, %parallel_loop3A_185 : i32
        %parallel_loop3A_187 = arith.constant 7 : i32
        %parallel_loop3A_188 = arith.index_cast %parallel_loop3A_187 : i32 to index
        %parallel_loop3A_189 = arith.index_cast %parallel_loop3A_186 : i32 to index
        %parallel_loop3A_190 = tpu.vector_load %arg5[%parallel_loop3A_188, %parallel_loop3A_189] {strides = array<i32>} : memref<8x4096xf32, #tpu.memory_space<vmem>>, vector<16xf32>,
        %parallel_loop3A_191 = tpu.bitcast %parallel_loop3A_190 : vector<16xf32> -> vector<16xi32>
        %parallel_loop3A_192 = arith.constant 20 : i32
        %parallel_loop3A_193 = vector.broadcast %parallel_loop3A_192 : i32 to vector<16xi32>
        %parallel_loop3A_194 = arith.shrui %parallel_loop3A_191, %parallel_loop3A_193 : vector<16xi32>
        %parallel_loop3A_195 = arith.constant 4 : i32
        %parallel_loop3A_196 = vector.broadcast %parallel_loop3A_195 : i32 to vector<16xi32>
        %parallel_loop3A_197 = arith.shli %parallel_loop3A_194, %parallel_loop3A_196 : vector<16xi32>
        %parallel_loop3A_198 = arith.ori %parallel_loop3A_197, %iota3A : vector<16xi32>
        tpu.vector_store_idx %arg6[%parallel_loop3A_198], %broadcast_in_dim3A_3 {add = true} : memref<32768xi32, #tpu.memory_space<vmem>>[vector<16xi32>], vector<16xi32>,
      } {sc.loop_unroll_factor = 2 : i64, sc.parallel_access}
      %scan3A_85 = arith.constant 0 : i32
      scf.yield %scan3A_85 : i32
    }
    %scan3A_16 = arith.constant 8 : i32
    %mul3A_17 = arith.constant 8 : i32
    %mul3A_18 = arith.muli %add3A, %mul3A_17 : i32
    %add3A_19 = arith.constant 0 : i32
    %add3A_20 = arith.addi %mul3A_18, %add3A_19 : i32
    "tpu.region"() ({
      %run_scoped3A = tpu.sem_alloc : memref<!tpu.dma_semaphore, #tpu.memory_space<semaphore_mem>>
      %dma_start3A_49 = arith.constant 0 : i32
      %dma_start3A_50 = tpu.memref_slice %arg6[%dma_start3A_49] : memref<32768xi32, #tpu.memory_space<vmem>> -> memref<4096xi32, #tpu.memory_space<vmem>>
      %dma_start3A_51 = arith.constant 0 : i32
      %dma_start3A_52 = tpu.memref_slice %arg3[%add3A_20, %dma_start3A_51] : memref<256x4096xi32, #tpu.memory_space<hbm>> -> memref<1x4096xi32, #tpu.memory_space<hbm>>
      %dma_start3A_53 = tpu.memref_squeeze %dma_start3A_52 : memref<1x4096xi32, #tpu.memory_space<hbm>> -> memref<4096xi32, #tpu.memory_space<hbm>>
      %dma_start3A_54 = arith.constant 0 : i32
      %dma_start3A_55 = tpu.memref_slice %arg3[%add3A_20, %dma_start3A_54] : memref<256x4096xi32, #tpu.memory_space<hbm>> -> memref<1x4096xi32, #tpu.memory_space<hbm>>
      %dma_start3A_56 = tpu.memref_squeeze %dma_start3A_55 : memref<1x4096xi32, #tpu.memory_space<hbm>> -> memref<4096xi32, #tpu.memory_space<hbm>>
      %dma_start3A_57 = arith.constant 0 : i32
      %dma_start3A_58 = tpu.memref_slice %arg6[%dma_start3A_57] : memref<32768xi32, #tpu.memory_space<vmem>> -> memref<4096xi32, #tpu.memory_space<vmem>>
      tpu.enqueue_dma source(%dma_start3A_58 : memref<4096xi32, #tpu.memory_space<vmem>>) target(%dma_start3A_56 : memref<4096xi32, #tpu.memory_space<hbm>>) target_semaphore(%run_scoped3A : memref<!tpu.dma_semaphore, #tpu.memory_space<semaphore_mem>>)
      %dma_wait3A = arith.constant 0 : i32
      %dma_wait3A_59 = tpu.memref_slice %arg6[%dma_wait3A] : memref<32768xi32, #tpu.memory_space<vmem>> -> memref<4096xi32, #tpu.memory_space<vmem>>
      %dma_wait3A_60 = arith.constant 0 : i32
      %dma_wait3A_61 = tpu.memref_slice %arg3[%add3A_20, %dma_wait3A_60] : memref<256x4096xi32, #tpu.memory_space<hbm>> -> memref<1x4096xi32, #tpu.memory_space<hbm>>
      %dma_wait3A_62 = tpu.memref_squeeze %dma_wait3A_61 : memref<1x4096xi32, #tpu.memory_space<hbm>> -> memref<4096xi32, #tpu.memory_space<hbm>>
      %dma_wait3A_63 = arith.constant 0 : i32
      %dma_wait3A_64 = tpu.memref_slice %arg3[%add3A_20, %dma_wait3A_63] : memref<256x4096xi32, #tpu.memory_space<hbm>> -> memref<1x4096xi32, #tpu.memory_space<hbm>>
      %dma_wait3A_65 = tpu.memref_squeeze %dma_wait3A_64 : memref<1x4096xi32, #tpu.memory_space<hbm>> -> memref<4096xi32, #tpu.memory_space<hbm>>
      %dma_wait3A_66 = arith.constant 0 : i32
      %dma_wait3A_67 = tpu.memref_slice %arg6[%dma_wait3A_66] : memref<32768xi32, #tpu.memory_space<vmem>> -> memref<4096xi32, #tpu.memory_space<vmem>>
      tpu.wait_dma2 semaphore(%run_scoped3A : memref<!tpu.dma_semaphore, #tpu.memory_space<semaphore_mem>>) src(%dma_wait3A_67 : memref<4096xi32, #tpu.memory_space<vmem>>) dst(%dma_wait3A_65 : memref<4096xi32, #tpu.memory_space<hbm>>)
      tpu.yield
    }) : () -> ()
    %mul3A_21 = arith.constant 8 : i32
    %mul3A_22 = arith.muli %add3A, %mul3A_21 : i32
    %add3A_23 = arith.constant 1 : i32
    %add3A_24 = arith.addi %mul3A_22, %add3A_23 : i32
    "tpu.region"() ({
      %run_scoped3A = tpu.sem_alloc : memref<!tpu.dma_semaphore, #tpu.memory_space<semaphore_mem>>
      %dma_start3A_49 = arith.constant 4096 : i32
      %dma_start3A_50 = tpu.memref_slice %arg6[%dma_start3A_49] : memref<32768xi32, #tpu.memory_space<vmem>> -> memref<4096xi32, #tpu.memory_space<vmem>>
      %dma_start3A_51 = arith.constant 0 : i32
      %dma_start3A_52 = tpu.memref_slice %arg3[%add3A_24, %dma_start3A_51] : memref<256x4096xi32, #tpu.memory_space<hbm>> -> memref<1x4096xi32, #tpu.memory_space<hbm>>
      %dma_start3A_53 = tpu.memref_squeeze %dma_start3A_52 : memref<1x4096xi32, #tpu.memory_space<hbm>> -> memref<4096xi32, #tpu.memory_space<hbm>>
      %dma_start3A_54 = arith.constant 0 : i32
      %dma_start3A_55 = tpu.memref_slice %arg3[%add3A_24, %dma_start3A_54] : memref<256x4096xi32, #tpu.memory_space<hbm>> -> memref<1x4096xi32, #tpu.memory_space<hbm>>
      %dma_start3A_56 = tpu.memref_squeeze %dma_start3A_55 : memref<1x4096xi32, #tpu.memory_space<hbm>> -> memref<4096xi32, #tpu.memory_space<hbm>>
      %dma_start3A_57 = arith.constant 4096 : i32
      %dma_start3A_58 = tpu.memref_slice %arg6[%dma_start3A_57] : memref<32768xi32, #tpu.memory_space<vmem>> -> memref<4096xi32, #tpu.memory_space<vmem>>
      tpu.enqueue_dma source(%dma_start3A_58 : memref<4096xi32, #tpu.memory_space<vmem>>) target(%dma_start3A_56 : memref<4096xi32, #tpu.memory_space<hbm>>) target_semaphore(%run_scoped3A : memref<!tpu.dma_semaphore, #tpu.memory_space<semaphore_mem>>)
      %dma_wait3A = arith.constant 4096 : i32
      %dma_wait3A_59 = tpu.memref_slice %arg6[%dma_wait3A] : memref<32768xi32, #tpu.memory_space<vmem>> -> memref<4096xi32, #tpu.memory_space<vmem>>
      %dma_wait3A_60 = arith.constant 0 : i32
      %dma_wait3A_61 = tpu.memref_slice %arg3[%add3A_24, %dma_wait3A_60] : memref<256x4096xi32, #tpu.memory_space<hbm>> -> memref<1x4096xi32, #tpu.memory_space<hbm>>
      %dma_wait3A_62 = tpu.memref_squeeze %dma_wait3A_61 : memref<1x4096xi32, #tpu.memory_space<hbm>> -> memref<4096xi32, #tpu.memory_space<hbm>>
      %dma_wait3A_63 = arith.constant 0 : i32
      %dma_wait3A_64 = tpu.memref_slice %arg3[%add3A_24, %dma_wait3A_63] : memref<256x4096xi32, #tpu.memory_space<hbm>> -> memref<1x4096xi32, #tpu.memory_space<hbm>>
      %dma_wait3A_65 = tpu.memref_squeeze %dma_wait3A_64 : memref<1x4096xi32, #tpu.memory_space<hbm>> -> memref<4096xi32, #tpu.memory_space<hbm>>
      %dma_wait3A_66 = arith.constant 4096 : i32
      %dma_wait3A_67 = tpu.memref_slice %arg6[%dma_wait3A_66] : memref<32768xi32, #tpu.memory_space<vmem>> -> memref<4096xi32, #tpu.memory_space<vmem>>
      tpu.wait_dma2 semaphore(%run_scoped3A : memref<!tpu.dma_semaphore, #tpu.memory_space<semaphore_mem>>) src(%dma_wait3A_67 : memref<4096xi32, #tpu.memory_space<vmem>>) dst(%dma_wait3A_65 : memref<4096xi32, #tpu.memory_space<hbm>>)
      tpu.yield
    }) : () -> ()
    %mul3A_25 = arith.constant 8 : i32
    %mul3A_26 = arith.muli %add3A, %mul3A_25 : i32
    %add3A_27 = arith.constant 2 : i32
    %add3A_28 = arith.addi %mul3A_26, %add3A_27 : i32
    "tpu.region"() ({
      %run_scoped3A = tpu.sem_alloc : memref<!tpu.dma_semaphore, #tpu.memory_space<semaphore_mem>>
      %dma_start3A_49 = arith.constant 8192 : i32
      %dma_start3A_50 = tpu.memref_slice %arg6[%dma_start3A_49] : memref<32768xi32, #tpu.memory_space<vmem>> -> memref<4096xi32, #tpu.memory_space<vmem>>
      %dma_start3A_51 = arith.constant 0 : i32
      %dma_start3A_52 = tpu.memref_slice %arg3[%add3A_28, %dma_start3A_51] : memref<256x4096xi32, #tpu.memory_space<hbm>> -> memref<1x4096xi32, #tpu.memory_space<hbm>>
      %dma_start3A_53 = tpu.memref_squeeze %dma_start3A_52 : memref<1x4096xi32, #tpu.memory_space<hbm>> -> memref<4096xi32, #tpu.memory_space<hbm>>
      %dma_start3A_54 = arith.constant 0 : i32
      %dma_start3A_55 = tpu.memref_slice %arg3[%add3A_28, %dma_start3A_54] : memref<256x4096xi32, #tpu.memory_space<hbm>> -> memref<1x4096xi32, #tpu.memory_space<hbm>>
      %dma_start3A_56 = tpu.memref_squeeze %dma_start3A_55 : memref<1x4096xi32, #tpu.memory_space<hbm>> -> memref<4096xi32, #tpu.memory_space<hbm>>
      %dma_start3A_57 = arith.constant 8192 : i32
      %dma_start3A_58 = tpu.memref_slice %arg6[%dma_start3A_57] : memref<32768xi32, #tpu.memory_space<vmem>> -> memref<4096xi32, #tpu.memory_space<vmem>>
      tpu.enqueue_dma source(%dma_start3A_58 : memref<4096xi32, #tpu.memory_space<vmem>>) target(%dma_start3A_56 : memref<4096xi32, #tpu.memory_space<hbm>>) target_semaphore(%run_scoped3A : memref<!tpu.dma_semaphore, #tpu.memory_space<semaphore_mem>>)
      %dma_wait3A = arith.constant 8192 : i32
      %dma_wait3A_59 = tpu.memref_slice %arg6[%dma_wait3A] : memref<32768xi32, #tpu.memory_space<vmem>> -> memref<4096xi32, #tpu.memory_space<vmem>>
      %dma_wait3A_60 = arith.constant 0 : i32
      %dma_wait3A_61 = tpu.memref_slice %arg3[%add3A_28, %dma_wait3A_60] : memref<256x4096xi32, #tpu.memory_space<hbm>> -> memref<1x4096xi32, #tpu.memory_space<hbm>>
      %dma_wait3A_62 = tpu.memref_squeeze %dma_wait3A_61 : memref<1x4096xi32, #tpu.memory_space<hbm>> -> memref<4096xi32, #tpu.memory_space<hbm>>
      %dma_wait3A_63 = arith.constant 0 : i32
      %dma_wait3A_64 = tpu.memref_slice %arg3[%add3A_28, %dma_wait3A_63] : memref<256x4096xi32, #tpu.memory_space<hbm>> -> memref<1x4096xi32, #tpu.memory_space<hbm>>
      %dma_wait3A_65 = tpu.memref_squeeze %dma_wait3A_64 : memref<1x4096xi32, #tpu.memory_space<hbm>> -> memref<4096xi32, #tpu.memory_space<hbm>>
      %dma_wait3A_66 = arith.constant 8192 : i32
      %dma_wait3A_67 = tpu.memref_slice %arg6[%dma_wait3A_66] : memref<32768xi32, #tpu.memory_space<vmem>> -> memref<4096xi32, #tpu.memory_space<vmem>>
      tpu.wait_dma2 semaphore(%run_scoped3A : memref<!tpu.dma_semaphore, #tpu.memory_space<semaphore_mem>>) src(%dma_wait3A_67 : memref<4096xi32, #tpu.memory_space<vmem>>) dst(%dma_wait3A_65 : memref<4096xi32, #tpu.memory_space<hbm>>)
      tpu.yield
    }) : () -> ()
    %mul3A_29 = arith.constant 8 : i32
    %mul3A_30 = arith.muli %add3A, %mul3A_29 : i32
    %add3A_31 = arith.constant 3 : i32
    %add3A_32 = arith.addi %mul3A_30, %add3A_31 : i32
    "tpu.region"() ({
      %run_scoped3A = tpu.sem_alloc : memref<!tpu.dma_semaphore, #tpu.memory_space<semaphore_mem>>
      %dma_start3A_49 = arith.constant 12288 : i32
      %dma_start3A_50 = tpu.memref_slice %arg6[%dma_start3A_49] : memref<32768xi32, #tpu.memory_space<vmem>> -> memref<4096xi32, #tpu.memory_space<vmem>>
      %dma_start3A_51 = arith.constant 0 : i32
      %dma_start3A_52 = tpu.memref_slice %arg3[%add3A_32, %dma_start3A_51] : memref<256x4096xi32, #tpu.memory_space<hbm>> -> memref<1x4096xi32, #tpu.memory_space<hbm>>
      %dma_start3A_53 = tpu.memref_squeeze %dma_start3A_52 : memref<1x4096xi32, #tpu.memory_space<hbm>> -> memref<4096xi32, #tpu.memory_space<hbm>>
      %dma_start3A_54 = arith.constant 0 : i32
      %dma_start3A_55 = tpu.memref_slice %arg3[%add3A_32, %dma_start3A_54] : memref<256x4096xi32, #tpu.memory_space<hbm>> -> memref<1x4096xi32, #tpu.memory_space<hbm>>
      %dma_start3A_56 = tpu.memref_squeeze %dma_start3A_55 : memref<1x4096xi32, #tpu.memory_space<hbm>> -> memref<4096xi32, #tpu.memory_space<hbm>>
      %dma_start3A_57 = arith.constant 12288 : i32
      %dma_start3A_58 = tpu.memref_slice %arg6[%dma_start3A_57] : memref<32768xi32, #tpu.memory_space<vmem>> -> memref<4096xi32, #tpu.memory_space<vmem>>
      tpu.enqueue_dma source(%dma_start3A_58 : memref<4096xi32, #tpu.memory_space<vmem>>) target(%dma_start3A_56 : memref<4096xi32, #tpu.memory_space<hbm>>) target_semaphore(%run_scoped3A : memref<!tpu.dma_semaphore, #tpu.memory_space<semaphore_mem>>)
      %dma_wait3A = arith.constant 12288 : i32
      %dma_wait3A_59 = tpu.memref_slice %arg6[%dma_wait3A] : memref<32768xi32, #tpu.memory_space<vmem>> -> memref<4096xi32, #tpu.memory_space<vmem>>
      %dma_wait3A_60 = arith.constant 0 : i32
      %dma_wait3A_61 = tpu.memref_slice %arg3[%add3A_32, %dma_wait3A_60] : memref<256x4096xi32, #tpu.memory_space<hbm>> -> memref<1x4096xi32, #tpu.memory_space<hbm>>
      %dma_wait3A_62 = tpu.memref_squeeze %dma_wait3A_61 : memref<1x4096xi32, #tpu.memory_space<hbm>> -> memref<4096xi32, #tpu.memory_space<hbm>>
      %dma_wait3A_63 = arith.constant 0 : i32
      %dma_wait3A_64 = tpu.memref_slice %arg3[%add3A_32, %dma_wait3A_63] : memref<256x4096xi32, #tpu.memory_space<hbm>> -> memref<1x4096xi32, #tpu.memory_space<hbm>>
      %dma_wait3A_65 = tpu.memref_squeeze %dma_wait3A_64 : memref<1x4096xi32, #tpu.memory_space<hbm>> -> memref<4096xi32, #tpu.memory_space<hbm>>
      %dma_wait3A_66 = arith.constant 12288 : i32
      %dma_wait3A_67 = tpu.memref_slice %arg6[%dma_wait3A_66] : memref<32768xi32, #tpu.memory_space<vmem>> -> memref<4096xi32, #tpu.memory_space<vmem>>
      tpu.wait_dma2 semaphore(%run_scoped3A : memref<!tpu.dma_semaphore, #tpu.memory_space<semaphore_mem>>) src(%dma_wait3A_67 : memref<4096xi32, #tpu.memory_space<vmem>>) dst(%dma_wait3A_65 : memref<4096xi32, #tpu.memory_space<hbm>>)
      tpu.yield
    }) : () -> ()
    %mul3A_33 = arith.constant 8 : i32
    %mul3A_34 = arith.muli %add3A, %mul3A_33 : i32
    %add3A_35 = arith.constant 4 : i32
    %add3A_36 = arith.addi %mul3A_34, %add3A_35 : i32
    "tpu.region"() ({
      %run_scoped3A = tpu.sem_alloc : memref<!tpu.dma_semaphore, #tpu.memory_space<semaphore_mem>>
      %dma_start3A_49 = arith.constant 16384 : i32
      %dma_start3A_50 = tpu.memref_slice %arg6[%dma_start3A_49] : memref<32768xi32, #tpu.memory_space<vmem>> -> memref<4096xi32, #tpu.memory_space<vmem>>
      %dma_start3A_51 = arith.constant 0 : i32
      %dma_start3A_52 = tpu.memref_slice %arg3[%add3A_36, %dma_start3A_51] : memref<256x4096xi32, #tpu.memory_space<hbm>> -> memref<1x4096xi32, #tpu.memory_space<hbm>>
      %dma_start3A_53 = tpu.memref_squeeze %dma_start3A_52 : memref<1x4096xi32, #tpu.memory_space<hbm>> -> memref<4096xi32, #tpu.memory_space<hbm>>
      %dma_start3A_54 = arith.constant 0 : i32
      %dma_start3A_55 = tpu.memref_slice %arg3[%add3A_36, %dma_start3A_54] : memref<256x4096xi32, #tpu.memory_space<hbm>> -> memref<1x4096xi32, #tpu.memory_space<hbm>>
      %dma_start3A_56 = tpu.memref_squeeze %dma_start3A_55 : memref<1x4096xi32, #tpu.memory_space<hbm>> -> memref<4096xi32, #tpu.memory_space<hbm>>
      %dma_start3A_57 = arith.constant 16384 : i32
      %dma_start3A_58 = tpu.memref_slice %arg6[%dma_start3A_57] : memref<32768xi32, #tpu.memory_space<vmem>> -> memref<4096xi32, #tpu.memory_space<vmem>>
      tpu.enqueue_dma source(%dma_start3A_58 : memref<4096xi32, #tpu.memory_space<vmem>>) target(%dma_start3A_56 : memref<4096xi32, #tpu.memory_space<hbm>>) target_semaphore(%run_scoped3A : memref<!tpu.dma_semaphore, #tpu.memory_space<semaphore_mem>>)
      %dma_wait3A = arith.constant 16384 : i32
      %dma_wait3A_59 = tpu.memref_slice %arg6[%dma_wait3A] : memref<32768xi32, #tpu.memory_space<vmem>> -> memref<4096xi32, #tpu.memory_space<vmem>>
      %dma_wait3A_60 = arith.constant 0 : i32
      %dma_wait3A_61 = tpu.memref_slice %arg3[%add3A_36, %dma_wait3A_60] : memref<256x4096xi32, #tpu.memory_space<hbm>> -> memref<1x4096xi32, #tpu.memory_space<hbm>>
      %dma_wait3A_62 = tpu.memref_squeeze %dma_wait3A_61 : memref<1x4096xi32, #tpu.memory_space<hbm>> -> memref<4096xi32, #tpu.memory_space<hbm>>
      %dma_wait3A_63 = arith.constant 0 : i32
      %dma_wait3A_64 = tpu.memref_slice %arg3[%add3A_36, %dma_wait3A_63] : memref<256x4096xi32, #tpu.memory_space<hbm>> -> memref<1x4096xi32, #tpu.memory_space<hbm>>
      %dma_wait3A_65 = tpu.memref_squeeze %dma_wait3A_64 : memref<1x4096xi32, #tpu.memory_space<hbm>> -> memref<4096xi32, #tpu.memory_space<hbm>>
      %dma_wait3A_66 = arith.constant 16384 : i32
      %dma_wait3A_67 = tpu.memref_slice %arg6[%dma_wait3A_66] : memref<32768xi32, #tpu.memory_space<vmem>> -> memref<4096xi32, #tpu.memory_space<vmem>>
      tpu.wait_dma2 semaphore(%run_scoped3A : memref<!tpu.dma_semaphore, #tpu.memory_space<semaphore_mem>>) src(%dma_wait3A_67 : memref<4096xi32, #tpu.memory_space<vmem>>) dst(%dma_wait3A_65 : memref<4096xi32, #tpu.memory_space<hbm>>)
      tpu.yield
    }) : () -> ()
    %mul3A_37 = arith.constant 8 : i32
    %mul3A_38 = arith.muli %add3A, %mul3A_37 : i32
    %add3A_39 = arith.constant 5 : i32
    %add3A_40 = arith.addi %mul3A_38, %add3A_39 : i32
    "tpu.region"() ({
      %run_scoped3A = tpu.sem_alloc : memref<!tpu.dma_semaphore, #tpu.memory_space<semaphore_mem>>
      %dma_start3A_49 = arith.constant 20480 : i32
      %dma_start3A_50 = tpu.memref_slice %arg6[%dma_start3A_49] : memref<32768xi32, #tpu.memory_space<vmem>> -> memref<4096xi32, #tpu.memory_space<vmem>>
      %dma_start3A_51 = arith.constant 0 : i32
      %dma_start3A_52 = tpu.memref_slice %arg3[%add3A_40, %dma_start3A_51] : memref<256x4096xi32, #tpu.memory_space<hbm>> -> memref<1x4096xi32, #tpu.memory_space<hbm>>
      %dma_start3A_53 = tpu.memref_squeeze %dma_start3A_52 : memref<1x4096xi32, #tpu.memory_space<hbm>> -> memref<4096xi32, #tpu.memory_space<hbm>>
      %dma_start3A_54 = arith.constant 0 : i32
      %dma_start3A_55 = tpu.memref_slice %arg3[%add3A_40, %dma_start3A_54] : memref<256x4096xi32, #tpu.memory_space<hbm>> -> memref<1x4096xi32, #tpu.memory_space<hbm>>
      %dma_start3A_56 = tpu.memref_squeeze %dma_start3A_55 : memref<1x4096xi32, #tpu.memory_space<hbm>> -> memref<4096xi32, #tpu.memory_space<hbm>>
      %dma_start3A_57 = arith.constant 20480 : i32
      %dma_start3A_58 = tpu.memref_slice %arg6[%dma_start3A_57] : memref<32768xi32, #tpu.memory_space<vmem>> -> memref<4096xi32, #tpu.memory_space<vmem>>
      tpu.enqueue_dma source(%dma_start3A_58 : memref<4096xi32, #tpu.memory_space<vmem>>) target(%dma_start3A_56 : memref<4096xi32, #tpu.memory_space<hbm>>) target_semaphore(%run_scoped3A : memref<!tpu.dma_semaphore, #tpu.memory_space<semaphore_mem>>)
      %dma_wait3A = arith.constant 20480 : i32
      %dma_wait3A_59 = tpu.memref_slice %arg6[%dma_wait3A] : memref<32768xi32, #tpu.memory_space<vmem>> -> memref<4096xi32, #tpu.memory_space<vmem>>
      %dma_wait3A_60 = arith.constant 0 : i32
      %dma_wait3A_61 = tpu.memref_slice %arg3[%add3A_40, %dma_wait3A_60] : memref<256x4096xi32, #tpu.memory_space<hbm>> -> memref<1x4096xi32, #tpu.memory_space<hbm>>
      %dma_wait3A_62 = tpu.memref_squeeze %dma_wait3A_61 : memref<1x4096xi32, #tpu.memory_space<hbm>> -> memref<4096xi32, #tpu.memory_space<hbm>>
      %dma_wait3A_63 = arith.constant 0 : i32
      %dma_wait3A_64 = tpu.memref_slice %arg3[%add3A_40, %dma_wait3A_63] : memref<256x4096xi32, #tpu.memory_space<hbm>> -> memref<1x4096xi32, #tpu.memory_space<hbm>>
      %dma_wait3A_65 = tpu.memref_squeeze %dma_wait3A_64 : memref<1x4096xi32, #tpu.memory_space<hbm>> -> memref<4096xi32, #tpu.memory_space<hbm>>
      %dma_wait3A_66 = arith.constant 20480 : i32
      %dma_wait3A_67 = tpu.memref_slice %arg6[%dma_wait3A_66] : memref<32768xi32, #tpu.memory_space<vmem>> -> memref<4096xi32, #tpu.memory_space<vmem>>
      tpu.wait_dma2 semaphore(%run_scoped3A : memref<!tpu.dma_semaphore, #tpu.memory_space<semaphore_mem>>) src(%dma_wait3A_67 : memref<4096xi32, #tpu.memory_space<vmem>>) dst(%dma_wait3A_65 : memref<4096xi32, #tpu.memory_space<hbm>>)
      tpu.yield
    }) : () -> ()
    %mul3A_41 = arith.constant 8 : i32
    %mul3A_42 = arith.muli %add3A, %mul3A_41 : i32
    %add3A_43 = arith.constant 6 : i32
    %add3A_44 = arith.addi %mul3A_42, %add3A_43 : i32
    "tpu.region"() ({
      %run_scoped3A = tpu.sem_alloc : memref<!tpu.dma_semaphore, #tpu.memory_space<semaphore_mem>>
      %dma_start3A_49 = arith.constant 24576 : i32
      %dma_start3A_50 = tpu.memref_slice %arg6[%dma_start3A_49] : memref<32768xi32, #tpu.memory_space<vmem>> -> memref<4096xi32, #tpu.memory_space<vmem>>
      %dma_start3A_51 = arith.constant 0 : i32
      %dma_start3A_52 = tpu.memref_slice %arg3[%add3A_44, %dma_start3A_51] : memref<256x4096xi32, #tpu.memory_space<hbm>> -> memref<1x4096xi32, #tpu.memory_space<hbm>>
      %dma_start3A_53 = tpu.memref_squeeze %dma_start3A_52 : memref<1x4096xi32, #tpu.memory_space<hbm>> -> memref<4096xi32, #tpu.memory_space<hbm>>
      %dma_start3A_54 = arith.constant 0 : i32
      %dma_start3A_55 = tpu.memref_slice %arg3[%add3A_44, %dma_start3A_54] : memref<256x4096xi32, #tpu.memory_space<hbm>> -> memref<1x4096xi32, #tpu.memory_space<hbm>>
      %dma_start3A_56 = tpu.memref_squeeze %dma_start3A_55 : memref<1x4096xi32, #tpu.memory_space<hbm>> -> memref<4096xi32, #tpu.memory_space<hbm>>
      %dma_start3A_57 = arith.constant 24576 : i32
      %dma_start3A_58 = tpu.memref_slice %arg6[%dma_start3A_57] : memref<32768xi32, #tpu.memory_space<vmem>> -> memref<4096xi32, #tpu.memory_space<vmem>>
      tpu.enqueue_dma source(%dma_start3A_58 : memref<4096xi32, #tpu.memory_space<vmem>>) target(%dma_start3A_56 : memref<4096xi32, #tpu.memory_space<hbm>>) target_semaphore(%run_scoped3A : memref<!tpu.dma_semaphore, #tpu.memory_space<semaphore_mem>>)
      %dma_wait3A = arith.constant 24576 : i32
      %dma_wait3A_59 = tpu.memref_slice %arg6[%dma_wait3A] : memref<32768xi32, #tpu.memory_space<vmem>> -> memref<4096xi32, #tpu.memory_space<vmem>>
      %dma_wait3A_60 = arith.constant 0 : i32
      %dma_wait3A_61 = tpu.memref_slice %arg3[%add3A_44, %dma_wait3A_60] : memref<256x4096xi32, #tpu.memory_space<hbm>> -> memref<1x4096xi32, #tpu.memory_space<hbm>>
      %dma_wait3A_62 = tpu.memref_squeeze %dma_wait3A_61 : memref<1x4096xi32, #tpu.memory_space<hbm>> -> memref<4096xi32, #tpu.memory_space<hbm>>
      %dma_wait3A_63 = arith.constant 0 : i32
      %dma_wait3A_64 = tpu.memref_slice %arg3[%add3A_44, %dma_wait3A_63] : memref<256x4096xi32, #tpu.memory_space<hbm>> -> memref<1x4096xi32, #tpu.memory_space<hbm>>
      %dma_wait3A_65 = tpu.memref_squeeze %dma_wait3A_64 : memref<1x4096xi32, #tpu.memory_space<hbm>> -> memref<4096xi32, #tpu.memory_space<hbm>>
      %dma_wait3A_66 = arith.constant 24576 : i32
      %dma_wait3A_67 = tpu.memref_slice %arg6[%dma_wait3A_66] : memref<32768xi32, #tpu.memory_space<vmem>> -> memref<4096xi32, #tpu.memory_space<vmem>>
      tpu.wait_dma2 semaphore(%run_scoped3A : memref<!tpu.dma_semaphore, #tpu.memory_space<semaphore_mem>>) src(%dma_wait3A_67 : memref<4096xi32, #tpu.memory_space<vmem>>) dst(%dma_wait3A_65 : memref<4096xi32, #tpu.memory_space<hbm>>)
      tpu.yield
    }) : () -> ()
    %mul3A_45 = arith.constant 8 : i32
    %mul3A_46 = arith.muli %add3A, %mul3A_45 : i32
    %add3A_47 = arith.constant 7 : i32
    %add3A_48 = arith.addi %mul3A_46, %add3A_47 : i32
    "tpu.region"() ({
      %run_scoped3A = tpu.sem_alloc : memref<!tpu.dma_semaphore, #tpu.memory_space<semaphore_mem>>
      %dma_start3A_49 = arith.constant 28672 : i32
      %dma_start3A_50 = tpu.memref_slice %arg6[%dma_start3A_49] : memref<32768xi32, #tpu.memory_space<vmem>> -> memref<4096xi32, #tpu.memory_space<vmem>>
      %dma_start3A_51 = arith.constant 0 : i32
      %dma_start3A_52 = tpu.memref_slice %arg3[%add3A_48, %dma_start3A_51] : memref<256x4096xi32, #tpu.memory_space<hbm>> -> memref<1x4096xi32, #tpu.memory_space<hbm>>
      %dma_start3A_53 = tpu.memref_squeeze %dma_start3A_52 : memref<1x4096xi32, #tpu.memory_space<hbm>> -> memref<4096xi32, #tpu.memory_space<hbm>>
      %dma_start3A_54 = arith.constant 0 : i32
      %dma_start3A_55 = tpu.memref_slice %arg3[%add3A_48, %dma_start3A_54] : memref<256x4096xi32, #tpu.memory_space<hbm>> -> memref<1x4096xi32, #tpu.memory_space<hbm>>
      %dma_start3A_56 = tpu.memref_squeeze %dma_start3A_55 : memref<1x4096xi32, #tpu.memory_space<hbm>> -> memref<4096xi32, #tpu.memory_space<hbm>>
      %dma_start3A_57 = arith.constant 28672 : i32
      %dma_start3A_58 = tpu.memref_slice %arg6[%dma_start3A_57] : memref<32768xi32, #tpu.memory_space<vmem>> -> memref<4096xi32, #tpu.memory_space<vmem>>
      tpu.enqueue_dma source(%dma_start3A_58 : memref<4096xi32, #tpu.memory_space<vmem>>) target(%dma_start3A_56 : memref<4096xi32, #tpu.memory_space<hbm>>) target_semaphore(%run_scoped3A : memref<!tpu.dma_semaphore, #tpu.memory_space<semaphore_mem>>)
      %dma_wait3A = arith.constant 28672 : i32
      %dma_wait3A_59 = tpu.memref_slice %arg6[%dma_wait3A] : memref<32768xi32, #tpu.memory_space<vmem>> -> memref<4096xi32, #tpu.memory_space<vmem>>
      %dma_wait3A_60 = arith.constant 0 : i32
      %dma_wait3A_61 = tpu.memref_slice %arg3[%add3A_48, %dma_wait3A_60] : memref<256x4096xi32, #tpu.memory_space<hbm>> -> memref<1x4096xi32, #tpu.memory_space<hbm>>
      %dma_wait3A_62 = tpu.memref_squeeze %dma_wait3A_61 : memref<1x4096xi32, #tpu.memory_space<hbm>> -> memref<4096xi32, #tpu.memory_space<hbm>>
      %dma_wait3A_63 = arith.constant 0 : i32
      %dma_wait3A_64 = tpu.memref_slice %arg3[%add3A_48, %dma_wait3A_63] : memref<256x4096xi32, #tpu.memory_space<hbm>> -> memref<1x4096xi32, #tpu.memory_space<hbm>>
      %dma_wait3A_65 = tpu.memref_squeeze %dma_wait3A_64 : memref<1x4096xi32, #tpu.memory_space<hbm>> -> memref<4096xi32, #tpu.memory_space<hbm>>
      %dma_wait3A_66 = arith.constant 28672 : i32
      %dma_wait3A_67 = tpu.memref_slice %arg6[%dma_wait3A_66] : memref<32768xi32, #tpu.memory_space<vmem>> -> memref<4096xi32, #tpu.memory_space<vmem>>
      tpu.wait_dma2 semaphore(%run_scoped3A : memref<!tpu.dma_semaphore, #tpu.memory_space<semaphore_mem>>) src(%dma_wait3A_67 : memref<4096xi32, #tpu.memory_space<vmem>>) dst(%dma_wait3A_65 : memref<4096xi32, #tpu.memory_space<hbm>>)
      tpu.yield
    }) : () -> ()
    return
  }
}

#map = affine_map<(d0, d1) -> (0, 0)>
module attributes {stable_mosaic.version = 14 : i64} {
  func.func @body(%arg0: i32, %arg1: i32, %arg2: memref<4096x4096xf32, #tpu.memory_space<hbm>>, %arg3: memref<8x128xi32, #tpu.memory_space<hbm>>, %arg4: memref<256x4096xi32, #tpu.memory_space<hbm>>, %arg5: memref<8x4096xf32, #tpu.memory_space<vmem>>, %arg6: memref<8x4096xf32, #tpu.memory_space<vmem>>, %arg7: memref<32768xi32, #tpu.memory_space<vmem>>, %arg8: memref<16xi32, #tpu.memory_space<vmem>>, %arg9: memref<!tpu.dma_semaphore, #tpu.memory_space<semaphore_mem>>, %arg10: memref<!tpu.dma_semaphore, #tpu.memory_space<semaphore_mem>>) attributes {dimension_semantics = [#tpu.dimension_semantics<core_parallel>, #tpu.dimension_semantics<subcore_parallel>], iteration_bounds = array<i64: 2, 16>, scalar_prefetch = 0 : i64, scratch_operands = 6 : i64, tpu.core_type = #tpu.core_type<sc_vector_subcore>, window_params = [{transform_indices = #map}, {transform_indices = #map}, {transform_indices = #map}]} {
    %mul3A = arith.constant 2 : i32
    %mul3A_0 = arith.muli %arg1, %mul3A : i32
    %add3A = arith.addi %mul3A_0, %arg0 : i32
    %mul3A_1 = arith.constant 128 : i32
    %mul3A_2 = arith.muli %add3A, %mul3A_1 : i32
    %iota3A = tpu.iota {dimensions = array<i32: 0>} : vector<16xi32>
    %broadcast_in_dim3A = arith.constant 1 : i32
    %broadcast_in_dim3A_3 = vector.broadcast %broadcast_in_dim3A : i32 to vector<16xi32>
    %parallel_loop3A = arith.constant 0 : i32
    %parallel_loop3A_4 = arith.constant 2048 : i32
    %parallel_loop3A_5 = arith.constant 1 : i32
    scf.for %parallel_loop3A_52 = %parallel_loop3A to %parallel_loop3A_4 step %parallel_loop3A_5  : i32 {
      %parallel_loop3A_53 = arith.constant 0 : i32
      %parallel_loop3A_54 = vector.broadcast %parallel_loop3A_53 : i32 to vector<16xi32>
      %parallel_loop3A_55 = arith.constant 16 : i32
      %parallel_loop3A_56 = arith.muli %parallel_loop3A_52, %parallel_loop3A_55 : i32
      %parallel_loop3A_57 = arith.index_cast %parallel_loop3A_56 : i32 to index
      %parallel_loop3A_58 = tpu.vector_load %arg7[%parallel_loop3A_57] {strides = array<i32>} : memref<32768xi32, #tpu.memory_space<vmem>>, vector<16xi32>,
      tpu.vector_store %arg7[%parallel_loop3A_57], %parallel_loop3A_54 {strides = array<i32>} : memref<32768xi32, #tpu.memory_space<vmem>>, vector<16xi32>,
    } {sc.loop_unroll_factor = 8 : i64, sc.parallel_access}
    %run_scoped3A = arith.constant 0 : i32
    "tpu.region"() ({
      %run_scoped3A_52 = tpu.sem_alloc : memref<!tpu.dma_semaphore, #tpu.memory_space<semaphore_mem>>
      %dma_start3A_53 = arith.constant 0 : i32
      %dma_start3A_54 = tpu.memref_slice %arg3[%run_scoped3A, %dma_start3A_53] : memref<8x128xi32, #tpu.memory_space<hbm>> -> memref<1x16xi32, #tpu.memory_space<hbm>>
      %dma_start3A_55 = tpu.memref_squeeze %dma_start3A_54 : memref<1x16xi32, #tpu.memory_space<hbm>> -> memref<16xi32, #tpu.memory_space<hbm>>
      %dma_start3A_56 = arith.constant 0 : i32
      %dma_start3A_57 = tpu.memref_slice %arg3[%run_scoped3A, %dma_start3A_56] : memref<8x128xi32, #tpu.memory_space<hbm>> -> memref<1x16xi32, #tpu.memory_space<hbm>>
      %dma_start3A_58 = tpu.memref_squeeze %dma_start3A_57 : memref<1x16xi32, #tpu.memory_space<hbm>> -> memref<16xi32, #tpu.memory_space<hbm>>
      tpu.enqueue_dma source(%dma_start3A_58 : memref<16xi32, #tpu.memory_space<hbm>>) target(%arg8 : memref<16xi32, #tpu.memory_space<vmem>>) target_semaphore(%run_scoped3A_52 : memref<!tpu.dma_semaphore, #tpu.memory_space<semaphore_mem>>)
      %dma_wait3A = arith.constant 0 : i32
      %dma_wait3A_59 = tpu.memref_slice %arg3[%run_scoped3A, %dma_wait3A] : memref<8x128xi32, #tpu.memory_space<hbm>> -> memref<1x16xi32, #tpu.memory_space<hbm>>
      %dma_wait3A_60 = tpu.memref_squeeze %dma_wait3A_59 : memref<1x16xi32, #tpu.memory_space<hbm>> -> memref<16xi32, #tpu.memory_space<hbm>>
      %dma_wait3A_61 = arith.constant 0 : i32
      %dma_wait3A_62 = tpu.memref_slice %arg3[%run_scoped3A, %dma_wait3A_61] : memref<8x128xi32, #tpu.memory_space<hbm>> -> memref<1x16xi32, #tpu.memory_space<hbm>>
      %dma_wait3A_63 = tpu.memref_squeeze %dma_wait3A_62 : memref<1x16xi32, #tpu.memory_space<hbm>> -> memref<16xi32, #tpu.memory_space<hbm>>
      tpu.wait_dma2 semaphore(%run_scoped3A_52 : memref<!tpu.dma_semaphore, #tpu.memory_space<semaphore_mem>>) src(%dma_wait3A_63 : memref<16xi32, #tpu.memory_space<hbm>>) dst(%arg8 : memref<16xi32, #tpu.memory_space<vmem>>)
      tpu.yield
    }) : () -> ()
    %get3A = arith.constant 0 : index
    %get3A_6 = tpu.vector_load %arg8[%get3A] {strides = array<i32>} : memref<16xi32, #tpu.memory_space<vmem>>, vector<16xi32>,
    %shift_left3A = arith.constant 20 : i32
    %shift_left3A_7 = vector.broadcast %shift_left3A : i32 to vector<16xi32>
    %shift_left3A_8 = arith.shli %get3A_6, %shift_left3A_7 : vector<16xi32>
    %add3A_9 = arith.constant 0 : i32
    %add3A_10 = arith.addi %mul3A_2, %add3A_9 : i32
    %dma_start3A = arith.constant 0 : i32
    %dma_start3A_11 = tpu.memref_slice %arg2[%add3A_10, %dma_start3A] : memref<4096x4096xf32, #tpu.memory_space<hbm>> -> memref<8x4096xf32, #tpu.memory_space<hbm>>
    %dma_start3A_12 = arith.constant 0 : i32
    %dma_start3A_13 = tpu.memref_slice %arg2[%add3A_10, %dma_start3A_12] : memref<4096x4096xf32, #tpu.memory_space<hbm>> -> memref<8x4096xf32, #tpu.memory_space<hbm>>
    tpu.enqueue_dma source(%dma_start3A_13 : memref<8x4096xf32, #tpu.memory_space<hbm>>) target(%arg5 : memref<8x4096xf32, #tpu.memory_space<vmem>>) target_semaphore(%arg9 : memref<!tpu.dma_semaphore, #tpu.memory_space<semaphore_mem>>)
    %scan3A = arith.constant 0 : i32
    %scan3A_14 = arith.constant 0 : i32
    %scan3A_15 = arith.constant 8 : i32
    %scan3A_16 = arith.addi %scan3A_14, %scan3A_15 : i32
    %scan3A_17 = arith.constant 1 : i32
    %scan3A_18 = scf.for %scan3A_52 = %scan3A_14 to %scan3A_16 step %scan3A_17 iter_args(%scan3A_53 = %scan3A) -> (i32)  : i32 {
      %mul3A_54 = arith.constant 2 : i32
      %mul3A_55 = arith.muli %mul3A_54, %scan3A_52 : i32
      %add3A_56 = arith.constant 1 : i32
      %add3A_57 = arith.addi %mul3A_55, %add3A_56 : i32
      %mul3A_58 = arith.constant 8 : i32
      %mul3A_59 = arith.muli %add3A_57, %mul3A_58 : i32
      %add3A_60 = arith.addi %mul3A_2, %mul3A_59 : i32
      %dma_start3A_61 = arith.constant 0 : i32
      %dma_start3A_62 = tpu.memref_slice %arg2[%add3A_60, %dma_start3A_61] : memref<4096x4096xf32, #tpu.memory_space<hbm>> -> memref<8x4096xf32, #tpu.memory_space<hbm>>
      %dma_start3A_63 = arith.constant 0 : i32
      %dma_start3A_64 = tpu.memref_slice %arg2[%add3A_60, %dma_start3A_63] : memref<4096x4096xf32, #tpu.memory_space<hbm>> -> memref<8x4096xf32, #tpu.memory_space<hbm>>
      tpu.enqueue_dma source(%dma_start3A_64 : memref<8x4096xf32, #tpu.memory_space<hbm>>) target(%arg6 : memref<8x4096xf32, #tpu.memory_space<vmem>>) target_semaphore(%arg10 : memref<!tpu.dma_semaphore, #tpu.memory_space<semaphore_mem>>)
      %mul3A_65 = arith.constant 8 : i32
      %mul3A_66 = arith.muli %mul3A_55, %mul3A_65 : i32
      %add3A_67 = arith.addi %mul3A_2, %mul3A_66 : i32
      %dma_wait3A = arith.constant 0 : i32
      %dma_wait3A_68 = tpu.memref_slice %arg2[%add3A_67, %dma_wait3A] : memref<4096x4096xf32, #tpu.memory_space<hbm>> -> memref<8x4096xf32, #tpu.memory_space<hbm>>
      %dma_wait3A_69 = arith.constant 0 : i32
      %dma_wait3A_70 = tpu.memref_slice %arg2[%add3A_67, %dma_wait3A_69] : memref<4096x4096xf32, #tpu.memory_space<hbm>> -> memref<8x4096xf32, #tpu.memory_space<hbm>>
      tpu.wait_dma2 semaphore(%arg9 : memref<!tpu.dma_semaphore, #tpu.memory_space<semaphore_mem>>) src(%dma_wait3A_70 : memref<8x4096xf32, #tpu.memory_space<hbm>>) dst(%arg5 : memref<8x4096xf32, #tpu.memory_space<vmem>>)
      %parallel_loop3A_71 = arith.constant 0 : i32
      %parallel_loop3A_72 = arith.constant 256 : i32
      %parallel_loop3A_73 = arith.constant 1 : i32
      scf.for %parallel_loop3A_89 = %parallel_loop3A_71 to %parallel_loop3A_72 step %parallel_loop3A_73  : i32 {
        %parallel_loop3A_90 = arith.constant 16 : i32
        %parallel_loop3A_91 = arith.muli %parallel_loop3A_89, %parallel_loop3A_90 : i32
        %parallel_loop3A_92 = arith.constant 0 : i32
        %parallel_loop3A_93 = arith.index_cast %parallel_loop3A_92 : i32 to index
        %parallel_loop3A_94 = arith.index_cast %parallel_loop3A_91 : i32 to index
        %parallel_loop3A_95 = tpu.vector_load %arg5[%parallel_loop3A_93, %parallel_loop3A_94] {strides = array<i32>} : memref<8x4096xf32, #tpu.memory_space<vmem>>, vector<16xf32>,
        %parallel_loop3A_96 = tpu.bitcast %parallel_loop3A_95 : vector<16xf32> -> vector<16xi32>
        %parallel_loop3A_97 = arith.constant 9 : i32
        %parallel_loop3A_98 = vector.broadcast %parallel_loop3A_97 : i32 to vector<16xi32>
        %parallel_loop3A_99 = arith.shrui %parallel_loop3A_96, %parallel_loop3A_98 : vector<16xi32>
        %parallel_loop3A_100 = arith.constant 2047 : i32
        %parallel_loop3A_101 = vector.broadcast %parallel_loop3A_100 : i32 to vector<16xi32>
        %parallel_loop3A_102 = arith.andi %parallel_loop3A_99, %parallel_loop3A_101 : vector<16xi32>
        %parallel_loop3A_103 = arith.constant 20 : i32
        %parallel_loop3A_104 = vector.broadcast %parallel_loop3A_103 : i32 to vector<16xi32>
        %parallel_loop3A_105 = arith.shrui %parallel_loop3A_96, %parallel_loop3A_104 : vector<16xi32>
        %parallel_loop3A_106 = arith.cmpi eq, %parallel_loop3A_105, %get3A_6 : vector<16xi32>
        %parallel_loop3A_107 = arith.constant 4 : i32
        %parallel_loop3A_108 = vector.broadcast %parallel_loop3A_107 : i32 to vector<16xi32>
        %parallel_loop3A_109 = arith.shli %parallel_loop3A_102, %parallel_loop3A_108 : vector<16xi32>
        %parallel_loop3A_110 = arith.ori %parallel_loop3A_109, %iota3A : vector<16xi32>
        tpu.vector_store_idx %arg7[%parallel_loop3A_110], %broadcast_in_dim3A_3 masked %parallel_loop3A_106 {add = true} : memref<32768xi32, #tpu.memory_space<vmem>>[vector<16xi32>], vector<16xi32>, vector<16xi1>
        %parallel_loop3A_111 = arith.constant 16 : i32
        %parallel_loop3A_112 = arith.muli %parallel_loop3A_89, %parallel_loop3A_111 : i32
        %parallel_loop3A_113 = arith.constant 1 : i32
        %parallel_loop3A_114 = arith.index_cast %parallel_loop3A_113 : i32 to index
        %parallel_loop3A_115 = arith.index_cast %parallel_loop3A_112 : i32 to index
        %parallel_loop3A_116 = tpu.vector_load %arg5[%parallel_loop3A_114, %parallel_loop3A_115] {strides = array<i32>} : memref<8x4096xf32, #tpu.memory_space<vmem>>, vector<16xf32>,
        %parallel_loop3A_117 = tpu.bitcast %parallel_loop3A_116 : vector<16xf32> -> vector<16xi32>
        %parallel_loop3A_118 = arith.constant 9 : i32
        %parallel_loop3A_119 = vector.broadcast %parallel_loop3A_118 : i32 to vector<16xi32>
        %parallel_loop3A_120 = arith.shrui %parallel_loop3A_117, %parallel_loop3A_119 : vector<16xi32>
        %parallel_loop3A_121 = arith.constant 2047 : i32
        %parallel_loop3A_122 = vector.broadcast %parallel_loop3A_121 : i32 to vector<16xi32>
        %parallel_loop3A_123 = arith.andi %parallel_loop3A_120, %parallel_loop3A_122 : vector<16xi32>
        %parallel_loop3A_124 = arith.constant 20 : i32
        %parallel_loop3A_125 = vector.broadcast %parallel_loop3A_124 : i32 to vector<16xi32>
        %parallel_loop3A_126 = arith.shrui %parallel_loop3A_117, %parallel_loop3A_125 : vector<16xi32>
        %parallel_loop3A_127 = arith.cmpi eq, %parallel_loop3A_126, %get3A_6 : vector<16xi32>
        %parallel_loop3A_128 = arith.constant 4 : i32
        %parallel_loop3A_129 = vector.broadcast %parallel_loop3A_128 : i32 to vector<16xi32>
        %parallel_loop3A_130 = arith.shli %parallel_loop3A_123, %parallel_loop3A_129 : vector<16xi32>
        %parallel_loop3A_131 = arith.ori %parallel_loop3A_130, %iota3A : vector<16xi32>
        tpu.vector_store_idx %arg7[%parallel_loop3A_131], %broadcast_in_dim3A_3 masked %parallel_loop3A_127 {add = true} : memref<32768xi32, #tpu.memory_space<vmem>>[vector<16xi32>], vector<16xi32>, vector<16xi1>
        %parallel_loop3A_132 = arith.constant 16 : i32
        %parallel_loop3A_133 = arith.muli %parallel_loop3A_89, %parallel_loop3A_132 : i32
        %parallel_loop3A_134 = arith.constant 2 : i32
        %parallel_loop3A_135 = arith.index_cast %parallel_loop3A_134 : i32 to index
        %parallel_loop3A_136 = arith.index_cast %parallel_loop3A_133 : i32 to index
        %parallel_loop3A_137 = tpu.vector_load %arg5[%parallel_loop3A_135, %parallel_loop3A_136] {strides = array<i32>} : memref<8x4096xf32, #tpu.memory_space<vmem>>, vector<16xf32>,
        %parallel_loop3A_138 = tpu.bitcast %parallel_loop3A_137 : vector<16xf32> -> vector<16xi32>
        %parallel_loop3A_139 = arith.constant 9 : i32
        %parallel_loop3A_140 = vector.broadcast %parallel_loop3A_139 : i32 to vector<16xi32>
        %parallel_loop3A_141 = arith.shrui %parallel_loop3A_138, %parallel_loop3A_140 : vector<16xi32>
        %parallel_loop3A_142 = arith.constant 2047 : i32
        %parallel_loop3A_143 = vector.broadcast %parallel_loop3A_142 : i32 to vector<16xi32>
        %parallel_loop3A_144 = arith.andi %parallel_loop3A_141, %parallel_loop3A_143 : vector<16xi32>
        %parallel_loop3A_145 = arith.constant 20 : i32
        %parallel_loop3A_146 = vector.broadcast %parallel_loop3A_145 : i32 to vector<16xi32>
        %parallel_loop3A_147 = arith.shrui %parallel_loop3A_138, %parallel_loop3A_146 : vector<16xi32>
        %parallel_loop3A_148 = arith.cmpi eq, %parallel_loop3A_147, %get3A_6 : vector<16xi32>
        %parallel_loop3A_149 = arith.constant 4 : i32
        %parallel_loop3A_150 = vector.broadcast %parallel_loop3A_149 : i32 to vector<16xi32>
        %parallel_loop3A_151 = arith.shli %parallel_loop3A_144, %parallel_loop3A_150 : vector<16xi32>
        %parallel_loop3A_152 = arith.ori %parallel_loop3A_151, %iota3A : vector<16xi32>
        tpu.vector_store_idx %arg7[%parallel_loop3A_152], %broadcast_in_dim3A_3 masked %parallel_loop3A_148 {add = true} : memref<32768xi32, #tpu.memory_space<vmem>>[vector<16xi32>], vector<16xi32>, vector<16xi1>
        %parallel_loop3A_153 = arith.constant 16 : i32
        %parallel_loop3A_154 = arith.muli %parallel_loop3A_89, %parallel_loop3A_153 : i32
        %parallel_loop3A_155 = arith.constant 3 : i32
        %parallel_loop3A_156 = arith.index_cast %parallel_loop3A_155 : i32 to index
        %parallel_loop3A_157 = arith.index_cast %parallel_loop3A_154 : i32 to index
        %parallel_loop3A_158 = tpu.vector_load %arg5[%parallel_loop3A_156, %parallel_loop3A_157] {strides = array<i32>} : memref<8x4096xf32, #tpu.memory_space<vmem>>, vector<16xf32>,
        %parallel_loop3A_159 = tpu.bitcast %parallel_loop3A_158 : vector<16xf32> -> vector<16xi32>
        %parallel_loop3A_160 = arith.constant 9 : i32
        %parallel_loop3A_161 = vector.broadcast %parallel_loop3A_160 : i32 to vector<16xi32>
        %parallel_loop3A_162 = arith.shrui %parallel_loop3A_159, %parallel_loop3A_161 : vector<16xi32>
        %parallel_loop3A_163 = arith.constant 2047 : i32
        %parallel_loop3A_164 = vector.broadcast %parallel_loop3A_163 : i32 to vector<16xi32>
        %parallel_loop3A_165 = arith.andi %parallel_loop3A_162, %parallel_loop3A_164 : vector<16xi32>
        %parallel_loop3A_166 = arith.constant 20 : i32
        %parallel_loop3A_167 = vector.broadcast %parallel_loop3A_166 : i32 to vector<16xi32>
        %parallel_loop3A_168 = arith.shrui %parallel_loop3A_159, %parallel_loop3A_167 : vector<16xi32>
        %parallel_loop3A_169 = arith.cmpi eq, %parallel_loop3A_168, %get3A_6 : vector<16xi32>
        %parallel_loop3A_170 = arith.constant 4 : i32
        %parallel_loop3A_171 = vector.broadcast %parallel_loop3A_170 : i32 to vector<16xi32>
        %parallel_loop3A_172 = arith.shli %parallel_loop3A_165, %parallel_loop3A_171 : vector<16xi32>
        %parallel_loop3A_173 = arith.ori %parallel_loop3A_172, %iota3A : vector<16xi32>
        tpu.vector_store_idx %arg7[%parallel_loop3A_173], %broadcast_in_dim3A_3 masked %parallel_loop3A_169 {add = true} : memref<32768xi32, #tpu.memory_space<vmem>>[vector<16xi32>], vector<16xi32>, vector<16xi1>
        %parallel_loop3A_174 = arith.constant 16 : i32
        %parallel_loop3A_175 = arith.muli %parallel_loop3A_89, %parallel_loop3A_174 : i32
        %parallel_loop3A_176 = arith.constant 4 : i32
        %parallel_loop3A_177 = arith.index_cast %parallel_loop3A_176 : i32 to index
        %parallel_loop3A_178 = arith.index_cast %parallel_loop3A_175 : i32 to index
        %parallel_loop3A_179 = tpu.vector_load %arg5[%parallel_loop3A_177, %parallel_loop3A_178] {strides = array<i32>} : memref<8x4096xf32, #tpu.memory_space<vmem>>, vector<16xf32>,
        %parallel_loop3A_180 = tpu.bitcast %parallel_loop3A_179 : vector<16xf32> -> vector<16xi32>
        %parallel_loop3A_181 = arith.constant 9 : i32
        %parallel_loop3A_182 = vector.broadcast %parallel_loop3A_181 : i32 to vector<16xi32>
        %parallel_loop3A_183 = arith.shrui %parallel_loop3A_180, %parallel_loop3A_182 : vector<16xi32>
        %parallel_loop3A_184 = arith.constant 2047 : i32
        %parallel_loop3A_185 = vector.broadcast %parallel_loop3A_184 : i32 to vector<16xi32>
        %parallel_loop3A_186 = arith.andi %parallel_loop3A_183, %parallel_loop3A_185 : vector<16xi32>
        %parallel_loop3A_187 = arith.constant 20 : i32
        %parallel_loop3A_188 = vector.broadcast %parallel_loop3A_187 : i32 to vector<16xi32>
        %parallel_loop3A_189 = arith.shrui %parallel_loop3A_180, %parallel_loop3A_188 : vector<16xi32>
        %parallel_loop3A_190 = arith.cmpi eq, %parallel_loop3A_189, %get3A_6 : vector<16xi32>
        %parallel_loop3A_191 = arith.constant 4 : i32
        %parallel_loop3A_192 = vector.broadcast %parallel_loop3A_191 : i32 to vector<16xi32>
        %parallel_loop3A_193 = arith.shli %parallel_loop3A_186, %parallel_loop3A_192 : vector<16xi32>
        %parallel_loop3A_194 = arith.ori %parallel_loop3A_193, %iota3A : vector<16xi32>
        tpu.vector_store_idx %arg7[%parallel_loop3A_194], %broadcast_in_dim3A_3 masked %parallel_loop3A_190 {add = true} : memref<32768xi32, #tpu.memory_space<vmem>>[vector<16xi32>], vector<16xi32>, vector<16xi1>
        %parallel_loop3A_195 = arith.constant 16 : i32
        %parallel_loop3A_196 = arith.muli %parallel_loop3A_89, %parallel_loop3A_195 : i32
        %parallel_loop3A_197 = arith.constant 5 : i32
        %parallel_loop3A_198 = arith.index_cast %parallel_loop3A_197 : i32 to index
        %parallel_loop3A_199 = arith.index_cast %parallel_loop3A_196 : i32 to index
        %parallel_loop3A_200 = tpu.vector_load %arg5[%parallel_loop3A_198, %parallel_loop3A_199] {strides = array<i32>} : memref<8x4096xf32, #tpu.memory_space<vmem>>, vector<16xf32>,
        %parallel_loop3A_201 = tpu.bitcast %parallel_loop3A_200 : vector<16xf32> -> vector<16xi32>
        %parallel_loop3A_202 = arith.constant 9 : i32
        %parallel_loop3A_203 = vector.broadcast %parallel_loop3A_202 : i32 to vector<16xi32>
        %parallel_loop3A_204 = arith.shrui %parallel_loop3A_201, %parallel_loop3A_203 : vector<16xi32>
        %parallel_loop3A_205 = arith.constant 2047 : i32
        %parallel_loop3A_206 = vector.broadcast %parallel_loop3A_205 : i32 to vector<16xi32>
        %parallel_loop3A_207 = arith.andi %parallel_loop3A_204, %parallel_loop3A_206 : vector<16xi32>
        %parallel_loop3A_208 = arith.constant 20 : i32
        %parallel_loop3A_209 = vector.broadcast %parallel_loop3A_208 : i32 to vector<16xi32>
        %parallel_loop3A_210 = arith.shrui %parallel_loop3A_201, %parallel_loop3A_209 : vector<16xi32>
        %parallel_loop3A_211 = arith.cmpi eq, %parallel_loop3A_210, %get3A_6 : vector<16xi32>
        %parallel_loop3A_212 = arith.constant 4 : i32
        %parallel_loop3A_213 = vector.broadcast %parallel_loop3A_212 : i32 to vector<16xi32>
        %parallel_loop3A_214 = arith.shli %parallel_loop3A_207, %parallel_loop3A_213 : vector<16xi32>
        %parallel_loop3A_215 = arith.ori %parallel_loop3A_214, %iota3A : vector<16xi32>
        tpu.vector_store_idx %arg7[%parallel_loop3A_215], %broadcast_in_dim3A_3 masked %parallel_loop3A_211 {add = true} : memref<32768xi32, #tpu.memory_space<vmem>>[vector<16xi32>], vector<16xi32>, vector<16xi1>
        %parallel_loop3A_216 = arith.constant 16 : i32
        %parallel_loop3A_217 = arith.muli %parallel_loop3A_89, %parallel_loop3A_216 : i32
        %parallel_loop3A_218 = arith.constant 6 : i32
        %parallel_loop3A_219 = arith.index_cast %parallel_loop3A_218 : i32 to index
        %parallel_loop3A_220 = arith.index_cast %parallel_loop3A_217 : i32 to index
        %parallel_loop3A_221 = tpu.vector_load %arg5[%parallel_loop3A_219, %parallel_loop3A_220] {strides = array<i32>} : memref<8x4096xf32, #tpu.memory_space<vmem>>, vector<16xf32>,
        %parallel_loop3A_222 = tpu.bitcast %parallel_loop3A_221 : vector<16xf32> -> vector<16xi32>
        %parallel_loop3A_223 = arith.constant 9 : i32
        %parallel_loop3A_224 = vector.broadcast %parallel_loop3A_223 : i32 to vector<16xi32>
        %parallel_loop3A_225 = arith.shrui %parallel_loop3A_222, %parallel_loop3A_224 : vector<16xi32>
        %parallel_loop3A_226 = arith.constant 2047 : i32
        %parallel_loop3A_227 = vector.broadcast %parallel_loop3A_226 : i32 to vector<16xi32>
        %parallel_loop3A_228 = arith.andi %parallel_loop3A_225, %parallel_loop3A_227 : vector<16xi32>
        %parallel_loop3A_229 = arith.constant 20 : i32
        %parallel_loop3A_230 = vector.broadcast %parallel_loop3A_229 : i32 to vector<16xi32>
        %parallel_loop3A_231 = arith.shrui %parallel_loop3A_222, %parallel_loop3A_230 : vector<16xi32>
        %parallel_loop3A_232 = arith.cmpi eq, %parallel_loop3A_231, %get3A_6 : vector<16xi32>
        %parallel_loop3A_233 = arith.constant 4 : i32
        %parallel_loop3A_234 = vector.broadcast %parallel_loop3A_233 : i32 to vector<16xi32>
        %parallel_loop3A_235 = arith.shli %parallel_loop3A_228, %parallel_loop3A_234 : vector<16xi32>
        %parallel_loop3A_236 = arith.ori %parallel_loop3A_235, %iota3A : vector<16xi32>
        tpu.vector_store_idx %arg7[%parallel_loop3A_236], %broadcast_in_dim3A_3 masked %parallel_loop3A_232 {add = true} : memref<32768xi32, #tpu.memory_space<vmem>>[vector<16xi32>], vector<16xi32>, vector<16xi1>
        %parallel_loop3A_237 = arith.constant 16 : i32
        %parallel_loop3A_238 = arith.muli %parallel_loop3A_89, %parallel_loop3A_237 : i32
        %parallel_loop3A_239 = arith.constant 7 : i32
        %parallel_loop3A_240 = arith.index_cast %parallel_loop3A_239 : i32 to index
        %parallel_loop3A_241 = arith.index_cast %parallel_loop3A_238 : i32 to index
        %parallel_loop3A_242 = tpu.vector_load %arg5[%parallel_loop3A_240, %parallel_loop3A_241] {strides = array<i32>} : memref<8x4096xf32, #tpu.memory_space<vmem>>, vector<16xf32>,
        %parallel_loop3A_243 = tpu.bitcast %parallel_loop3A_242 : vector<16xf32> -> vector<16xi32>
        %parallel_loop3A_244 = arith.constant 9 : i32
        %parallel_loop3A_245 = vector.broadcast %parallel_loop3A_244 : i32 to vector<16xi32>
        %parallel_loop3A_246 = arith.shrui %parallel_loop3A_243, %parallel_loop3A_245 : vector<16xi32>
        %parallel_loop3A_247 = arith.constant 2047 : i32
        %parallel_loop3A_248 = vector.broadcast %parallel_loop3A_247 : i32 to vector<16xi32>
        %parallel_loop3A_249 = arith.andi %parallel_loop3A_246, %parallel_loop3A_248 : vector<16xi32>
        %parallel_loop3A_250 = arith.constant 20 : i32
        %parallel_loop3A_251 = vector.broadcast %parallel_loop3A_250 : i32 to vector<16xi32>
        %parallel_loop3A_252 = arith.shrui %parallel_loop3A_243, %parallel_loop3A_251 : vector<16xi32>
        %parallel_loop3A_253 = arith.cmpi eq, %parallel_loop3A_252, %get3A_6 : vector<16xi32>
        %parallel_loop3A_254 = arith.constant 4 : i32
        %parallel_loop3A_255 = vector.broadcast %parallel_loop3A_254 : i32 to vector<16xi32>
        %parallel_loop3A_256 = arith.shli %parallel_loop3A_249, %parallel_loop3A_255 : vector<16xi32>
        %parallel_loop3A_257 = arith.ori %parallel_loop3A_256, %iota3A : vector<16xi32>
        tpu.vector_store_idx %arg7[%parallel_loop3A_257], %broadcast_in_dim3A_3 masked %parallel_loop3A_253 {add = true} : memref<32768xi32, #tpu.memory_space<vmem>>[vector<16xi32>], vector<16xi32>, vector<16xi1>
      } {sc.loop_unroll_factor = 2 : i64, sc.parallel_access}
      %lt3A = arith.constant 7 : i32
      %lt3A_74 = arith.cmpi slt, %scan3A_52, %lt3A : i32
      %convert_element_type3A = arith.extui %lt3A_74 : i1 to i32
      %cond3A = arith.constant 0 : i32
      %cond3A_75 = arith.cmpi ne, %convert_element_type3A, %cond3A : i32
      scf.if %cond3A_75 {
        %add3A_89 = arith.constant 2 : i32
        %add3A_90 = arith.addi %mul3A_55, %add3A_89 : i32
        %mul3A_91 = arith.constant 8 : i32
        %mul3A_92 = arith.muli %add3A_90, %mul3A_91 : i32
        %add3A_93 = arith.addi %mul3A_2, %mul3A_92 : i32
        %dma_start3A_94 = arith.constant 0 : i32
        %dma_start3A_95 = tpu.memref_slice %arg2[%add3A_93, %dma_start3A_94] : memref<4096x4096xf32, #tpu.memory_space<hbm>> -> memref<8x4096xf32, #tpu.memory_space<hbm>>
        %dma_start3A_96 = arith.constant 0 : i32
        %dma_start3A_97 = tpu.memref_slice %arg2[%add3A_93, %dma_start3A_96] : memref<4096x4096xf32, #tpu.memory_space<hbm>> -> memref<8x4096xf32, #tpu.memory_space<hbm>>
        tpu.enqueue_dma source(%dma_start3A_97 : memref<8x4096xf32, #tpu.memory_space<hbm>>) target(%arg5 : memref<8x4096xf32, #tpu.memory_space<vmem>>) target_semaphore(%arg9 : memref<!tpu.dma_semaphore, #tpu.memory_space<semaphore_mem>>)
      } else {
      }
      %add3A_76 = arith.constant 1 : i32
      %add3A_77 = arith.addi %mul3A_55, %add3A_76 : i32
      %mul3A_78 = arith.constant 8 : i32
      %mul3A_79 = arith.muli %add3A_77, %mul3A_78 : i32
      %add3A_80 = arith.addi %mul3A_2, %mul3A_79 : i32
      %dma_wait3A_81 = arith.constant 0 : i32
      %dma_wait3A_82 = tpu.memref_slice %arg2[%add3A_80, %dma_wait3A_81] : memref<4096x4096xf32, #tpu.memory_space<hbm>> -> memref<8x4096xf32, #tpu.memory_space<hbm>>
      %dma_wait3A_83 = arith.constant 0 : i32
      %dma_wait3A_84 = tpu.memref_slice %arg2[%add3A_80, %dma_wait3A_83] : memref<4096x4096xf32, #tpu.memory_space<hbm>> -> memref<8x4096xf32, #tpu.memory_space<hbm>>
      tpu.wait_dma2 semaphore(%arg10 : memref<!tpu.dma_semaphore, #tpu.memory_space<semaphore_mem>>) src(%dma_wait3A_84 : memref<8x4096xf32, #tpu.memory_space<hbm>>) dst(%arg6 : memref<8x4096xf32, #tpu.memory_space<vmem>>)
      %parallel_loop3A_85 = arith.constant 0 : i32
      %parallel_loop3A_86 = arith.constant 256 : i32
      %parallel_loop3A_87 = arith.constant 1 : i32
      scf.for %parallel_loop3A_89 = %parallel_loop3A_85 to %parallel_loop3A_86 step %parallel_loop3A_87  : i32 {
        %parallel_loop3A_90 = arith.constant 16 : i32
        %parallel_loop3A_91 = arith.muli %parallel_loop3A_89, %parallel_loop3A_90 : i32
        %parallel_loop3A_92 = arith.constant 0 : i32
        %parallel_loop3A_93 = arith.index_cast %parallel_loop3A_92 : i32 to index
        %parallel_loop3A_94 = arith.index_cast %parallel_loop3A_91 : i32 to index
        %parallel_loop3A_95 = tpu.vector_load %arg6[%parallel_loop3A_93, %parallel_loop3A_94] {strides = array<i32>} : memref<8x4096xf32, #tpu.memory_space<vmem>>, vector<16xf32>,
        %parallel_loop3A_96 = tpu.bitcast %parallel_loop3A_95 : vector<16xf32> -> vector<16xi32>
        %parallel_loop3A_97 = arith.constant 9 : i32
        %parallel_loop3A_98 = vector.broadcast %parallel_loop3A_97 : i32 to vector<16xi32>
        %parallel_loop3A_99 = arith.shrui %parallel_loop3A_96, %parallel_loop3A_98 : vector<16xi32>
        %parallel_loop3A_100 = arith.constant 2047 : i32
        %parallel_loop3A_101 = vector.broadcast %parallel_loop3A_100 : i32 to vector<16xi32>
        %parallel_loop3A_102 = arith.andi %parallel_loop3A_99, %parallel_loop3A_101 : vector<16xi32>
        %parallel_loop3A_103 = arith.constant 20 : i32
        %parallel_loop3A_104 = vector.broadcast %parallel_loop3A_103 : i32 to vector<16xi32>
        %parallel_loop3A_105 = arith.shrui %parallel_loop3A_96, %parallel_loop3A_104 : vector<16xi32>
        %parallel_loop3A_106 = arith.cmpi eq, %parallel_loop3A_105, %get3A_6 : vector<16xi32>
        %parallel_loop3A_107 = arith.constant 4 : i32
        %parallel_loop3A_108 = vector.broadcast %parallel_loop3A_107 : i32 to vector<16xi32>
        %parallel_loop3A_109 = arith.shli %parallel_loop3A_102, %parallel_loop3A_108 : vector<16xi32>
        %parallel_loop3A_110 = arith.ori %parallel_loop3A_109, %iota3A : vector<16xi32>
        tpu.vector_store_idx %arg7[%parallel_loop3A_110], %broadcast_in_dim3A_3 masked %parallel_loop3A_106 {add = true} : memref<32768xi32, #tpu.memory_space<vmem>>[vector<16xi32>], vector<16xi32>, vector<16xi1>
        %parallel_loop3A_111 = arith.constant 16 : i32
        %parallel_loop3A_112 = arith.muli %parallel_loop3A_89, %parallel_loop3A_111 : i32
        %parallel_loop3A_113 = arith.constant 1 : i32
        %parallel_loop3A_114 = arith.index_cast %parallel_loop3A_113 : i32 to index
        %parallel_loop3A_115 = arith.index_cast %parallel_loop3A_112 : i32 to index
        %parallel_loop3A_116 = tpu.vector_load %arg6[%parallel_loop3A_114, %parallel_loop3A_115] {strides = array<i32>} : memref<8x4096xf32, #tpu.memory_space<vmem>>, vector<16xf32>,
        %parallel_loop3A_117 = tpu.bitcast %parallel_loop3A_116 : vector<16xf32> -> vector<16xi32>
        %parallel_loop3A_118 = arith.constant 9 : i32
        %parallel_loop3A_119 = vector.broadcast %parallel_loop3A_118 : i32 to vector<16xi32>
        %parallel_loop3A_120 = arith.shrui %parallel_loop3A_117, %parallel_loop3A_119 : vector<16xi32>
        %parallel_loop3A_121 = arith.constant 2047 : i32
        %parallel_loop3A_122 = vector.broadcast %parallel_loop3A_121 : i32 to vector<16xi32>
        %parallel_loop3A_123 = arith.andi %parallel_loop3A_120, %parallel_loop3A_122 : vector<16xi32>
        %parallel_loop3A_124 = arith.constant 20 : i32
        %parallel_loop3A_125 = vector.broadcast %parallel_loop3A_124 : i32 to vector<16xi32>
        %parallel_loop3A_126 = arith.shrui %parallel_loop3A_117, %parallel_loop3A_125 : vector<16xi32>
        %parallel_loop3A_127 = arith.cmpi eq, %parallel_loop3A_126, %get3A_6 : vector<16xi32>
        %parallel_loop3A_128 = arith.constant 4 : i32
        %parallel_loop3A_129 = vector.broadcast %parallel_loop3A_128 : i32 to vector<16xi32>
        %parallel_loop3A_130 = arith.shli %parallel_loop3A_123, %parallel_loop3A_129 : vector<16xi32>
        %parallel_loop3A_131 = arith.ori %parallel_loop3A_130, %iota3A : vector<16xi32>
        tpu.vector_store_idx %arg7[%parallel_loop3A_131], %broadcast_in_dim3A_3 masked %parallel_loop3A_127 {add = true} : memref<32768xi32, #tpu.memory_space<vmem>>[vector<16xi32>], vector<16xi32>, vector<16xi1>
        %parallel_loop3A_132 = arith.constant 16 : i32
        %parallel_loop3A_133 = arith.muli %parallel_loop3A_89, %parallel_loop3A_132 : i32
        %parallel_loop3A_134 = arith.constant 2 : i32
        %parallel_loop3A_135 = arith.index_cast %parallel_loop3A_134 : i32 to index
        %parallel_loop3A_136 = arith.index_cast %parallel_loop3A_133 : i32 to index
        %parallel_loop3A_137 = tpu.vector_load %arg6[%parallel_loop3A_135, %parallel_loop3A_136] {strides = array<i32>} : memref<8x4096xf32, #tpu.memory_space<vmem>>, vector<16xf32>,
        %parallel_loop3A_138 = tpu.bitcast %parallel_loop3A_137 : vector<16xf32> -> vector<16xi32>
        %parallel_loop3A_139 = arith.constant 9 : i32
        %parallel_loop3A_140 = vector.broadcast %parallel_loop3A_139 : i32 to vector<16xi32>
        %parallel_loop3A_141 = arith.shrui %parallel_loop3A_138, %parallel_loop3A_140 : vector<16xi32>
        %parallel_loop3A_142 = arith.constant 2047 : i32
        %parallel_loop3A_143 = vector.broadcast %parallel_loop3A_142 : i32 to vector<16xi32>
        %parallel_loop3A_144 = arith.andi %parallel_loop3A_141, %parallel_loop3A_143 : vector<16xi32>
        %parallel_loop3A_145 = arith.constant 20 : i32
        %parallel_loop3A_146 = vector.broadcast %parallel_loop3A_145 : i32 to vector<16xi32>
        %parallel_loop3A_147 = arith.shrui %parallel_loop3A_138, %parallel_loop3A_146 : vector<16xi32>
        %parallel_loop3A_148 = arith.cmpi eq, %parallel_loop3A_147, %get3A_6 : vector<16xi32>
        %parallel_loop3A_149 = arith.constant 4 : i32
        %parallel_loop3A_150 = vector.broadcast %parallel_loop3A_149 : i32 to vector<16xi32>
        %parallel_loop3A_151 = arith.shli %parallel_loop3A_144, %parallel_loop3A_150 : vector<16xi32>
        %parallel_loop3A_152 = arith.ori %parallel_loop3A_151, %iota3A : vector<16xi32>
        tpu.vector_store_idx %arg7[%parallel_loop3A_152], %broadcast_in_dim3A_3 masked %parallel_loop3A_148 {add = true} : memref<32768xi32, #tpu.memory_space<vmem>>[vector<16xi32>], vector<16xi32>, vector<16xi1>
        %parallel_loop3A_153 = arith.constant 16 : i32
        %parallel_loop3A_154 = arith.muli %parallel_loop3A_89, %parallel_loop3A_153 : i32
        %parallel_loop3A_155 = arith.constant 3 : i32
        %parallel_loop3A_156 = arith.index_cast %parallel_loop3A_155 : i32 to index
        %parallel_loop3A_157 = arith.index_cast %parallel_loop3A_154 : i32 to index
        %parallel_loop3A_158 = tpu.vector_load %arg6[%parallel_loop3A_156, %parallel_loop3A_157] {strides = array<i32>} : memref<8x4096xf32, #tpu.memory_space<vmem>>, vector<16xf32>,
        %parallel_loop3A_159 = tpu.bitcast %parallel_loop3A_158 : vector<16xf32> -> vector<16xi32>
        %parallel_loop3A_160 = arith.constant 9 : i32
        %parallel_loop3A_161 = vector.broadcast %parallel_loop3A_160 : i32 to vector<16xi32>
        %parallel_loop3A_162 = arith.shrui %parallel_loop3A_159, %parallel_loop3A_161 : vector<16xi32>
        %parallel_loop3A_163 = arith.constant 2047 : i32
        %parallel_loop3A_164 = vector.broadcast %parallel_loop3A_163 : i32 to vector<16xi32>
        %parallel_loop3A_165 = arith.andi %parallel_loop3A_162, %parallel_loop3A_164 : vector<16xi32>
        %parallel_loop3A_166 = arith.constant 20 : i32
        %parallel_loop3A_167 = vector.broadcast %parallel_loop3A_166 : i32 to vector<16xi32>
        %parallel_loop3A_168 = arith.shrui %parallel_loop3A_159, %parallel_loop3A_167 : vector<16xi32>
        %parallel_loop3A_169 = arith.cmpi eq, %parallel_loop3A_168, %get3A_6 : vector<16xi32>
        %parallel_loop3A_170 = arith.constant 4 : i32
        %parallel_loop3A_171 = vector.broadcast %parallel_loop3A_170 : i32 to vector<16xi32>
        %parallel_loop3A_172 = arith.shli %parallel_loop3A_165, %parallel_loop3A_171 : vector<16xi32>
        %parallel_loop3A_173 = arith.ori %parallel_loop3A_172, %iota3A : vector<16xi32>
        tpu.vector_store_idx %arg7[%parallel_loop3A_173], %broadcast_in_dim3A_3 masked %parallel_loop3A_169 {add = true} : memref<32768xi32, #tpu.memory_space<vmem>>[vector<16xi32>], vector<16xi32>, vector<16xi1>
        %parallel_loop3A_174 = arith.constant 16 : i32
        %parallel_loop3A_175 = arith.muli %parallel_loop3A_89, %parallel_loop3A_174 : i32
        %parallel_loop3A_176 = arith.constant 4 : i32
        %parallel_loop3A_177 = arith.index_cast %parallel_loop3A_176 : i32 to index
        %parallel_loop3A_178 = arith.index_cast %parallel_loop3A_175 : i32 to index
        %parallel_loop3A_179 = tpu.vector_load %arg6[%parallel_loop3A_177, %parallel_loop3A_178] {strides = array<i32>} : memref<8x4096xf32, #tpu.memory_space<vmem>>, vector<16xf32>,
        %parallel_loop3A_180 = tpu.bitcast %parallel_loop3A_179 : vector<16xf32> -> vector<16xi32>
        %parallel_loop3A_181 = arith.constant 9 : i32
        %parallel_loop3A_182 = vector.broadcast %parallel_loop3A_181 : i32 to vector<16xi32>
        %parallel_loop3A_183 = arith.shrui %parallel_loop3A_180, %parallel_loop3A_182 : vector<16xi32>
        %parallel_loop3A_184 = arith.constant 2047 : i32
        %parallel_loop3A_185 = vector.broadcast %parallel_loop3A_184 : i32 to vector<16xi32>
        %parallel_loop3A_186 = arith.andi %parallel_loop3A_183, %parallel_loop3A_185 : vector<16xi32>
        %parallel_loop3A_187 = arith.constant 20 : i32
        %parallel_loop3A_188 = vector.broadcast %parallel_loop3A_187 : i32 to vector<16xi32>
        %parallel_loop3A_189 = arith.shrui %parallel_loop3A_180, %parallel_loop3A_188 : vector<16xi32>
        %parallel_loop3A_190 = arith.cmpi eq, %parallel_loop3A_189, %get3A_6 : vector<16xi32>
        %parallel_loop3A_191 = arith.constant 4 : i32
        %parallel_loop3A_192 = vector.broadcast %parallel_loop3A_191 : i32 to vector<16xi32>
        %parallel_loop3A_193 = arith.shli %parallel_loop3A_186, %parallel_loop3A_192 : vector<16xi32>
        %parallel_loop3A_194 = arith.ori %parallel_loop3A_193, %iota3A : vector<16xi32>
        tpu.vector_store_idx %arg7[%parallel_loop3A_194], %broadcast_in_dim3A_3 masked %parallel_loop3A_190 {add = true} : memref<32768xi32, #tpu.memory_space<vmem>>[vector<16xi32>], vector<16xi32>, vector<16xi1>
        %parallel_loop3A_195 = arith.constant 16 : i32
        %parallel_loop3A_196 = arith.muli %parallel_loop3A_89, %parallel_loop3A_195 : i32
        %parallel_loop3A_197 = arith.constant 5 : i32
        %parallel_loop3A_198 = arith.index_cast %parallel_loop3A_197 : i32 to index
        %parallel_loop3A_199 = arith.index_cast %parallel_loop3A_196 : i32 to index
        %parallel_loop3A_200 = tpu.vector_load %arg6[%parallel_loop3A_198, %parallel_loop3A_199] {strides = array<i32>} : memref<8x4096xf32, #tpu.memory_space<vmem>>, vector<16xf32>,
        %parallel_loop3A_201 = tpu.bitcast %parallel_loop3A_200 : vector<16xf32> -> vector<16xi32>
        %parallel_loop3A_202 = arith.constant 9 : i32
        %parallel_loop3A_203 = vector.broadcast %parallel_loop3A_202 : i32 to vector<16xi32>
        %parallel_loop3A_204 = arith.shrui %parallel_loop3A_201, %parallel_loop3A_203 : vector<16xi32>
        %parallel_loop3A_205 = arith.constant 2047 : i32
        %parallel_loop3A_206 = vector.broadcast %parallel_loop3A_205 : i32 to vector<16xi32>
        %parallel_loop3A_207 = arith.andi %parallel_loop3A_204, %parallel_loop3A_206 : vector<16xi32>
        %parallel_loop3A_208 = arith.constant 20 : i32
        %parallel_loop3A_209 = vector.broadcast %parallel_loop3A_208 : i32 to vector<16xi32>
        %parallel_loop3A_210 = arith.shrui %parallel_loop3A_201, %parallel_loop3A_209 : vector<16xi32>
        %parallel_loop3A_211 = arith.cmpi eq, %parallel_loop3A_210, %get3A_6 : vector<16xi32>
        %parallel_loop3A_212 = arith.constant 4 : i32
        %parallel_loop3A_213 = vector.broadcast %parallel_loop3A_212 : i32 to vector<16xi32>
        %parallel_loop3A_214 = arith.shli %parallel_loop3A_207, %parallel_loop3A_213 : vector<16xi32>
        %parallel_loop3A_215 = arith.ori %parallel_loop3A_214, %iota3A : vector<16xi32>
        tpu.vector_store_idx %arg7[%parallel_loop3A_215], %broadcast_in_dim3A_3 masked %parallel_loop3A_211 {add = true} : memref<32768xi32, #tpu.memory_space<vmem>>[vector<16xi32>], vector<16xi32>, vector<16xi1>
        %parallel_loop3A_216 = arith.constant 16 : i32
        %parallel_loop3A_217 = arith.muli %parallel_loop3A_89, %parallel_loop3A_216 : i32
        %parallel_loop3A_218 = arith.constant 6 : i32
        %parallel_loop3A_219 = arith.index_cast %parallel_loop3A_218 : i32 to index
        %parallel_loop3A_220 = arith.index_cast %parallel_loop3A_217 : i32 to index
        %parallel_loop3A_221 = tpu.vector_load %arg6[%parallel_loop3A_219, %parallel_loop3A_220] {strides = array<i32>} : memref<8x4096xf32, #tpu.memory_space<vmem>>, vector<16xf32>,
        %parallel_loop3A_222 = tpu.bitcast %parallel_loop3A_221 : vector<16xf32> -> vector<16xi32>
        %parallel_loop3A_223 = arith.constant 9 : i32
        %parallel_loop3A_224 = vector.broadcast %parallel_loop3A_223 : i32 to vector<16xi32>
        %parallel_loop3A_225 = arith.shrui %parallel_loop3A_222, %parallel_loop3A_224 : vector<16xi32>
        %parallel_loop3A_226 = arith.constant 2047 : i32
        %parallel_loop3A_227 = vector.broadcast %parallel_loop3A_226 : i32 to vector<16xi32>
        %parallel_loop3A_228 = arith.andi %parallel_loop3A_225, %parallel_loop3A_227 : vector<16xi32>
        %parallel_loop3A_229 = arith.constant 20 : i32
        %parallel_loop3A_230 = vector.broadcast %parallel_loop3A_229 : i32 to vector<16xi32>
        %parallel_loop3A_231 = arith.shrui %parallel_loop3A_222, %parallel_loop3A_230 : vector<16xi32>
        %parallel_loop3A_232 = arith.cmpi eq, %parallel_loop3A_231, %get3A_6 : vector<16xi32>
        %parallel_loop3A_233 = arith.constant 4 : i32
        %parallel_loop3A_234 = vector.broadcast %parallel_loop3A_233 : i32 to vector<16xi32>
        %parallel_loop3A_235 = arith.shli %parallel_loop3A_228, %parallel_loop3A_234 : vector<16xi32>
        %parallel_loop3A_236 = arith.ori %parallel_loop3A_235, %iota3A : vector<16xi32>
        tpu.vector_store_idx %arg7[%parallel_loop3A_236], %broadcast_in_dim3A_3 masked %parallel_loop3A_232 {add = true} : memref<32768xi32, #tpu.memory_space<vmem>>[vector<16xi32>], vector<16xi32>, vector<16xi1>
        %parallel_loop3A_237 = arith.constant 16 : i32
        %parallel_loop3A_238 = arith.muli %parallel_loop3A_89, %parallel_loop3A_237 : i32
        %parallel_loop3A_239 = arith.constant 7 : i32
        %parallel_loop3A_240 = arith.index_cast %parallel_loop3A_239 : i32 to index
        %parallel_loop3A_241 = arith.index_cast %parallel_loop3A_238 : i32 to index
        %parallel_loop3A_242 = tpu.vector_load %arg6[%parallel_loop3A_240, %parallel_loop3A_241] {strides = array<i32>} : memref<8x4096xf32, #tpu.memory_space<vmem>>, vector<16xf32>,
        %parallel_loop3A_243 = tpu.bitcast %parallel_loop3A_242 : vector<16xf32> -> vector<16xi32>
        %parallel_loop3A_244 = arith.constant 9 : i32
        %parallel_loop3A_245 = vector.broadcast %parallel_loop3A_244 : i32 to vector<16xi32>
        %parallel_loop3A_246 = arith.shrui %parallel_loop3A_243, %parallel_loop3A_245 : vector<16xi32>
        %parallel_loop3A_247 = arith.constant 2047 : i32
        %parallel_loop3A_248 = vector.broadcast %parallel_loop3A_247 : i32 to vector<16xi32>
        %parallel_loop3A_249 = arith.andi %parallel_loop3A_246, %parallel_loop3A_248 : vector<16xi32>
        %parallel_loop3A_250 = arith.constant 20 : i32
        %parallel_loop3A_251 = vector.broadcast %parallel_loop3A_250 : i32 to vector<16xi32>
        %parallel_loop3A_252 = arith.shrui %parallel_loop3A_243, %parallel_loop3A_251 : vector<16xi32>
        %parallel_loop3A_253 = arith.cmpi eq, %parallel_loop3A_252, %get3A_6 : vector<16xi32>
        %parallel_loop3A_254 = arith.constant 4 : i32
        %parallel_loop3A_255 = vector.broadcast %parallel_loop3A_254 : i32 to vector<16xi32>
        %parallel_loop3A_256 = arith.shli %parallel_loop3A_249, %parallel_loop3A_255 : vector<16xi32>
        %parallel_loop3A_257 = arith.ori %parallel_loop3A_256, %iota3A : vector<16xi32>
        tpu.vector_store_idx %arg7[%parallel_loop3A_257], %broadcast_in_dim3A_3 masked %parallel_loop3A_253 {add = true} : memref<32768xi32, #tpu.memory_space<vmem>>[vector<16xi32>], vector<16xi32>, vector<16xi1>
      } {sc.loop_unroll_factor = 2 : i64, sc.parallel_access}
      %scan3A_88 = arith.constant 0 : i32
      scf.yield %scan3A_88 : i32
    }
    %scan3A_19 = arith.constant 8 : i32
    %mul3A_20 = arith.constant 8 : i32
    %mul3A_21 = arith.muli %add3A, %mul3A_20 : i32
    %add3A_22 = arith.constant 0 : i32
    %add3A_23 = arith.addi %mul3A_21, %add3A_22 : i32
    "tpu.region"() ({
      %run_scoped3A_52 = tpu.sem_alloc : memref<!tpu.dma_semaphore, #tpu.memory_space<semaphore_mem>>
      %dma_start3A_53 = arith.constant 0 : i32
      %dma_start3A_54 = tpu.memref_slice %arg7[%dma_start3A_53] : memref<32768xi32, #tpu.memory_space<vmem>> -> memref<4096xi32, #tpu.memory_space<vmem>>
      %dma_start3A_55 = arith.constant 0 : i32
      %dma_start3A_56 = tpu.memref_slice %arg4[%add3A_23, %dma_start3A_55] : memref<256x4096xi32, #tpu.memory_space<hbm>> -> memref<1x4096xi32, #tpu.memory_space<hbm>>
      %dma_start3A_57 = tpu.memref_squeeze %dma_start3A_56 : memref<1x4096xi32, #tpu.memory_space<hbm>> -> memref<4096xi32, #tpu.memory_space<hbm>>
      %dma_start3A_58 = arith.constant 0 : i32
      %dma_start3A_59 = tpu.memref_slice %arg4[%add3A_23, %dma_start3A_58] : memref<256x4096xi32, #tpu.memory_space<hbm>> -> memref<1x4096xi32, #tpu.memory_space<hbm>>
      %dma_start3A_60 = tpu.memref_squeeze %dma_start3A_59 : memref<1x4096xi32, #tpu.memory_space<hbm>> -> memref<4096xi32, #tpu.memory_space<hbm>>
      %dma_start3A_61 = arith.constant 0 : i32
      %dma_start3A_62 = tpu.memref_slice %arg7[%dma_start3A_61] : memref<32768xi32, #tpu.memory_space<vmem>> -> memref<4096xi32, #tpu.memory_space<vmem>>
      tpu.enqueue_dma source(%dma_start3A_62 : memref<4096xi32, #tpu.memory_space<vmem>>) target(%dma_start3A_60 : memref<4096xi32, #tpu.memory_space<hbm>>) target_semaphore(%run_scoped3A_52 : memref<!tpu.dma_semaphore, #tpu.memory_space<semaphore_mem>>)
      %dma_wait3A = arith.constant 0 : i32
      %dma_wait3A_63 = tpu.memref_slice %arg7[%dma_wait3A] : memref<32768xi32, #tpu.memory_space<vmem>> -> memref<4096xi32, #tpu.memory_space<vmem>>
      %dma_wait3A_64 = arith.constant 0 : i32
      %dma_wait3A_65 = tpu.memref_slice %arg4[%add3A_23, %dma_wait3A_64] : memref<256x4096xi32, #tpu.memory_space<hbm>> -> memref<1x4096xi32, #tpu.memory_space<hbm>>
      %dma_wait3A_66 = tpu.memref_squeeze %dma_wait3A_65 : memref<1x4096xi32, #tpu.memory_space<hbm>> -> memref<4096xi32, #tpu.memory_space<hbm>>
      %dma_wait3A_67 = arith.constant 0 : i32
      %dma_wait3A_68 = tpu.memref_slice %arg4[%add3A_23, %dma_wait3A_67] : memref<256x4096xi32, #tpu.memory_space<hbm>> -> memref<1x4096xi32, #tpu.memory_space<hbm>>
      %dma_wait3A_69 = tpu.memref_squeeze %dma_wait3A_68 : memref<1x4096xi32, #tpu.memory_space<hbm>> -> memref<4096xi32, #tpu.memory_space<hbm>>
      %dma_wait3A_70 = arith.constant 0 : i32
      %dma_wait3A_71 = tpu.memref_slice %arg7[%dma_wait3A_70] : memref<32768xi32, #tpu.memory_space<vmem>> -> memref<4096xi32, #tpu.memory_space<vmem>>
      tpu.wait_dma2 semaphore(%run_scoped3A_52 : memref<!tpu.dma_semaphore, #tpu.memory_space<semaphore_mem>>) src(%dma_wait3A_71 : memref<4096xi32, #tpu.memory_space<vmem>>) dst(%dma_wait3A_69 : memref<4096xi32, #tpu.memory_space<hbm>>)
      tpu.yield
    }) : () -> ()
    %mul3A_24 = arith.constant 8 : i32
    %mul3A_25 = arith.muli %add3A, %mul3A_24 : i32
    %add3A_26 = arith.constant 1 : i32
    %add3A_27 = arith.addi %mul3A_25, %add3A_26 : i32
    "tpu.region"() ({
      %run_scoped3A_52 = tpu.sem_alloc : memref<!tpu.dma_semaphore, #tpu.memory_space<semaphore_mem>>
      %dma_start3A_53 = arith.constant 4096 : i32
      %dma_start3A_54 = tpu.memref_slice %arg7[%dma_start3A_53] : memref<32768xi32, #tpu.memory_space<vmem>> -> memref<4096xi32, #tpu.memory_space<vmem>>
      %dma_start3A_55 = arith.constant 0 : i32
      %dma_start3A_56 = tpu.memref_slice %arg4[%add3A_27, %dma_start3A_55] : memref<256x4096xi32, #tpu.memory_space<hbm>> -> memref<1x4096xi32, #tpu.memory_space<hbm>>
      %dma_start3A_57 = tpu.memref_squeeze %dma_start3A_56 : memref<1x4096xi32, #tpu.memory_space<hbm>> -> memref<4096xi32, #tpu.memory_space<hbm>>
      %dma_start3A_58 = arith.constant 0 : i32
      %dma_start3A_59 = tpu.memref_slice %arg4[%add3A_27, %dma_start3A_58] : memref<256x4096xi32, #tpu.memory_space<hbm>> -> memref<1x4096xi32, #tpu.memory_space<hbm>>
      %dma_start3A_60 = tpu.memref_squeeze %dma_start3A_59 : memref<1x4096xi32, #tpu.memory_space<hbm>> -> memref<4096xi32, #tpu.memory_space<hbm>>
      %dma_start3A_61 = arith.constant 4096 : i32
      %dma_start3A_62 = tpu.memref_slice %arg7[%dma_start3A_61] : memref<32768xi32, #tpu.memory_space<vmem>> -> memref<4096xi32, #tpu.memory_space<vmem>>
      tpu.enqueue_dma source(%dma_start3A_62 : memref<4096xi32, #tpu.memory_space<vmem>>) target(%dma_start3A_60 : memref<4096xi32, #tpu.memory_space<hbm>>) target_semaphore(%run_scoped3A_52 : memref<!tpu.dma_semaphore, #tpu.memory_space<semaphore_mem>>)
      %dma_wait3A = arith.constant 4096 : i32
      %dma_wait3A_63 = tpu.memref_slice %arg7[%dma_wait3A] : memref<32768xi32, #tpu.memory_space<vmem>> -> memref<4096xi32, #tpu.memory_space<vmem>>
      %dma_wait3A_64 = arith.constant 0 : i32
      %dma_wait3A_65 = tpu.memref_slice %arg4[%add3A_27, %dma_wait3A_64] : memref<256x4096xi32, #tpu.memory_space<hbm>> -> memref<1x4096xi32, #tpu.memory_space<hbm>>
      %dma_wait3A_66 = tpu.memref_squeeze %dma_wait3A_65 : memref<1x4096xi32, #tpu.memory_space<hbm>> -> memref<4096xi32, #tpu.memory_space<hbm>>
      %dma_wait3A_67 = arith.constant 0 : i32
      %dma_wait3A_68 = tpu.memref_slice %arg4[%add3A_27, %dma_wait3A_67] : memref<256x4096xi32, #tpu.memory_space<hbm>> -> memref<1x4096xi32, #tpu.memory_space<hbm>>
      %dma_wait3A_69 = tpu.memref_squeeze %dma_wait3A_68 : memref<1x4096xi32, #tpu.memory_space<hbm>> -> memref<4096xi32, #tpu.memory_space<hbm>>
      %dma_wait3A_70 = arith.constant 4096 : i32
      %dma_wait3A_71 = tpu.memref_slice %arg7[%dma_wait3A_70] : memref<32768xi32, #tpu.memory_space<vmem>> -> memref<4096xi32, #tpu.memory_space<vmem>>
      tpu.wait_dma2 semaphore(%run_scoped3A_52 : memref<!tpu.dma_semaphore, #tpu.memory_space<semaphore_mem>>) src(%dma_wait3A_71 : memref<4096xi32, #tpu.memory_space<vmem>>) dst(%dma_wait3A_69 : memref<4096xi32, #tpu.memory_space<hbm>>)
      tpu.yield
    }) : () -> ()
    %mul3A_28 = arith.constant 8 : i32
    %mul3A_29 = arith.muli %add3A, %mul3A_28 : i32
    %add3A_30 = arith.constant 2 : i32
    %add3A_31 = arith.addi %mul3A_29, %add3A_30 : i32
    "tpu.region"() ({
      %run_scoped3A_52 = tpu.sem_alloc : memref<!tpu.dma_semaphore, #tpu.memory_space<semaphore_mem>>
      %dma_start3A_53 = arith.constant 8192 : i32
      %dma_start3A_54 = tpu.memref_slice %arg7[%dma_start3A_53] : memref<32768xi32, #tpu.memory_space<vmem>> -> memref<4096xi32, #tpu.memory_space<vmem>>
      %dma_start3A_55 = arith.constant 0 : i32
      %dma_start3A_56 = tpu.memref_slice %arg4[%add3A_31, %dma_start3A_55] : memref<256x4096xi32, #tpu.memory_space<hbm>> -> memref<1x4096xi32, #tpu.memory_space<hbm>>
      %dma_start3A_57 = tpu.memref_squeeze %dma_start3A_56 : memref<1x4096xi32, #tpu.memory_space<hbm>> -> memref<4096xi32, #tpu.memory_space<hbm>>
      %dma_start3A_58 = arith.constant 0 : i32
      %dma_start3A_59 = tpu.memref_slice %arg4[%add3A_31, %dma_start3A_58] : memref<256x4096xi32, #tpu.memory_space<hbm>> -> memref<1x4096xi32, #tpu.memory_space<hbm>>
      %dma_start3A_60 = tpu.memref_squeeze %dma_start3A_59 : memref<1x4096xi32, #tpu.memory_space<hbm>> -> memref<4096xi32, #tpu.memory_space<hbm>>
      %dma_start3A_61 = arith.constant 8192 : i32
      %dma_start3A_62 = tpu.memref_slice %arg7[%dma_start3A_61] : memref<32768xi32, #tpu.memory_space<vmem>> -> memref<4096xi32, #tpu.memory_space<vmem>>
      tpu.enqueue_dma source(%dma_start3A_62 : memref<4096xi32, #tpu.memory_space<vmem>>) target(%dma_start3A_60 : memref<4096xi32, #tpu.memory_space<hbm>>) target_semaphore(%run_scoped3A_52 : memref<!tpu.dma_semaphore, #tpu.memory_space<semaphore_mem>>)
      %dma_wait3A = arith.constant 8192 : i32
      %dma_wait3A_63 = tpu.memref_slice %arg7[%dma_wait3A] : memref<32768xi32, #tpu.memory_space<vmem>> -> memref<4096xi32, #tpu.memory_space<vmem>>
      %dma_wait3A_64 = arith.constant 0 : i32
      %dma_wait3A_65 = tpu.memref_slice %arg4[%add3A_31, %dma_wait3A_64] : memref<256x4096xi32, #tpu.memory_space<hbm>> -> memref<1x4096xi32, #tpu.memory_space<hbm>>
      %dma_wait3A_66 = tpu.memref_squeeze %dma_wait3A_65 : memref<1x4096xi32, #tpu.memory_space<hbm>> -> memref<4096xi32, #tpu.memory_space<hbm>>
      %dma_wait3A_67 = arith.constant 0 : i32
      %dma_wait3A_68 = tpu.memref_slice %arg4[%add3A_31, %dma_wait3A_67] : memref<256x4096xi32, #tpu.memory_space<hbm>> -> memref<1x4096xi32, #tpu.memory_space<hbm>>
      %dma_wait3A_69 = tpu.memref_squeeze %dma_wait3A_68 : memref<1x4096xi32, #tpu.memory_space<hbm>> -> memref<4096xi32, #tpu.memory_space<hbm>>
      %dma_wait3A_70 = arith.constant 8192 : i32
      %dma_wait3A_71 = tpu.memref_slice %arg7[%dma_wait3A_70] : memref<32768xi32, #tpu.memory_space<vmem>> -> memref<4096xi32, #tpu.memory_space<vmem>>
      tpu.wait_dma2 semaphore(%run_scoped3A_52 : memref<!tpu.dma_semaphore, #tpu.memory_space<semaphore_mem>>) src(%dma_wait3A_71 : memref<4096xi32, #tpu.memory_space<vmem>>) dst(%dma_wait3A_69 : memref<4096xi32, #tpu.memory_space<hbm>>)
      tpu.yield
    }) : () -> ()
    %mul3A_32 = arith.constant 8 : i32
    %mul3A_33 = arith.muli %add3A, %mul3A_32 : i32
    %add3A_34 = arith.constant 3 : i32
    %add3A_35 = arith.addi %mul3A_33, %add3A_34 : i32
    "tpu.region"() ({
      %run_scoped3A_52 = tpu.sem_alloc : memref<!tpu.dma_semaphore, #tpu.memory_space<semaphore_mem>>
      %dma_start3A_53 = arith.constant 12288 : i32
      %dma_start3A_54 = tpu.memref_slice %arg7[%dma_start3A_53] : memref<32768xi32, #tpu.memory_space<vmem>> -> memref<4096xi32, #tpu.memory_space<vmem>>
      %dma_start3A_55 = arith.constant 0 : i32
      %dma_start3A_56 = tpu.memref_slice %arg4[%add3A_35, %dma_start3A_55] : memref<256x4096xi32, #tpu.memory_space<hbm>> -> memref<1x4096xi32, #tpu.memory_space<hbm>>
      %dma_start3A_57 = tpu.memref_squeeze %dma_start3A_56 : memref<1x4096xi32, #tpu.memory_space<hbm>> -> memref<4096xi32, #tpu.memory_space<hbm>>
      %dma_start3A_58 = arith.constant 0 : i32
      %dma_start3A_59 = tpu.memref_slice %arg4[%add3A_35, %dma_start3A_58] : memref<256x4096xi32, #tpu.memory_space<hbm>> -> memref<1x4096xi32, #tpu.memory_space<hbm>>
      %dma_start3A_60 = tpu.memref_squeeze %dma_start3A_59 : memref<1x4096xi32, #tpu.memory_space<hbm>> -> memref<4096xi32, #tpu.memory_space<hbm>>
      %dma_start3A_61 = arith.constant 12288 : i32
      %dma_start3A_62 = tpu.memref_slice %arg7[%dma_start3A_61] : memref<32768xi32, #tpu.memory_space<vmem>> -> memref<4096xi32, #tpu.memory_space<vmem>>
      tpu.enqueue_dma source(%dma_start3A_62 : memref<4096xi32, #tpu.memory_space<vmem>>) target(%dma_start3A_60 : memref<4096xi32, #tpu.memory_space<hbm>>) target_semaphore(%run_scoped3A_52 : memref<!tpu.dma_semaphore, #tpu.memory_space<semaphore_mem>>)
      %dma_wait3A = arith.constant 12288 : i32
      %dma_wait3A_63 = tpu.memref_slice %arg7[%dma_wait3A] : memref<32768xi32, #tpu.memory_space<vmem>> -> memref<4096xi32, #tpu.memory_space<vmem>>
      %dma_wait3A_64 = arith.constant 0 : i32
      %dma_wait3A_65 = tpu.memref_slice %arg4[%add3A_35, %dma_wait3A_64] : memref<256x4096xi32, #tpu.memory_space<hbm>> -> memref<1x4096xi32, #tpu.memory_space<hbm>>
      %dma_wait3A_66 = tpu.memref_squeeze %dma_wait3A_65 : memref<1x4096xi32, #tpu.memory_space<hbm>> -> memref<4096xi32, #tpu.memory_space<hbm>>
      %dma_wait3A_67 = arith.constant 0 : i32
      %dma_wait3A_68 = tpu.memref_slice %arg4[%add3A_35, %dma_wait3A_67] : memref<256x4096xi32, #tpu.memory_space<hbm>> -> memref<1x4096xi32, #tpu.memory_space<hbm>>
      %dma_wait3A_69 = tpu.memref_squeeze %dma_wait3A_68 : memref<1x4096xi32, #tpu.memory_space<hbm>> -> memref<4096xi32, #tpu.memory_space<hbm>>
      %dma_wait3A_70 = arith.constant 12288 : i32
      %dma_wait3A_71 = tpu.memref_slice %arg7[%dma_wait3A_70] : memref<32768xi32, #tpu.memory_space<vmem>> -> memref<4096xi32, #tpu.memory_space<vmem>>
      tpu.wait_dma2 semaphore(%run_scoped3A_52 : memref<!tpu.dma_semaphore, #tpu.memory_space<semaphore_mem>>) src(%dma_wait3A_71 : memref<4096xi32, #tpu.memory_space<vmem>>) dst(%dma_wait3A_69 : memref<4096xi32, #tpu.memory_space<hbm>>)
      tpu.yield
    }) : () -> ()
    %mul3A_36 = arith.constant 8 : i32
    %mul3A_37 = arith.muli %add3A, %mul3A_36 : i32
    %add3A_38 = arith.constant 4 : i32
    %add3A_39 = arith.addi %mul3A_37, %add3A_38 : i32
    "tpu.region"() ({
      %run_scoped3A_52 = tpu.sem_alloc : memref<!tpu.dma_semaphore, #tpu.memory_space<semaphore_mem>>
      %dma_start3A_53 = arith.constant 16384 : i32
      %dma_start3A_54 = tpu.memref_slice %arg7[%dma_start3A_53] : memref<32768xi32, #tpu.memory_space<vmem>> -> memref<4096xi32, #tpu.memory_space<vmem>>
      %dma_start3A_55 = arith.constant 0 : i32
      %dma_start3A_56 = tpu.memref_slice %arg4[%add3A_39, %dma_start3A_55] : memref<256x4096xi32, #tpu.memory_space<hbm>> -> memref<1x4096xi32, #tpu.memory_space<hbm>>
      %dma_start3A_57 = tpu.memref_squeeze %dma_start3A_56 : memref<1x4096xi32, #tpu.memory_space<hbm>> -> memref<4096xi32, #tpu.memory_space<hbm>>
      %dma_start3A_58 = arith.constant 0 : i32
      %dma_start3A_59 = tpu.memref_slice %arg4[%add3A_39, %dma_start3A_58] : memref<256x4096xi32, #tpu.memory_space<hbm>> -> memref<1x4096xi32, #tpu.memory_space<hbm>>
      %dma_start3A_60 = tpu.memref_squeeze %dma_start3A_59 : memref<1x4096xi32, #tpu.memory_space<hbm>> -> memref<4096xi32, #tpu.memory_space<hbm>>
      %dma_start3A_61 = arith.constant 16384 : i32
      %dma_start3A_62 = tpu.memref_slice %arg7[%dma_start3A_61] : memref<32768xi32, #tpu.memory_space<vmem>> -> memref<4096xi32, #tpu.memory_space<vmem>>
      tpu.enqueue_dma source(%dma_start3A_62 : memref<4096xi32, #tpu.memory_space<vmem>>) target(%dma_start3A_60 : memref<4096xi32, #tpu.memory_space<hbm>>) target_semaphore(%run_scoped3A_52 : memref<!tpu.dma_semaphore, #tpu.memory_space<semaphore_mem>>)
      %dma_wait3A = arith.constant 16384 : i32
      %dma_wait3A_63 = tpu.memref_slice %arg7[%dma_wait3A] : memref<32768xi32, #tpu.memory_space<vmem>> -> memref<4096xi32, #tpu.memory_space<vmem>>
      %dma_wait3A_64 = arith.constant 0 : i32
      %dma_wait3A_65 = tpu.memref_slice %arg4[%add3A_39, %dma_wait3A_64] : memref<256x4096xi32, #tpu.memory_space<hbm>> -> memref<1x4096xi32, #tpu.memory_space<hbm>>
      %dma_wait3A_66 = tpu.memref_squeeze %dma_wait3A_65 : memref<1x4096xi32, #tpu.memory_space<hbm>> -> memref<4096xi32, #tpu.memory_space<hbm>>
      %dma_wait3A_67 = arith.constant 0 : i32
      %dma_wait3A_68 = tpu.memref_slice %arg4[%add3A_39, %dma_wait3A_67] : memref<256x4096xi32, #tpu.memory_space<hbm>> -> memref<1x4096xi32, #tpu.memory_space<hbm>>
      %dma_wait3A_69 = tpu.memref_squeeze %dma_wait3A_68 : memref<1x4096xi32, #tpu.memory_space<hbm>> -> memref<4096xi32, #tpu.memory_space<hbm>>
      %dma_wait3A_70 = arith.constant 16384 : i32
      %dma_wait3A_71 = tpu.memref_slice %arg7[%dma_wait3A_70] : memref<32768xi32, #tpu.memory_space<vmem>> -> memref<4096xi32, #tpu.memory_space<vmem>>
      tpu.wait_dma2 semaphore(%run_scoped3A_52 : memref<!tpu.dma_semaphore, #tpu.memory_space<semaphore_mem>>) src(%dma_wait3A_71 : memref<4096xi32, #tpu.memory_space<vmem>>) dst(%dma_wait3A_69 : memref<4096xi32, #tpu.memory_space<hbm>>)
      tpu.yield
    }) : () -> ()
    %mul3A_40 = arith.constant 8 : i32
    %mul3A_41 = arith.muli %add3A, %mul3A_40 : i32
    %add3A_42 = arith.constant 5 : i32
    %add3A_43 = arith.addi %mul3A_41, %add3A_42 : i32
    "tpu.region"() ({
      %run_scoped3A_52 = tpu.sem_alloc : memref<!tpu.dma_semaphore, #tpu.memory_space<semaphore_mem>>
      %dma_start3A_53 = arith.constant 20480 : i32
      %dma_start3A_54 = tpu.memref_slice %arg7[%dma_start3A_53] : memref<32768xi32, #tpu.memory_space<vmem>> -> memref<4096xi32, #tpu.memory_space<vmem>>
      %dma_start3A_55 = arith.constant 0 : i32
      %dma_start3A_56 = tpu.memref_slice %arg4[%add3A_43, %dma_start3A_55] : memref<256x4096xi32, #tpu.memory_space<hbm>> -> memref<1x4096xi32, #tpu.memory_space<hbm>>
      %dma_start3A_57 = tpu.memref_squeeze %dma_start3A_56 : memref<1x4096xi32, #tpu.memory_space<hbm>> -> memref<4096xi32, #tpu.memory_space<hbm>>
      %dma_start3A_58 = arith.constant 0 : i32
      %dma_start3A_59 = tpu.memref_slice %arg4[%add3A_43, %dma_start3A_58] : memref<256x4096xi32, #tpu.memory_space<hbm>> -> memref<1x4096xi32, #tpu.memory_space<hbm>>
      %dma_start3A_60 = tpu.memref_squeeze %dma_start3A_59 : memref<1x4096xi32, #tpu.memory_space<hbm>> -> memref<4096xi32, #tpu.memory_space<hbm>>
      %dma_start3A_61 = arith.constant 20480 : i32
      %dma_start3A_62 = tpu.memref_slice %arg7[%dma_start3A_61] : memref<32768xi32, #tpu.memory_space<vmem>> -> memref<4096xi32, #tpu.memory_space<vmem>>
      tpu.enqueue_dma source(%dma_start3A_62 : memref<4096xi32, #tpu.memory_space<vmem>>) target(%dma_start3A_60 : memref<4096xi32, #tpu.memory_space<hbm>>) target_semaphore(%run_scoped3A_52 : memref<!tpu.dma_semaphore, #tpu.memory_space<semaphore_mem>>)
      %dma_wait3A = arith.constant 20480 : i32
      %dma_wait3A_63 = tpu.memref_slice %arg7[%dma_wait3A] : memref<32768xi32, #tpu.memory_space<vmem>> -> memref<4096xi32, #tpu.memory_space<vmem>>
      %dma_wait3A_64 = arith.constant 0 : i32
      %dma_wait3A_65 = tpu.memref_slice %arg4[%add3A_43, %dma_wait3A_64] : memref<256x4096xi32, #tpu.memory_space<hbm>> -> memref<1x4096xi32, #tpu.memory_space<hbm>>
      %dma_wait3A_66 = tpu.memref_squeeze %dma_wait3A_65 : memref<1x4096xi32, #tpu.memory_space<hbm>> -> memref<4096xi32, #tpu.memory_space<hbm>>
      %dma_wait3A_67 = arith.constant 0 : i32
      %dma_wait3A_68 = tpu.memref_slice %arg4[%add3A_43, %dma_wait3A_67] : memref<256x4096xi32, #tpu.memory_space<hbm>> -> memref<1x4096xi32, #tpu.memory_space<hbm>>
      %dma_wait3A_69 = tpu.memref_squeeze %dma_wait3A_68 : memref<1x4096xi32, #tpu.memory_space<hbm>> -> memref<4096xi32, #tpu.memory_space<hbm>>
      %dma_wait3A_70 = arith.constant 20480 : i32
      %dma_wait3A_71 = tpu.memref_slice %arg7[%dma_wait3A_70] : memref<32768xi32, #tpu.memory_space<vmem>> -> memref<4096xi32, #tpu.memory_space<vmem>>
      tpu.wait_dma2 semaphore(%run_scoped3A_52 : memref<!tpu.dma_semaphore, #tpu.memory_space<semaphore_mem>>) src(%dma_wait3A_71 : memref<4096xi32, #tpu.memory_space<vmem>>) dst(%dma_wait3A_69 : memref<4096xi32, #tpu.memory_space<hbm>>)
      tpu.yield
    }) : () -> ()
    %mul3A_44 = arith.constant 8 : i32
    %mul3A_45 = arith.muli %add3A, %mul3A_44 : i32
    %add3A_46 = arith.constant 6 : i32
    %add3A_47 = arith.addi %mul3A_45, %add3A_46 : i32
    "tpu.region"() ({
      %run_scoped3A_52 = tpu.sem_alloc : memref<!tpu.dma_semaphore, #tpu.memory_space<semaphore_mem>>
      %dma_start3A_53 = arith.constant 24576 : i32
      %dma_start3A_54 = tpu.memref_slice %arg7[%dma_start3A_53] : memref<32768xi32, #tpu.memory_space<vmem>> -> memref<4096xi32, #tpu.memory_space<vmem>>
      %dma_start3A_55 = arith.constant 0 : i32
      %dma_start3A_56 = tpu.memref_slice %arg4[%add3A_47, %dma_start3A_55] : memref<256x4096xi32, #tpu.memory_space<hbm>> -> memref<1x4096xi32, #tpu.memory_space<hbm>>
      %dma_start3A_57 = tpu.memref_squeeze %dma_start3A_56 : memref<1x4096xi32, #tpu.memory_space<hbm>> -> memref<4096xi32, #tpu.memory_space<hbm>>
      %dma_start3A_58 = arith.constant 0 : i32
      %dma_start3A_59 = tpu.memref_slice %arg4[%add3A_47, %dma_start3A_58] : memref<256x4096xi32, #tpu.memory_space<hbm>> -> memref<1x4096xi32, #tpu.memory_space<hbm>>
      %dma_start3A_60 = tpu.memref_squeeze %dma_start3A_59 : memref<1x4096xi32, #tpu.memory_space<hbm>> -> memref<4096xi32, #tpu.memory_space<hbm>>
      %dma_start3A_61 = arith.constant 24576 : i32
      %dma_start3A_62 = tpu.memref_slice %arg7[%dma_start3A_61] : memref<32768xi32, #tpu.memory_space<vmem>> -> memref<4096xi32, #tpu.memory_space<vmem>>
      tpu.enqueue_dma source(%dma_start3A_62 : memref<4096xi32, #tpu.memory_space<vmem>>) target(%dma_start3A_60 : memref<4096xi32, #tpu.memory_space<hbm>>) target_semaphore(%run_scoped3A_52 : memref<!tpu.dma_semaphore, #tpu.memory_space<semaphore_mem>>)
      %dma_wait3A = arith.constant 24576 : i32
      %dma_wait3A_63 = tpu.memref_slice %arg7[%dma_wait3A] : memref<32768xi32, #tpu.memory_space<vmem>> -> memref<4096xi32, #tpu.memory_space<vmem>>
      %dma_wait3A_64 = arith.constant 0 : i32
      %dma_wait3A_65 = tpu.memref_slice %arg4[%add3A_47, %dma_wait3A_64] : memref<256x4096xi32, #tpu.memory_space<hbm>> -> memref<1x4096xi32, #tpu.memory_space<hbm>>
      %dma_wait3A_66 = tpu.memref_squeeze %dma_wait3A_65 : memref<1x4096xi32, #tpu.memory_space<hbm>> -> memref<4096xi32, #tpu.memory_space<hbm>>
      %dma_wait3A_67 = arith.constant 0 : i32
      %dma_wait3A_68 = tpu.memref_slice %arg4[%add3A_47, %dma_wait3A_67] : memref<256x4096xi32, #tpu.memory_space<hbm>> -> memref<1x4096xi32, #tpu.memory_space<hbm>>
      %dma_wait3A_69 = tpu.memref_squeeze %dma_wait3A_68 : memref<1x4096xi32, #tpu.memory_space<hbm>> -> memref<4096xi32, #tpu.memory_space<hbm>>
      %dma_wait3A_70 = arith.constant 24576 : i32
      %dma_wait3A_71 = tpu.memref_slice %arg7[%dma_wait3A_70] : memref<32768xi32, #tpu.memory_space<vmem>> -> memref<4096xi32, #tpu.memory_space<vmem>>
      tpu.wait_dma2 semaphore(%run_scoped3A_52 : memref<!tpu.dma_semaphore, #tpu.memory_space<semaphore_mem>>) src(%dma_wait3A_71 : memref<4096xi32, #tpu.memory_space<vmem>>) dst(%dma_wait3A_69 : memref<4096xi32, #tpu.memory_space<hbm>>)
      tpu.yield
    }) : () -> ()
    %mul3A_48 = arith.constant 8 : i32
    %mul3A_49 = arith.muli %add3A, %mul3A_48 : i32
    %add3A_50 = arith.constant 7 : i32
    %add3A_51 = arith.addi %mul3A_49, %add3A_50 : i32
    "tpu.region"() ({
      %run_scoped3A_52 = tpu.sem_alloc : memref<!tpu.dma_semaphore, #tpu.memory_space<semaphore_mem>>
      %dma_start3A_53 = arith.constant 28672 : i32
      %dma_start3A_54 = tpu.memref_slice %arg7[%dma_start3A_53] : memref<32768xi32, #tpu.memory_space<vmem>> -> memref<4096xi32, #tpu.memory_space<vmem>>
      %dma_start3A_55 = arith.constant 0 : i32
      %dma_start3A_56 = tpu.memref_slice %arg4[%add3A_51, %dma_start3A_55] : memref<256x4096xi32, #tpu.memory_space<hbm>> -> memref<1x4096xi32, #tpu.memory_space<hbm>>
      %dma_start3A_57 = tpu.memref_squeeze %dma_start3A_56 : memref<1x4096xi32, #tpu.memory_space<hbm>> -> memref<4096xi32, #tpu.memory_space<hbm>>
      %dma_start3A_58 = arith.constant 0 : i32
      %dma_start3A_59 = tpu.memref_slice %arg4[%add3A_51, %dma_start3A_58] : memref<256x4096xi32, #tpu.memory_space<hbm>> -> memref<1x4096xi32, #tpu.memory_space<hbm>>
      %dma_start3A_60 = tpu.memref_squeeze %dma_start3A_59 : memref<1x4096xi32, #tpu.memory_space<hbm>> -> memref<4096xi32, #tpu.memory_space<hbm>>
      %dma_start3A_61 = arith.constant 28672 : i32
      %dma_start3A_62 = tpu.memref_slice %arg7[%dma_start3A_61] : memref<32768xi32, #tpu.memory_space<vmem>> -> memref<4096xi32, #tpu.memory_space<vmem>>
      tpu.enqueue_dma source(%dma_start3A_62 : memref<4096xi32, #tpu.memory_space<vmem>>) target(%dma_start3A_60 : memref<4096xi32, #tpu.memory_space<hbm>>) target_semaphore(%run_scoped3A_52 : memref<!tpu.dma_semaphore, #tpu.memory_space<semaphore_mem>>)
      %dma_wait3A = arith.constant 28672 : i32
      %dma_wait3A_63 = tpu.memref_slice %arg7[%dma_wait3A] : memref<32768xi32, #tpu.memory_space<vmem>> -> memref<4096xi32, #tpu.memory_space<vmem>>
      %dma_wait3A_64 = arith.constant 0 : i32
      %dma_wait3A_65 = tpu.memref_slice %arg4[%add3A_51, %dma_wait3A_64] : memref<256x4096xi32, #tpu.memory_space<hbm>> -> memref<1x4096xi32, #tpu.memory_space<hbm>>
      %dma_wait3A_66 = tpu.memref_squeeze %dma_wait3A_65 : memref<1x4096xi32, #tpu.memory_space<hbm>> -> memref<4096xi32, #tpu.memory_space<hbm>>
      %dma_wait3A_67 = arith.constant 0 : i32
      %dma_wait3A_68 = tpu.memref_slice %arg4[%add3A_51, %dma_wait3A_67] : memref<256x4096xi32, #tpu.memory_space<hbm>> -> memref<1x4096xi32, #tpu.memory_space<hbm>>
      %dma_wait3A_69 = tpu.memref_squeeze %dma_wait3A_68 : memref<1x4096xi32, #tpu.memory_space<hbm>> -> memref<4096xi32, #tpu.memory_space<hbm>>
      %dma_wait3A_70 = arith.constant 28672 : i32
      %dma_wait3A_71 = tpu.memref_slice %arg7[%dma_wait3A_70] : memref<32768xi32, #tpu.memory_space<vmem>> -> memref<4096xi32, #tpu.memory_space<vmem>>
      tpu.wait_dma2 semaphore(%run_scoped3A_52 : memref<!tpu.dma_semaphore, #tpu.memory_space<semaphore_mem>>) src(%dma_wait3A_71 : memref<4096xi32, #tpu.memory_space<vmem>>) dst(%dma_wait3A_69 : memref<4096xi32, #tpu.memory_space<hbm>>)
      tpu.yield
    }) : () -> ()
    return
  }
}

module attributes {stable_mosaic.version = 14 : i64} {
  func.func @_r1_body(%arg0: memref<256x4096xi32, #tpu.memory_space<vmem>>, %arg1: memref<8x128xi32, #tpu.memory_space<vmem>>) attributes {dimension_semantics = [], scalar_prefetch = 0 : i64, scratch_operands = 0 : i64, tpu.core_type = #tpu.core_type<tc>} {
    %get3A = arith.constant 0 : index
    %get3A_0 = arith.constant 0 : index
    %get3A_1 = vector.load %arg0[%get3A, %get3A_0] : memref<256x4096xi32, #tpu.memory_space<vmem>>, vector<256x4096xi32>
    %reshape3A = vector.shape_cast %get3A_1 : vector<256x4096xi32> to vector<32x8x4096xi32>
    %reduce_sum3A = arith.constant dense<0> : vector<8x4096xi32>
    %reduce_sum3A_2 = vector.multi_reduction <add>, %reshape3A, %reduce_sum3A [0] : vector<32x8x4096xi32> to vector<8x4096xi32>
    %iota3A = tpu.iota {dimensions = array<i32: 0>} : vector<8x4096xi32>
    %iota3A_3 = tpu.iota {dimensions = array<i32: 1>} : vector<8x4096xi32>
    %mul3A = arith.constant 4096 : i32
    %mul3A_4 = vector.broadcast %mul3A : i32 to vector<8x4096xi32>
    %mul3A_5 = arith.muli %iota3A, %mul3A_4 : vector<8x4096xi32>
    %add3A = arith.addi %mul3A_5, %iota3A_3 : vector<8x4096xi32>
    %shift_right_logical3A = arith.constant 4 : i32
    %shift_right_logical3A_6 = vector.broadcast %shift_right_logical3A : i32 to vector<8x4096xi32>
    %shift_right_logical3A_7 = arith.shrui %add3A, %shift_right_logical3A_6 : vector<8x4096xi32>
    %add3A_8 = arith.constant 0 : i32
    %add3A_9 = arith.constant 1024 : i32
    %add3A_10 = arith.addi %add3A_8, %add3A_9 : i32
    %ge3A = vector.broadcast %add3A_10 : i32 to vector<8x4096xi32>
    %ge3A_11 = arith.cmpi sge, %shift_right_logical3A_7, %ge3A : vector<8x4096xi32>
    %jit3A = arith.constant 0 : i32
    %broadcast_in_dim3A = vector.broadcast %jit3A : i32 to vector<8x4096xi32>
    %select_n3A = arith.select %ge3A_11, %reduce_sum3A_2, %broadcast_in_dim3A : vector<8x4096xi1>, vector<8x4096xi32>
    %reduce_sum3A_12 = vector.shape_cast %select_n3A : vector<8x4096xi32> to vector<1x8x4096xi32>
    %reduce_sum3A_13 = arith.constant dense<0> : vector<1xi32>
    %reduce_sum3A_14 = vector.multi_reduction <add>, %reduce_sum3A_12, %reduce_sum3A_13 [1, 2] : vector<1x8x4096xi32> to vector<1xi32>
    %reduce_sum3A_15 = vector.shape_cast %reduce_sum3A_14 : vector<1xi32> to vector<1x1x1xi32>
    %reduce_sum3A_16 = vector.extract %reduce_sum3A_15[0, 0, 0] : i32 from vector<1x1x1xi32>
    %ge3A_17 = arith.constant 167772 : i32
    %ge3A_18 = arith.cmpi sge, %reduce_sum3A_16, %ge3A_17 : i32
    %jit3A_19 = arith.constant 0 : i32
    %select_n3A_20 = arith.select %ge3A_18, %add3A_10, %jit3A_19 : i32
    %add3A_21 = arith.constant 512 : i32
    %add3A_22 = arith.addi %select_n3A_20, %add3A_21 : i32
    %ge3A_23 = vector.broadcast %add3A_22 : i32 to vector<8x4096xi32>
    %ge3A_24 = arith.cmpi sge, %shift_right_logical3A_7, %ge3A_23 : vector<8x4096xi32>
    %jit3A_25 = arith.constant 0 : i32
    %broadcast_in_dim3A_26 = vector.broadcast %jit3A_25 : i32 to vector<8x4096xi32>
    %select_n3A_27 = arith.select %ge3A_24, %reduce_sum3A_2, %broadcast_in_dim3A_26 : vector<8x4096xi1>, vector<8x4096xi32>
    %reduce_sum3A_28 = vector.shape_cast %select_n3A_27 : vector<8x4096xi32> to vector<1x8x4096xi32>
    %reduce_sum3A_29 = arith.constant dense<0> : vector<1xi32>
    %reduce_sum3A_30 = vector.multi_reduction <add>, %reduce_sum3A_28, %reduce_sum3A_29 [1, 2] : vector<1x8x4096xi32> to vector<1xi32>
    %reduce_sum3A_31 = vector.shape_cast %reduce_sum3A_30 : vector<1xi32> to vector<1x1x1xi32>
    %reduce_sum3A_32 = vector.extract %reduce_sum3A_31[0, 0, 0] : i32 from vector<1x1x1xi32>
    %ge3A_33 = arith.constant 167772 : i32
    %ge3A_34 = arith.cmpi sge, %reduce_sum3A_32, %ge3A_33 : i32
    %select_n3A_35 = arith.select %ge3A_34, %add3A_22, %select_n3A_20 : i32
    %add3A_36 = arith.constant 256 : i32
    %add3A_37 = arith.addi %select_n3A_35, %add3A_36 : i32
    %ge3A_38 = vector.broadcast %add3A_37 : i32 to vector<8x4096xi32>
    %ge3A_39 = arith.cmpi sge, %shift_right_logical3A_7, %ge3A_38 : vector<8x4096xi32>
    %jit3A_40 = arith.constant 0 : i32
    %broadcast_in_dim3A_41 = vector.broadcast %jit3A_40 : i32 to vector<8x4096xi32>
    %select_n3A_42 = arith.select %ge3A_39, %reduce_sum3A_2, %broadcast_in_dim3A_41 : vector<8x4096xi1>, vector<8x4096xi32>
    %reduce_sum3A_43 = vector.shape_cast %select_n3A_42 : vector<8x4096xi32> to vector<1x8x4096xi32>
    %reduce_sum3A_44 = arith.constant dense<0> : vector<1xi32>
    %reduce_sum3A_45 = vector.multi_reduction <add>, %reduce_sum3A_43, %reduce_sum3A_44 [1, 2] : vector<1x8x4096xi32> to vector<1xi32>
    %reduce_sum3A_46 = vector.shape_cast %reduce_sum3A_45 : vector<1xi32> to vector<1x1x1xi32>
    %reduce_sum3A_47 = vector.extract %reduce_sum3A_46[0, 0, 0] : i32 from vector<1x1x1xi32>
    %ge3A_48 = arith.constant 167772 : i32
    %ge3A_49 = arith.cmpi sge, %reduce_sum3A_47, %ge3A_48 : i32
    %select_n3A_50 = arith.select %ge3A_49, %add3A_37, %select_n3A_35 : i32
    %add3A_51 = arith.constant 128 : i32
    %add3A_52 = arith.addi %select_n3A_50, %add3A_51 : i32
    %ge3A_53 = vector.broadcast %add3A_52 : i32 to vector<8x4096xi32>
    %ge3A_54 = arith.cmpi sge, %shift_right_logical3A_7, %ge3A_53 : vector<8x4096xi32>
    %jit3A_55 = arith.constant 0 : i32
    %broadcast_in_dim3A_56 = vector.broadcast %jit3A_55 : i32 to vector<8x4096xi32>
    %select_n3A_57 = arith.select %ge3A_54, %reduce_sum3A_2, %broadcast_in_dim3A_56 : vector<8x4096xi1>, vector<8x4096xi32>
    %reduce_sum3A_58 = vector.shape_cast %select_n3A_57 : vector<8x4096xi32> to vector<1x8x4096xi32>
    %reduce_sum3A_59 = arith.constant dense<0> : vector<1xi32>
    %reduce_sum3A_60 = vector.multi_reduction <add>, %reduce_sum3A_58, %reduce_sum3A_59 [1, 2] : vector<1x8x4096xi32> to vector<1xi32>
    %reduce_sum3A_61 = vector.shape_cast %reduce_sum3A_60 : vector<1xi32> to vector<1x1x1xi32>
    %reduce_sum3A_62 = vector.extract %reduce_sum3A_61[0, 0, 0] : i32 from vector<1x1x1xi32>
    %ge3A_63 = arith.constant 167772 : i32
    %ge3A_64 = arith.cmpi sge, %reduce_sum3A_62, %ge3A_63 : i32
    %select_n3A_65 = arith.select %ge3A_64, %add3A_52, %select_n3A_50 : i32
    %add3A_66 = arith.constant 64 : i32
    %add3A_67 = arith.addi %select_n3A_65, %add3A_66 : i32
    %ge3A_68 = vector.broadcast %add3A_67 : i32 to vector<8x4096xi32>
    %ge3A_69 = arith.cmpi sge, %shift_right_logical3A_7, %ge3A_68 : vector<8x4096xi32>
    %jit3A_70 = arith.constant 0 : i32
    %broadcast_in_dim3A_71 = vector.broadcast %jit3A_70 : i32 to vector<8x4096xi32>
    %select_n3A_72 = arith.select %ge3A_69, %reduce_sum3A_2, %broadcast_in_dim3A_71 : vector<8x4096xi1>, vector<8x4096xi32>
    %reduce_sum3A_73 = vector.shape_cast %select_n3A_72 : vector<8x4096xi32> to vector<1x8x4096xi32>
    %reduce_sum3A_74 = arith.constant dense<0> : vector<1xi32>
    %reduce_sum3A_75 = vector.multi_reduction <add>, %reduce_sum3A_73, %reduce_sum3A_74 [1, 2] : vector<1x8x4096xi32> to vector<1xi32>
    %reduce_sum3A_76 = vector.shape_cast %reduce_sum3A_75 : vector<1xi32> to vector<1x1x1xi32>
    %reduce_sum3A_77 = vector.extract %reduce_sum3A_76[0, 0, 0] : i32 from vector<1x1x1xi32>
    %ge3A_78 = arith.constant 167772 : i32
    %ge3A_79 = arith.cmpi sge, %reduce_sum3A_77, %ge3A_78 : i32
    %select_n3A_80 = arith.select %ge3A_79, %add3A_67, %select_n3A_65 : i32
    %add3A_81 = arith.constant 32 : i32
    %add3A_82 = arith.addi %select_n3A_80, %add3A_81 : i32
    %ge3A_83 = vector.broadcast %add3A_82 : i32 to vector<8x4096xi32>
    %ge3A_84 = arith.cmpi sge, %shift_right_logical3A_7, %ge3A_83 : vector<8x4096xi32>
    %jit3A_85 = arith.constant 0 : i32
    %broadcast_in_dim3A_86 = vector.broadcast %jit3A_85 : i32 to vector<8x4096xi32>
    %select_n3A_87 = arith.select %ge3A_84, %reduce_sum3A_2, %broadcast_in_dim3A_86 : vector<8x4096xi1>, vector<8x4096xi32>
    %reduce_sum3A_88 = vector.shape_cast %select_n3A_87 : vector<8x4096xi32> to vector<1x8x4096xi32>
    %reduce_sum3A_89 = arith.constant dense<0> : vector<1xi32>
    %reduce_sum3A_90 = vector.multi_reduction <add>, %reduce_sum3A_88, %reduce_sum3A_89 [1, 2] : vector<1x8x4096xi32> to vector<1xi32>
    %reduce_sum3A_91 = vector.shape_cast %reduce_sum3A_90 : vector<1xi32> to vector<1x1x1xi32>
    %reduce_sum3A_92 = vector.extract %reduce_sum3A_91[0, 0, 0] : i32 from vector<1x1x1xi32>
    %ge3A_93 = arith.constant 167772 : i32
    %ge3A_94 = arith.cmpi sge, %reduce_sum3A_92, %ge3A_93 : i32
    %select_n3A_95 = arith.select %ge3A_94, %add3A_82, %select_n3A_80 : i32
    %add3A_96 = arith.constant 16 : i32
    %add3A_97 = arith.addi %select_n3A_95, %add3A_96 : i32
    %ge3A_98 = vector.broadcast %add3A_97 : i32 to vector<8x4096xi32>
    %ge3A_99 = arith.cmpi sge, %shift_right_logical3A_7, %ge3A_98 : vector<8x4096xi32>
    %jit3A_100 = arith.constant 0 : i32
    %broadcast_in_dim3A_101 = vector.broadcast %jit3A_100 : i32 to vector<8x4096xi32>
    %select_n3A_102 = arith.select %ge3A_99, %reduce_sum3A_2, %broadcast_in_dim3A_101 : vector<8x4096xi1>, vector<8x4096xi32>
    %reduce_sum3A_103 = vector.shape_cast %select_n3A_102 : vector<8x4096xi32> to vector<1x8x4096xi32>
    %reduce_sum3A_104 = arith.constant dense<0> : vector<1xi32>
    %reduce_sum3A_105 = vector.multi_reduction <add>, %reduce_sum3A_103, %reduce_sum3A_104 [1, 2] : vector<1x8x4096xi32> to vector<1xi32>
    %reduce_sum3A_106 = vector.shape_cast %reduce_sum3A_105 : vector<1xi32> to vector<1x1x1xi32>
    %reduce_sum3A_107 = vector.extract %reduce_sum3A_106[0, 0, 0] : i32 from vector<1x1x1xi32>
    %ge3A_108 = arith.constant 167772 : i32
    %ge3A_109 = arith.cmpi sge, %reduce_sum3A_107, %ge3A_108 : i32
    %select_n3A_110 = arith.select %ge3A_109, %add3A_97, %select_n3A_95 : i32
    %add3A_111 = arith.constant 8 : i32
    %add3A_112 = arith.addi %select_n3A_110, %add3A_111 : i32
    %ge3A_113 = vector.broadcast %add3A_112 : i32 to vector<8x4096xi32>
    %ge3A_114 = arith.cmpi sge, %shift_right_logical3A_7, %ge3A_113 : vector<8x4096xi32>
    %jit3A_115 = arith.constant 0 : i32
    %broadcast_in_dim3A_116 = vector.broadcast %jit3A_115 : i32 to vector<8x4096xi32>
    %select_n3A_117 = arith.select %ge3A_114, %reduce_sum3A_2, %broadcast_in_dim3A_116 : vector<8x4096xi1>, vector<8x4096xi32>
    %reduce_sum3A_118 = vector.shape_cast %select_n3A_117 : vector<8x4096xi32> to vector<1x8x4096xi32>
    %reduce_sum3A_119 = arith.constant dense<0> : vector<1xi32>
    %reduce_sum3A_120 = vector.multi_reduction <add>, %reduce_sum3A_118, %reduce_sum3A_119 [1, 2] : vector<1x8x4096xi32> to vector<1xi32>
    %reduce_sum3A_121 = vector.shape_cast %reduce_sum3A_120 : vector<1xi32> to vector<1x1x1xi32>
    %reduce_sum3A_122 = vector.extract %reduce_sum3A_121[0, 0, 0] : i32 from vector<1x1x1xi32>
    %ge3A_123 = arith.constant 167772 : i32
    %ge3A_124 = arith.cmpi sge, %reduce_sum3A_122, %ge3A_123 : i32
    %select_n3A_125 = arith.select %ge3A_124, %add3A_112, %select_n3A_110 : i32
    %add3A_126 = arith.constant 4 : i32
    %add3A_127 = arith.addi %select_n3A_125, %add3A_126 : i32
    %ge3A_128 = vector.broadcast %add3A_127 : i32 to vector<8x4096xi32>
    %ge3A_129 = arith.cmpi sge, %shift_right_logical3A_7, %ge3A_128 : vector<8x4096xi32>
    %jit3A_130 = arith.constant 0 : i32
    %broadcast_in_dim3A_131 = vector.broadcast %jit3A_130 : i32 to vector<8x4096xi32>
    %select_n3A_132 = arith.select %ge3A_129, %reduce_sum3A_2, %broadcast_in_dim3A_131 : vector<8x4096xi1>, vector<8x4096xi32>
    %reduce_sum3A_133 = vector.shape_cast %select_n3A_132 : vector<8x4096xi32> to vector<1x8x4096xi32>
    %reduce_sum3A_134 = arith.constant dense<0> : vector<1xi32>
    %reduce_sum3A_135 = vector.multi_reduction <add>, %reduce_sum3A_133, %reduce_sum3A_134 [1, 2] : vector<1x8x4096xi32> to vector<1xi32>
    %reduce_sum3A_136 = vector.shape_cast %reduce_sum3A_135 : vector<1xi32> to vector<1x1x1xi32>
    %reduce_sum3A_137 = vector.extract %reduce_sum3A_136[0, 0, 0] : i32 from vector<1x1x1xi32>
    %ge3A_138 = arith.constant 167772 : i32
    %ge3A_139 = arith.cmpi sge, %reduce_sum3A_137, %ge3A_138 : i32
    %select_n3A_140 = arith.select %ge3A_139, %add3A_127, %select_n3A_125 : i32
    %add3A_141 = arith.constant 2 : i32
    %add3A_142 = arith.addi %select_n3A_140, %add3A_141 : i32
    %ge3A_143 = vector.broadcast %add3A_142 : i32 to vector<8x4096xi32>
    %ge3A_144 = arith.cmpi sge, %shift_right_logical3A_7, %ge3A_143 : vector<8x4096xi32>
    %jit3A_145 = arith.constant 0 : i32
    %broadcast_in_dim3A_146 = vector.broadcast %jit3A_145 : i32 to vector<8x4096xi32>
    %select_n3A_147 = arith.select %ge3A_144, %reduce_sum3A_2, %broadcast_in_dim3A_146 : vector<8x4096xi1>, vector<8x4096xi32>
    %reduce_sum3A_148 = vector.shape_cast %select_n3A_147 : vector<8x4096xi32> to vector<1x8x4096xi32>
    %reduce_sum3A_149 = arith.constant dense<0> : vector<1xi32>
    %reduce_sum3A_150 = vector.multi_reduction <add>, %reduce_sum3A_148, %reduce_sum3A_149 [1, 2] : vector<1x8x4096xi32> to vector<1xi32>
    %reduce_sum3A_151 = vector.shape_cast %reduce_sum3A_150 : vector<1xi32> to vector<1x1x1xi32>
    %reduce_sum3A_152 = vector.extract %reduce_sum3A_151[0, 0, 0] : i32 from vector<1x1x1xi32>
    %ge3A_153 = arith.constant 167772 : i32
    %ge3A_154 = arith.cmpi sge, %reduce_sum3A_152, %ge3A_153 : i32
    %select_n3A_155 = arith.select %ge3A_154, %add3A_142, %select_n3A_140 : i32
    %add3A_156 = arith.constant 1 : i32
    %add3A_157 = arith.addi %select_n3A_155, %add3A_156 : i32
    %ge3A_158 = vector.broadcast %add3A_157 : i32 to vector<8x4096xi32>
    %ge3A_159 = arith.cmpi sge, %shift_right_logical3A_7, %ge3A_158 : vector<8x4096xi32>
    %jit3A_160 = arith.constant 0 : i32
    %broadcast_in_dim3A_161 = vector.broadcast %jit3A_160 : i32 to vector<8x4096xi32>
    %select_n3A_162 = arith.select %ge3A_159, %reduce_sum3A_2, %broadcast_in_dim3A_161 : vector<8x4096xi1>, vector<8x4096xi32>
    %reduce_sum3A_163 = vector.shape_cast %select_n3A_162 : vector<8x4096xi32> to vector<1x8x4096xi32>
    %reduce_sum3A_164 = arith.constant dense<0> : vector<1xi32>
    %reduce_sum3A_165 = vector.multi_reduction <add>, %reduce_sum3A_163, %reduce_sum3A_164 [1, 2] : vector<1x8x4096xi32> to vector<1xi32>
    %reduce_sum3A_166 = vector.shape_cast %reduce_sum3A_165 : vector<1xi32> to vector<1x1x1xi32>
    %reduce_sum3A_167 = vector.extract %reduce_sum3A_166[0, 0, 0] : i32 from vector<1x1x1xi32>
    %ge3A_168 = arith.constant 167772 : i32
    %ge3A_169 = arith.cmpi sge, %reduce_sum3A_167, %ge3A_168 : i32
    %select_n3A_170 = arith.select %ge3A_169, %add3A_157, %select_n3A_155 : i32
    %gt3A = vector.broadcast %select_n3A_170 : i32 to vector<8x4096xi32>
    %gt3A_171 = arith.cmpi sgt, %shift_right_logical3A_7, %gt3A : vector<8x4096xi32>
    %jit3A_172 = arith.constant 0 : i32
    %broadcast_in_dim3A_173 = vector.broadcast %jit3A_172 : i32 to vector<8x4096xi32>
    %select_n3A_174 = arith.select %gt3A_171, %reduce_sum3A_2, %broadcast_in_dim3A_173 : vector<8x4096xi1>, vector<8x4096xi32>
    %reduce_sum3A_175 = vector.shape_cast %select_n3A_174 : vector<8x4096xi32> to vector<1x8x4096xi32>
    %reduce_sum3A_176 = arith.constant dense<0> : vector<1xi32>
    %reduce_sum3A_177 = vector.multi_reduction <add>, %reduce_sum3A_175, %reduce_sum3A_176 [1, 2] : vector<1x8x4096xi32> to vector<1xi32>
    %reduce_sum3A_178 = vector.shape_cast %reduce_sum3A_177 : vector<1xi32> to vector<1x1x1xi32>
    %reduce_sum3A_179 = vector.extract %reduce_sum3A_178[0, 0, 0] : i32 from vector<1x1x1xi32>
    %sub3A = arith.constant 167772 : i32
    %sub3A_180 = arith.subi %sub3A, %reduce_sum3A_179 : i32
    %iota3A_181 = tpu.iota {dimensions = array<i32: 0>} : vector<8x128xi32>
    %eq3A = arith.constant 0 : i32
    %eq3A_182 = vector.broadcast %eq3A : i32 to vector<8x128xi32>
    %eq3A_183 = arith.cmpi eq, %iota3A_181, %eq3A_182 : vector<8x128xi32>
    %broadcast_in_dim3A_184 = vector.broadcast %select_n3A_170 : i32 to vector<8x128xi32>
    %broadcast_in_dim3A_185 = vector.broadcast %sub3A_180 : i32 to vector<8x128xi32>
    %select_n3A_186 = arith.select %eq3A_183, %broadcast_in_dim3A_184, %broadcast_in_dim3A_185 : vector<8x128xi1>, vector<8x128xi32>
    %swap3A = arith.constant 0 : index
    %swap3A_187 = arith.constant 0 : index
    %swap3A_188 = vector.load %arg1[%swap3A, %swap3A_187] : memref<8x128xi32, #tpu.memory_space<vmem>>, vector<8x128xi32>
    tpu.vector_store %arg1[%swap3A, %swap3A_187], %select_n3A_186 {strides = array<i32>} : memref<8x128xi32, #tpu.memory_space<vmem>>, vector<8x128xi32>,
    return
  }
}

module attributes {stable_mosaic.version = 14 : i64} {
  func.func @_v_body(%arg0: i32, %arg1: memref<512x64xf32, #tpu.memory_space<vmem>>, %arg2: memref<4096x64xf32, #tpu.memory_space<vmem>>, %arg3: memref<512x4096xf32, #tpu.memory_space<vmem>>) attributes {dimension_semantics = [#tpu.dimension_semantics<arbitrary>], iteration_bounds = array<i64: 8>, scalar_prefetch = 0 : i64, scratch_operands = 0 : i64, tpu.core_type = #tpu.core_type<tc>, window_params = [{transform_indices = @transform_0, window_bounds = array<i64: 512, 64>}, {pipeline_mode = #tpu.pipeline_mode<synchronous>, transform_indices = @transform_1, window_bounds = array<i64: 4096, 64>}, {transform_indices = @transform_2, window_bounds = array<i64: 512, 4096>}]} {
    %get3A = arith.constant 0 : index
    %get3A_0 = arith.constant 0 : index
    %get3A_1 = vector.load %arg1[%get3A, %get3A_0] : memref<512x64xf32, #tpu.memory_space<vmem>>, vector<512x64xf32>
    %get3A_2 = arith.constant 0 : index
    %get3A_3 = arith.constant 0 : index
    %get3A_4 = vector.load %arg2[%get3A_2, %get3A_3] : memref<4096x64xf32, #tpu.memory_space<vmem>>, vector<4096x64xf32>
    %dot_general3A = arith.constant dense<0.000000e+00> : vector<512x4096xf32>
    %dot_general3A_5 = tpu.matmul %get3A_1, %get3A_4, %dot_general3A {dimension_numbers = #tpu.dot_dimension_numbers<[1], [1], [0], [0], [0, 0, 1, 0], [], []>, transpose_lhs_hint = false} : vector<512x64xf32>, vector<4096x64xf32>, vector<512x4096xf32> -> vector<512x4096xf32>
    %max3A = arith.constant 0.000000e+00 : f32
    %max3A_6 = vector.broadcast %max3A : f32 to vector<512x4096xf32>
    %max3A_7 = arith.maximumf %dot_general3A_5, %max3A_6 : vector<512x4096xf32>
    %swap3A = arith.constant 0 : index
    %swap3A_8 = arith.constant 0 : index
    %swap3A_9 = vector.load %arg3[%swap3A, %swap3A_8] : memref<512x4096xf32, #tpu.memory_space<vmem>>, vector<512x4096xf32>
    tpu.vector_store %arg3[%swap3A, %swap3A_8], %max3A_7 {strides = array<i32>} : memref<512x4096xf32, #tpu.memory_space<vmem>>, vector<512x4096xf32>,
    return
  }
  func.func @transform_0(%arg0: i32) -> (i32, i32) {
    %c0_i32 = arith.constant 0 : i32
    %c0_i32_0 = arith.constant 0 : i32
    return %arg0, %c0_i32 : i32, i32
  }
  func.func @transform_1(%arg0: i32) -> (i32, i32) {
    %c0_i32 = arith.constant 0 : i32
    %c0_i32_0 = arith.constant 0 : i32
    %c0_i32_1 = arith.constant 0 : i32
    return %c0_i32, %c0_i32_0 : i32, i32
  }
  func.func @transform_2(%arg0: i32) -> (i32, i32) {
    %c0_i32 = arith.constant 0 : i32
    %c0_i32_0 = arith.constant 0 : i32
    return %arg0, %c0_i32 : i32, i32
  }
}

module attributes {stable_mosaic.version = 14 : i64} {
  func.func @_r2_body(%arg0: memref<256x4096xi32, #tpu.memory_space<vmem>>, %arg1: memref<8x128xi32, #tpu.memory_space<vmem>>, %arg2: memref<8x128xi32, #tpu.memory_space<vmem>>) attributes {dimension_semantics = [], scalar_prefetch = 0 : i64, scratch_operands = 0 : i64, tpu.core_type = #tpu.core_type<tc>} {
    %get3A = arith.constant 0 : index
    %get3A_0 = arith.constant 0 : index
    %get3A_1 = vector.load %arg1[%get3A, %get3A_0] : memref<8x128xi32, #tpu.memory_space<vmem>>, vector<1x1xi32>
    %get3A_2 = vector.extract %get3A_1[0, 0] : i32 from vector<1x1xi32>
    %get3A_3 = arith.constant 1 : index
    %get3A_4 = arith.constant 0 : index
    %get3A_5 = vector.load %arg1[%get3A_3, %get3A_4] : memref<8x128xi32, #tpu.memory_space<vmem>>, vector<1x1xi32>
    %get3A_6 = vector.extract %get3A_5[0, 0] : i32 from vector<1x1xi32>
    %get3A_7 = arith.constant 0 : index
    %get3A_8 = arith.constant 0 : index
    %get3A_9 = vector.load %arg0[%get3A_7, %get3A_8] : memref<256x4096xi32, #tpu.memory_space<vmem>>, vector<256x4096xi32>
    %reshape3A = vector.shape_cast %get3A_9 : vector<256x4096xi32> to vector<32x8x4096xi32>
    %reduce_sum3A = arith.constant dense<0> : vector<8x4096xi32>
    %reduce_sum3A_10 = vector.multi_reduction <add>, %reshape3A, %reduce_sum3A [0] : vector<32x8x4096xi32> to vector<8x4096xi32>
    %iota3A = tpu.iota {dimensions = array<i32: 0>} : vector<8x4096xi32>
    %iota3A_11 = tpu.iota {dimensions = array<i32: 1>} : vector<8x4096xi32>
    %mul3A = arith.constant 4096 : i32
    %mul3A_12 = vector.broadcast %mul3A : i32 to vector<8x4096xi32>
    %mul3A_13 = arith.muli %iota3A, %mul3A_12 : vector<8x4096xi32>
    %add3A = arith.addi %mul3A_13, %iota3A_11 : vector<8x4096xi32>
    %shift_right_logical3A = arith.constant 4 : i32
    %shift_right_logical3A_14 = vector.broadcast %shift_right_logical3A : i32 to vector<8x4096xi32>
    %shift_right_logical3A_15 = arith.shrui %add3A, %shift_right_logical3A_14 : vector<8x4096xi32>
    %add3A_16 = arith.constant 0 : i32
    %add3A_17 = arith.constant 1024 : i32
    %add3A_18 = arith.addi %add3A_16, %add3A_17 : i32
    %ge3A = vector.broadcast %add3A_18 : i32 to vector<8x4096xi32>
    %ge3A_19 = arith.cmpi sge, %shift_right_logical3A_15, %ge3A : vector<8x4096xi32>
    %jit3A = arith.constant 0 : i32
    %broadcast_in_dim3A = vector.broadcast %jit3A : i32 to vector<8x4096xi32>
    %select_n3A = arith.select %ge3A_19, %reduce_sum3A_10, %broadcast_in_dim3A : vector<8x4096xi1>, vector<8x4096xi32>
    %reduce_sum3A_20 = vector.shape_cast %select_n3A : vector<8x4096xi32> to vector<1x8x4096xi32>
    %reduce_sum3A_21 = arith.constant dense<0> : vector<1xi32>
    %reduce_sum3A_22 = vector.multi_reduction <add>, %reduce_sum3A_20, %reduce_sum3A_21 [1, 2] : vector<1x8x4096xi32> to vector<1xi32>
    %reduce_sum3A_23 = vector.shape_cast %reduce_sum3A_22 : vector<1xi32> to vector<1x1x1xi32>
    %reduce_sum3A_24 = vector.extract %reduce_sum3A_23[0, 0, 0] : i32 from vector<1x1x1xi32>
    %ge3A_25 = arith.cmpi sge, %reduce_sum3A_24, %get3A_6 : i32
    %jit3A_26 = arith.constant 0 : i32
    %select_n3A_27 = arith.select %ge3A_25, %add3A_18, %jit3A_26 : i32
    %add3A_28 = arith.constant 512 : i32
    %add3A_29 = arith.addi %select_n3A_27, %add3A_28 : i32
    %ge3A_30 = vector.broadcast %add3A_29 : i32 to vector<8x4096xi32>
    %ge3A_31 = arith.cmpi sge, %shift_right_logical3A_15, %ge3A_30 : vector<8x4096xi32>
    %jit3A_32 = arith.constant 0 : i32
    %broadcast_in_dim3A_33 = vector.broadcast %jit3A_32 : i32 to vector<8x4096xi32>
    %select_n3A_34 = arith.select %ge3A_31, %reduce_sum3A_10, %broadcast_in_dim3A_33 : vector<8x4096xi1>, vector<8x4096xi32>
    %reduce_sum3A_35 = vector.shape_cast %select_n3A_34 : vector<8x4096xi32> to vector<1x8x4096xi32>
    %reduce_sum3A_36 = arith.constant dense<0> : vector<1xi32>
    %reduce_sum3A_37 = vector.multi_reduction <add>, %reduce_sum3A_35, %reduce_sum3A_36 [1, 2] : vector<1x8x4096xi32> to vector<1xi32>
    %reduce_sum3A_38 = vector.shape_cast %reduce_sum3A_37 : vector<1xi32> to vector<1x1x1xi32>
    %reduce_sum3A_39 = vector.extract %reduce_sum3A_38[0, 0, 0] : i32 from vector<1x1x1xi32>
    %ge3A_40 = arith.cmpi sge, %reduce_sum3A_39, %get3A_6 : i32
    %select_n3A_41 = arith.select %ge3A_40, %add3A_29, %select_n3A_27 : i32
    %add3A_42 = arith.constant 256 : i32
    %add3A_43 = arith.addi %select_n3A_41, %add3A_42 : i32
    %ge3A_44 = vector.broadcast %add3A_43 : i32 to vector<8x4096xi32>
    %ge3A_45 = arith.cmpi sge, %shift_right_logical3A_15, %ge3A_44 : vector<8x4096xi32>
    %jit3A_46 = arith.constant 0 : i32
    %broadcast_in_dim3A_47 = vector.broadcast %jit3A_46 : i32 to vector<8x4096xi32>
    %select_n3A_48 = arith.select %ge3A_45, %reduce_sum3A_10, %broadcast_in_dim3A_47 : vector<8x4096xi1>, vector<8x4096xi32>
    %reduce_sum3A_49 = vector.shape_cast %select_n3A_48 : vector<8x4096xi32> to vector<1x8x4096xi32>
    %reduce_sum3A_50 = arith.constant dense<0> : vector<1xi32>
    %reduce_sum3A_51 = vector.multi_reduction <add>, %reduce_sum3A_49, %reduce_sum3A_50 [1, 2] : vector<1x8x4096xi32> to vector<1xi32>
    %reduce_sum3A_52 = vector.shape_cast %reduce_sum3A_51 : vector<1xi32> to vector<1x1x1xi32>
    %reduce_sum3A_53 = vector.extract %reduce_sum3A_52[0, 0, 0] : i32 from vector<1x1x1xi32>
    %ge3A_54 = arith.cmpi sge, %reduce_sum3A_53, %get3A_6 : i32
    %select_n3A_55 = arith.select %ge3A_54, %add3A_43, %select_n3A_41 : i32
    %add3A_56 = arith.constant 128 : i32
    %add3A_57 = arith.addi %select_n3A_55, %add3A_56 : i32
    %ge3A_58 = vector.broadcast %add3A_57 : i32 to vector<8x4096xi32>
    %ge3A_59 = arith.cmpi sge, %shift_right_logical3A_15, %ge3A_58 : vector<8x4096xi32>
    %jit3A_60 = arith.constant 0 : i32
    %broadcast_in_dim3A_61 = vector.broadcast %jit3A_60 : i32 to vector<8x4096xi32>
    %select_n3A_62 = arith.select %ge3A_59, %reduce_sum3A_10, %broadcast_in_dim3A_61 : vector<8x4096xi1>, vector<8x4096xi32>
    %reduce_sum3A_63 = vector.shape_cast %select_n3A_62 : vector<8x4096xi32> to vector<1x8x4096xi32>
    %reduce_sum3A_64 = arith.constant dense<0> : vector<1xi32>
    %reduce_sum3A_65 = vector.multi_reduction <add>, %reduce_sum3A_63, %reduce_sum3A_64 [1, 2] : vector<1x8x4096xi32> to vector<1xi32>
    %reduce_sum3A_66 = vector.shape_cast %reduce_sum3A_65 : vector<1xi32> to vector<1x1x1xi32>
    %reduce_sum3A_67 = vector.extract %reduce_sum3A_66[0, 0, 0] : i32 from vector<1x1x1xi32>
    %ge3A_68 = arith.cmpi sge, %reduce_sum3A_67, %get3A_6 : i32
    %select_n3A_69 = arith.select %ge3A_68, %add3A_57, %select_n3A_55 : i32
    %add3A_70 = arith.constant 64 : i32
    %add3A_71 = arith.addi %select_n3A_69, %add3A_70 : i32
    %ge3A_72 = vector.broadcast %add3A_71 : i32 to vector<8x4096xi32>
    %ge3A_73 = arith.cmpi sge, %shift_right_logical3A_15, %ge3A_72 : vector<8x4096xi32>
    %jit3A_74 = arith.constant 0 : i32
    %broadcast_in_dim3A_75 = vector.broadcast %jit3A_74 : i32 to vector<8x4096xi32>
    %select_n3A_76 = arith.select %ge3A_73, %reduce_sum3A_10, %broadcast_in_dim3A_75 : vector<8x4096xi1>, vector<8x4096xi32>
    %reduce_sum3A_77 = vector.shape_cast %select_n3A_76 : vector<8x4096xi32> to vector<1x8x4096xi32>
    %reduce_sum3A_78 = arith.constant dense<0> : vector<1xi32>
    %reduce_sum3A_79 = vector.multi_reduction <add>, %reduce_sum3A_77, %reduce_sum3A_78 [1, 2] : vector<1x8x4096xi32> to vector<1xi32>
    %reduce_sum3A_80 = vector.shape_cast %reduce_sum3A_79 : vector<1xi32> to vector<1x1x1xi32>
    %reduce_sum3A_81 = vector.extract %reduce_sum3A_80[0, 0, 0] : i32 from vector<1x1x1xi32>
    %ge3A_82 = arith.cmpi sge, %reduce_sum3A_81, %get3A_6 : i32
    %select_n3A_83 = arith.select %ge3A_82, %add3A_71, %select_n3A_69 : i32
    %add3A_84 = arith.constant 32 : i32
    %add3A_85 = arith.addi %select_n3A_83, %add3A_84 : i32
    %ge3A_86 = vector.broadcast %add3A_85 : i32 to vector<8x4096xi32>
    %ge3A_87 = arith.cmpi sge, %shift_right_logical3A_15, %ge3A_86 : vector<8x4096xi32>
    %jit3A_88 = arith.constant 0 : i32
    %broadcast_in_dim3A_89 = vector.broadcast %jit3A_88 : i32 to vector<8x4096xi32>
    %select_n3A_90 = arith.select %ge3A_87, %reduce_sum3A_10, %broadcast_in_dim3A_89 : vector<8x4096xi1>, vector<8x4096xi32>
    %reduce_sum3A_91 = vector.shape_cast %select_n3A_90 : vector<8x4096xi32> to vector<1x8x4096xi32>
    %reduce_sum3A_92 = arith.constant dense<0> : vector<1xi32>
    %reduce_sum3A_93 = vector.multi_reduction <add>, %reduce_sum3A_91, %reduce_sum3A_92 [1, 2] : vector<1x8x4096xi32> to vector<1xi32>
    %reduce_sum3A_94 = vector.shape_cast %reduce_sum3A_93 : vector<1xi32> to vector<1x1x1xi32>
    %reduce_sum3A_95 = vector.extract %reduce_sum3A_94[0, 0, 0] : i32 from vector<1x1x1xi32>
    %ge3A_96 = arith.cmpi sge, %reduce_sum3A_95, %get3A_6 : i32
    %select_n3A_97 = arith.select %ge3A_96, %add3A_85, %select_n3A_83 : i32
    %add3A_98 = arith.constant 16 : i32
    %add3A_99 = arith.addi %select_n3A_97, %add3A_98 : i32
    %ge3A_100 = vector.broadcast %add3A_99 : i32 to vector<8x4096xi32>
    %ge3A_101 = arith.cmpi sge, %shift_right_logical3A_15, %ge3A_100 : vector<8x4096xi32>
    %jit3A_102 = arith.constant 0 : i32
    %broadcast_in_dim3A_103 = vector.broadcast %jit3A_102 : i32 to vector<8x4096xi32>
    %select_n3A_104 = arith.select %ge3A_101, %reduce_sum3A_10, %broadcast_in_dim3A_103 : vector<8x4096xi1>, vector<8x4096xi32>
    %reduce_sum3A_105 = vector.shape_cast %select_n3A_104 : vector<8x4096xi32> to vector<1x8x4096xi32>
    %reduce_sum3A_106 = arith.constant dense<0> : vector<1xi32>
    %reduce_sum3A_107 = vector.multi_reduction <add>, %reduce_sum3A_105, %reduce_sum3A_106 [1, 2] : vector<1x8x4096xi32> to vector<1xi32>
    %reduce_sum3A_108 = vector.shape_cast %reduce_sum3A_107 : vector<1xi32> to vector<1x1x1xi32>
    %reduce_sum3A_109 = vector.extract %reduce_sum3A_108[0, 0, 0] : i32 from vector<1x1x1xi32>
    %ge3A_110 = arith.cmpi sge, %reduce_sum3A_109, %get3A_6 : i32
    %select_n3A_111 = arith.select %ge3A_110, %add3A_99, %select_n3A_97 : i32
    %add3A_112 = arith.constant 8 : i32
    %add3A_113 = arith.addi %select_n3A_111, %add3A_112 : i32
    %ge3A_114 = vector.broadcast %add3A_113 : i32 to vector<8x4096xi32>
    %ge3A_115 = arith.cmpi sge, %shift_right_logical3A_15, %ge3A_114 : vector<8x4096xi32>
    %jit3A_116 = arith.constant 0 : i32
    %broadcast_in_dim3A_117 = vector.broadcast %jit3A_116 : i32 to vector<8x4096xi32>
    %select_n3A_118 = arith.select %ge3A_115, %reduce_sum3A_10, %broadcast_in_dim3A_117 : vector<8x4096xi1>, vector<8x4096xi32>
    %reduce_sum3A_119 = vector.shape_cast %select_n3A_118 : vector<8x4096xi32> to vector<1x8x4096xi32>
    %reduce_sum3A_120 = arith.constant dense<0> : vector<1xi32>
    %reduce_sum3A_121 = vector.multi_reduction <add>, %reduce_sum3A_119, %reduce_sum3A_120 [1, 2] : vector<1x8x4096xi32> to vector<1xi32>
    %reduce_sum3A_122 = vector.shape_cast %reduce_sum3A_121 : vector<1xi32> to vector<1x1x1xi32>
    %reduce_sum3A_123 = vector.extract %reduce_sum3A_122[0, 0, 0] : i32 from vector<1x1x1xi32>
    %ge3A_124 = arith.cmpi sge, %reduce_sum3A_123, %get3A_6 : i32
    %select_n3A_125 = arith.select %ge3A_124, %add3A_113, %select_n3A_111 : i32
    %add3A_126 = arith.constant 4 : i32
    %add3A_127 = arith.addi %select_n3A_125, %add3A_126 : i32
    %ge3A_128 = vector.broadcast %add3A_127 : i32 to vector<8x4096xi32>
    %ge3A_129 = arith.cmpi sge, %shift_right_logical3A_15, %ge3A_128 : vector<8x4096xi32>
    %jit3A_130 = arith.constant 0 : i32
    %broadcast_in_dim3A_131 = vector.broadcast %jit3A_130 : i32 to vector<8x4096xi32>
    %select_n3A_132 = arith.select %ge3A_129, %reduce_sum3A_10, %broadcast_in_dim3A_131 : vector<8x4096xi1>, vector<8x4096xi32>
    %reduce_sum3A_133 = vector.shape_cast %select_n3A_132 : vector<8x4096xi32> to vector<1x8x4096xi32>
    %reduce_sum3A_134 = arith.constant dense<0> : vector<1xi32>
    %reduce_sum3A_135 = vector.multi_reduction <add>, %reduce_sum3A_133, %reduce_sum3A_134 [1, 2] : vector<1x8x4096xi32> to vector<1xi32>
    %reduce_sum3A_136 = vector.shape_cast %reduce_sum3A_135 : vector<1xi32> to vector<1x1x1xi32>
    %reduce_sum3A_137 = vector.extract %reduce_sum3A_136[0, 0, 0] : i32 from vector<1x1x1xi32>
    %ge3A_138 = arith.cmpi sge, %reduce_sum3A_137, %get3A_6 : i32
    %select_n3A_139 = arith.select %ge3A_138, %add3A_127, %select_n3A_125 : i32
    %add3A_140 = arith.constant 2 : i32
    %add3A_141 = arith.addi %select_n3A_139, %add3A_140 : i32
    %ge3A_142 = vector.broadcast %add3A_141 : i32 to vector<8x4096xi32>
    %ge3A_143 = arith.cmpi sge, %shift_right_logical3A_15, %ge3A_142 : vector<8x4096xi32>
    %jit3A_144 = arith.constant 0 : i32
    %broadcast_in_dim3A_145 = vector.broadcast %jit3A_144 : i32 to vector<8x4096xi32>
    %select_n3A_146 = arith.select %ge3A_143, %reduce_sum3A_10, %broadcast_in_dim3A_145 : vector<8x4096xi1>, vector<8x4096xi32>
    %reduce_sum3A_147 = vector.shape_cast %select_n3A_146 : vector<8x4096xi32> to vector<1x8x4096xi32>
    %reduce_sum3A_148 = arith.constant dense<0> : vector<1xi32>
    %reduce_sum3A_149 = vector.multi_reduction <add>, %reduce_sum3A_147, %reduce_sum3A_148 [1, 2] : vector<1x8x4096xi32> to vector<1xi32>
    %reduce_sum3A_150 = vector.shape_cast %reduce_sum3A_149 : vector<1xi32> to vector<1x1x1xi32>
    %reduce_sum3A_151 = vector.extract %reduce_sum3A_150[0, 0, 0] : i32 from vector<1x1x1xi32>
    %ge3A_152 = arith.cmpi sge, %reduce_sum3A_151, %get3A_6 : i32
    %select_n3A_153 = arith.select %ge3A_152, %add3A_141, %select_n3A_139 : i32
    %add3A_154 = arith.constant 1 : i32
    %add3A_155 = arith.addi %select_n3A_153, %add3A_154 : i32
    %ge3A_156 = vector.broadcast %add3A_155 : i32 to vector<8x4096xi32>
    %ge3A_157 = arith.cmpi sge, %shift_right_logical3A_15, %ge3A_156 : vector<8x4096xi32>
    %jit3A_158 = arith.constant 0 : i32
    %broadcast_in_dim3A_159 = vector.broadcast %jit3A_158 : i32 to vector<8x4096xi32>
    %select_n3A_160 = arith.select %ge3A_157, %reduce_sum3A_10, %broadcast_in_dim3A_159 : vector<8x4096xi1>, vector<8x4096xi32>
    %reduce_sum3A_161 = vector.shape_cast %select_n3A_160 : vector<8x4096xi32> to vector<1x8x4096xi32>
    %reduce_sum3A_162 = arith.constant dense<0> : vector<1xi32>
    %reduce_sum3A_163 = vector.multi_reduction <add>, %reduce_sum3A_161, %reduce_sum3A_162 [1, 2] : vector<1x8x4096xi32> to vector<1xi32>
    %reduce_sum3A_164 = vector.shape_cast %reduce_sum3A_163 : vector<1xi32> to vector<1x1x1xi32>
    %reduce_sum3A_165 = vector.extract %reduce_sum3A_164[0, 0, 0] : i32 from vector<1x1x1xi32>
    %ge3A_166 = arith.cmpi sge, %reduce_sum3A_165, %get3A_6 : i32
    %select_n3A_167 = arith.select %ge3A_166, %add3A_155, %select_n3A_153 : i32
    %gt3A = vector.broadcast %select_n3A_167 : i32 to vector<8x4096xi32>
    %gt3A_168 = arith.cmpi sgt, %shift_right_logical3A_15, %gt3A : vector<8x4096xi32>
    %jit3A_169 = arith.constant 0 : i32
    %broadcast_in_dim3A_170 = vector.broadcast %jit3A_169 : i32 to vector<8x4096xi32>
    %select_n3A_171 = arith.select %gt3A_168, %reduce_sum3A_10, %broadcast_in_dim3A_170 : vector<8x4096xi1>, vector<8x4096xi32>
    %reduce_sum3A_172 = vector.shape_cast %select_n3A_171 : vector<8x4096xi32> to vector<1x8x4096xi32>
    %reduce_sum3A_173 = arith.constant dense<0> : vector<1xi32>
    %reduce_sum3A_174 = vector.multi_reduction <add>, %reduce_sum3A_172, %reduce_sum3A_173 [1, 2] : vector<1x8x4096xi32> to vector<1xi32>
    %reduce_sum3A_175 = vector.shape_cast %reduce_sum3A_174 : vector<1xi32> to vector<1x1x1xi32>
    %reduce_sum3A_176 = vector.extract %reduce_sum3A_175[0, 0, 0] : i32 from vector<1x1x1xi32>
    %sub3A = arith.subi %get3A_6, %reduce_sum3A_176 : i32
    %shift_left3A = arith.constant 11 : i32
    %shift_left3A_177 = arith.shli %get3A_2, %shift_left3A : i32
    %or3A = arith.ori %shift_left3A_177, %select_n3A_167 : i32
    %iota3A_178 = tpu.iota {dimensions = array<i32: 0>} : vector<8x128xi32>
    %eq3A = arith.constant 0 : i32
    %eq3A_179 = vector.broadcast %eq3A : i32 to vector<8x128xi32>
    %eq3A_180 = arith.cmpi eq, %iota3A_178, %eq3A_179 : vector<8x128xi32>
    %broadcast_in_dim3A_181 = vector.broadcast %or3A : i32 to vector<8x128xi32>
    %broadcast_in_dim3A_182 = vector.broadcast %sub3A : i32 to vector<8x128xi32>
    %select_n3A_183 = arith.select %eq3A_180, %broadcast_in_dim3A_181, %broadcast_in_dim3A_182 : vector<8x128xi1>, vector<8x128xi32>
    %swap3A = arith.constant 0 : index
    %swap3A_184 = arith.constant 0 : index
    %swap3A_185 = vector.load %arg2[%swap3A, %swap3A_184] : memref<8x128xi32, #tpu.memory_space<vmem>>, vector<8x128xi32>
    tpu.vector_store %arg2[%swap3A, %swap3A_184], %select_n3A_183 {strides = array<i32>} : memref<8x128xi32, #tpu.memory_space<vmem>>, vector<8x128xi32>,
    return
  }
}

module attributes {stable_mosaic.version = 14 : i64} {
  func.func @_mask_body(%arg0: i32, %arg1: memref<512x64xf32, #tpu.memory_space<vmem>>, %arg2: memref<4096x64xf32, #tpu.memory_space<vmem>>, %arg3: memref<256x1024xi32, #tpu.memory_space<vmem>>, %arg4: memref<8x128xi32, #tpu.memory_space<vmem>>, %arg5: memref<512x4096xf32, #tpu.memory_space<vmem>>, %arg6: memref<1xi32, #tpu.memory_space<smem>>) attributes {dimension_semantics = [#tpu.dimension_semantics<arbitrary>], iteration_bounds = array<i64: 8>, scalar_prefetch = 0 : i64, scratch_operands = 1 : i64, tpu.core_type = #tpu.core_type<tc>, window_params = [{transform_indices = @transform_0, window_bounds = array<i64: 512, 64>}, {pipeline_mode = #tpu.pipeline_mode<synchronous>, transform_indices = @transform_1, window_bounds = array<i64: 4096, 64>}, {pipeline_mode = #tpu.pipeline_mode<synchronous>, transform_indices = @transform_2, window_bounds = array<i64: 256, 1024>}, {pipeline_mode = #tpu.pipeline_mode<synchronous>, transform_indices = @transform_3, window_bounds = array<i64: 8, 128>}, {transform_indices = @transform_4, window_bounds = array<i64: 512, 4096>}]} {
    %eq3A = arith.constant 0 : i32
    %eq3A_0 = arith.cmpi eq, %arg0, %eq3A : i32
    %convert_element_type3A = arith.extui %eq3A_0 : i1 to i32
    %cond3A = arith.constant 0 : i32
    %cond3A_1 = arith.cmpi ne, %convert_element_type3A, %cond3A : i32
    scf.if %cond3A_1 {
      %get3A_27 = arith.constant 0 : index
      %get3A_28 = arith.constant 0 : index
      %get3A_29 = vector.load %arg4[%get3A_27, %get3A_28] : memref<8x128xi32, #tpu.memory_space<vmem>>, vector<1x1xi32>
      %get3A_30 = vector.extract %get3A_29[0, 0] : i32 from vector<1x1xi32>
      %get3A_31 = arith.constant 1 : index
      %get3A_32 = arith.constant 0 : index
      %get3A_33 = vector.load %arg4[%get3A_31, %get3A_32] : memref<8x128xi32, #tpu.memory_space<vmem>>, vector<1x1xi32>
      %get3A_34 = vector.extract %get3A_33[0, 0] : i32 from vector<1x1xi32>
      %get3A_35 = arith.constant 0 : index
      %get3A_36 = arith.constant 0 : index
      %get3A_37 = vector.load %arg3[%get3A_35, %get3A_36] : memref<256x1024xi32, #tpu.memory_space<vmem>>, vector<256x1024xi32>
      %reshape3A = vector.shape_cast %get3A_37 : vector<256x1024xi32> to vector<32x8x1024xi32>
      %reduce_sum3A = arith.constant dense<0> : vector<8x1024xi32>
      %reduce_sum3A_38 = vector.multi_reduction <add>, %reshape3A, %reduce_sum3A [0] : vector<32x8x1024xi32> to vector<8x1024xi32>
      %iota3A = tpu.iota {dimensions = array<i32: 0>} : vector<8x1024xi32>
      %iota3A_39 = tpu.iota {dimensions = array<i32: 1>} : vector<8x1024xi32>
      %mul3A = arith.constant 1024 : i32
      %mul3A_40 = vector.broadcast %mul3A : i32 to vector<8x1024xi32>
      %mul3A_41 = arith.muli %iota3A, %mul3A_40 : vector<8x1024xi32>
      %add3A = arith.addi %mul3A_41, %iota3A_39 : vector<8x1024xi32>
      %shift_right_logical3A = arith.constant 4 : i32
      %shift_right_logical3A_42 = vector.broadcast %shift_right_logical3A : i32 to vector<8x1024xi32>
      %shift_right_logical3A_43 = arith.shrui %add3A, %shift_right_logical3A_42 : vector<8x1024xi32>
      %add3A_44 = arith.constant 0 : i32
      %add3A_45 = arith.constant 256 : i32
      %add3A_46 = arith.addi %add3A_44, %add3A_45 : i32
      %ge3A = vector.broadcast %add3A_46 : i32 to vector<8x1024xi32>
      %ge3A_47 = arith.cmpi sge, %shift_right_logical3A_43, %ge3A : vector<8x1024xi32>
      %jit3A_48 = arith.constant 0 : i32
      %broadcast_in_dim3A_49 = vector.broadcast %jit3A_48 : i32 to vector<8x1024xi32>
      %select_n3A_50 = arith.select %ge3A_47, %reduce_sum3A_38, %broadcast_in_dim3A_49 : vector<8x1024xi1>, vector<8x1024xi32>
      %reduce_sum3A_51 = vector.shape_cast %select_n3A_50 : vector<8x1024xi32> to vector<1x8x1024xi32>
      %reduce_sum3A_52 = arith.constant dense<0> : vector<1xi32>
      %reduce_sum3A_53 = vector.multi_reduction <add>, %reduce_sum3A_51, %reduce_sum3A_52 [1, 2] : vector<1x8x1024xi32> to vector<1xi32>
      %reduce_sum3A_54 = vector.shape_cast %reduce_sum3A_53 : vector<1xi32> to vector<1x1x1xi32>
      %reduce_sum3A_55 = vector.extract %reduce_sum3A_54[0, 0, 0] : i32 from vector<1x1x1xi32>
      %ge3A_56 = arith.cmpi sge, %reduce_sum3A_55, %get3A_34 : i32
      %jit3A_57 = arith.constant 0 : i32
      %select_n3A_58 = arith.select %ge3A_56, %add3A_46, %jit3A_57 : i32
      %add3A_59 = arith.constant 128 : i32
      %add3A_60 = arith.addi %select_n3A_58, %add3A_59 : i32
      %ge3A_61 = vector.broadcast %add3A_60 : i32 to vector<8x1024xi32>
      %ge3A_62 = arith.cmpi sge, %shift_right_logical3A_43, %ge3A_61 : vector<8x1024xi32>
      %jit3A_63 = arith.constant 0 : i32
      %broadcast_in_dim3A_64 = vector.broadcast %jit3A_63 : i32 to vector<8x1024xi32>
      %select_n3A_65 = arith.select %ge3A_62, %reduce_sum3A_38, %broadcast_in_dim3A_64 : vector<8x1024xi1>, vector<8x1024xi32>
      %reduce_sum3A_66 = vector.shape_cast %select_n3A_65 : vector<8x1024xi32> to vector<1x8x1024xi32>
      %reduce_sum3A_67 = arith.constant dense<0> : vector<1xi32>
      %reduce_sum3A_68 = vector.multi_reduction <add>, %reduce_sum3A_66, %reduce_sum3A_67 [1, 2] : vector<1x8x1024xi32> to vector<1xi32>
      %reduce_sum3A_69 = vector.shape_cast %reduce_sum3A_68 : vector<1xi32> to vector<1x1x1xi32>
      %reduce_sum3A_70 = vector.extract %reduce_sum3A_69[0, 0, 0] : i32 from vector<1x1x1xi32>
      %ge3A_71 = arith.cmpi sge, %reduce_sum3A_70, %get3A_34 : i32
      %select_n3A_72 = arith.select %ge3A_71, %add3A_60, %select_n3A_58 : i32
      %add3A_73 = arith.constant 64 : i32
      %add3A_74 = arith.addi %select_n3A_72, %add3A_73 : i32
      %ge3A_75 = vector.broadcast %add3A_74 : i32 to vector<8x1024xi32>
      %ge3A_76 = arith.cmpi sge, %shift_right_logical3A_43, %ge3A_75 : vector<8x1024xi32>
      %jit3A_77 = arith.constant 0 : i32
      %broadcast_in_dim3A_78 = vector.broadcast %jit3A_77 : i32 to vector<8x1024xi32>
      %select_n3A_79 = arith.select %ge3A_76, %reduce_sum3A_38, %broadcast_in_dim3A_78 : vector<8x1024xi1>, vector<8x1024xi32>
      %reduce_sum3A_80 = vector.shape_cast %select_n3A_79 : vector<8x1024xi32> to vector<1x8x1024xi32>
      %reduce_sum3A_81 = arith.constant dense<0> : vector<1xi32>
      %reduce_sum3A_82 = vector.multi_reduction <add>, %reduce_sum3A_80, %reduce_sum3A_81 [1, 2] : vector<1x8x1024xi32> to vector<1xi32>
      %reduce_sum3A_83 = vector.shape_cast %reduce_sum3A_82 : vector<1xi32> to vector<1x1x1xi32>
      %reduce_sum3A_84 = vector.extract %reduce_sum3A_83[0, 0, 0] : i32 from vector<1x1x1xi32>
      %ge3A_85 = arith.cmpi sge, %reduce_sum3A_84, %get3A_34 : i32
      %select_n3A_86 = arith.select %ge3A_85, %add3A_74, %select_n3A_72 : i32
      %add3A_87 = arith.constant 32 : i32
      %add3A_88 = arith.addi %select_n3A_86, %add3A_87 : i32
      %ge3A_89 = vector.broadcast %add3A_88 : i32 to vector<8x1024xi32>
      %ge3A_90 = arith.cmpi sge, %shift_right_logical3A_43, %ge3A_89 : vector<8x1024xi32>
      %jit3A_91 = arith.constant 0 : i32
      %broadcast_in_dim3A_92 = vector.broadcast %jit3A_91 : i32 to vector<8x1024xi32>
      %select_n3A_93 = arith.select %ge3A_90, %reduce_sum3A_38, %broadcast_in_dim3A_92 : vector<8x1024xi1>, vector<8x1024xi32>
      %reduce_sum3A_94 = vector.shape_cast %select_n3A_93 : vector<8x1024xi32> to vector<1x8x1024xi32>
      %reduce_sum3A_95 = arith.constant dense<0> : vector<1xi32>
      %reduce_sum3A_96 = vector.multi_reduction <add>, %reduce_sum3A_94, %reduce_sum3A_95 [1, 2] : vector<1x8x1024xi32> to vector<1xi32>
      %reduce_sum3A_97 = vector.shape_cast %reduce_sum3A_96 : vector<1xi32> to vector<1x1x1xi32>
      %reduce_sum3A_98 = vector.extract %reduce_sum3A_97[0, 0, 0] : i32 from vector<1x1x1xi32>
      %ge3A_99 = arith.cmpi sge, %reduce_sum3A_98, %get3A_34 : i32
      %select_n3A_100 = arith.select %ge3A_99, %add3A_88, %select_n3A_86 : i32
      %add3A_101 = arith.constant 16 : i32
      %add3A_102 = arith.addi %select_n3A_100, %add3A_101 : i32
      %ge3A_103 = vector.broadcast %add3A_102 : i32 to vector<8x1024xi32>
      %ge3A_104 = arith.cmpi sge, %shift_right_logical3A_43, %ge3A_103 : vector<8x1024xi32>
      %jit3A_105 = arith.constant 0 : i32
      %broadcast_in_dim3A_106 = vector.broadcast %jit3A_105 : i32 to vector<8x1024xi32>
      %select_n3A_107 = arith.select %ge3A_104, %reduce_sum3A_38, %broadcast_in_dim3A_106 : vector<8x1024xi1>, vector<8x1024xi32>
      %reduce_sum3A_108 = vector.shape_cast %select_n3A_107 : vector<8x1024xi32> to vector<1x8x1024xi32>
      %reduce_sum3A_109 = arith.constant dense<0> : vector<1xi32>
      %reduce_sum3A_110 = vector.multi_reduction <add>, %reduce_sum3A_108, %reduce_sum3A_109 [1, 2] : vector<1x8x1024xi32> to vector<1xi32>
      %reduce_sum3A_111 = vector.shape_cast %reduce_sum3A_110 : vector<1xi32> to vector<1x1x1xi32>
      %reduce_sum3A_112 = vector.extract %reduce_sum3A_111[0, 0, 0] : i32 from vector<1x1x1xi32>
      %ge3A_113 = arith.cmpi sge, %reduce_sum3A_112, %get3A_34 : i32
      %select_n3A_114 = arith.select %ge3A_113, %add3A_102, %select_n3A_100 : i32
      %add3A_115 = arith.constant 8 : i32
      %add3A_116 = arith.addi %select_n3A_114, %add3A_115 : i32
      %ge3A_117 = vector.broadcast %add3A_116 : i32 to vector<8x1024xi32>
      %ge3A_118 = arith.cmpi sge, %shift_right_logical3A_43, %ge3A_117 : vector<8x1024xi32>
      %jit3A_119 = arith.constant 0 : i32
      %broadcast_in_dim3A_120 = vector.broadcast %jit3A_119 : i32 to vector<8x1024xi32>
      %select_n3A_121 = arith.select %ge3A_118, %reduce_sum3A_38, %broadcast_in_dim3A_120 : vector<8x1024xi1>, vector<8x1024xi32>
      %reduce_sum3A_122 = vector.shape_cast %select_n3A_121 : vector<8x1024xi32> to vector<1x8x1024xi32>
      %reduce_sum3A_123 = arith.constant dense<0> : vector<1xi32>
      %reduce_sum3A_124 = vector.multi_reduction <add>, %reduce_sum3A_122, %reduce_sum3A_123 [1, 2] : vector<1x8x1024xi32> to vector<1xi32>
      %reduce_sum3A_125 = vector.shape_cast %reduce_sum3A_124 : vector<1xi32> to vector<1x1x1xi32>
      %reduce_sum3A_126 = vector.extract %reduce_sum3A_125[0, 0, 0] : i32 from vector<1x1x1xi32>
      %ge3A_127 = arith.cmpi sge, %reduce_sum3A_126, %get3A_34 : i32
      %select_n3A_128 = arith.select %ge3A_127, %add3A_116, %select_n3A_114 : i32
      %add3A_129 = arith.constant 4 : i32
      %add3A_130 = arith.addi %select_n3A_128, %add3A_129 : i32
      %ge3A_131 = vector.broadcast %add3A_130 : i32 to vector<8x1024xi32>
      %ge3A_132 = arith.cmpi sge, %shift_right_logical3A_43, %ge3A_131 : vector<8x1024xi32>
      %jit3A_133 = arith.constant 0 : i32
      %broadcast_in_dim3A_134 = vector.broadcast %jit3A_133 : i32 to vector<8x1024xi32>
      %select_n3A_135 = arith.select %ge3A_132, %reduce_sum3A_38, %broadcast_in_dim3A_134 : vector<8x1024xi1>, vector<8x1024xi32>
      %reduce_sum3A_136 = vector.shape_cast %select_n3A_135 : vector<8x1024xi32> to vector<1x8x1024xi32>
      %reduce_sum3A_137 = arith.constant dense<0> : vector<1xi32>
      %reduce_sum3A_138 = vector.multi_reduction <add>, %reduce_sum3A_136, %reduce_sum3A_137 [1, 2] : vector<1x8x1024xi32> to vector<1xi32>
      %reduce_sum3A_139 = vector.shape_cast %reduce_sum3A_138 : vector<1xi32> to vector<1x1x1xi32>
      %reduce_sum3A_140 = vector.extract %reduce_sum3A_139[0, 0, 0] : i32 from vector<1x1x1xi32>
      %ge3A_141 = arith.cmpi sge, %reduce_sum3A_140, %get3A_34 : i32
      %select_n3A_142 = arith.select %ge3A_141, %add3A_130, %select_n3A_128 : i32
      %add3A_143 = arith.constant 2 : i32
      %add3A_144 = arith.addi %select_n3A_142, %add3A_143 : i32
      %ge3A_145 = vector.broadcast %add3A_144 : i32 to vector<8x1024xi32>
      %ge3A_146 = arith.cmpi sge, %shift_right_logical3A_43, %ge3A_145 : vector<8x1024xi32>
      %jit3A_147 = arith.constant 0 : i32
      %broadcast_in_dim3A_148 = vector.broadcast %jit3A_147 : i32 to vector<8x1024xi32>
      %select_n3A_149 = arith.select %ge3A_146, %reduce_sum3A_38, %broadcast_in_dim3A_148 : vector<8x1024xi1>, vector<8x1024xi32>
      %reduce_sum3A_150 = vector.shape_cast %select_n3A_149 : vector<8x1024xi32> to vector<1x8x1024xi32>
      %reduce_sum3A_151 = arith.constant dense<0> : vector<1xi32>
      %reduce_sum3A_152 = vector.multi_reduction <add>, %reduce_sum3A_150, %reduce_sum3A_151 [1, 2] : vector<1x8x1024xi32> to vector<1xi32>
      %reduce_sum3A_153 = vector.shape_cast %reduce_sum3A_152 : vector<1xi32> to vector<1x1x1xi32>
      %reduce_sum3A_154 = vector.extract %reduce_sum3A_153[0, 0, 0] : i32 from vector<1x1x1xi32>
      %ge3A_155 = arith.cmpi sge, %reduce_sum3A_154, %get3A_34 : i32
      %select_n3A_156 = arith.select %ge3A_155, %add3A_144, %select_n3A_142 : i32
      %add3A_157 = arith.constant 1 : i32
      %add3A_158 = arith.addi %select_n3A_156, %add3A_157 : i32
      %ge3A_159 = vector.broadcast %add3A_158 : i32 to vector<8x1024xi32>
      %ge3A_160 = arith.cmpi sge, %shift_right_logical3A_43, %ge3A_159 : vector<8x1024xi32>
      %jit3A_161 = arith.constant 0 : i32
      %broadcast_in_dim3A_162 = vector.broadcast %jit3A_161 : i32 to vector<8x1024xi32>
      %select_n3A_163 = arith.select %ge3A_160, %reduce_sum3A_38, %broadcast_in_dim3A_162 : vector<8x1024xi1>, vector<8x1024xi32>
      %reduce_sum3A_164 = vector.shape_cast %select_n3A_163 : vector<8x1024xi32> to vector<1x8x1024xi32>
      %reduce_sum3A_165 = arith.constant dense<0> : vector<1xi32>
      %reduce_sum3A_166 = vector.multi_reduction <add>, %reduce_sum3A_164, %reduce_sum3A_165 [1, 2] : vector<1x8x1024xi32> to vector<1xi32>
      %reduce_sum3A_167 = vector.shape_cast %reduce_sum3A_166 : vector<1xi32> to vector<1x1x1xi32>
      %reduce_sum3A_168 = vector.extract %reduce_sum3A_167[0, 0, 0] : i32 from vector<1x1x1xi32>
      %ge3A_169 = arith.cmpi sge, %reduce_sum3A_168, %get3A_34 : i32
      %select_n3A_170 = arith.select %ge3A_169, %add3A_158, %select_n3A_156 : i32
      %shift_left3A = arith.constant 9 : i32
      %shift_left3A_171 = arith.shli %get3A_30, %shift_left3A : i32
      %or3A = arith.ori %shift_left3A_171, %select_n3A_170 : i32
      %swap3A_172 = arith.constant 0 : index
      %swap3A_173 = memref.load %arg6[%swap3A_172] : memref<1xi32, #tpu.memory_space<smem>>
      memref.store %or3A, %arg6[%swap3A_172] : memref<1xi32, #tpu.memory_space<smem>>
    } else {
    }
    %get3A = arith.constant 0 : index
    %get3A_2 = arith.constant 0 : index
    %get3A_3 = vector.load %arg1[%get3A, %get3A_2] : memref<512x64xf32, #tpu.memory_space<vmem>>, vector<512x64xf32>
    %get3A_4 = arith.constant 0 : index
    %get3A_5 = arith.constant 0 : index
    %get3A_6 = vector.load %arg2[%get3A_4, %get3A_5] : memref<4096x64xf32, #tpu.memory_space<vmem>>, vector<4096x64xf32>
    %dot_general3A = arith.constant dense<0.000000e+00> : vector<512x4096xf32>
    %dot_general3A_7 = tpu.matmul %get3A_3, %get3A_6, %dot_general3A {dimension_numbers = #tpu.dot_dimension_numbers<[1], [1], [0], [0], [0, 0, 1, 0], [], []>, transpose_lhs_hint = false} : vector<512x64xf32>, vector<4096x64xf32>, vector<512x4096xf32> -> vector<512x4096xf32>
    %max3A = arith.constant 0.000000e+00 : f32
    %max3A_8 = vector.broadcast %max3A : f32 to vector<512x4096xf32>
    %max3A_9 = arith.maximumf %dot_general3A_7, %max3A_8 : vector<512x4096xf32>
    %logistic3A = arith.negf %max3A_9 : vector<512x4096xf32>
    %logistic3A_10 = math.exp %logistic3A : vector<512x4096xf32>
    %logistic3A_11 = arith.constant 1.000000e+00 : f32
    %logistic3A_12 = vector.broadcast %logistic3A_11 : f32 to vector<512x4096xf32>
    %logistic3A_13 = arith.addf %logistic3A_12, %logistic3A_10 : vector<512x4096xf32>
    %logistic3A_14 = arith.divf %logistic3A_12, %logistic3A_13 : vector<512x4096xf32>
    %get3A_15 = arith.constant 0 : index
    %get3A_16 = memref.load %arg6[%get3A_15] : memref<1xi32, #tpu.memory_space<smem>>
    %broadcast_in_dim3A = vector.broadcast %get3A_16 : i32 to vector<1x1xi32>
    %bitcast_convert_type3A = tpu.bitcast %broadcast_in_dim3A : vector<1x1xi32> -> vector<1x1xf32>
    %logistic3A_17 = arith.negf %bitcast_convert_type3A : vector<1x1xf32>
    %logistic3A_18 = math.exp %logistic3A_17 : vector<1x1xf32>
    %logistic3A_19 = arith.constant 1.000000e+00 : f32
    %logistic3A_20 = vector.broadcast %logistic3A_19 : f32 to vector<1x1xf32>
    %logistic3A_21 = arith.addf %logistic3A_20, %logistic3A_18 : vector<1x1xf32>
    %logistic3A_22 = arith.divf %logistic3A_20, %logistic3A_21 : vector<1x1xf32>
    %gt3A = vector.broadcast %logistic3A_22 : vector<1x1xf32> to vector<512x4096xf32>
    %gt3A_23 = arith.cmpf ogt, %logistic3A_14, %gt3A : vector<512x4096xf32>
    %jit3A = arith.constant 0.000000e+00 : f32
    %broadcast_in_dim3A_24 = vector.broadcast %jit3A : f32 to vector<512x4096xf32>
    %select_n3A = arith.select %gt3A_23, %logistic3A_14, %broadcast_in_dim3A_24 : vector<512x4096xi1>, vector<512x4096xf32>
    %swap3A = arith.constant 0 : index
    %swap3A_25 = arith.constant 0 : index
    %swap3A_26 = vector.load %arg5[%swap3A, %swap3A_25] : memref<512x4096xf32, #tpu.memory_space<vmem>>, vector<512x4096xf32>
    tpu.vector_store %arg5[%swap3A, %swap3A_25], %select_n3A {strides = array<i32>} : memref<512x4096xf32, #tpu.memory_space<vmem>>, vector<512x4096xf32>,
    return
  }
  func.func @transform_0(%arg0: i32) -> (i32, i32) {
    %c0_i32 = arith.constant 0 : i32
    %c0_i32_0 = arith.constant 0 : i32
    return %arg0, %c0_i32 : i32, i32
  }
  func.func @transform_1(%arg0: i32) -> (i32, i32) {
    %c0_i32 = arith.constant 0 : i32
    %c0_i32_0 = arith.constant 0 : i32
    %c0_i32_1 = arith.constant 0 : i32
    return %c0_i32, %c0_i32_0 : i32, i32
  }
  func.func @transform_2(%arg0: i32) -> (i32, i32) {
    %c0_i32 = arith.constant 0 : i32
    %c0_i32_0 = arith.constant 0 : i32
    %c0_i32_1 = arith.constant 0 : i32
    return %c0_i32, %c0_i32_0 : i32, i32
  }
  func.func @transform_3(%arg0: i32) -> (i32, i32) {
    %c0_i32 = arith.constant 0 : i32
    %c0_i32_0 = arith.constant 0 : i32
    %c0_i32_1 = arith.constant 0 : i32
    return %c0_i32, %c0_i32_0 : i32, i32
  }
  func.func @transform_4(%arg0: i32) -> (i32, i32) {
    %c0_i32 = arith.constant 0 : i32
    %c0_i32_0 = arith.constant 0 : i32
    return %arg0, %c0_i32 : i32, i32
  }
}

</mosaic_0001>

<sc_bundles>
// kernel: kernel.12.cloned.1.call-start
scs
__scs_entry_jumppad:
0x0: {  	(pc) =	sbr.rel $0x88, $3  }
0x1: {  	(tag) =	ssettag $0x0;
	lr =	simm.s32 $0x1  }
0x2: {  	[smem:$0x3F9F] =	sst lr;
	_ =	strace $0xD0000000  }
0x3: {  	_ = 	snop  }
0x4: {  	_ = 	snop  }
0x5: {  	_ = 	snop  }
0x6: {  	_ = 	snop  }
0x7: {  	_ = 	snop  }
__scs_overlays_trampoline_lowered:
0x8: {  	[smem:$0x3FAE] =	sst s0  }
0x9: {  	[smem:$0x3FAF] =	sst s1  }
0xa: {  	[smem:$0x3FB0] =	sst s2  }
0xb: {  	[smem:$0x3FB1] =	sst s3  }
0xc: {  	[smem:$0x3FB2] =	sst s4  }
0xd: {  	[smem:$0x3FB3] =	sst s5  }
0xe: {  	[smem:$0x3FB4] =	sst s6  }
0xf: {  	[smem:$0x3FB5] =	sst s7  }
0x10: {  	[smem:$0x3FB6] =	sst s8  }
0x11: {  	[smem:$0x3FB7] =	sst s9;
	s0 =	simm.s32 @!p0 $0x0  }
0x12: {  	s1 =	sld [smem:$0x3F9D];
	s0 =	simm.s32 @p0 $0x1  }
0x13: {  	[smem:$0x3FB8] =	sst s0;
	s0 =	simm.s32 @!p1 $0x0  }
0x14: {  	s2 =	sld [smem:$0x3F9C];
	s0 =	simm.s32 @p1 $0x1  }
0x15: {  	[smem:$0x3FB9] =	sst s0;
	s0 =	simm.s32 @!p2 $0x0  }
0x16: {  	s3 =	sld [smem:$0x3FDB];
	s0 =	simm.s32 @p2 $0x1  }
0x17: {  	s4 =	simm.s32 $0x1BF5;
	[smem:$0x3FBB] =	sst s0  }
0x18: {  	s0 =	sld [smem:$0x3F9E];
	_ =	swait.ge [sflag:s4], $0x0  }
0x19: {  	s7 =	sld [smem:$0x3F9F]  }
0x1a: {  	s8 =	sadd.s32 $0xFFFFE003, lr  }
0x1b: {  	s9 =	sadd.s32 $0xFFFFFEF7, lr;
	s5 =	simm.s32 $0xFFFFFFFF;
	p2 =	slt.u32 s8, $0xFFFFF086  }
0x1c: {  	p1 =	slt.u32 s9, $0xF7A;
	s5 =	simm.s32 @!p2 $0x0  }
0x1d: {  	s5 =	simm.s32 @p1 $0x1;
	p0 =	seq.s32 s7, s2  }
0x1e: {  	s7 =	smul.u32 @!p0 $0xF7A, s2;
	p2 =	seq.s32 @!p0 s5, $0x0  }
0x1f: {  	s9 =	smul.u32 $0xF7A, s1;
	s8 =	simm.s32 @!p0 $0x1BF5;
	p2 =	por !p2, p0  }
0x20: {  	[sflag:s8] =	ssyncset.s32 @!p0 $0xFFFFF086;
	s6 =	sadd.s32 @!p0 s3, s7;
	s7 =	simm.s32 @!p0 $0x108  }
0x21: {  	s3 =	sadd.s32 s3, s9;
	s6 =	sadd.s32 @!p0 $0x88, s6;
	s7 =	simm.s32 @p2 $0x1082  }
0x22: {  	[simem:s7], [sflag:s8] =	dma.local @!p0 [hbm:s6], $0xF7A  }
0x23: {  	s9 =	sor.u32 $0xD0000000, s2;
	s6 =	simm.s32 $0x108;
	_ =	swait.ge @!p0 [sflag:s8], $0x0  }
0x24: {  	s3 =	sadd.s32 $0x88, s3;
	s6 =	simm.s32 @!p1 $0x1082;
	[sflag:s4] =	ssyncset.s32 $0xFFFFF086  }
0x25: {  	[simem:s6], [sflag:s4] =	dma.local [hbm:s3], $0xF7A  }
0x26: {  	[smem:$0x3F9F] =	sst s1;
	(tag) =	ssettag s2;
	_ =	strace s9  }
0x27: {  	s1 =	sld [smem:$0x3FAF]  }
0x28: {  	s2 =	sld [smem:$0x3FB0]  }
0x29: {  	s4 =	sld [smem:$0x3FB2]  }
0x2a: {  	p0 =	seq.s32 s5, $0x0;
	s5 =	sld [smem:$0x3FB3]  }
0x2b: {  	s6 =	sld [smem:$0x3FB4]  }
0x2c: {  	s7 =	sld [smem:$0x3FB5]  }
0x2d: {  	s3 =	simm.s32 $0x108;
	s8 =	sld [smem:$0x3FB6]  }
0x2e: {  	s3 =	simm.s32 @!p0 $0x1082;
	s9 =	sld [smem:$0x3FB7]  }
0x2f: {  	lr =	sadd.s32 s0, s3;
	s0 =	sld [smem:$0x3FAE]  }
0x30: {  	s3 =	sld [smem:$0x3FB1]  }
0x31: {  	[smem:$0x3FBA] =	sst s10  }
0x32: {  	s10 =	sld [smem:$0x3FB8];
	_ =	sdelay $0x3  }
0x33: {  	p0 =	seq.s32 s10, $0x1;
	s10 =	sld [smem:$0x3FBA];
	_ =	sdelay $0x3  }
0x34: {  	[smem:$0x3FBA] =	sst s10  }
0x35: {  	s10 =	sld [smem:$0x3FB9];
	_ =	sdelay $0x3  }
0x36: {  	p1 =	seq.s32 s10, $0x1;
	s10 =	sld [smem:$0x3FBA];
	_ =	sdelay $0x3  }
0x37: {  	[smem:$0x3FBA] =	sst s10  }
0x38: {  	s10 =	sld [smem:$0x3FBB]  }
0x39: {  	_ = 	snop;
	(pc) =	sbr.ind lr, $3  }
0x3a: {  	_ = 	snop  }
0x3b: {  	_ = 	snop  }
0x3c: {  	p2 =	seq.s32 s10, $0x1;
	s10 =	sld [smem:$0x3FBA]  }
0x3d: {  	_ =	shalt  }
0x3e: {  	_ =	shalt  }
0x3f: {  	_ =	shalt  }
0x40: {  	_ =	shalt  }
0x41: {  	_ =	shalt  }
0x42: {  	_ =	shalt  }
0x43: {  	_ =	shalt  }
0x44: {  	_ =	shalt  }
0x45: {  	_ =	shalt  }
0x46: {  	_ =	shalt  }
0x47: {  	_ =	shalt  }
0x48: {  	_ =	shalt  }
0x49: {  	_ =	shalt  }
0x4a: {  	_ =	shalt  }
0x4b: {  	_ =	shalt  }
0x4c: {  	_ =	shalt  }
0x4d: {  	_ =	shalt  }
0x4e: {  	_ =	shalt  }
0x4f: {  	_ =	shalt  }
0x50: {  	_ =	shalt  }
0x51: {  	_ =	shalt  }
0x52: {  	_ =	shalt  }
0x53: {  	_ =	shalt  }
0x54: {  	_ =	shalt  }
0x55: {  	_ =	shalt  }
0x56: {  	_ =	shalt  }
0x57: {  	_ =	shalt  }
0x58: {  	_ =	shalt  }
0x59: {  	_ =	shalt  }
0x5a: {  	_ =	shalt  }
0x5b: {  	_ =	shalt  }
0x5c: {  	_ =	shalt  }
0x5d: {  	_ =	shalt  }
0x5e: {  	_ =	shalt  }
0x5f: {  	_ =	shalt  }
0x60: {  	_ =	shalt  }
0x61: {  	_ =	shalt  }
0x62: {  	_ =	shalt  }
0x63: {  	_ =	shalt  }
0x64: {  	_ =	shalt  }
0x65: {  	_ =	shalt  }
0x66: {  	_ =	shalt  }
0x67: {  	_ =	shalt  }
0x68: {  	_ =	shalt  }
0x69: {  	_ =	shalt  }
0x6a: {  	_ =	shalt  }
0x6b: {  	_ =	shalt  }
0x6c: {  	_ =	shalt  }
0x6d: {  	_ =	shalt  }
0x6e: {  	_ =	shalt  }
0x6f: {  	_ =	shalt  }
0x70: {  	_ =	shalt  }
0x71: {  	_ =	shalt  }
0x72: {  	_ =	shalt  }
0x73: {  	_ =	shalt  }
0x74: {  	_ =	shalt  }
0x75: {  	_ =	shalt  }
0x76: {  	_ =	shalt  }
0x77: {  	_ =	shalt  }
0x78: {  	_ =	shalt  }
0x79: {  	_ =	shalt  }
0x7a: {  	_ =	shalt  }
0x7b: {  	_ =	shalt  }
0x7c: {  	_ =	shalt  }
0x7d: {  	_ =	shalt  }
0x7e: {  	_ =	shalt  }
0x7f: {  	_ =	shalt  }
0x80: {  	_ =	shalt  }
0x81: {  	_ =	shalt  }
0x82: {  	_ =	shalt  }
0x83: {  	_ =	shalt  }
0x84: {  	_ =	shalt  }
0x85: {  	_ =	shalt  }
0x86: {  	_ =	shalt  }
0x87: {  	_ =	shalt  }
.Lfunc_end0:
.L_simem_size_0:
called_computation.1_lowered:
.L_overlay_start_0:
0x88: {  	s2 =	sld [smem:$0x3FD9]  }
0x89: {  	s3 =	sld [smem:$0x3FFE];
	_ =	sdelay $0x1  }
0x8a: {  	s1 =	srdreg.scid  }
0x8b: {  	s0 =	sand.u32 $0x1, s1  }
0x8c: {  	s17 =	sshll.u32 s0, $0xA;
	s2 =	sadd.s32 s3, s2  }
0x8d: {  	s2 =	sadd.s32 s2, s17  }
0x8e: {  	[smem:$0x3FC6] =	sst s2  }
0x8f: {  	_ = 	snop  }
0x90: {  	s2 =	sld [smem:$0x3FD0];
	(tm) =	ssettm $0x1  }
0x91: {  	s18 =	sld [smem:$0x3FFB];
	_ =	sdelay $0x3  }
0x92: {  	_ =	strace s18  }
0x93: {  	s3 =	sld [smem:$0x3FFC];
	_ =	sdelay $0x3  }
0x94: {  	_ =	strace s3  }
0x95: {  	s3 =	sld [smem:$0x3FFD];
	_ =	sdelay $0x3  }
0x96: {  	_ =	strace s3  }
0x97: {  	_ =	strace $0x8FFFFFFF  }
0x98: {  	s19 =	sld [smem:$0x3FDB];
	_ =	sdelay $0x1  }
0x99: {  	s4 =	simm.s32 $_scs_section_size  }
0x9a: {  	s5 =	simm.s32 $_size__tile_overlayer_lowered;
	s6 =	simm.s32 $_tile_overlayer_lowered  }
0x9b: {  	s22 =	simm.s32 $0x1BFF;
	s21 =	sshll.u32 s6, $0x1;
	s3 =	sadd.s32 s4, s19  }
0x9c: {  	s7 =	simm.s32 $0x0;
	s20 =	sshll.u32 s5, $0x1;
	s5 =	sadd.s32 s21, s3  }
0x9d: {  	[timem:s7], [sflag:s22] =	dma.local [hbm:s5], s20  }
0x9e: {  	_ =	swait.ge [sflag:s22], s20  }
0x9f: {  	s4 =	ssub.s32 $0x0, s20;
	[sflag:s22] =	ssyncset.done $0x0  }
0xa0: {  	[sflag:s22] =	ssyncadd.s32 s4;
	_ =	sdelay $0x1  }
0xa1: {  	s23 =	simm.s32 $0x1B8B  }
0xa2: {  	_ =	swait.ge [sflag:s23], $0x1  }
0xa3: {  	[sflag:s23] =	ssyncset.done $0x0  }
0xa4: {  	s25 =	simm.s32 $0x1B8E;
	s24 =	sld [smem:$0x3FFE];
	[sflag:s23] =	ssyncadd.s32 $0xFFFFFFFF  }
0xa5: {  	s26 =	simm.s32 $execute0_lowered;
	[smem:$0x3FD2] =	sst s25  }
0xa6: {  	s5 =	sshll.u32 s26, $0x1;
	_ =	strace $0x80000049;
	[dreg:$0x1] =	wrdreg $0xFFFFFFFF  }
0xa7: {  	s28 =	simm.s32 $_size_execute0_lowered;
	s3 =	sadd.s32 s3, s5;
	[dreg:$0x0] =	wrdreg $0x0  }
0xa8: {  	s5 =	sshll.u32 s28, $0x1;
	[dreg:$0x2] =	wrdreg s3  }
0xa9: {  	[dreg:$0x3] =	wrdreg s5  }
0xaa: {  	[dreg:$0x4] =	wrdreg $0xC0  }
0xab: {  	_ =	task [dreg:s7], $0x5FFFF  }
0xac: {  	[dreg:$0x1] =	wrdreg $0xFFFFFFFF  }
0xad: {  	[dreg:$0x0] =	wrdreg $0x60  }
0xae: {  	[dreg:$0x2] =	wrdreg s2  }
0xaf: {  	[dreg:$0x3] =	wrdreg s24  }
0xb0: {  	[dreg:$0x4] =	wrdreg $0x9  }
0xb1: {  	_ =	task.clear_ibuf [dreg:s7], $0x5FFFF;
	_ =	strace $0x90000049  }
0xb2: {  	s29 =	simm.s32 $0x9;
	_ =	strace $0x8000004B  }
0xb3: {  	_ =	swait.ge [sflag:s29], $0x1  }
0xb4: {  	[sflag:s29] =	ssyncadd.s32 $0xFFFFFFFF  }
0xb5: {  	_ =	strace $0x9000004B  }
0xb6: {  	_ =	sfence  }
0xb7: {  	s30 =	sld [smem:$0x0];
	_ =	sdelay $0x2  }
0xb8: {  	s31 =	sshll.u32 s1, $0xD;
	s1 =	sshrl.u32 s1, $0x2  }
0xb9: {  	s3 =	sand.u32 $0x4000, s31;
	s1 =	sadd.s32 s1, s30  }
0xba: {  	s0 =	sor.u32 s3, s0;
	s1 =	sshll.u32 s1, $0x11  }
0xbb: {  	s0 =	sor.u32 s1, s0  }
0xbc: {  	s0 =	sadd.s32 $0x8F2B, s0  }
0xbd: {  	[sflag:s0] =	ssyncadd.remote.s32 $0x1  }
0xbe: {  	_ =	sfence.sel $0xFFFF  }
0xbf: {  	[dreg:$0x0] =	wrdreg $0xFFFFFFFF;
	(pc) =	sbr.abs _section_cstart, $3  }
0xc0: {  	[dreg:$0x1] =	wrdreg $0xFFFFFFFF  }
0xc1: {  	_ =	task.clear_ibuf [dreg:s7], $0x2FFFF;
	_ =	strace $0x9FFFFFFF  }
0xc2: {  	(tm) =	ssettm $0x7FFFFFFF  }
0xc3: {  	_ =	shalt  }
tec
execute0_lowered:
.L_overlay_start_1:
0x0: {  	(tag) =	ssettag $0x1  }
0x1: {  	s2 =	rddreg [dreg:$0x0]  }
0x2: {  	s0 =	rddreg [dreg:$0x1];
	s1 =	srdreg.scid  }
0x3: {  	s4 =	stileid.u32;
	s3 =	simm.s32 $0x0;
	s18 =	simm.s32 $0x3  }
0x4: {  	s19 =	simm.s32 $0x8000;
	s20 =	simm.s32 $0x1;
	s21 =	simm.s32 $0x10000  }
0x5: {  	s22 =	simm.s32 $0x2;
	s23 =	simm.s32 $0x80;
	s24 =	simm.s32 $0x400  }
0x6: {  	s1 =	sand.u32 $0x1, s1;
	s4 =	sshll.u32 s4, $0x1;
	[smem:$0x7FF] =	sst s3  }
0x7: {  	s6 =	sadd.s32 $0x22200, s0;
	s4 =	sor.u32 s1, s4;
	s1 =	ssub.s32 $0x2, s1  }
0x8: {  	_ =	strace $0x8000004A;
	s5 =	sshll.u32 s4, $0xC;
	s26 =	sshrl.u32 s1, $0x1  }
0x9: {  	s0 =	sadd.s32 s5, s0;
	s5 =	sshll.u32 s4, $0x7;
	s4 =	sshll.u32 s4, $0x10  }
0xa: {  	[dreg:$0x3] =	wrdreg s6;
	s1 =	ssub.s32 s1, s26;
	s4 =	sadd.s32 s2, s4  }
0xb: {  	s7 =	sor.u32 $0x10, s5;
	s28 =	sadd.s32 $0x22400, s0;
	[dreg:$0x4] =	wrdreg s4  }
0xc: {  	s29 =	sadd.s32 $0x22410, s0;
	s30 =	sadd.s32 $0x22420, s0;
	[dreg:$0x5] =	wrdreg s28  }
0xd: {  	s31 =	sadd.s32 $0x22430, s0;
	s12 =	sadd.s32 $0x22440, s0;
	[dreg:$0x6] =	wrdreg s29  }
0xe: {  	s13 =	sadd.s32 $0x22450, s0;
	s14 =	sadd.s32 $0x22460, s0;
	[dreg:$0x7] =	wrdreg s30  }
0xf: {  	v0 =	vimm.s32 $0x0;
	v1 =	vlaneseq.u32;
	v2 =	vimm.s32 $0x1;
	s15 =	sadd.s32 $0x22470, s0;
	s16 =	smax.u32 s1, $0x1;
	[dreg:$0x8] =	wrdreg s31  }
.LBB2_1:
0x10: {  	s0 =	simm.s32 $0x10040  }
0x11: {  	[tilespmem:s0+$0xFFFFFFC0] =	vst v0  }
0x12: {  	[tilespmem:s0+$0x30] =	vst v0  }
0x13: {  	[tilespmem:s0+$0x20] =	vst v0  }
0x14: {  	[tilespmem:s0+$0x10] =	vst v0  }
0x15: {  	[tilespmem:s0+$0x0] =	vst v0  }
0x16: {  	[tilespmem:s0+$0xFFFFFFF0] =	vst v0  }
0x17: {  	s1 =	simm.s32 $0x0;
	[tilespmem:s0+$0xFFFFFFE0] =	vst v0  }
.LBB2_2:
0x18: {  	s1 =	sadd.s32 $0x8, s1;
	[tilespmem:s0+$0xFFFFFFD0] =	vst v0;
	s0 =	sadd.s32 $0x80, s0  }
0x19: {  	[tilespmem:s0+$0xFFFFFFC0] =	vst v0;
	p0 =	slt.u32 s1, $0x7F8  }
0x1a: {  	[tilespmem:s0+$0x30] =	vst v0  }
.Ltmp0:
0x1b: {  	[tilespmem:s0+$0x20] =	vst v0;
	(pc) =	sbr.rel @p0 .LBB2_2-.Ltmp0, $4  }
0x1c: {  	[tilespmem:s0+$0x10] =	vst v0  }
0x1d: {  	[tilespmem:s0+$0x0] =	vst v0  }
0x1e: {  	[tilespmem:s0+$0xFFFFFFF0] =	vst v0  }
0x1f: {  	[tilespmem:s0+$0xFFFFFFE0] =	vst v0  }
0x20: {  	[tilespmem:s0+$0xFFFFFFD0] =	vst v0  }
0x21: {  	s1 =	simm.s32 $0x0;
	s4 =	simm.s32 $0x18000;
	s0 =	rddreg [dreg:$0x3]  }
0x22: {  	[tilespmem:s4], [sflag:$0x3] =	stream.linear.gather [hbm4b:s0+s1], $0x10, $0x38;
	[tilespmem:$0x18080] =	vst v63  }
0x23: {  	_ =	swait.ge [sflag:s18], $0x10  }
0x24: {  	[sflag:s18] =	ssyncset.done $0x0  }
0x25: {  	[sflag:s18] =	ssyncadd.s32 $0xFFFFFFF0  }
0x26: {  	v3 =	vld [tilespmem:$0x18000];
	_ =	sdelay $0x2  }
0x27: {  	s17 =	simm.s32 $0x0;
	s31 =	rddreg [dreg:$0x4]  }
0x28: {  	[tilespmem:s1], [sflag:$0x1] =	stream.linear.gather [hbm4b:s31+s1], $0x8000, $0x38;
	[tilespmem:$0x18080] =	vst v63  }
.LBB2_4:
0x29: {  	s25 =	sshll.u32 s17, $0x4  }
0x2a: {  	s0 =	sadd.s32 s25, s5  }
0x2b: {  	s0 =	sshll.u32 s0, $0x9  }
0x2c: {  	s0 =	sadd.s32 s2, s0  }
0x2d: {  	s0 =	sadd.s32 $0x1000, s0  }
0x2e: {  	[tilespmem:s19], [sflag:$0x2] =	stream.linear.gather [hbm4b:s0+s1], $0x8000, $0x38;
	[tilespmem:$0x18080] =	vst v63  }
0x2f: {  	_ =	swait.ge [sflag:s20], $0x8000  }
0x30: {  	s8 =	sand.u32 $0x60, s1;
	s4 =	sand.u32 $0x7C00, s1;
	[sflag:s20] =	ssyncset.done $0x0  }
0x31: {  	s0 =	sor.u32 s8, s4;
	[sflag:s20] =	ssyncadd.s32 $0xFFFF8000  }
0x32: {  	v4 =	vld [tilespmem:s0+$0x10];
	_ =	sdelay $0x4  }
0x33: {  	v5 =	vld [tilespmem:s0+$0x0];
	v6 =	vshrl.u32 v4, $0x14;
	v4 =	vshrl.u32 v4, $0x5  }
0x34: {  	vm0 =	veq.s32 v6, v3;
	v4 =	vand.u32 $0x7FF0, v4  }
0x35: {  	v4 =	vor.u32 v1, v4;
	_ =	sdelay $0x2  }
0x36: {  	v6 =	vshrl.u32 v5, $0x5;
	v5 =	vshrl.u32 v5, $0x14  }
0x37: {  	v6 =	vand.u32 $0x7FF0, v6;
	vm1 =	veq.s32 v5, v3  }
0x38: {  	v5 =	vor.u32 v1, v6;
	[tilespmem:v4+s21+$0x0] =	vst.idx.add.s32.msk vm0, v2  }
0x39: {  	v4 =	vld [tilespmem:s0+$0x90];
	_ =	sdelay $0x3  }
0x3a: {  	[tilespmem:v5+s21+$0x0] =	vst.idx.add.s32.msk vm1, v2  }
0x3b: {  	v5 =	vld [tilespmem:s0+$0x80];
	v6 =	vshrl.u32 v4, $0x14;
	v4 =	vshrl.u32 v4, $0x5  }
0x3c: {  	vm0 =	veq.s32 v6, v3;
	v4 =	vand.u32 $0x7FF0, v4  }
0x3d: {  	v4 =	vor.u32 v1, v4;
	_ =	sdelay $0x2  }
0x3e: {  	v6 =	vshrl.u32 v5, $0x14;
	v5 =	vshrl.u32 v5, $0x5  }
0x3f: {  	vm1 =	veq.s32 v6, v3;
	v5 =	vand.u32 $0x7FF0, v5  }
0x40: {  	v5 =	vor.u32 v1, v5;
	[tilespmem:v4+s21+$0x0] =	vst.idx.add.s32.msk vm0, v2  }
0x41: {  	v4 =	vld [tilespmem:s0+$0x110];
	_ =	sdelay $0x3  }
0x42: {  	s26 =	simm.s32 $0x100;
	s9 =	simm.s32 $0x20;
	[tilespmem:v5+s21+$0x0] =	vst.idx.add.s32.msk vm1, v2  }
0x43: {  	s6 =	sand.u32 $0x7C00, s26;
	s4 =	sand.u32 $0x60, s9;
	v5 =	vld [tilespmem:s0+$0x100];
	v6 =	vshrl.u32 v4, $0x14;
	v4 =	vshrl.u32 v4, $0x5  }
0x44: {  	s28 =	sor.u32 s4, s6;
	vm0 =	veq.s32 v6, v3;
	v4 =	vand.u32 $0x7FF0, v4  }
0x45: {  	v6 =	vld [tilespmem:s28+$0x10];
	v4 =	vor.u32 v1, v4;
	_ =	sdelay $0x1  }
0x46: {  	v7 =	vld [tilespmem:s28+$0x0]  }
0x47: {  	v8 =	vshrl.u32 v5, $0x14;
	v5 =	vshrl.u32 v5, $0x5  }
0x48: {  	vm1 =	veq.s32 v8, v3;
	v5 =	vand.u32 $0x7FF0, v5  }
0x49: {  	v5 =	vor.u32 v1, v5;
	v8 =	vshrl.u32 v6, $0x14;
	v6 =	vshrl.u32 v6, $0x5;
	[tilespmem:v4+s21+$0x0] =	vst.idx.add.s32.msk vm0, v2  }
0x4a: {  	vm0 =	veq.s32 v8, v3;
	v4 =	vand.u32 $0x7FF0, v6;
	v6 =	vld [tilespmem:s0+$0x190]  }
0x4b: {  	v8 =	vshrl.u32 v7, $0x5;
	v7 =	vshrl.u32 v7, $0x14;
	v4 =	vor.u32 v1, v4  }
0x4c: {  	v8 =	vand.u32 $0x7FF0, v8;
	vm2 =	veq.s32 v7, v3  }
0x4d: {  	v7 =	vor.u32 v1, v8  }
0x4e: {  	[tilespmem:v5+s21+$0x0] =	vst.idx.add.s32.msk vm1, v2  }
0x4f: {  	v5 =	vld [tilespmem:s0+$0x180];
	v8 =	vshrl.u32 v6, $0x14;
	v6 =	vshrl.u32 v6, $0x5  }
0x50: {  	[tilespmem:v4+s21+$0x0] =	vst.idx.add.s32.msk vm0, v2;
	vm0 =	veq.s32 v8, v3;
	v4 =	vand.u32 $0x7FF0, v6  }
0x51: {  	v6 =	vld [tilespmem:s28+$0x90];
	v4 =	vor.u32 v1, v4  }
0x52: {  	[tilespmem:v7+s21+$0x0] =	vst.idx.add.s32.msk vm2, v2  }
0x53: {  	v7 =	vld [tilespmem:s28+$0x80]  }
0x54: {  	v8 =	vshrl.u32 v5, $0x14;
	v5 =	vshrl.u32 v5, $0x5  }
0x55: {  	vm1 =	veq.s32 v8, v3;
	v5 =	vand.u32 $0x7FF0, v5  }
0x56: {  	v5 =	vor.u32 v1, v5;
	v8 =	vshrl.u32 v6, $0x14;
	v6 =	vshrl.u32 v6, $0x5;
	[tilespmem:v4+s21+$0x0] =	vst.idx.add.s32.msk vm0, v2  }
0x57: {  	vm0 =	veq.s32 v8, v3;
	v4 =	vand.u32 $0x7FF0, v6;
	v6 =	vld [tilespmem:s0+$0x210]  }
0x58: {  	v8 =	vshrl.u32 v7, $0x14;
	v7 =	vshrl.u32 v7, $0x5;
	v4 =	vor.u32 v1, v4  }
0x59: {  	vm2 =	veq.s32 v8, v3;
	v7 =	vand.u32 $0x7FF0, v7  }
0x5a: {  	v7 =	vor.u32 v1, v7  }
0x5b: {  	[tilespmem:v5+s21+$0x0] =	vst.idx.add.s32.msk vm1, v2  }
0x5c: {  	v5 =	vld [tilespmem:s0+$0x200];
	v8 =	vshrl.u32 v6, $0x14;
	v6 =	vshrl.u32 v6, $0x5  }
0x5d: {  	[tilespmem:v4+s21+$0x0] =	vst.idx.add.s32.msk vm0, v2;
	vm0 =	veq.s32 v8, v3;
	v4 =	vand.u32 $0x7FF0, v6  }
0x5e: {  	v6 =	vld [tilespmem:s28+$0x110];
	v4 =	vor.u32 v1, v4  }
0x5f: {  	s29 =	simm.s32 $0x200;
	s10 =	simm.s32 $0x40;
	[tilespmem:v7+s21+$0x0] =	vst.idx.add.s32.msk vm2, v2  }
0x60: {  	s11 =	sand.u32 $0x7C00, s29;
	s4 =	sand.u32 $0x60, s10;
	v7 =	vld [tilespmem:s28+$0x100]  }
0x61: {  	s30 =	sor.u32 s4, s11;
	v8 =	vshrl.u32 v5, $0x14;
	v5 =	vshrl.u32 v5, $0x5  }
0x62: {  	vm1 =	veq.s32 v8, v3;
	v5 =	vand.u32 $0x7FF0, v5;
	v8 =	vld [tilespmem:s30+$0x10]  }
0x63: {  	v5 =	vor.u32 v1, v5;
	v9 =	vshrl.u32 v6, $0x14;
	v6 =	vshrl.u32 v6, $0x5;
	[tilespmem:v4+s21+$0x0] =	vst.idx.add.s32.msk vm0, v2  }
0x64: {  	vm0 =	veq.s32 v9, v3;
	v4 =	vand.u32 $0x7FF0, v6;
	v6 =	vld [tilespmem:s0+$0x290]  }
0x65: {  	v9 =	vshrl.u32 v7, $0x14;
	v7 =	vshrl.u32 v7, $0x5;
	v4 =	vor.u32 v1, v4  }
0x66: {  	v10 =	vld [tilespmem:s30+$0x0];
	vm2 =	veq.s32 v9, v3;
	v7 =	vand.u32 $0x7FF0, v7  }
0x67: {  	v9 =	vshrl.u32 v8, $0x14;
	v8 =	vshrl.u32 v8, $0x5;
	v7 =	vor.u32 v1, v7  }
0x68: {  	[tilespmem:v5+s21+$0x0] =	vst.idx.add.s32.msk vm1, v2;
	vm1 =	veq.s32 v9, v3;
	v5 =	vand.u32 $0x7FF0, v8  }
0x69: {  	v8 =	vld [tilespmem:s0+$0x280];
	v5 =	vor.u32 v1, v5;
	v9 =	vshrl.u32 v6, $0x14;
	v6 =	vshrl.u32 v6, $0x5  }
0x6a: {  	[tilespmem:v4+s21+$0x0] =	vst.idx.add.s32.msk vm0, v2;
	vm0 =	veq.s32 v9, v3;
	v4 =	vand.u32 $0x7FF0, v6  }
0x6b: {  	v6 =	vld [tilespmem:s28+$0x190];
	v9 =	vshrl.u32 v10, $0x5;
	v10 =	vshrl.u32 v10, $0x14;
	v4 =	vor.u32 v1, v4  }
0x6c: {  	s6 =	sand.u32 $0x3, s1;
	[tilespmem:v7+s21+$0x0] =	vst.idx.add.s32.msk vm2, v2;
	v9 =	vand.u32 $0x7FF0, v9;
	vm3 =	veq.s32 v10, v3  }
0x6d: {  	s0 =	sshll.u32 s6, $0x5;
	v7 =	vor.u32 v1, v9;
	v9 =	vld [tilespmem:s28+$0x180]  }
0x6e: {  	s0 =	sadd.s32 $0x0, s0;
	v10 =	vshrl.u32 v8, $0x5;
	v8 =	vshrl.u32 v8, $0x14;
	[tilespmem:v5+s21+$0x0] =	vst.idx.add.s32.msk vm1, v2  }
0x6f: {  	s8 =	sadd.s32 $0x10, s0;
	v5 =	vand.u32 $0x7FF0, v10;
	vm1 =	veq.s32 v8, v3;
	v8 =	vld [tilespmem:s30+$0x90]  }
0x70: {  	s9 =	sor.u32 $0x300, s8;
	v5 =	vor.u32 v1, v5;
	v10 =	vshrl.u32 v6, $0x14;
	v6 =	vshrl.u32 v6, $0x5;
	[tilespmem:v4+s21+$0x0] =	vst.idx.add.s32.msk vm0, v2  }
0x71: {  	vm0 =	veq.s32 v10, v3;
	v4 =	vand.u32 $0x7FF0, v6;
	v6 =	vld [tilespmem:s9+$0x0]  }
0x72: {  	v4 =	vor.u32 v1, v4;
	[tilespmem:v7+s21+$0x0] =	vst.idx.add.s32.msk vm3, v2;
	v7 =	vshrl.u32 v9, $0x14;
	v9 =	vshrl.u32 v9, $0x5  }
0x73: {  	vm2 =	veq.s32 v7, v3;
	v7 =	vand.u32 $0x7FF0, v9  }
0x74: {  	v10 =	vld [tilespmem:s30+$0x80];
	v9 =	vshrl.u32 v8, $0x14;
	v8 =	vshrl.u32 v8, $0x5;
	v7 =	vor.u32 v1, v7  }
0x75: {  	s10 =	sor.u32 $0x300, s0;
	[tilespmem:v5+s21+$0x0] =	vst.idx.add.s32.msk vm1, v2;
	vm1 =	veq.s32 v9, v3;
	v5 =	vand.u32 $0x7FF0, v8  }
0x76: {  	v8 =	vld [tilespmem:s10+$0x0];
	v5 =	vor.u32 v1, v5  }
0x77: {  	v9 =	vshrl.u32 v6, $0x14;
	v6 =	vshrl.u32 v6, $0x5;
	[tilespmem:v4+s21+$0x0] =	vst.idx.add.s32.msk vm0, v2  }
0x78: {  	vm3 =	veq.s32 v9, v3;
	v4 =	vand.u32 $0x7FF0, v6;
	v6 =	vld [tilespmem:s28+$0x210]  }
0x79: {  	v9 =	vshrl.u32 v10, $0x14;
	v10 =	vshrl.u32 v10, $0x5;
	v4 =	vor.u32 v1, v4;
	[tilespmem:v7+s21+$0x0] =	vst.idx.add.s32.msk vm2, v2  }
0x7a: {  	vm4 =	veq.s32 v9, v3;
	v9 =	vand.u32 $0x7FF0, v10;
	v10 =	vld [tilespmem:s28+$0x200]  }
0x7b: {  	v7 =	vshrl.u32 v8, $0x14;
	v9 =	vor.u32 v1, v9;
	[tilespmem:v5+s21+$0x0] =	vst.idx.add.s32.msk vm1, v2;
	v5 =	vshrl.u32 v8, $0x5  }
0x7c: {  	vm0 =	veq.s32 v7, v3;
	v5 =	vand.u32 $0x7FF0, v5  }
0x7d: {  	v7 =	vld [tilespmem:s30+$0x110];
	v5 =	vor.u32 v1, v5;
	v8 =	vshrl.u32 v6, $0x14;
	v6 =	vshrl.u32 v6, $0x5  }
0x7e: {  	s11 =	sor.u32 $0x380, s8;
	[tilespmem:v4+s21+$0x0] =	vst.idx.add.s32.msk vm3, v2;
	vm1 =	veq.s32 v8, v3;
	v6 =	vand.u32 $0x7FF0, v6  }
0x7f: {  	s4 =	simm.s32 $0x4;
	s6 =	simm.s32 $0x300;
	v4 =	vld [tilespmem:s11+$0x0];
	v6 =	vor.u32 v1, v6  }
0x80: {  	s31 =	sor.u32 $0x380, s0;
	s0 =	simm.s32 $0x0;
	s8 =	simm.s32 $0x60;
	[tilespmem:v9+s21+$0x0] =	vst.idx.add.s32.msk vm4, v2;
	v8 =	vshrl.u32 v10, $0x14;
	v9 =	vshrl.u32 v10, $0x5  }
.LBB2_5:
0x81: {  	s9 =	sand.u32 $0x60, s8;
	s10 =	sand.u32 $0x7C00, s6;
	v10 =	vld [tilespmem:s30+$0x100];
	vm3 =	veq.s32 v8, v3;
	v8 =	vand.u32 $0x7FF0, v9  }
0x82: {  	s4 =	sadd.s32 $0x2, s4;
	s9 =	sor.u32 s9, s10;
	v9 =	vshrl.u32 v7, $0x14;
	v7 =	vshrl.u32 v7, $0x5;
	v8 =	vor.u32 v1, v8;
	[tilespmem:v5+s21+$0x0] =	vst.idx.add.s32.msk vm0, v2  }
0x83: {  	p0 =	slt.u32 s4, $0xFE;
	v5 =	vld [tilespmem:s9+$0x10];
	vm0 =	veq.s32 v9, v3;
	v7 =	vand.u32 $0x7FF0, v7  }
0x84: {  	v7 =	vor.u32 v1, v7;
	[tilespmem:v6+s21+$0x0] =	vst.idx.add.s32.msk vm1, v2;
	v6 =	vshrl.u32 v4, $0x14;
	v4 =	vshrl.u32 v4, $0x5  }
0x85: {  	v9 =	vld [tilespmem:s28+$0x290];
	vm1 =	veq.s32 v6, v3;
	v4 =	vand.u32 $0x7FF0, v4  }
0x86: {  	v6 =	vld [tilespmem:s9+$0x0];
	v11 =	vshrl.u32 v10, $0x14;
	v10 =	vshrl.u32 v10, $0x5;
	v4 =	vor.u32 v1, v4  }
0x87: {  	vm2 =	veq.s32 v11, v3;
	v10 =	vand.u32 $0x7FF0, v10;
	[tilespmem:v8+s21+$0x0] =	vst.idx.add.s32.msk vm3, v2  }
0x88: {  	v8 =	vshrl.u32 v5, $0x14;
	v5 =	vshrl.u32 v5, $0x5;
	v10 =	vor.u32 v1, v10;
	v11 =	vld [tilespmem:s28+$0x280];
	s28 =	smov.u32 s30;
	s30 =	smov.u32 s9  }
0x89: {  	vm3 =	veq.s32 v8, v3;
	v5 =	vand.u32 $0x7FF0, v5;
	[tilespmem:v7+s21+$0x0] =	vst.idx.add.s32.msk vm0, v2  }
0x8a: {  	v5 =	vor.u32 v1, v5;
	v7 =	vld [tilespmem:s28+$0x190];
	v8 =	vshrl.u32 v9, $0x14;
	v9 =	vshrl.u32 v9, $0x5  }
0x8b: {  	v12 =	vshrl.u32 v6, $0x5;
	vm0 =	veq.s32 v8, v3;
	v8 =	vand.u32 $0x7FF0, v9;
	[tilespmem:v4+s21+$0x0] =	vst.idx.add.s32.msk vm1, v2  }
0x8c: {  	s0 =	sadd.s32 $0x1, s0;
	v4 =	vshrl.u32 v6, $0x14;
	v6 =	vand.u32 $0x7FF0, v12;
	v8 =	vor.u32 v1, v8;
	v9 =	vld [tilespmem:s31+$0x0]  }
0x8d: {  	s9 =	sand.u32 $0x3, s0;
	vm1 =	veq.s32 v4, v3;
	v4 =	vor.u32 v1, v6;
	[tilespmem:v10+s21+$0x0] =	vst.idx.add.s32.msk vm2, v2;
	v6 =	vshrl.u32 v11, $0x5  }
0x8e: {  	s9 =	sshll.u32 s9, $0x5;
	v11 =	vshrl.u32 v11, $0x14;
	v10 =	vld [tilespmem:s28+$0x180];
	v6 =	vand.u32 $0x7FF0, v6  }
0x8f: {  	s9 =	sadd.s32 s9, s26;
	s26 =	smov.u32 s29;
	s29 =	smov.u32 s6;
	vm2 =	veq.s32 v11, v3;
	[tilespmem:v5+s21+$0x0] =	vst.idx.add.s32.msk vm3, v2;
	v5 =	vor.u32 v1, v6  }
0x90: {  	s10 =	sor.u32 $0x300, s9;
	s31 =	sor.u32 $0x380, s9;
	s9 =	sadd.s32 $0x10, s9;
	v11 =	vshrl.u32 v7, $0x14;
	v7 =	vshrl.u32 v7, $0x5;
	v6 =	vld [tilespmem:s30+$0x90]  }
0x91: {  	s11 =	sor.u32 $0x300, s9;
	vm3 =	veq.s32 v11, v3;
	v7 =	vand.u32 $0x7FF0, v7;
	[tilespmem:v8+s21+$0x0] =	vst.idx.add.s32.msk vm0, v2;
	v8 =	vshrl.u32 v9, $0x5  }
0x92: {  	v7 =	vor.u32 v1, v7;
	v9 =	vshrl.u32 v9, $0x14;
	v11 =	vld [tilespmem:s11+$0x0];
	v8 =	vand.u32 $0x7FF0, v8  }
0x93: {  	vm0 =	veq.s32 v9, v3;
	[tilespmem:v4+s21+$0x0] =	vst.idx.add.s32.msk vm1, v2;
	v4 =	vshrl.u32 v10, $0x14;
	v10 =	vshrl.u32 v10, $0x5  }
0x94: {  	v8 =	vor.u32 v1, v8;
	v9 =	vld [tilespmem:s30+$0x80];
	vm1 =	veq.s32 v4, v3;
	v4 =	vand.u32 $0x7FF0, v10  }
0x95: {  	v10 =	vshrl.u32 v6, $0x14;
	v6 =	vshrl.u32 v6, $0x5;
	v4 =	vor.u32 v1, v4;
	[tilespmem:v5+s21+$0x0] =	vst.idx.add.s32.msk vm2, v2  }
0x96: {  	vm2 =	veq.s32 v10, v3;
	v5 =	vand.u32 $0x7FF0, v6;
	v6 =	vld [tilespmem:s10+$0x0]  }
0x97: {  	v5 =	vor.u32 v1, v5;
	[tilespmem:v7+s21+$0x0] =	vst.idx.add.s32.msk vm3, v2;
	v7 =	vshrl.u32 v11, $0x14;
	v10 =	vshrl.u32 v11, $0x5  }
0x98: {  	v11 =	vld [tilespmem:s28+$0x210];
	vm3 =	veq.s32 v7, v3;
	v7 =	vand.u32 $0x7FF0, v10  }
0x99: {  	v10 =	vshrl.u32 v9, $0x14;
	v9 =	vshrl.u32 v9, $0x5;
	v12 =	vor.u32 v1, v7;
	[tilespmem:v8+s21+$0x0] =	vst.idx.add.s32.msk vm0, v2  }
0x9a: {  	vm4 =	veq.s32 v10, v3;
	v7 =	vand.u32 $0x7FF0, v9;
	[tilespmem:v4+s21+$0x0] =	vst.idx.add.s32.msk vm1, v2  }
0x9b: {  	v8 =	vor.u32 v1, v7;
	v9 =	vld [tilespmem:s28+$0x200];
	v4 =	vshrl.u32 v6, $0x14;
	v6 =	vshrl.u32 v6, $0x5  }
.Ltmp1:
0x9c: {  	[tilespmem:v5+s21+$0x0] =	vst.idx.add.s32.msk vm2, v2;
	vm0 =	veq.s32 v4, v3;
	v4 =	vand.u32 $0x7FF0, v6;
	(pc) =	sbr.rel @p0 .LBB2_5-.Ltmp1, $4  }
0x9d: {  	v7 =	vld [tilespmem:s30+$0x110];
	v6 =	vshrl.u32 v11, $0x14;
	v10 =	vshrl.u32 v11, $0x5;
	v5 =	vor.u32 v1, v4  }
0x9e: {  	s9 =	sor.u32 $0x380, s9;
	vm1 =	veq.s32 v6, v3;
	v4 =	vand.u32 $0x7FF0, v10;
	[tilespmem:v12+s21+$0x0] =	vst.idx.add.s32.msk vm3, v2  }
0x9f: {  	v6 =	vor.u32 v1, v4;
	v4 =	vld [tilespmem:s9+$0x0]  }
0xa0: {  	s8 =	sadd.s32 $0x20, s8;
	s6 =	sadd.s32 $0x100, s6;
	[tilespmem:v8+s21+$0x0] =	vst.idx.add.s32.msk vm4, v2;
	v8 =	vshrl.u32 v9, $0x14;
	v9 =	vshrl.u32 v9, $0x5  }
0xa1: {  	v10 =	vld [tilespmem:s30+$0x100];
	_ =	sdelay $0x2  }
0xa2: {  	v11 =	vshrl.u32 v7, $0x14;
	v7 =	vshrl.u32 v7, $0x5  }
0xa3: {  	vm2 =	veq.s32 v11, v3;
	v7 =	vand.u32 $0x7FF0, v7  }
0xa4: {  	v7 =	vor.u32 v1, v7;
	v11 =	vshrl.u32 v10, $0x14;
	v10 =	vshrl.u32 v10, $0x5  }
0xa5: {  	vm3 =	veq.s32 v11, v3;
	v10 =	vand.u32 $0x7FF0, v10  }
0xa6: {  	v10 =	vor.u32 v1, v10;
	_ =	sdelay $0x2  }
0xa7: {  	[tilespmem:v7+s21+$0x0] =	vst.idx.add.s32.msk vm2, v2  }
0xa8: {  	v7 =	vld [tilespmem:s30+$0x190]  }
0xa9: {  	[tilespmem:v10+s21+$0x0] =	vst.idx.add.s32.msk vm3, v2  }
0xaa: {  	v10 =	vld [tilespmem:s30+$0x180];
	_ =	sdelay $0x2  }
0xab: {  	v11 =	vshrl.u32 v7, $0x14;
	v7 =	vshrl.u32 v7, $0x5  }
0xac: {  	vm2 =	veq.s32 v11, v3;
	v7 =	vand.u32 $0x7FF0, v7  }
0xad: {  	v7 =	vor.u32 v1, v7;
	v11 =	vshrl.u32 v10, $0x14;
	v10 =	vshrl.u32 v10, $0x5  }
0xae: {  	vm3 =	veq.s32 v11, v3;
	v10 =	vand.u32 $0x7FF0, v10  }
0xaf: {  	v10 =	vor.u32 v1, v10;
	_ =	sdelay $0x2  }
0xb0: {  	[tilespmem:v7+s21+$0x0] =	vst.idx.add.s32.msk vm2, v2  }
0xb1: {  	v7 =	vld [tilespmem:s30+$0x210]  }
0xb2: {  	[tilespmem:v10+s21+$0x0] =	vst.idx.add.s32.msk vm3, v2  }
0xb3: {  	v10 =	vld [tilespmem:s30+$0x200];
	_ =	sdelay $0x1  }
0xb4: {  	vm2 =	veq.s32 v8, v3;
	v8 =	vand.u32 $0x7FF0, v9  }
0xb5: {  	v8 =	vor.u32 v1, v8;
	v9 =	vshrl.u32 v7, $0x14;
	v7 =	vshrl.u32 v7, $0x5  }
0xb6: {  	vm3 =	veq.s32 v9, v3;
	v7 =	vand.u32 $0x7FF0, v7  }
0xb7: {  	v7 =	vor.u32 v1, v7;
	v9 =	vshrl.u32 v10, $0x14;
	v10 =	vshrl.u32 v10, $0x5  }
0xb8: {  	[tilespmem:v6+s21+$0x0] =	vst.idx.add.s32.msk vm1, v2;
	vm1 =	veq.s32 v9, v3;
	v6 =	vand.u32 $0x7FF0, v10  }
0xb9: {  	v9 =	vld [tilespmem:s28+$0x290];
	v6 =	vor.u32 v1, v6  }
0xba: {  	[tilespmem:v8+s21+$0x0] =	vst.idx.add.s32.msk vm2, v2  }
0xbb: {  	v8 =	vld [tilespmem:s28+$0x280]  }
0xbc: {  	[tilespmem:v7+s21+$0x0] =	vst.idx.add.s32.msk vm3, v2  }
0xbd: {  	v7 =	vld [tilespmem:s30+$0x290]  }
0xbe: {  	v10 =	vshrl.u32 v9, $0x14;
	v9 =	vshrl.u32 v9, $0x5;
	[tilespmem:v6+s21+$0x0] =	vst.idx.add.s32.msk vm1, v2  }
0xbf: {  	vm1 =	veq.s32 v10, v3;
	v6 =	vand.u32 $0x7FF0, v9;
	v9 =	vld [tilespmem:s30+$0x280]  }
0xc0: {  	s0 =	sadd.s32 $0x1, s0;
	v10 =	vshrl.u32 v8, $0x5;
	v8 =	vshrl.u32 v8, $0x14;
	v6 =	vor.u32 v1, v6  }
0xc1: {  	s4 =	sand.u32 $0x3, s0;
	v10 =	vand.u32 $0x7FF0, v10;
	vm2 =	veq.s32 v8, v3  }
0xc2: {  	s4 =	sshll.u32 s4, $0x5;
	v8 =	vor.u32 v1, v10;
	v10 =	vshrl.u32 v7, $0x14;
	v7 =	vshrl.u32 v7, $0x5  }
0xc3: {  	s4 =	sadd.s32 s4, s26;
	vm3 =	veq.s32 v10, v3;
	v7 =	vand.u32 $0x7FF0, v7  }
0xc4: {  	s0 =	sadd.s32 $0x1, s0;
	s6 =	sadd.s32 $0x10, s4;
	v7 =	vor.u32 v1, v7;
	v10 =	vshrl.u32 v9, $0x5;
	v9 =	vshrl.u32 v9, $0x14  }
0xc5: {  	s0 =	sand.u32 $0x3, s0;
	s8 =	sor.u32 $0x300, s6;
	[tilespmem:v6+s21+$0x0] =	vst.idx.add.s32.msk vm1, v2;
	v6 =	vand.u32 $0x7FF0, v10;
	vm1 =	veq.s32 v9, v3  }
0xc6: {  	s0 =	sshll.u32 s0, $0x5;
	v9 =	vld [tilespmem:s8+$0x0];
	v6 =	vor.u32 v1, v6  }
0xc7: {  	s9 =	sor.u32 $0x300, s4;
	s0 =	sadd.s32 s0, s29;
	[tilespmem:v8+s21+$0x0] =	vst.idx.add.s32.msk vm2, v2  }
0xc8: {  	s10 =	sadd.s32 $0x10, s0;
	v8 =	vld [tilespmem:s9+$0x0]  }
0xc9: {  	s9 =	sor.u32 $0x300, s10;
	[tilespmem:v7+s21+$0x0] =	vst.idx.add.s32.msk vm3, v2  }
0xca: {  	v7 =	vld [tilespmem:s9+$0x0]  }
0xcb: {  	s11 =	sor.u32 $0x300, s0;
	v10 =	vshrl.u32 v9, $0x14;
	v9 =	vshrl.u32 v9, $0x5;
	[tilespmem:v6+s21+$0x0] =	vst.idx.add.s32.msk vm1, v2  }
0xcc: {  	vm1 =	veq.s32 v10, v3;
	v6 =	vand.u32 $0x7FF0, v9;
	v9 =	vld [tilespmem:s11+$0x0]  }
0xcd: {  	v10 =	vshrl.u32 v8, $0x14;
	v8 =	vshrl.u32 v8, $0x5;
	v6 =	vor.u32 v1, v6  }
0xce: {  	vm2 =	veq.s32 v10, v3;
	v8 =	vand.u32 $0x7FF0, v8  }
0xcf: {  	v8 =	vor.u32 v1, v8;
	v10 =	vshrl.u32 v7, $0x14;
	v7 =	vshrl.u32 v7, $0x5  }
0xd0: {  	[tilespmem:v5+s21+$0x0] =	vst.idx.add.s32.msk vm0, v2;
	vm0 =	veq.s32 v10, v3;
	v5 =	vand.u32 $0x7FF0, v7  }
0xd1: {  	v7 =	vld [tilespmem:s31+$0x0];
	v5 =	vor.u32 v1, v5;
	v10 =	vshrl.u32 v9, $0x14;
	v9 =	vshrl.u32 v9, $0x5  }
0xd2: {  	s6 =	sor.u32 $0x380, s6;
	[tilespmem:v6+s21+$0x0] =	vst.idx.add.s32.msk vm1, v2;
	vm1 =	veq.s32 v10, v3;
	v6 =	vand.u32 $0x7FF0, v9  }
0xd3: {  	v9 =	vld [tilespmem:s6+$0x0];
	v6 =	vor.u32 v1, v6  }
0xd4: {  	s4 =	sor.u32 $0x380, s4;
	[tilespmem:v8+s21+$0x0] =	vst.idx.add.s32.msk vm2, v2  }
0xd5: {  	v8 =	vld [tilespmem:s4+$0x0]  }
0xd6: {  	s26 =	sor.u32 $0x380, s10;
	v10 =	vshrl.u32 v4, $0x14;
	v4 =	vshrl.u32 v4, $0x5;
	[tilespmem:v5+s21+$0x0] =	vst.idx.add.s32.msk vm0, v2  }
0xd7: {  	v4 =	vand.u32 $0x7FF0, v4;
	vm0 =	veq.s32 v10, v3;
	v5 =	vshrl.u32 v7, $0x5;
	v10 =	vld [tilespmem:s26+$0x0]  }
0xd8: {  	s0 =	sor.u32 $0x380, s0;
	v4 =	vor.u32 v1, v4;
	v7 =	vshrl.u32 v7, $0x14;
	v5 =	vand.u32 $0x7FF0, v5;
	[tilespmem:v6+s21+$0x0] =	vst.idx.add.s32.msk vm1, v2  }
0xd9: {  	vm1 =	veq.s32 v7, v3;
	v6 =	vshrl.u32 v9, $0x14;
	v7 =	vshrl.u32 v9, $0x5;
	v9 =	vld [tilespmem:s0+$0x0]  }
0xda: {  	v5 =	vor.u32 v1, v5;
	vm2 =	veq.s32 v6, v3;
	v6 =	vand.u32 $0x7FF0, v7  }
0xdb: {  	v7 =	vshrl.u32 v8, $0x5;
	v8 =	vshrl.u32 v8, $0x14;
	v6 =	vor.u32 v1, v6  }
0xdc: {  	v7 =	vand.u32 $0x7FF0, v7;
	vm3 =	veq.s32 v8, v3;
	v8 =	vshrl.u32 v10, $0x14  }
0xdd: {  	v10 =	vshrl.u32 v10, $0x5;
	v7 =	vor.u32 v1, v7;
	vm4 =	veq.s32 v8, v3  }
0xde: {  	v8 =	vand.u32 $0x7FF0, v10;
	v10 =	vshrl.u32 v9, $0x5;
	v9 =	vshrl.u32 v9, $0x14  }
0xdf: {  	v8 =	vor.u32 v1, v8;
	v10 =	vand.u32 $0x7FF0, v10;
	vm5 =	veq.s32 v9, v3  }
0xe0: {  	[tilespmem:v4+s21+$0x0] =	vst.idx.add.s32.msk vm0, v2;
	v4 =	vor.u32 v1, v10  }
0xe1: {  	[tilespmem:v5+s21+$0x0] =	vst.idx.add.s32.msk vm1, v2  }
0xe2: {  	p0 =	seq.s32 s17, $0x7;
	[tilespmem:v6+s21+$0x0] =	vst.idx.add.s32.msk vm2, v2  }
0xe3: {  	s0 =	sadd.s32 @!p0 s25, s7;
	[tilespmem:v7+s21+$0x0] =	vst.idx.add.s32.msk vm3, v2  }
0xe4: {  	s0 =	sshll.u32 @!p0 s0, $0x9;
	[tilespmem:v8+s21+$0x0] =	vst.idx.add.s32.msk vm4, v2  }
0xe5: {  	s4 =	simm.s32 @!p0 $0x0;
	s0 =	sadd.s32 @!p0 s2, s0;
	[tilespmem:v4+s21+$0x0] =	vst.idx.add.s32.msk vm5, v2  }
0xe6: {  	[tilespmem:s4], [sflag:$0x1] =	stream.linear.gather @!p0 [hbm4b:s0+s4], $0x8000, $0x38;
	[tilespmem:$0x18080] =	vst v63  }
0xe7: {  	s25 =	simm.s32 $0x0;
	_ =	swait.ge [sflag:s22], $0x8000  }
0xe8: {  	s6 =	sand.u32 $0x7C00, s25;
	s4 =	sand.u32 $0x60, s25;
	[sflag:s22] =	ssyncset.done $0x0  }
0xe9: {  	s0 =	sor.u32 s4, s6;
	[sflag:s22] =	ssyncadd.s32 $0xFFFF8000  }
0xea: {  	v4 =	vld [tilespmem:s0+$0x8010];
	_ =	sdelay $0x4  }
0xeb: {  	v5 =	vld [tilespmem:s0+$0x8000];
	v6 =	vshrl.u32 v4, $0x14;
	v4 =	vshrl.u32 v4, $0x5  }
0xec: {  	vm0 =	veq.s32 v6, v3;
	v4 =	vand.u32 $0x7FF0, v4  }
0xed: {  	v4 =	vor.u32 v1, v4;
	_ =	sdelay $0x2  }
0xee: {  	v6 =	vshrl.u32 v5, $0x5;
	v5 =	vshrl.u32 v5, $0x14  }
0xef: {  	v6 =	vand.u32 $0x7FF0, v6;
	vm1 =	veq.s32 v5, v3  }
0xf0: {  	v5 =	vor.u32 v1, v6;
	[tilespmem:v4+s21+$0x0] =	vst.idx.add.s32.msk vm0, v2  }
0xf1: {  	v4 =	vld [tilespmem:s0+$0x8090];
	_ =	sdelay $0x3  }
0xf2: {  	[tilespmem:v5+s21+$0x0] =	vst.idx.add.s32.msk vm1, v2  }
0xf3: {  	v5 =	vld [tilespmem:s0+$0x8080];
	v6 =	vshrl.u32 v4, $0x14;
	v4 =	vshrl.u32 v4, $0x5  }
0xf4: {  	vm0 =	veq.s32 v6, v3;
	v4 =	vand.u32 $0x7FF0, v4  }
0xf5: {  	v4 =	vor.u32 v1, v4;
	_ =	sdelay $0x2  }
0xf6: {  	v6 =	vshrl.u32 v5, $0x14;
	v5 =	vshrl.u32 v5, $0x5  }
0xf7: {  	vm1 =	veq.s32 v6, v3;
	v5 =	vand.u32 $0x7FF0, v5  }
0xf8: {  	v5 =	vor.u32 v1, v5;
	[tilespmem:v4+s21+$0x0] =	vst.idx.add.s32.msk vm0, v2  }
0xf9: {  	v4 =	vld [tilespmem:s0+$0x8110];
	_ =	sdelay $0x3  }
0xfa: {  	s8 =	simm.s32 $0x20;
	s26 =	simm.s32 $0x100;
	[tilespmem:v5+s21+$0x0] =	vst.idx.add.s32.msk vm1, v2  }
0xfb: {  	s9 =	sand.u32 $0x7C00, s26;
	s4 =	sand.u32 $0x60, s8;
	v5 =	vld [tilespmem:s0+$0x8100];
	v6 =	vshrl.u32 v4, $0x14;
	v4 =	vshrl.u32 v4, $0x5  }
0xfc: {  	s28 =	sor.u32 s4, s9;
	vm0 =	veq.s32 v6, v3;
	v4 =	vand.u32 $0x7FF0, v4  }
0xfd: {  	v6 =	vld [tilespmem:s28+$0x8010];
	v4 =	vor.u32 v1, v4;
	_ =	sdelay $0x1  }
0xfe: {  	v7 =	vld [tilespmem:s28+$0x8000]  }
0xff: {  	v8 =	vshrl.u32 v5, $0x14;
	v5 =	vshrl.u32 v5, $0x5  }
0x100: {  	vm1 =	veq.s32 v8, v3;
	v5 =	vand.u32 $0x7FF0, v5  }
0x101: {  	v5 =	vor.u32 v1, v5;
	v8 =	vshrl.u32 v6, $0x14;
	v6 =	vshrl.u32 v6, $0x5;
	[tilespmem:v4+s21+$0x0] =	vst.idx.add.s32.msk vm0, v2  }
0x102: {  	vm0 =	veq.s32 v8, v3;
	v4 =	vand.u32 $0x7FF0, v6;
	v6 =	vld [tilespmem:s0+$0x8190]  }
0x103: {  	v8 =	vshrl.u32 v7, $0x5;
	v7 =	vshrl.u32 v7, $0x14;
	v4 =	vor.u32 v1, v4  }
0x104: {  	v8 =	vand.u32 $0x7FF0, v8;
	vm2 =	veq.s32 v7, v3  }
0x105: {  	v7 =	vor.u32 v1, v8  }
0x106: {  	[tilespmem:v5+s21+$0x0] =	vst.idx.add.s32.msk vm1, v2  }
0x107: {  	v5 =	vld [tilespmem:s0+$0x8180];
	v8 =	vshrl.u32 v6, $0x14;
	v6 =	vshrl.u32 v6, $0x5  }
0x108: {  	[tilespmem:v4+s21+$0x0] =	vst.idx.add.s32.msk vm0, v2;
	vm0 =	veq.s32 v8, v3;
	v4 =	vand.u32 $0x7FF0, v6  }
0x109: {  	v6 =	vld [tilespmem:s28+$0x8090];
	v4 =	vor.u32 v1, v4  }
0x10a: {  	[tilespmem:v7+s21+$0x0] =	vst.idx.add.s32.msk vm2, v2  }
0x10b: {  	v7 =	vld [tilespmem:s28+$0x8080]  }
0x10c: {  	v8 =	vshrl.u32 v5, $0x14;
	v5 =	vshrl.u32 v5, $0x5  }
0x10d: {  	vm1 =	veq.s32 v8, v3;
	v5 =	vand.u32 $0x7FF0, v5  }
0x10e: {  	v5 =	vor.u32 v1, v5;
	v8 =	vshrl.u32 v6, $0x14;
	v6 =	vshrl.u32 v6, $0x5;
	[tilespmem:v4+s21+$0x0] =	vst.idx.add.s32.msk vm0, v2  }
0x10f: {  	vm0 =	veq.s32 v8, v3;
	v4 =	vand.u32 $0x7FF0, v6;
	v6 =	vld [tilespmem:s0+$0x8210]  }
0x110: {  	v8 =	vshrl.u32 v7, $0x14;
	v7 =	vshrl.u32 v7, $0x5;
	v4 =	vor.u32 v1, v4  }
0x111: {  	vm2 =	veq.s32 v8, v3;
	v7 =	vand.u32 $0x7FF0, v7  }
0x112: {  	v7 =	vor.u32 v1, v7  }
0x113: {  	[tilespmem:v5+s21+$0x0] =	vst.idx.add.s32.msk vm1, v2  }
0x114: {  	v5 =	vld [tilespmem:s0+$0x8200];
	v8 =	vshrl.u32 v6, $0x14;
	v6 =	vshrl.u32 v6, $0x5  }
0x115: {  	[tilespmem:v4+s21+$0x0] =	vst.idx.add.s32.msk vm0, v2;
	vm0 =	veq.s32 v8, v3;
	v4 =	vand.u32 $0x7FF0, v6  }
0x116: {  	v6 =	vld [tilespmem:s28+$0x8110];
	v4 =	vor.u32 v1, v4  }
0x117: {  	s29 =	simm.s32 $0x200;
	s10 =	simm.s32 $0x40;
	[tilespmem:v7+s21+$0x0] =	vst.idx.add.s32.msk vm2, v2  }
0x118: {  	s11 =	sand.u32 $0x7C00, s29;
	s4 =	sand.u32 $0x60, s10;
	v7 =	vld [tilespmem:s28+$0x8100]  }
0x119: {  	s30 =	sor.u32 s4, s11;
	v8 =	vshrl.u32 v5, $0x14;
	v5 =	vshrl.u32 v5, $0x5  }
0x11a: {  	vm1 =	veq.s32 v8, v3;
	v5 =	vand.u32 $0x7FF0, v5;
	v8 =	vld [tilespmem:s30+$0x8010]  }
0x11b: {  	v5 =	vor.u32 v1, v5;
	v9 =	vshrl.u32 v6, $0x14;
	v6 =	vshrl.u32 v6, $0x5;
	[tilespmem:v4+s21+$0x0] =	vst.idx.add.s32.msk vm0, v2  }
0x11c: {  	vm0 =	veq.s32 v9, v3;
	v4 =	vand.u32 $0x7FF0, v6;
	v6 =	vld [tilespmem:s0+$0x8290]  }
0x11d: {  	v9 =	vshrl.u32 v7, $0x14;
	v7 =	vshrl.u32 v7, $0x5;
	v4 =	vor.u32 v1, v4  }
0x11e: {  	v10 =	vld [tilespmem:s30+$0x8000];
	vm2 =	veq.s32 v9, v3;
	v7 =	vand.u32 $0x7FF0, v7  }
0x11f: {  	v9 =	vshrl.u32 v8, $0x14;
	v8 =	vshrl.u32 v8, $0x5;
	v7 =	vor.u32 v1, v7  }
0x120: {  	[tilespmem:v5+s21+$0x0] =	vst.idx.add.s32.msk vm1, v2;
	vm1 =	veq.s32 v9, v3;
	v5 =	vand.u32 $0x7FF0, v8  }
0x121: {  	v8 =	vld [tilespmem:s0+$0x8280];
	v5 =	vor.u32 v1, v5;
	v9 =	vshrl.u32 v6, $0x14;
	v6 =	vshrl.u32 v6, $0x5  }
0x122: {  	[tilespmem:v4+s21+$0x0] =	vst.idx.add.s32.msk vm0, v2;
	vm0 =	veq.s32 v9, v3;
	v4 =	vand.u32 $0x7FF0, v6  }
0x123: {  	v6 =	vld [tilespmem:s28+$0x8190];
	v9 =	vshrl.u32 v10, $0x5;
	v10 =	vshrl.u32 v10, $0x14;
	v4 =	vor.u32 v1, v4  }
0x124: {  	s6 =	sand.u32 $0x3, s25;
	[tilespmem:v7+s21+$0x0] =	vst.idx.add.s32.msk vm2, v2;
	v9 =	vand.u32 $0x7FF0, v9;
	vm3 =	veq.s32 v10, v3  }
0x125: {  	s0 =	sshll.u32 s6, $0x5;
	v7 =	vor.u32 v1, v9;
	v9 =	vld [tilespmem:s28+$0x8180]  }
0x126: {  	s8 =	sadd.s32 $0x0, s0;
	v10 =	vshrl.u32 v8, $0x5;
	v8 =	vshrl.u32 v8, $0x14;
	[tilespmem:v5+s21+$0x0] =	vst.idx.add.s32.msk vm1, v2  }
0x127: {  	s0 =	sadd.s32 $0x10, s8;
	v5 =	vand.u32 $0x7FF0, v10;
	vm1 =	veq.s32 v8, v3;
	v8 =	vld [tilespmem:s30+$0x8090]  }
0x128: {  	s9 =	sor.u32 $0x300, s0;
	v5 =	vor.u32 v1, v5;
	v10 =	vshrl.u32 v6, $0x14;
	v6 =	vshrl.u32 v6, $0x5;
	[tilespmem:v4+s21+$0x0] =	vst.idx.add.s32.msk vm0, v2  }
0x129: {  	vm0 =	veq.s32 v10, v3;
	v4 =	vand.u32 $0x7FF0, v6;
	v6 =	vld [tilespmem:s9+$0x8000]  }
0x12a: {  	v4 =	vor.u32 v1, v4;
	[tilespmem:v7+s21+$0x0] =	vst.idx.add.s32.msk vm3, v2;
	v7 =	vshrl.u32 v9, $0x14;
	v9 =	vshrl.u32 v9, $0x5  }
0x12b: {  	vm2 =	veq.s32 v7, v3;
	v7 =	vand.u32 $0x7FF0, v9  }
0x12c: {  	v10 =	vld [tilespmem:s30+$0x8080];
	v9 =	vshrl.u32 v8, $0x14;
	v8 =	vshrl.u32 v8, $0x5;
	v7 =	vor.u32 v1, v7  }
0x12d: {  	s10 =	sor.u32 $0x300, s8;
	[tilespmem:v5+s21+$0x0] =	vst.idx.add.s32.msk vm1, v2;
	vm1 =	veq.s32 v9, v3;
	v5 =	vand.u32 $0x7FF0, v8  }
0x12e: {  	v8 =	vld [tilespmem:s10+$0x8000];
	v5 =	vor.u32 v1, v5  }
0x12f: {  	v9 =	vshrl.u32 v6, $0x14;
	v6 =	vshrl.u32 v6, $0x5;
	[tilespmem:v4+s21+$0x0] =	vst.idx.add.s32.msk vm0, v2  }
0x130: {  	vm3 =	veq.s32 v9, v3;
	v4 =	vand.u32 $0x7FF0, v6;
	v6 =	vld [tilespmem:s28+$0x8210]  }
0x131: {  	v9 =	vshrl.u32 v10, $0x14;
	v10 =	vshrl.u32 v10, $0x5;
	v4 =	vor.u32 v1, v4;
	[tilespmem:v7+s21+$0x0] =	vst.idx.add.s32.msk vm2, v2  }
0x132: {  	vm15 =	veq.s32 v9, v3;
	v9 =	vand.u32 $0x7FF0, v10;
	v10 =	vld [tilespmem:s28+$0x8200]  }
0x133: {  	v7 =	vshrl.u32 v8, $0x14;
	v9 =	vor.u32 v1, v9;
	[tilespmem:v5+s21+$0x0] =	vst.idx.add.s32.msk vm1, v2;
	v5 =	vshrl.u32 v8, $0x5  }
0x134: {  	vm0 =	veq.s32 v7, v3;
	v5 =	vand.u32 $0x7FF0, v5  }
0x135: {  	v7 =	vld [tilespmem:s30+$0x8110];
	v5 =	vor.u32 v1, v5;
	v8 =	vshrl.u32 v6, $0x14;
	v6 =	vshrl.u32 v6, $0x5  }
0x136: {  	s11 =	sor.u32 $0x380, s0;
	[tilespmem:v4+s21+$0x0] =	vst.idx.add.s32.msk vm3, v2;
	vm1 =	veq.s32 v8, v3;
	v6 =	vand.u32 $0x7FF0, v6  }
0x137: {  	s4 =	simm.s32 $0x300;
	v4 =	vld [tilespmem:s11+$0x8000];
	v6 =	vor.u32 v1, v6  }
0x138: {  	s6 =	simm.s32 $0x60;
	s31 =	sor.u32 $0x380, s8;
	s0 =	simm.s32 $0x4;
	[tilespmem:v9+s21+$0x0] =	vst.idx.add.s32.msk vm15, v2;
	v8 =	vshrl.u32 v10, $0x14;
	v9 =	vshrl.u32 v10, $0x5  }
.LBB2_7:
0x139: {  	s8 =	sand.u32 $0x60, s6;
	s9 =	sand.u32 $0x7C00, s4;
	v10 =	vld [tilespmem:s30+$0x8100];
	vm3 =	veq.s32 v8, v3;
	v8 =	vand.u32 $0x7FF0, v9  }
0x13a: {  	s0 =	sadd.s32 $0x2, s0;
	s8 =	sor.u32 s8, s9;
	v9 =	vshrl.u32 v7, $0x14;
	v7 =	vshrl.u32 v7, $0x5;
	v8 =	vor.u32 v1, v8;
	[tilespmem:v5+s21+$0x0] =	vst.idx.add.s32.msk vm0, v2  }
0x13b: {  	p0 =	slt.u32 s0, $0xFE;
	v5 =	vld [tilespmem:s8+$0x8010];
	vm0 =	veq.s32 v9, v3;
	v7 =	vand.u32 $0x7FF0, v7  }
0x13c: {  	v7 =	vor.u32 v1, v7;
	[tilespmem:v6+s21+$0x0] =	vst.idx.add.s32.msk vm1, v2;
	v6 =	vshrl.u32 v4, $0x14;
	v4 =	vshrl.u32 v4, $0x5  }
0x13d: {  	v9 =	vld [tilespmem:s28+$0x8290];
	vm1 =	veq.s32 v6, v3;
	v4 =	vand.u32 $0x7FF0, v4  }
0x13e: {  	v6 =	vld [tilespmem:s8+$0x8000];
	v11 =	vshrl.u32 v10, $0x14;
	v10 =	vshrl.u32 v10, $0x5;
	v4 =	vor.u32 v1, v4  }
0x13f: {  	vm2 =	veq.s32 v11, v3;
	v10 =	vand.u32 $0x7FF0, v10;
	[tilespmem:v8+s21+$0x0] =	vst.idx.add.s32.msk vm3, v2  }
0x140: {  	v8 =	vshrl.u32 v5, $0x14;
	v5 =	vshrl.u32 v5, $0x5;
	v10 =	vor.u32 v1, v10;
	v11 =	vld [tilespmem:s28+$0x8280];
	s28 =	smov.u32 s30;
	s30 =	smov.u32 s8  }
0x141: {  	vm3 =	veq.s32 v8, v3;
	v5 =	vand.u32 $0x7FF0, v5;
	[tilespmem:v7+s21+$0x0] =	vst.idx.add.s32.msk vm0, v2  }
0x142: {  	v5 =	vor.u32 v1, v5;
	v7 =	vld [tilespmem:s28+$0x8190];
	v8 =	vshrl.u32 v9, $0x14;
	v9 =	vshrl.u32 v9, $0x5  }
0x143: {  	v12 =	vshrl.u32 v6, $0x5;
	vm0 =	veq.s32 v8, v3;
	v8 =	vand.u32 $0x7FF0, v9;
	[tilespmem:v4+s21+$0x0] =	vst.idx.add.s32.msk vm1, v2  }
0x144: {  	s25 =	sadd.s32 $0x1, s25;
	v4 =	vshrl.u32 v6, $0x14;
	v6 =	vand.u32 $0x7FF0, v12;
	v8 =	vor.u32 v1, v8;
	v9 =	vld [tilespmem:s31+$0x8000]  }
0x145: {  	s8 =	sand.u32 $0x3, s25;
	vm1 =	veq.s32 v4, v3;
	v4 =	vor.u32 v1, v6;
	[tilespmem:v10+s21+$0x0] =	vst.idx.add.s32.msk vm2, v2;
	v6 =	vshrl.u32 v11, $0x5  }
0x146: {  	s8 =	sshll.u32 s8, $0x5;
	v11 =	vshrl.u32 v11, $0x14;
	v10 =	vld [tilespmem:s28+$0x8180];
	v6 =	vand.u32 $0x7FF0, v6  }
0x147: {  	s8 =	sadd.s32 s8, s26;
	s26 =	smov.u32 s29;
	s29 =	smov.u32 s4;
	vm2 =	veq.s32 v11, v3;
	[tilespmem:v5+s21+$0x0] =	vst.idx.add.s32.msk vm3, v2;
	v5 =	vor.u32 v1, v6  }
0x148: {  	s9 =	sor.u32 $0x300, s8;
	s31 =	sor.u32 $0x380, s8;
	s8 =	sadd.s32 $0x10, s8;
	v11 =	vshrl.u32 v7, $0x14;
	v7 =	vshrl.u32 v7, $0x5;
	v6 =	vld [tilespmem:s30+$0x8090]  }
0x149: {  	s10 =	sor.u32 $0x300, s8;
	vm3 =	veq.s32 v11, v3;
	v7 =	vand.u32 $0x7FF0, v7;
	[tilespmem:v8+s21+$0x0] =	vst.idx.add.s32.msk vm0, v2;
	v8 =	vshrl.u32 v9, $0x5  }
0x14a: {  	v7 =	vor.u32 v1, v7;
	v9 =	vshrl.u32 v9, $0x14;
	v11 =	vld [tilespmem:s10+$0x8000];
	v8 =	vand.u32 $0x7FF0, v8  }
0x14b: {  	vm0 =	veq.s32 v9, v3;
	[tilespmem:v4+s21+$0x0] =	vst.idx.add.s32.msk vm1, v2;
	v4 =	vshrl.u32 v10, $0x14;
	v10 =	vshrl.u32 v10, $0x5  }
0x14c: {  	v8 =	vor.u32 v1, v8;
	v9 =	vld [tilespmem:s30+$0x8080];
	vm1 =	veq.s32 v4, v3;
	v4 =	vand.u32 $0x7FF0, v10  }
0x14d: {  	v10 =	vshrl.u32 v6, $0x14;
	v6 =	vshrl.u32 v6, $0x5;
	v4 =	vor.u32 v1, v4;
	[tilespmem:v5+s21+$0x0] =	vst.idx.add.s32.msk vm2, v2  }
0x14e: {  	vm2 =	veq.s32 v10, v3;
	v5 =	vand.u32 $0x7FF0, v6;
	v6 =	vld [tilespmem:s9+$0x8000]  }
0x14f: {  	v5 =	vor.u32 v1, v5;
	[tilespmem:v7+s21+$0x0] =	vst.idx.add.s32.msk vm3, v2;
	v7 =	vshrl.u32 v11, $0x14;
	v10 =	vshrl.u32 v11, $0x5  }
0x150: {  	v11 =	vld [tilespmem:s28+$0x8210];
	vm3 =	veq.s32 v7, v3;
	v7 =	vand.u32 $0x7FF0, v10  }
0x151: {  	v10 =	vshrl.u32 v9, $0x14;
	v9 =	vshrl.u32 v9, $0x5;
	v12 =	vor.u32 v1, v7;
	[tilespmem:v8+s21+$0x0] =	vst.idx.add.s32.msk vm0, v2  }
0x152: {  	vm4 =	veq.s32 v10, v3;
	v7 =	vand.u32 $0x7FF0, v9;
	[tilespmem:v4+s21+$0x0] =	vst.idx.add.s32.msk vm1, v2  }
0x153: {  	v8 =	vor.u32 v1, v7;
	v9 =	vld [tilespmem:s28+$0x8200];
	v4 =	vshrl.u32 v6, $0x14;
	v6 =	vshrl.u32 v6, $0x5  }
.Ltmp2:
0x154: {  	[tilespmem:v5+s21+$0x0] =	vst.idx.add.s32.msk vm2, v2;
	vm0 =	veq.s32 v4, v3;
	v4 =	vand.u32 $0x7FF0, v6;
	(pc) =	sbr.rel @p0 .LBB2_7-.Ltmp2, $4  }
0x155: {  	v7 =	vld [tilespmem:s30+$0x8110];
	v6 =	vshrl.u32 v11, $0x14;
	v10 =	vshrl.u32 v11, $0x5;
	v5 =	vor.u32 v1, v4  }
0x156: {  	s8 =	sor.u32 $0x380, s8;
	vm1 =	veq.s32 v6, v3;
	v4 =	vand.u32 $0x7FF0, v10;
	[tilespmem:v12+s21+$0x0] =	vst.idx.add.s32.msk vm3, v2  }
0x157: {  	v6 =	vor.u32 v1, v4;
	v4 =	vld [tilespmem:s8+$0x8000]  }
0x158: {  	s6 =	sadd.s32 $0x20, s6;
	s4 =	sadd.s32 $0x100, s4;
	[tilespmem:v8+s21+$0x0] =	vst.idx.add.s32.msk vm4, v2;
	v8 =	vshrl.u32 v9, $0x14;
	v9 =	vshrl.u32 v9, $0x5  }
0x159: {  	v10 =	vld [tilespmem:s30+$0x8100];
	_ =	sdelay $0x2  }
0x15a: {  	v11 =	vshrl.u32 v7, $0x14;
	v27 =	vshrl.u32 v7, $0x5  }
0x15b: {  	vm2 =	veq.s32 v11, v3;
	v7 =	vand.u32 $0x7FF0, v27  }
0x15c: {  	v7 =	vor.u32 v1, v7;
	v28 =	vshrl.u32 v10, $0x14;
	v10 =	vshrl.u32 v10, $0x5  }
0x15d: {  	vm3 =	veq.s32 v28, v3;
	v10 =	vand.u32 $0x7FF0, v10  }
0x15e: {  	v10 =	vor.u32 v1, v10;
	_ =	sdelay $0x2  }
0x15f: {  	[tilespmem:v7+s21+$0x0] =	vst.idx.add.s32.msk vm2, v2  }
0x160: {  	v7 =	vld [tilespmem:s30+$0x8190]  }
0x161: {  	[tilespmem:v10+s21+$0x0] =	vst.idx.add.s32.msk vm3, v2  }
0x162: {  	v10 =	vld [tilespmem:s30+$0x8180];
	_ =	sdelay $0x2  }
0x163: {  	v29 =	vshrl.u32 v7, $0x14;
	v7 =	vshrl.u32 v7, $0x5  }
0x164: {  	vm9 =	veq.s32 v29, v3;
	v7 =	vand.u32 $0x7FF0, v7  }
0x165: {  	v7 =	vor.u32 v1, v7;
	v30 =	vshrl.u32 v10, $0x14;
	v10 =	vshrl.u32 v10, $0x5  }
0x166: {  	vm10 =	veq.s32 v30, v3;
	v10 =	vand.u32 $0x7FF0, v10  }
0x167: {  	v10 =	vor.u32 v1, v10;
	_ =	sdelay $0x2  }
0x168: {  	[tilespmem:v7+s21+$0x0] =	vst.idx.add.s32.msk vm9, v2  }
0x169: {  	v7 =	vld [tilespmem:s30+$0x8210]  }
0x16a: {  	vm11 =	veq.s32 v8, v3;
	v31 =	vand.u32 $0x7FF0, v9;
	[tilespmem:v10+s21+$0x0] =	vst.idx.add.s32.msk vm10, v2  }
0x16b: {  	v8 =	vor.u32 v1, v31;
	v10 =	vld [tilespmem:s30+$0x8200];
	_ =	sdelay $0x2  }
0x16c: {  	v32 =	vshrl.u32 v7, $0x14;
	v7 =	vshrl.u32 v7, $0x5  }
0x16d: {  	vm12 =	veq.s32 v32, v3;
	v7 =	vand.u32 $0x7FF0, v7  }
0x16e: {  	[tilespmem:v8+s21+$0x0] =	vst.idx.add.s32.msk vm11, v2;
	v7 =	vor.u32 v1, v7;
	v33 =	vshrl.u32 v10, $0x14;
	v10 =	vshrl.u32 v10, $0x5  }
0x16f: {  	v8 =	vld [tilespmem:s28+$0x8280];
	vm13 =	veq.s32 v33, v3;
	v34 =	vand.u32 $0x7FF0, v10  }
0x170: {  	[tilespmem:v6+s21+$0x0] =	vst.idx.add.s32.msk vm1, v2;
	v6 =	vor.u32 v1, v34  }
0x171: {  	v35 =	vld [tilespmem:s28+$0x8290];
	_ =	sdelay $0x1  }
0x172: {  	[tilespmem:v7+s21+$0x0] =	vst.idx.add.s32.msk vm12, v2  }
0x173: {  	v39 =	vshrl.u32 v8, $0x5;
	v8 =	vshrl.u32 v8, $0x14;
	v7 =	vld [tilespmem:s30+$0x8290]  }
0x174: {  	vm15 =	veq.s32 v8, v3;
	v10 =	vand.u32 $0x7FF0, v39;
	[tilespmem:v6+s21+$0x0] =	vst.idx.add.s32.msk vm13, v2  }
0x175: {  	v36 =	vshrl.u32 v35, $0x14;
	v9 =	vshrl.u32 v35, $0x5;
	v40 =	vor.u32 v1, v10;
	v38 =	vld [tilespmem:s30+$0x8280]  }
0x176: {  	s0 =	sadd.s32 $0x1, s25;
	vm14 =	veq.s32 v36, v3;
	v37 =	vand.u32 $0x7FF0, v9  }
0x177: {  	s4 =	sand.u32 $0x3, s0;
	v6 =	vor.u32 v1, v37  }
0x178: {  	s4 =	sshll.u32 s4, $0x5;
	v41 =	vshrl.u32 v7, $0x14;
	v7 =	vshrl.u32 v7, $0x5  }
0x179: {  	s4 =	sadd.s32 s4, s26;
	vm6 =	veq.s32 v41, v3;
	v7 =	vand.u32 $0x7FF0, v7  }
0x17a: {  	s0 =	sadd.s32 $0x1, s0;
	s28 =	sor.u32 $0x300, s4;
	[tilespmem:v40+s21+$0x0] =	vst.idx.add.s32.msk vm15, v2;
	v7 =	vor.u32 v1, v7;
	v42 =	vshrl.u32 v38, $0x5;
	v9 =	vshrl.u32 v38, $0x14  }
0x17b: {  	s0 =	sand.u32 $0x3, s0;
	s6 =	sadd.s32 $0x10, s4;
	v8 =	vld [tilespmem:s28+$0x8000];
	v43 =	vand.u32 $0x7FF0, v42;
	vm7 =	veq.s32 v9, v3  }
0x17c: {  	s0 =	sshll.u32 s0, $0x5;
	s8 =	sor.u32 $0x300, s6;
	[tilespmem:v6+s21+$0x0] =	vst.idx.add.s32.msk vm14, v2;
	v6 =	vor.u32 v1, v43  }
0x17d: {  	s0 =	sadd.s32 s0, s29;
	v44 =	vld [tilespmem:s8+$0x8000]  }
0x17e: {  	s29 =	sadd.s32 $0x10, s0  }
0x17f: {  	s9 =	sor.u32 $0x300, s29;
	[tilespmem:v7+s21+$0x0] =	vst.idx.add.s32.msk vm6, v2  }
0x180: {  	v48 =	vshrl.u32 v8, $0x14;
	v8 =	vshrl.u32 v8, $0x5;
	v7 =	vld [tilespmem:s9+$0x8000]  }
0x181: {  	s30 =	sor.u32 $0x300, s0;
	vm9 =	veq.s32 v48, v3;
	v8 =	vand.u32 $0x7FF0, v8;
	[tilespmem:v6+s21+$0x0] =	vst.idx.add.s32.msk vm7, v2  }
0x182: {  	v8 =	vor.u32 v1, v8;
	v45 =	vshrl.u32 v44, $0x14;
	v9 =	vshrl.u32 v44, $0x5;
	v47 =	vld [tilespmem:s30+$0x8000]  }
0x183: {  	vm8 =	veq.s32 v45, v3;
	v46 =	vand.u32 $0x7FF0, v9  }
0x184: {  	v6 =	vor.u32 v1, v46  }
0x185: {  	[tilespmem:v5+s21+$0x0] =	vst.idx.add.s32.msk vm0, v2;
	v49 =	vshrl.u32 v7, $0x14;
	v7 =	vshrl.u32 v7, $0x5  }
0x186: {  	v50 =	vld [tilespmem:s31+$0x8000];
	vm10 =	veq.s32 v49, v3;
	v5 =	vand.u32 $0x7FF0, v7  }
0x187: {  	s4 =	sor.u32 $0x380, s4;
	[tilespmem:v8+s21+$0x0] =	vst.idx.add.s32.msk vm9, v2;
	v5 =	vor.u32 v1, v5;
	v51 =	vshrl.u32 v47, $0x14;
	v9 =	vshrl.u32 v47, $0x5  }
0x188: {  	v8 =	vld [tilespmem:s4+$0x8000];
	vm11 =	veq.s32 v51, v3;
	v52 =	vand.u32 $0x7FF0, v9  }
0x189: {  	[tilespmem:v6+s21+$0x0] =	vst.idx.add.s32.msk vm8, v2;
	v6 =	vor.u32 v1, v52  }
0x18a: {  	s6 =	sor.u32 $0x380, s6  }
0x18b: {  	v54 =	vshrl.u32 v4, $0x14;
	v4 =	vshrl.u32 v4, $0x5;
	v53 =	vld [tilespmem:s6+$0x8000]  }
0x18c: {  	v4 =	vand.u32 $0x7FF0, v4;
	s31 =	sor.u32 $0x380, s29;
	[tilespmem:v5+s21+$0x0] =	vst.idx.add.s32.msk vm10, v2  }
0x18d: {  	v4 =	vor.u32 v1, v4;
	v7 =	vshrl.u32 v50, $0x14;
	v55 =	vld [tilespmem:s31+$0x8000]  }
0x18e: {  	vm12 =	veq.s32 v54, v3;
	s0 =	sor.u32 $0x380, s0;
	vm13 =	veq.s32 v7, v3;
	v60 =	vshrl.u32 v8, $0x5;
	[tilespmem:v6+s21+$0x0] =	vst.idx.add.s32.msk vm11, v2  }
0x18f: {  	v8 =	vshrl.u32 v8, $0x14;
	v7 =	vand.u32 $0x7FF0, v60;
	v5 =	vshrl.u32 v50, $0x5;
	v58 =	vld [tilespmem:s0+$0x8000]  }
0x190: {  	vm15 =	veq.s32 v8, v3;
	v7 =	vor.u32 v1, v7;
	v5 =	vand.u32 $0x7FF0, v5  }
0x191: {  	v56 =	vshrl.u32 v53, $0x14;
	v57 =	vshrl.u32 v53, $0x5;
	v5 =	vor.u32 v1, v5  }
0x192: {  	vm14 =	veq.s32 v56, v3;
	v59 =	vand.u32 $0x7FF0, v57;
	v61 =	vshrl.u32 v55, $0x14  }
0x193: {  	v6 =	vor.u32 v1, v59;
	v10 =	vshrl.u32 v55, $0x5;
	vm4 =	veq.s32 v61, v3  }
0x194: {  	v62 =	vand.u32 $0x7FF0, v10;
	v63 =	vshrl.u32 v58, $0x5;
	v9 =	vshrl.u32 v58, $0x14  }
0x195: {  	s17 =	sadd.s32 $0x1, s17;
	v8 =	vor.u32 v1, v62;
	v10 =	vand.u32 $0x7FF0, v63;
	vm5 =	veq.s32 v9, v3  }
0x196: {  	p0 =	sne.s32 s17, $0x8;
	[tilespmem:v4+s21+$0x0] =	vst.idx.add.s32.msk vm12, v2;
	v4 =	vor.u32 v1, v10  }
.Ltmp3:
0x197: {  	[tilespmem:v7+s21+$0x0] =	vst.idx.add.s32.msk vm15, v2;
	(pc) =	sbr.rel @p0 .LBB2_4-.Ltmp3, $4  }
0x198: {  	[tilespmem:v5+s21+$0x0] =	vst.idx.add.s32.msk vm13, v2  }
0x199: {  	[tilespmem:v6+s21+$0x0] =	vst.idx.add.s32.msk vm14, v2  }
0x19a: {  	[tilespmem:v8+s21+$0x0] =	vst.idx.add.s32.msk vm4, v2  }
0x19b: {  	[tilespmem:v4+s21+$0x0] =	vst.idx.add.s32.msk vm5, v2  }
0x19c: {  	s0 =	rddreg [dreg:$0x5]  }
0x19d: {  	[hbm4b:s0+s23] =	stream.strided.scatter [tilespmem:s21], [sflag:$0x3], $0x1000, s24, s23, $0x38;
	[tilespmem:$0x18080] =	vst v63  }
0x19e: {  	_ =	swait.ge [sflag:s18], $0x1000  }
0x19f: {  	[sflag:s18] =	ssyncset.done $0x0  }
0x1a0: {  	s1 =	simm.s32 $0x11000;
	s10 =	rddreg [dreg:$0x6];
	[sflag:s18] =	ssyncadd.s32 $0xFFFFF000  }
0x1a1: {  	[hbm4b:s10+s23] =	stream.strided.scatter [tilespmem:s1], [sflag:$0x3], $0x1000, s24, s23, $0x38;
	[tilespmem:$0x18080] =	vst v63  }
0x1a2: {  	_ =	swait.ge [sflag:s18], $0x1000  }
0x1a3: {  	[sflag:s18] =	ssyncset.done $0x0  }
0x1a4: {  	s17 =	simm.s32 $0x12000;
	s11 =	rddreg [dreg:$0x7];
	[sflag:s18] =	ssyncadd.s32 $0xFFFFF000  }
0x1a5: {  	[hbm4b:s11+s23] =	stream.strided.scatter [tilespmem:s17], [sflag:$0x3], $0x1000, s24, s23, $0x38;
	[tilespmem:$0x18080] =	vst v63  }
0x1a6: {  	_ =	swait.ge [sflag:s18], $0x1000  }
0x1a7: {  	[sflag:s18] =	ssyncset.done $0x0  }
0x1a8: {  	s26 =	simm.s32 $0x13000;
	s25 =	rddreg [dreg:$0x8];
	[sflag:s18] =	ssyncadd.s32 $0xFFFFF000  }
0x1a9: {  	[hbm4b:s25+s23] =	stream.strided.scatter [tilespmem:s26], [sflag:$0x3], $0x1000, s24, s23, $0x38;
	[tilespmem:$0x18080] =	vst v63  }
0x1aa: {  	_ =	swait.ge [sflag:s18], $0x1000  }
0x1ab: {  	[sflag:s18] =	ssyncset.done $0x0  }
0x1ac: {  	s28 =	simm.s32 $0x14000;
	[sflag:s18] =	ssyncadd.s32 $0xFFFFF000  }
0x1ad: {  	[hbm4b:s12+s23] =	stream.strided.scatter [tilespmem:s28], [sflag:$0x3], $0x1000, s24, s23, $0x38;
	[tilespmem:$0x18080] =	vst v63  }
0x1ae: {  	_ =	swait.ge [sflag:s18], $0x1000  }
0x1af: {  	[sflag:s18] =	ssyncset.done $0x0  }
0x1b0: {  	s29 =	simm.s32 $0x15000;
	[sflag:s18] =	ssyncadd.s32 $0xFFFFF000  }
0x1b1: {  	[hbm4b:s13+s23] =	stream.strided.scatter [tilespmem:s29], [sflag:$0x3], $0x1000, s24, s23, $0x38;
	[tilespmem:$0x18080] =	vst v63  }
0x1b2: {  	_ =	swait.ge [sflag:s18], $0x1000  }
0x1b3: {  	[sflag:s18] =	ssyncset.done $0x0  }
0x1b4: {  	s30 =	simm.s32 $0x16000;
	[sflag:s18] =	ssyncadd.s32 $0xFFFFF000  }
0x1b5: {  	[hbm4b:s14+s23] =	stream.strided.scatter [tilespmem:s30], [sflag:$0x3], $0x1000, s24, s23, $0x38;
	[tilespmem:$0x18080] =	vst v63  }
0x1b6: {  	s3 =	sadd.s32 $0x1, s3;
	_ =	swait.ge [sflag:s18], $0x1000  }
0x1b7: {  	p0 =	sne.s32 s3, s16;
	[sflag:s18] =	ssyncset.done $0x0  }
.Ltmp4:
0x1b8: {  	s31 =	simm.s32 $0x17000;
	[sflag:s18] =	ssyncadd.s32 $0xFFFFF000;
	(pc) =	sbr.rel @p0 .LBB2_1-.Ltmp4, $4  }
0x1b9: {  	[hbm4b:s15+s23] =	stream.strided.scatter [tilespmem:s31], [sflag:$0x3], $0x1000, s24, s23, $0x38;
	[tilespmem:$0x18080] =	vst v63  }
0x1ba: {  	_ =	swait.ge [sflag:s18], $0x1000  }
0x1bb: {  	[sflag:s18] =	ssyncset.done $0x0  }
0x1bc: {  	[sflag:s18] =	ssyncadd.s32 $0xFFFFF000  }
0x1bd: {  	_ =	sfence.sel $0x180000  }
0x1be: {  	[bflag:$0x0] =	sbarrier.arrive $0xFFFF  }
0x1bf: {  	_ =	strace $0x9000004A  }
0x1c0: {  	s0 =	stileid.u32;
	[bflag:$0x2] =	sbarrier.arrive $0xFFFF  }
0x1c1: {  	p0 =	sne.s32 s0, $0x0;
	s0 =	rddreg [dreg:$0x2]  }
0x1c2: {  	s0 =	sadd.s32 @!p0 $0x100000, s0  }
0x1c3: {  	[sflag:s0] =	ssyncadd.tile.s32 @!p0 $0x1;
	_ =	shalt  }
.Lfunc_end2:
_tile_overlayer_lowered:
.L_overlay_start_2:
0x1c4: {  	(tag) =	ssettag $0x2  }
0x1c5: {  	s0 =	rddreg [dreg:$0x0];
	s2 =	stileid.u32  }
0x1c6: {  	s1 =	rddreg [dreg:$0x1];
	p0 =	sne.s32 s2, $0x0  }
0x1c7: {  	s3 =	rddreg [dreg:$0x2];
	[bflag:$0x3] =	sbarrier.arrive $0xFFFF;
	s2 =	simm.s32 @!p0 $0x1C03  }
0x1c8: {  	[timem:s3], [sflag:s2] =	dma.local @!p0 [hbm:s0], s1  }
0x1c9: {  	s0 =	simm.s32 @!p0 $0x3  }
0x1ca: {  	_ =	swait.ge @!p0 [sflag:s0], s1  }
0x1cb: {  	s1 =	ssub.s32 @!p0 $0x0, s1;
	[sflag:s0] =	ssyncset.done @!p0 $0x0  }
0x1cc: {  	[sflag:s0] =	ssyncadd.s32 @!p0 s1  }
0x1cd: {  	[bflag:$0x3] =	sbarrier.arrive $0xFFFF  }
0x1ce: {  	_ =	shalt  }

// kernel: kernel.15.cloned.1.call-start
scs
__scs_entry_jumppad:
0x0: {  	(pc) =	sbr.rel $0x88, $3  }
0x1: {  	(tag) =	ssettag $0x0;
	lr =	simm.s32 $0x1  }
0x2: {  	[smem:$0x3F9F] =	sst lr;
	_ =	strace $0xD0000000  }
0x3: {  	_ = 	snop  }
0x4: {  	_ = 	snop  }
0x5: {  	_ = 	snop  }
0x6: {  	_ = 	snop  }
0x7: {  	_ = 	snop  }
__scs_overlays_trampoline_lowered:
0x8: {  	[smem:$0x3FAE] =	sst s0  }
0x9: {  	[smem:$0x3FAF] =	sst s1  }
0xa: {  	[smem:$0x3FB0] =	sst s2  }
0xb: {  	[smem:$0x3FB1] =	sst s3  }
0xc: {  	[smem:$0x3FB2] =	sst s4  }
0xd: {  	[smem:$0x3FB3] =	sst s5  }
0xe: {  	[smem:$0x3FB4] =	sst s6  }
0xf: {  	[smem:$0x3FB5] =	sst s7  }
0x10: {  	[smem:$0x3FB6] =	sst s8  }
0x11: {  	[smem:$0x3FB7] =	sst s9;
	s0 =	simm.s32 @!p0 $0x0  }
0x12: {  	s1 =	sld [smem:$0x3F9D];
	s0 =	simm.s32 @p0 $0x1  }
0x13: {  	[smem:$0x3FB8] =	sst s0;
	s0 =	simm.s32 @!p1 $0x0  }
0x14: {  	s2 =	sld [smem:$0x3F9C];
	s0 =	simm.s32 @p1 $0x1  }
0x15: {  	[smem:$0x3FB9] =	sst s0;
	s0 =	simm.s32 @!p2 $0x0  }
0x16: {  	s3 =	sld [smem:$0x3FDB];
	s0 =	simm.s32 @p2 $0x1  }
0x17: {  	s4 =	simm.s32 $0x1BF5;
	[smem:$0x3FBB] =	sst s0  }
0x18: {  	s0 =	sld [smem:$0x3F9E];
	_ =	swait.ge [sflag:s4], $0x0  }
0x19: {  	s7 =	sld [smem:$0x3F9F]  }
0x1a: {  	s8 =	sadd.s32 $0xFFFFE003, lr  }
0x1b: {  	s9 =	sadd.s32 $0xFFFFFEF7, lr;
	s5 =	simm.s32 $0xFFFFFFFF;
	p2 =	slt.u32 s8, $0xFFFFF086  }
0x1c: {  	p1 =	slt.u32 s9, $0xF7A;
	s5 =	simm.s32 @!p2 $0x0  }
0x1d: {  	s5 =	simm.s32 @p1 $0x1;
	p0 =	seq.s32 s7, s2  }
0x1e: {  	s7 =	smul.u32 @!p0 $0xF7A, s2;
	p2 =	seq.s32 @!p0 s5, $0x0  }
0x1f: {  	s9 =	smul.u32 $0xF7A, s1;
	s8 =	simm.s32 @!p0 $0x1BF5;
	p2 =	por !p2, p0  }
0x20: {  	[sflag:s8] =	ssyncset.s32 @!p0 $0xFFFFF086;
	s6 =	sadd.s32 @!p0 s3, s7;
	s7 =	simm.s32 @!p0 $0x108  }
0x21: {  	s3 =	sadd.s32 s3, s9;
	s6 =	sadd.s32 @!p0 $0x88, s6;
	s7 =	simm.s32 @p2 $0x1082  }
0x22: {  	[simem:s7], [sflag:s8] =	dma.local @!p0 [hbm:s6], $0xF7A  }
0x23: {  	s9 =	sor.u32 $0xD0000000, s2;
	s6 =	simm.s32 $0x108;
	_ =	swait.ge @!p0 [sflag:s8], $0x0  }
0x24: {  	s3 =	sadd.s32 $0x88, s3;
	s6 =	simm.s32 @!p1 $0x1082;
	[sflag:s4] =	ssyncset.s32 $0xFFFFF086  }
0x25: {  	[simem:s6], [sflag:s4] =	dma.local [hbm:s3], $0xF7A  }
0x26: {  	[smem:$0x3F9F] =	sst s1;
	(tag) =	ssettag s2;
	_ =	strace s9  }
0x27: {  	s1 =	sld [smem:$0x3FAF]  }
0x28: {  	s2 =	sld [smem:$0x3FB0]  }
0x29: {  	s4 =	sld [smem:$0x3FB2]  }
0x2a: {  	p0 =	seq.s32 s5, $0x0;
	s5 =	sld [smem:$0x3FB3]  }
0x2b: {  	s6 =	sld [smem:$0x3FB4]  }
0x2c: {  	s7 =	sld [smem:$0x3FB5]  }
0x2d: {  	s3 =	simm.s32 $0x108;
	s8 =	sld [smem:$0x3FB6]  }
0x2e: {  	s3 =	simm.s32 @!p0 $0x1082;
	s9 =	sld [smem:$0x3FB7]  }
0x2f: {  	lr =	sadd.s32 s0, s3;
	s0 =	sld [smem:$0x3FAE]  }
0x30: {  	s3 =	sld [smem:$0x3FB1]  }
0x31: {  	[smem:$0x3FBA] =	sst s10  }
0x32: {  	s10 =	sld [smem:$0x3FB8];
	_ =	sdelay $0x3  }
0x33: {  	p0 =	seq.s32 s10, $0x1;
	s10 =	sld [smem:$0x3FBA];
	_ =	sdelay $0x3  }
0x34: {  	[smem:$0x3FBA] =	sst s10  }
0x35: {  	s10 =	sld [smem:$0x3FB9];
	_ =	sdelay $0x3  }
0x36: {  	p1 =	seq.s32 s10, $0x1;
	s10 =	sld [smem:$0x3FBA];
	_ =	sdelay $0x3  }
0x37: {  	[smem:$0x3FBA] =	sst s10  }
0x38: {  	s10 =	sld [smem:$0x3FBB]  }
0x39: {  	_ = 	snop;
	(pc) =	sbr.ind lr, $3  }
0x3a: {  	_ = 	snop  }
0x3b: {  	_ = 	snop  }
0x3c: {  	p2 =	seq.s32 s10, $0x1;
	s10 =	sld [smem:$0x3FBA]  }
0x3d: {  	_ =	shalt  }
0x3e: {  	_ =	shalt  }
0x3f: {  	_ =	shalt  }
0x40: {  	_ =	shalt  }
0x41: {  	_ =	shalt  }
0x42: {  	_ =	shalt  }
0x43: {  	_ =	shalt  }
0x44: {  	_ =	shalt  }
0x45: {  	_ =	shalt  }
0x46: {  	_ =	shalt  }
0x47: {  	_ =	shalt  }
0x48: {  	_ =	shalt  }
0x49: {  	_ =	shalt  }
0x4a: {  	_ =	shalt  }
0x4b: {  	_ =	shalt  }
0x4c: {  	_ =	shalt  }
0x4d: {  	_ =	shalt  }
0x4e: {  	_ =	shalt  }
0x4f: {  	_ =	shalt  }
0x50: {  	_ =	shalt  }
0x51: {  	_ =	shalt  }
0x52: {  	_ =	shalt  }
0x53: {  	_ =	shalt  }
0x54: {  	_ =	shalt  }
0x55: {  	_ =	shalt  }
0x56: {  	_ =	shalt  }
0x57: {  	_ =	shalt  }
0x58: {  	_ =	shalt  }
0x59: {  	_ =	shalt  }
0x5a: {  	_ =	shalt  }
0x5b: {  	_ =	shalt  }
0x5c: {  	_ =	shalt  }
0x5d: {  	_ =	shalt  }
0x5e: {  	_ =	shalt  }
0x5f: {  	_ =	shalt  }
0x60: {  	_ =	shalt  }
0x61: {  	_ =	shalt  }
0x62: {  	_ =	shalt  }
0x63: {  	_ =	shalt  }
0x64: {  	_ =	shalt  }
0x65: {  	_ =	shalt  }
0x66: {  	_ =	shalt  }
0x67: {  	_ =	shalt  }
0x68: {  	_ =	shalt  }
0x69: {  	_ =	shalt  }
0x6a: {  	_ =	shalt  }
0x6b: {  	_ =	shalt  }
0x6c: {  	_ =	shalt  }
0x6d: {  	_ =	shalt  }
0x6e: {  	_ =	shalt  }
0x6f: {  	_ =	shalt  }
0x70: {  	_ =	shalt  }
0x71: {  	_ =	shalt  }
0x72: {  	_ =	shalt  }
0x73: {  	_ =	shalt  }
0x74: {  	_ =	shalt  }
0x75: {  	_ =	shalt  }
0x76: {  	_ =	shalt  }
0x77: {  	_ =	shalt  }
0x78: {  	_ =	shalt  }
0x79: {  	_ =	shalt  }
0x7a: {  	_ =	shalt  }
0x7b: {  	_ =	shalt  }
0x7c: {  	_ =	shalt  }
0x7d: {  	_ =	shalt  }
0x7e: {  	_ =	shalt  }
0x7f: {  	_ =	shalt  }
0x80: {  	_ =	shalt  }
0x81: {  	_ =	shalt  }
0x82: {  	_ =	shalt  }
0x83: {  	_ =	shalt  }
0x84: {  	_ =	shalt  }
0x85: {  	_ =	shalt  }
0x86: {  	_ =	shalt  }
0x87: {  	_ =	shalt  }
.Lfunc_end0:
.L_simem_size_0:
called_computation.2_lowered:
.L_overlay_start_0:
0x88: {  	s2 =	sld [smem:$0x3FD9]  }
0x89: {  	s3 =	sld [smem:$0x3FFE];
	_ =	sdelay $0x1  }
0x8a: {  	s1 =	srdreg.scid  }
0x8b: {  	s0 =	sand.u32 $0x1, s1  }
0x8c: {  	s17 =	sshll.u32 s0, $0xA;
	s2 =	sadd.s32 s3, s2  }
0x8d: {  	s2 =	sadd.s32 s2, s17  }
0x8e: {  	[smem:$0x3FC6] =	sst s2  }
0x8f: {  	_ = 	snop  }
0x90: {  	s2 =	sld [smem:$0x3FD0];
	(tm) =	ssettm $0x1  }
0x91: {  	s18 =	sld [smem:$0x3FFB];
	_ =	sdelay $0x3  }
0x92: {  	_ =	strace s18  }
0x93: {  	s3 =	sld [smem:$0x3FFC];
	_ =	sdelay $0x3  }
0x94: {  	_ =	strace s3  }
0x95: {  	s3 =	sld [smem:$0x3FFD];
	_ =	sdelay $0x3  }
0x96: {  	_ =	strace s3  }
0x97: {  	_ =	strace $0x8FFFFFFF  }
0x98: {  	s19 =	sld [smem:$0x3FDB];
	_ =	sdelay $0x1  }
0x99: {  	s4 =	simm.s32 $_scs_section_size  }
0x9a: {  	s5 =	simm.s32 $_size__tile_overlayer_lowered;
	s6 =	simm.s32 $_tile_overlayer_lowered  }
0x9b: {  	s22 =	simm.s32 $0x1BFF;
	s21 =	sshll.u32 s6, $0x1;
	s3 =	sadd.s32 s4, s19  }
0x9c: {  	s7 =	simm.s32 $0x0;
	s20 =	sshll.u32 s5, $0x1;
	s5 =	sadd.s32 s21, s3  }
0x9d: {  	[timem:s7], [sflag:s22] =	dma.local [hbm:s5], s20  }
0x9e: {  	_ =	swait.ge [sflag:s22], s20  }
0x9f: {  	s4 =	ssub.s32 $0x0, s20;
	[sflag:s22] =	ssyncset.done $0x0  }
0xa0: {  	[sflag:s22] =	ssyncadd.s32 s4;
	_ =	sdelay $0x1  }
0xa1: {  	s23 =	simm.s32 $0x1B8B  }
0xa2: {  	_ =	swait.ge [sflag:s23], $0x1  }
0xa3: {  	[sflag:s23] =	ssyncset.done $0x0  }
0xa4: {  	s25 =	simm.s32 $0x1B8E;
	s24 =	sld [smem:$0x3FFE];
	[sflag:s23] =	ssyncadd.s32 $0xFFFFFFFF  }
0xa5: {  	s26 =	simm.s32 $execute0_lowered;
	[smem:$0x3FD2] =	sst s25  }
0xa6: {  	s5 =	sshll.u32 s26, $0x1;
	_ =	strace $0x8000004C;
	[dreg:$0x1] =	wrdreg $0xFFFFFFFF  }
0xa7: {  	s28 =	simm.s32 $_size_execute0_lowered;
	s3 =	sadd.s32 s3, s5;
	[dreg:$0x0] =	wrdreg $0x0  }
0xa8: {  	s5 =	sshll.u32 s28, $0x1;
	[dreg:$0x2] =	wrdreg s3  }
0xa9: {  	[dreg:$0x3] =	wrdreg s5  }
0xaa: {  	[dreg:$0x4] =	wrdreg $0xC0  }
0xab: {  	_ =	task [dreg:s7], $0x5FFFF  }
0xac: {  	[dreg:$0x1] =	wrdreg $0xFFFFFFFF  }
0xad: {  	[dreg:$0x0] =	wrdreg $0x60  }
0xae: {  	[dreg:$0x2] =	wrdreg s2  }
0xaf: {  	[dreg:$0x3] =	wrdreg s24  }
0xb0: {  	[dreg:$0x4] =	wrdreg $0x9  }
0xb1: {  	_ =	task.clear_ibuf [dreg:s7], $0x5FFFF;
	_ =	strace $0x9000004C  }
0xb2: {  	s29 =	simm.s32 $0x9;
	_ =	strace $0x8000004E  }
0xb3: {  	_ =	swait.ge [sflag:s29], $0x1  }
0xb4: {  	[sflag:s29] =	ssyncadd.s32 $0xFFFFFFFF  }
0xb5: {  	_ =	strace $0x9000004E  }
0xb6: {  	_ =	sfence  }
0xb7: {  	s30 =	sld [smem:$0x0];
	_ =	sdelay $0x2  }
0xb8: {  	s31 =	sshll.u32 s1, $0xD;
	s1 =	sshrl.u32 s1, $0x2  }
0xb9: {  	s3 =	sand.u32 $0x4000, s31;
	s1 =	sadd.s32 s1, s30  }
0xba: {  	s0 =	sor.u32 s3, s0;
	s1 =	sshll.u32 s1, $0x11  }
0xbb: {  	s0 =	sor.u32 s1, s0  }
0xbc: {  	s0 =	sadd.s32 $0x8F2B, s0  }
0xbd: {  	[sflag:s0] =	ssyncadd.remote.s32 $0x1  }
0xbe: {  	_ =	sfence.sel $0xFFFF  }
0xbf: {  	[dreg:$0x0] =	wrdreg $0xFFFFFFFF;
	(pc) =	sbr.abs _section_cstart, $3  }
0xc0: {  	[dreg:$0x1] =	wrdreg $0xFFFFFFFF  }
0xc1: {  	_ =	task.clear_ibuf [dreg:s7], $0x2FFFF;
	_ =	strace $0x9FFFFFFF  }
0xc2: {  	(tm) =	ssettm $0x7FFFFFFF  }
0xc3: {  	_ =	shalt  }
tec
execute0_lowered:
.L_overlay_start_1:
0x0: {  	(tag) =	ssettag $0x1  }
0x1: {  	s2 =	rddreg [dreg:$0x0]  }
0x2: {  	s0 =	rddreg [dreg:$0x1];
	s1 =	srdreg.scid  }
0x3: {  	s4 =	stileid.u32;
	s3 =	simm.s32 $0x0;
	s18 =	simm.s32 $0x3  }
0x4: {  	s19 =	simm.s32 $0x8000;
	s20 =	simm.s32 $0x1;
	s21 =	simm.s32 $0x10000  }
0x5: {  	s22 =	simm.s32 $0x2;
	s23 =	simm.s32 $0x80;
	s24 =	simm.s32 $0x400  }
0x6: {  	s1 =	sand.u32 $0x1, s1;
	s4 =	sshll.u32 s4, $0x1;
	[smem:$0x7FF] =	sst s3  }
0x7: {  	s6 =	sadd.s32 $0x22200, s0;
	s4 =	sor.u32 s1, s4;
	s1 =	ssub.s32 $0x2, s1  }
0x8: {  	_ =	strace $0x8000004D;
	s5 =	sshll.u32 s4, $0xA;
	s26 =	sshrl.u32 s1, $0x1  }
0x9: {  	s0 =	sadd.s32 s5, s0;
	s5 =	sshll.u32 s4, $0x7;
	s4 =	sshll.u32 s4, $0x10  }
0xa: {  	[dreg:$0x3] =	wrdreg s6;
	s1 =	ssub.s32 s1, s26;
	s4 =	sadd.s32 s2, s4  }
0xb: {  	s7 =	sor.u32 $0x10, s5;
	s28 =	sadd.s32 $0x22400, s0;
	[dreg:$0x4] =	wrdreg s4  }
0xc: {  	s29 =	sadd.s32 $0x22410, s0;
	s30 =	sadd.s32 $0x22420, s0;
	[dreg:$0x5] =	wrdreg s28  }
0xd: {  	s31 =	sadd.s32 $0x22430, s0;
	s12 =	sadd.s32 $0x22440, s0;
	[dreg:$0x6] =	wrdreg s29  }
0xe: {  	s13 =	sadd.s32 $0x22450, s0;
	s14 =	sadd.s32 $0x22460, s0;
	[dreg:$0x7] =	wrdreg s30  }
0xf: {  	v0 =	vimm.s32 $0x0;
	v1 =	vlaneseq.u32;
	v2 =	vimm.s32 $0x1;
	s15 =	sadd.s32 $0x22470, s0;
	s16 =	smax.u32 s1, $0x1;
	[dreg:$0x8] =	wrdreg s31  }
.LBB2_1:
0x10: {  	s0 =	simm.s32 $0x10040  }
0x11: {  	[tilespmem:s0+$0xFFFFFFC0] =	vst v0  }
0x12: {  	[tilespmem:s0+$0x30] =	vst v0  }
0x13: {  	[tilespmem:s0+$0x20] =	vst v0  }
0x14: {  	[tilespmem:s0+$0x10] =	vst v0  }
0x15: {  	[tilespmem:s0+$0x0] =	vst v0  }
0x16: {  	[tilespmem:s0+$0xFFFFFFF0] =	vst v0  }
0x17: {  	s1 =	simm.s32 $0x0;
	[tilespmem:s0+$0xFFFFFFE0] =	vst v0  }
.LBB2_2:
0x18: {  	s1 =	sadd.s32 $0x8, s1;
	[tilespmem:s0+$0xFFFFFFD0] =	vst v0;
	s0 =	sadd.s32 $0x80, s0  }
0x19: {  	[tilespmem:s0+$0xFFFFFFC0] =	vst v0;
	p0 =	slt.u32 s1, $0x1F8  }
0x1a: {  	[tilespmem:s0+$0x30] =	vst v0  }
.Ltmp0:
0x1b: {  	[tilespmem:s0+$0x20] =	vst v0;
	(pc) =	sbr.rel @p0 .LBB2_2-.Ltmp0, $4  }
0x1c: {  	[tilespmem:s0+$0x10] =	vst v0  }
0x1d: {  	[tilespmem:s0+$0x0] =	vst v0  }
0x1e: {  	[tilespmem:s0+$0xFFFFFFF0] =	vst v0  }
0x1f: {  	[tilespmem:s0+$0xFFFFFFE0] =	vst v0  }
0x20: {  	[tilespmem:s0+$0xFFFFFFD0] =	vst v0  }
0x21: {  	s1 =	simm.s32 $0x0;
	s4 =	simm.s32 $0x12000;
	s0 =	rddreg [dreg:$0x3]  }
0x22: {  	[tilespmem:s4], [sflag:$0x3] =	stream.linear.gather [hbm4b:s0+s1], $0x10, $0x38;
	[tilespmem:$0x12080] =	vst v63  }
0x23: {  	_ =	swait.ge [sflag:s18], $0x10  }
0x24: {  	[sflag:s18] =	ssyncset.done $0x0  }
0x25: {  	[sflag:s18] =	ssyncadd.s32 $0xFFFFFFF0  }
0x26: {  	v3 =	vld [tilespmem:$0x12000];
	_ =	sdelay $0x2  }
0x27: {  	s17 =	simm.s32 $0x0;
	s31 =	rddreg [dreg:$0x4]  }
0x28: {  	[tilespmem:s1], [sflag:$0x1] =	stream.linear.gather [hbm4b:s31+s1], $0x8000, $0x38;
	[tilespmem:$0x12080] =	vst v63  }
.LBB2_4:
0x29: {  	s25 =	sshll.u32 s17, $0x4  }
0x2a: {  	s0 =	sadd.s32 s25, s5  }
0x2b: {  	s0 =	sshll.u32 s0, $0x9  }
0x2c: {  	s0 =	sadd.s32 s2, s0  }
0x2d: {  	s0 =	sadd.s32 $0x1000, s0  }
0x2e: {  	[tilespmem:s19], [sflag:$0x2] =	stream.linear.gather [hbm4b:s0+s1], $0x8000, $0x38;
	[tilespmem:$0x12080] =	vst v63  }
0x2f: {  	_ =	swait.ge [sflag:s20], $0x8000  }
0x30: {  	s8 =	sand.u32 $0x60, s1;
	s4 =	sand.u32 $0x7C00, s1;
	[sflag:s20] =	ssyncset.done $0x0  }
0x31: {  	s0 =	sor.u32 s8, s4;
	[sflag:s20] =	ssyncadd.s32 $0xFFFF8000  }
0x32: {  	v4 =	vld [tilespmem:s0+$0x10];
	_ =	sdelay $0x4  }
0x33: {  	v5 =	vld [tilespmem:s0+$0x0];
	v6 =	vshrl.u32 v4, $0x9;
	v4 =	vshll.u32 v4, $0x4  }
0x34: {  	vm0 =	veq.s32 v6, v3;
	v4 =	vor.u32 v1, v4  }
0x35: {  	v4 =	vand.u32 $0x1FFF, v4;
	_ =	sdelay $0x2  }
0x36: {  	v6 =	vshll.u32 v5, $0x4;
	v5 =	vshrl.u32 v5, $0x9  }
0x37: {  	v6 =	vor.u32 v1, v6;
	vm1 =	veq.s32 v5, v3  }
0x38: {  	v5 =	vand.u32 $0x1FFF, v6;
	[tilespmem:v4+s21+$0x0] =	vst.idx.add.s32.msk vm0, v2  }
0x39: {  	v4 =	vld [tilespmem:s0+$0x90];
	_ =	sdelay $0x3  }
0x3a: {  	[tilespmem:v5+s21+$0x0] =	vst.idx.add.s32.msk vm1, v2  }
0x3b: {  	v5 =	vld [tilespmem:s0+$0x80];
	v6 =	vshrl.u32 v4, $0x9;
	v4 =	vshll.u32 v4, $0x4  }
0x3c: {  	vm0 =	veq.s32 v6, v3;
	v4 =	vor.u32 v1, v4  }
0x3d: {  	v4 =	vand.u32 $0x1FFF, v4;
	_ =	sdelay $0x2  }
0x3e: {  	v6 =	vshrl.u32 v5, $0x9;
	v5 =	vshll.u32 v5, $0x4  }
0x3f: {  	vm1 =	veq.s32 v6, v3;
	v5 =	vor.u32 v1, v5  }
0x40: {  	v5 =	vand.u32 $0x1FFF, v5;
	[tilespmem:v4+s21+$0x0] =	vst.idx.add.s32.msk vm0, v2  }
0x41: {  	v4 =	vld [tilespmem:s0+$0x110];
	_ =	sdelay $0x3  }
0x42: {  	s26 =	simm.s32 $0x100;
	s9 =	simm.s32 $0x20;
	[tilespmem:v5+s21+$0x0] =	vst.idx.add.s32.msk vm1, v2  }
0x43: {  	s6 =	sand.u32 $0x7C00, s26;
	s4 =	sand.u32 $0x60, s9;
	v5 =	vld [tilespmem:s0+$0x100];
	v6 =	vshrl.u32 v4, $0x9;
	v4 =	vshll.u32 v4, $0x4  }
0x44: {  	s28 =	sor.u32 s4, s6;
	vm0 =	veq.s32 v6, v3;
	v4 =	vor.u32 v1, v4  }
0x45: {  	v6 =	vld [tilespmem:s28+$0x10];
	v4 =	vand.u32 $0x1FFF, v4;
	_ =	sdelay $0x1  }
0x46: {  	v7 =	vld [tilespmem:s28+$0x0]  }
0x47: {  	v8 =	vshrl.u32 v5, $0x9;
	v5 =	vshll.u32 v5, $0x4  }
0x48: {  	vm1 =	veq.s32 v8, v3;
	v5 =	vor.u32 v1, v5  }
0x49: {  	v5 =	vand.u32 $0x1FFF, v5;
	v8 =	vshrl.u32 v6, $0x9;
	v6 =	vshll.u32 v6, $0x4;
	[tilespmem:v4+s21+$0x0] =	vst.idx.add.s32.msk vm0, v2  }
0x4a: {  	vm0 =	veq.s32 v8, v3;
	v4 =	vor.u32 v1, v6;
	v6 =	vld [tilespmem:s0+$0x190]  }
0x4b: {  	v8 =	vshll.u32 v7, $0x4;
	v7 =	vshrl.u32 v7, $0x9;
	v4 =	vand.u32 $0x1FFF, v4  }
0x4c: {  	v8 =	vor.u32 v1, v8;
	vm2 =	veq.s32 v7, v3  }
0x4d: {  	v7 =	vand.u32 $0x1FFF, v8  }
0x4e: {  	[tilespmem:v5+s21+$0x0] =	vst.idx.add.s32.msk vm1, v2  }
0x4f: {  	v5 =	vld [tilespmem:s0+$0x180];
	v8 =	vshrl.u32 v6, $0x9;
	v6 =	vshll.u32 v6, $0x4  }
0x50: {  	[tilespmem:v4+s21+$0x0] =	vst.idx.add.s32.msk vm0, v2;
	vm0 =	veq.s32 v8, v3;
	v4 =	vor.u32 v1, v6  }
0x51: {  	v6 =	vld [tilespmem:s28+$0x90];
	v4 =	vand.u32 $0x1FFF, v4  }
0x52: {  	[tilespmem:v7+s21+$0x0] =	vst.idx.add.s32.msk vm2, v2  }
0x53: {  	v7 =	vld [tilespmem:s28+$0x80]  }
0x54: {  	v8 =	vshrl.u32 v5, $0x9;
	v5 =	vshll.u32 v5, $0x4  }
0x55: {  	vm1 =	veq.s32 v8, v3;
	v5 =	vor.u32 v1, v5  }
0x56: {  	v5 =	vand.u32 $0x1FFF, v5;
	v8 =	vshrl.u32 v6, $0x9;
	v6 =	vshll.u32 v6, $0x4;
	[tilespmem:v4+s21+$0x0] =	vst.idx.add.s32.msk vm0, v2  }
0x57: {  	vm0 =	veq.s32 v8, v3;
	v4 =	vor.u32 v1, v6;
	v6 =	vld [tilespmem:s0+$0x210]  }
0x58: {  	v8 =	vshrl.u32 v7, $0x9;
	v7 =	vshll.u32 v7, $0x4;
	v4 =	vand.u32 $0x1FFF, v4  }
0x59: {  	vm2 =	veq.s32 v8, v3;
	v7 =	vor.u32 v1, v7  }
0x5a: {  	v7 =	vand.u32 $0x1FFF, v7  }
0x5b: {  	[tilespmem:v5+s21+$0x0] =	vst.idx.add.s32.msk vm1, v2  }
0x5c: {  	v5 =	vld [tilespmem:s0+$0x200];
	v8 =	vshrl.u32 v6, $0x9;
	v6 =	vshll.u32 v6, $0x4  }
0x5d: {  	[tilespmem:v4+s21+$0x0] =	vst.idx.add.s32.msk vm0, v2;
	vm0 =	veq.s32 v8, v3;
	v4 =	vor.u32 v1, v6  }
0x5e: {  	v6 =	vld [tilespmem:s28+$0x110];
	v4 =	vand.u32 $0x1FFF, v4  }
0x5f: {  	s29 =	simm.s32 $0x200;
	s10 =	simm.s32 $0x40;
	[tilespmem:v7+s21+$0x0] =	vst.idx.add.s32.msk vm2, v2  }
0x60: {  	s11 =	sand.u32 $0x7C00, s29;
	s4 =	sand.u32 $0x60, s10;
	v7 =	vld [tilespmem:s28+$0x100]  }
0x61: {  	s30 =	sor.u32 s4, s11;
	v8 =	vshrl.u32 v5, $0x9;
	v5 =	vshll.u32 v5, $0x4  }
0x62: {  	vm1 =	veq.s32 v8, v3;
	v5 =	vor.u32 v1, v5;
	v8 =	vld [tilespmem:s30+$0x10]  }
0x63: {  	v5 =	vand.u32 $0x1FFF, v5;
	v9 =	vshrl.u32 v6, $0x9;
	v6 =	vshll.u32 v6, $0x4;
	[tilespmem:v4+s21+$0x0] =	vst.idx.add.s32.msk vm0, v2  }
0x64: {  	vm0 =	veq.s32 v9, v3;
	v4 =	vor.u32 v1, v6;
	v6 =	vld [tilespmem:s0+$0x290]  }
0x65: {  	v9 =	vshrl.u32 v7, $0x9;
	v7 =	vshll.u32 v7, $0x4;
	v4 =	vand.u32 $0x1FFF, v4  }
0x66: {  	v10 =	vld [tilespmem:s30+$0x0];
	vm2 =	veq.s32 v9, v3;
	v7 =	vor.u32 v1, v7  }
0x67: {  	v9 =	vshrl.u32 v8, $0x9;
	v8 =	vshll.u32 v8, $0x4;
	v7 =	vand.u32 $0x1FFF, v7  }
0x68: {  	[tilespmem:v5+s21+$0x0] =	vst.idx.add.s32.msk vm1, v2;
	vm1 =	veq.s32 v9, v3;
	v5 =	vor.u32 v1, v8  }
0x69: {  	v8 =	vld [tilespmem:s0+$0x280];
	v5 =	vand.u32 $0x1FFF, v5;
	v9 =	vshrl.u32 v6, $0x9;
	v6 =	vshll.u32 v6, $0x4  }
0x6a: {  	[tilespmem:v4+s21+$0x0] =	vst.idx.add.s32.msk vm0, v2;
	vm0 =	veq.s32 v9, v3;
	v4 =	vor.u32 v1, v6  }
0x6b: {  	v6 =	vld [tilespmem:s28+$0x190];
	v9 =	vshll.u32 v10, $0x4;
	v10 =	vshrl.u32 v10, $0x9;
	v4 =	vand.u32 $0x1FFF, v4  }
0x6c: {  	s6 =	sand.u32 $0x3, s1;
	[tilespmem:v7+s21+$0x0] =	vst.idx.add.s32.msk vm2, v2;
	v9 =	vor.u32 v1, v9;
	vm3 =	veq.s32 v10, v3  }
0x6d: {  	s0 =	sshll.u32 s6, $0x5;
	v7 =	vand.u32 $0x1FFF, v9;
	v9 =	vld [tilespmem:s28+$0x180]  }
0x6e: {  	s0 =	sadd.s32 $0x0, s0;
	v10 =	vshll.u32 v8, $0x4;
	v8 =	vshrl.u32 v8, $0x9;
	[tilespmem:v5+s21+$0x0] =	vst.idx.add.s32.msk vm1, v2  }
0x6f: {  	s8 =	sadd.s32 $0x10, s0;
	v5 =	vor.u32 v1, v10;
	vm1 =	veq.s32 v8, v3;
	v8 =	vld [tilespmem:s30+$0x90]  }
0x70: {  	s9 =	sor.u32 $0x300, s8;
	v5 =	vand.u32 $0x1FFF, v5;
	v10 =	vshrl.u32 v6, $0x9;
	v6 =	vshll.u32 v6, $0x4;
	[tilespmem:v4+s21+$0x0] =	vst.idx.add.s32.msk vm0, v2  }
0x71: {  	vm0 =	veq.s32 v10, v3;
	v4 =	vor.u32 v1, v6;
	v6 =	vld [tilespmem:s9+$0x0]  }
0x72: {  	v4 =	vand.u32 $0x1FFF, v4;
	[tilespmem:v7+s21+$0x0] =	vst.idx.add.s32.msk vm3, v2;
	v7 =	vshrl.u32 v9, $0x9;
	v9 =	vshll.u32 v9, $0x4  }
0x73: {  	vm2 =	veq.s32 v7, v3;
	v7 =	vor.u32 v1, v9  }
0x74: {  	v10 =	vld [tilespmem:s30+$0x80];
	v9 =	vshrl.u32 v8, $0x9;
	v8 =	vshll.u32 v8, $0x4;
	v7 =	vand.u32 $0x1FFF, v7  }
0x75: {  	s10 =	sor.u32 $0x300, s0;
	[tilespmem:v5+s21+$0x0] =	vst.idx.add.s32.msk vm1, v2;
	vm1 =	veq.s32 v9, v3;
	v5 =	vor.u32 v1, v8  }
0x76: {  	v8 =	vld [tilespmem:s10+$0x0];
	v5 =	vand.u32 $0x1FFF, v5  }
0x77: {  	v9 =	vshrl.u32 v6, $0x9;
	v6 =	vshll.u32 v6, $0x4;
	[tilespmem:v4+s21+$0x0] =	vst.idx.add.s32.msk vm0, v2  }
0x78: {  	vm3 =	veq.s32 v9, v3;
	v4 =	vor.u32 v1, v6;
	v6 =	vld [tilespmem:s28+$0x210]  }
0x79: {  	v9 =	vshrl.u32 v10, $0x9;
	v10 =	vshll.u32 v10, $0x4;
	v4 =	vand.u32 $0x1FFF, v4;
	[tilespmem:v7+s21+$0x0] =	vst.idx.add.s32.msk vm2, v2  }
0x7a: {  	vm4 =	veq.s32 v9, v3;
	v9 =	vor.u32 v1, v10;
	v10 =	vld [tilespmem:s28+$0x200]  }
0x7b: {  	v7 =	vshrl.u32 v8, $0x9;
	v9 =	vand.u32 $0x1FFF, v9;
	[tilespmem:v5+s21+$0x0] =	vst.idx.add.s32.msk vm1, v2;
	v5 =	vshll.u32 v8, $0x4  }
0x7c: {  	vm0 =	veq.s32 v7, v3;
	v5 =	vor.u32 v1, v5  }
0x7d: {  	v7 =	vld [tilespmem:s30+$0x110];
	v5 =	vand.u32 $0x1FFF, v5;
	v8 =	vshrl.u32 v6, $0x9;
	v6 =	vshll.u32 v6, $0x4  }
0x7e: {  	s11 =	sor.u32 $0x380, s8;
	[tilespmem:v4+s21+$0x0] =	vst.idx.add.s32.msk vm3, v2;
	vm1 =	veq.s32 v8, v3;
	v6 =	vor.u32 v1, v6  }
0x7f: {  	s4 =	simm.s32 $0x4;
	s6 =	simm.s32 $0x300;
	v4 =	vld [tilespmem:s11+$0x0];
	v6 =	vand.u32 $0x1FFF, v6  }
0x80: {  	s31 =	sor.u32 $0x380, s0;
	s0 =	simm.s32 $0x0;
	s8 =	simm.s32 $0x60;
	[tilespmem:v9+s21+$0x0] =	vst.idx.add.s32.msk vm4, v2;
	v8 =	vshrl.u32 v10, $0x9;
	v9 =	vshll.u32 v10, $0x4  }
.LBB2_5:
0x81: {  	s9 =	sand.u32 $0x60, s8;
	s10 =	sand.u32 $0x7C00, s6;
	v10 =	vld [tilespmem:s30+$0x100];
	vm3 =	veq.s32 v8, v3;
	v8 =	vor.u32 v1, v9  }
0x82: {  	s4 =	sadd.s32 $0x2, s4;
	s9 =	sor.u32 s9, s10;
	v9 =	vshrl.u32 v7, $0x9;
	v7 =	vshll.u32 v7, $0x4;
	v8 =	vand.u32 $0x1FFF, v8;
	[tilespmem:v5+s21+$0x0] =	vst.idx.add.s32.msk vm0, v2  }
0x83: {  	p0 =	slt.u32 s4, $0xFE;
	v5 =	vld [tilespmem:s9+$0x10];
	vm0 =	veq.s32 v9, v3;
	v7 =	vor.u32 v1, v7  }
0x84: {  	v7 =	vand.u32 $0x1FFF, v7;
	[tilespmem:v6+s21+$0x0] =	vst.idx.add.s32.msk vm1, v2;
	v6 =	vshrl.u32 v4, $0x9;
	v4 =	vshll.u32 v4, $0x4  }
0x85: {  	v9 =	vld [tilespmem:s28+$0x290];
	vm1 =	veq.s32 v6, v3;
	v4 =	vor.u32 v1, v4  }
0x86: {  	v6 =	vld [tilespmem:s9+$0x0];
	v11 =	vshrl.u32 v10, $0x9;
	v10 =	vshll.u32 v10, $0x4;
	v4 =	vand.u32 $0x1FFF, v4  }
0x87: {  	vm2 =	veq.s32 v11, v3;
	v10 =	vor.u32 v1, v10;
	[tilespmem:v8+s21+$0x0] =	vst.idx.add.s32.msk vm3, v2  }
0x88: {  	v8 =	vshrl.u32 v5, $0x9;
	v5 =	vshll.u32 v5, $0x4;
	v10 =	vand.u32 $0x1FFF, v10;
	v11 =	vld [tilespmem:s28+$0x280];
	s28 =	smov.u32 s30;
	s30 =	smov.u32 s9  }
0x89: {  	vm3 =	veq.s32 v8, v3;
	v5 =	vor.u32 v1, v5;
	[tilespmem:v7+s21+$0x0] =	vst.idx.add.s32.msk vm0, v2  }
0x8a: {  	v5 =	vand.u32 $0x1FFF, v5;
	v7 =	vld [tilespmem:s28+$0x190];
	v8 =	vshrl.u32 v9, $0x9;
	v9 =	vshll.u32 v9, $0x4  }
0x8b: {  	v12 =	vshll.u32 v6, $0x4;
	vm0 =	veq.s32 v8, v3;
	v8 =	vor.u32 v1, v9;
	[tilespmem:v4+s21+$0x0] =	vst.idx.add.s32.msk vm1, v2  }
0x8c: {  	s0 =	sadd.s32 $0x1, s0;
	v4 =	vshrl.u32 v6, $0x9;
	v6 =	vor.u32 v1, v12;
	v8 =	vand.u32 $0x1FFF, v8;
	v9 =	vld [tilespmem:s31+$0x0]  }
0x8d: {  	s9 =	sand.u32 $0x3, s0;
	vm1 =	veq.s32 v4, v3;
	v4 =	vand.u32 $0x1FFF, v6;
	[tilespmem:v10+s21+$0x0] =	vst.idx.add.s32.msk vm2, v2;
	v6 =	vshll.u32 v11, $0x4  }
0x8e: {  	s9 =	sshll.u32 s9, $0x5;
	v11 =	vshrl.u32 v11, $0x9;
	v10 =	vld [tilespmem:s28+$0x180];
	v6 =	vor.u32 v1, v6  }
0x8f: {  	s9 =	sadd.s32 s9, s26;
	s26 =	smov.u32 s29;
	s29 =	smov.u32 s6;
	vm2 =	veq.s32 v11, v3;
	[tilespmem:v5+s21+$0x0] =	vst.idx.add.s32.msk vm3, v2;
	v5 =	vand.u32 $0x1FFF, v6  }
0x90: {  	s10 =	sor.u32 $0x300, s9;
	s31 =	sor.u32 $0x380, s9;
	s9 =	sadd.s32 $0x10, s9;
	v11 =	vshrl.u32 v7, $0x9;
	v7 =	vshll.u32 v7, $0x4;
	v6 =	vld [tilespmem:s30+$0x90]  }
0x91: {  	s11 =	sor.u32 $0x300, s9;
	vm3 =	veq.s32 v11, v3;
	v7 =	vor.u32 v1, v7;
	[tilespmem:v8+s21+$0x0] =	vst.idx.add.s32.msk vm0, v2;
	v8 =	vshll.u32 v9, $0x4  }
0x92: {  	v7 =	vand.u32 $0x1FFF, v7;
	v9 =	vshrl.u32 v9, $0x9;
	v11 =	vld [tilespmem:s11+$0x0];
	v8 =	vor.u32 v1, v8  }
0x93: {  	vm0 =	veq.s32 v9, v3;
	[tilespmem:v4+s21+$0x0] =	vst.idx.add.s32.msk vm1, v2;
	v4 =	vshrl.u32 v10, $0x9;
	v10 =	vshll.u32 v10, $0x4  }
0x94: {  	v8 =	vand.u32 $0x1FFF, v8;
	v9 =	vld [tilespmem:s30+$0x80];
	vm1 =	veq.s32 v4, v3;
	v4 =	vor.u32 v1, v10  }
0x95: {  	v10 =	vshrl.u32 v6, $0x9;
	v6 =	vshll.u32 v6, $0x4;
	v4 =	vand.u32 $0x1FFF, v4;
	[tilespmem:v5+s21+$0x0] =	vst.idx.add.s32.msk vm2, v2  }
0x96: {  	vm2 =	veq.s32 v10, v3;
	v5 =	vor.u32 v1, v6;
	v6 =	vld [tilespmem:s10+$0x0]  }
0x97: {  	v5 =	vand.u32 $0x1FFF, v5;
	[tilespmem:v7+s21+$0x0] =	vst.idx.add.s32.msk vm3, v2;
	v7 =	vshrl.u32 v11, $0x9;
	v10 =	vshll.u32 v11, $0x4  }
0x98: {  	v11 =	vld [tilespmem:s28+$0x210];
	vm3 =	veq.s32 v7, v3;
	v7 =	vor.u32 v1, v10  }
0x99: {  	v10 =	vshrl.u32 v9, $0x9;
	v9 =	vshll.u32 v9, $0x4;
	v12 =	vand.u32 $0x1FFF, v7;
	[tilespmem:v8+s21+$0x0] =	vst.idx.add.s32.msk vm0, v2  }
0x9a: {  	vm4 =	veq.s32 v10, v3;
	v7 =	vor.u32 v1, v9;
	[tilespmem:v4+s21+$0x0] =	vst.idx.add.s32.msk vm1, v2  }
0x9b: {  	v8 =	vand.u32 $0x1FFF, v7;
	v9 =	vld [tilespmem:s28+$0x200];
	v4 =	vshrl.u32 v6, $0x9;
	v6 =	vshll.u32 v6, $0x4  }
.Ltmp1:
0x9c: {  	[tilespmem:v5+s21+$0x0] =	vst.idx.add.s32.msk vm2, v2;
	vm0 =	veq.s32 v4, v3;
	v4 =	vor.u32 v1, v6;
	(pc) =	sbr.rel @p0 .LBB2_5-.Ltmp1, $4  }
0x9d: {  	v7 =	vld [tilespmem:s30+$0x110];
	v6 =	vshrl.u32 v11, $0x9;
	v10 =	vshll.u32 v11, $0x4;
	v5 =	vand.u32 $0x1FFF, v4  }
0x9e: {  	s9 =	sor.u32 $0x380, s9;
	vm1 =	veq.s32 v6, v3;
	v4 =	vor.u32 v1, v10;
	[tilespmem:v12+s21+$0x0] =	vst.idx.add.s32.msk vm3, v2  }
0x9f: {  	v6 =	vand.u32 $0x1FFF, v4;
	v4 =	vld [tilespmem:s9+$0x0]  }
0xa0: {  	s8 =	sadd.s32 $0x20, s8;
	s6 =	sadd.s32 $0x100, s6;
	[tilespmem:v8+s21+$0x0] =	vst.idx.add.s32.msk vm4, v2;
	v8 =	vshrl.u32 v9, $0x9;
	v9 =	vshll.u32 v9, $0x4  }
0xa1: {  	v10 =	vld [tilespmem:s30+$0x100];
	_ =	sdelay $0x2  }
0xa2: {  	v11 =	vshrl.u32 v7, $0x9;
	v7 =	vshll.u32 v7, $0x4  }
0xa3: {  	vm2 =	veq.s32 v11, v3;
	v7 =	vor.u32 v1, v7  }
0xa4: {  	v7 =	vand.u32 $0x1FFF, v7;
	v11 =	vshrl.u32 v10, $0x9;
	v10 =	vshll.u32 v10, $0x4  }
0xa5: {  	vm3 =	veq.s32 v11, v3;
	v10 =	vor.u32 v1, v10  }
0xa6: {  	v10 =	vand.u32 $0x1FFF, v10;
	_ =	sdelay $0x2  }
0xa7: {  	[tilespmem:v7+s21+$0x0] =	vst.idx.add.s32.msk vm2, v2  }
0xa8: {  	v7 =	vld [tilespmem:s30+$0x190]  }
0xa9: {  	[tilespmem:v10+s21+$0x0] =	vst.idx.add.s32.msk vm3, v2  }
0xaa: {  	v10 =	vld [tilespmem:s30+$0x180];
	_ =	sdelay $0x2  }
0xab: {  	v11 =	vshrl.u32 v7, $0x9;
	v7 =	vshll.u32 v7, $0x4  }
0xac: {  	vm2 =	veq.s32 v11, v3;
	v7 =	vor.u32 v1, v7  }
0xad: {  	v7 =	vand.u32 $0x1FFF, v7;
	v11 =	vshrl.u32 v10, $0x9;
	v10 =	vshll.u32 v10, $0x4  }
0xae: {  	vm3 =	veq.s32 v11, v3;
	v10 =	vor.u32 v1, v10  }
0xaf: {  	v10 =	vand.u32 $0x1FFF, v10;
	_ =	sdelay $0x2  }
0xb0: {  	[tilespmem:v7+s21+$0x0] =	vst.idx.add.s32.msk vm2, v2  }
0xb1: {  	v7 =	vld [tilespmem:s30+$0x210]  }
0xb2: {  	[tilespmem:v10+s21+$0x0] =	vst.idx.add.s32.msk vm3, v2  }
0xb3: {  	v10 =	vld [tilespmem:s30+$0x200];
	_ =	sdelay $0x1  }
0xb4: {  	vm2 =	veq.s32 v8, v3;
	v8 =	vor.u32 v1, v9  }
0xb5: {  	v8 =	vand.u32 $0x1FFF, v8;
	v9 =	vshrl.u32 v7, $0x9;
	v7 =	vshll.u32 v7, $0x4  }
0xb6: {  	vm3 =	veq.s32 v9, v3;
	v7 =	vor.u32 v1, v7  }
0xb7: {  	v7 =	vand.u32 $0x1FFF, v7;
	v9 =	vshrl.u32 v10, $0x9;
	v10 =	vshll.u32 v10, $0x4  }
0xb8: {  	[tilespmem:v6+s21+$0x0] =	vst.idx.add.s32.msk vm1, v2;
	vm1 =	veq.s32 v9, v3;
	v6 =	vor.u32 v1, v10  }
0xb9: {  	v9 =	vld [tilespmem:s28+$0x290];
	v6 =	vand.u32 $0x1FFF, v6  }
0xba: {  	[tilespmem:v8+s21+$0x0] =	vst.idx.add.s32.msk vm2, v2  }
0xbb: {  	v8 =	vld [tilespmem:s28+$0x280]  }
0xbc: {  	[tilespmem:v7+s21+$0x0] =	vst.idx.add.s32.msk vm3, v2  }
0xbd: {  	v7 =	vld [tilespmem:s30+$0x290]  }
0xbe: {  	v10 =	vshrl.u32 v9, $0x9;
	v9 =	vshll.u32 v9, $0x4;
	[tilespmem:v6+s21+$0x0] =	vst.idx.add.s32.msk vm1, v2  }
0xbf: {  	vm1 =	veq.s32 v10, v3;
	v6 =	vor.u32 v1, v9;
	v9 =	vld [tilespmem:s30+$0x280]  }
0xc0: {  	s0 =	sadd.s32 $0x1, s0;
	v10 =	vshll.u32 v8, $0x4;
	v8 =	vshrl.u32 v8, $0x9;
	v6 =	vand.u32 $0x1FFF, v6  }
0xc1: {  	s4 =	sand.u32 $0x3, s0;
	v10 =	vor.u32 v1, v10;
	vm2 =	veq.s32 v8, v3  }
0xc2: {  	s4 =	sshll.u32 s4, $0x5;
	v8 =	vand.u32 $0x1FFF, v10;
	v10 =	vshrl.u32 v7, $0x9;
	v7 =	vshll.u32 v7, $0x4  }
0xc3: {  	s4 =	sadd.s32 s4, s26;
	vm3 =	veq.s32 v10, v3;
	v7 =	vor.u32 v1, v7  }
0xc4: {  	s0 =	sadd.s32 $0x1, s0;
	s6 =	sadd.s32 $0x10, s4;
	v7 =	vand.u32 $0x1FFF, v7;
	v10 =	vshll.u32 v9, $0x4;
	v9 =	vshrl.u32 v9, $0x9  }
0xc5: {  	s0 =	sand.u32 $0x3, s0;
	s8 =	sor.u32 $0x300, s6;
	[tilespmem:v6+s21+$0x0] =	vst.idx.add.s32.msk vm1, v2;
	v6 =	vor.u32 v1, v10;
	vm1 =	veq.s32 v9, v3  }
0xc6: {  	s0 =	sshll.u32 s0, $0x5;
	v9 =	vld [tilespmem:s8+$0x0];
	v6 =	vand.u32 $0x1FFF, v6  }
0xc7: {  	s9 =	sor.u32 $0x300, s4;
	s0 =	sadd.s32 s0, s29;
	[tilespmem:v8+s21+$0x0] =	vst.idx.add.s32.msk vm2, v2  }
0xc8: {  	s10 =	sadd.s32 $0x10, s0;
	v8 =	vld [tilespmem:s9+$0x0]  }
0xc9: {  	s9 =	sor.u32 $0x300, s10;
	[tilespmem:v7+s21+$0x0] =	vst.idx.add.s32.msk vm3, v2  }
0xca: {  	v7 =	vld [tilespmem:s9+$0x0]  }
0xcb: {  	s11 =	sor.u32 $0x300, s0;
	v10 =	vshrl.u32 v9, $0x9;
	v9 =	vshll.u32 v9, $0x4;
	[tilespmem:v6+s21+$0x0] =	vst.idx.add.s32.msk vm1, v2  }
0xcc: {  	vm1 =	veq.s32 v10, v3;
	v6 =	vor.u32 v1, v9;
	v9 =	vld [tilespmem:s11+$0x0]  }
0xcd: {  	v10 =	vshrl.u32 v8, $0x9;
	v8 =	vshll.u32 v8, $0x4;
	v6 =	vand.u32 $0x1FFF, v6  }
0xce: {  	vm2 =	veq.s32 v10, v3;
	v8 =	vor.u32 v1, v8  }
0xcf: {  	v8 =	vand.u32 $0x1FFF, v8;
	v10 =	vshrl.u32 v7, $0x9;
	v7 =	vshll.u32 v7, $0x4  }
0xd0: {  	[tilespmem:v5+s21+$0x0] =	vst.idx.add.s32.msk vm0, v2;
	vm0 =	veq.s32 v10, v3;
	v5 =	vor.u32 v1, v7  }
0xd1: {  	v7 =	vld [tilespmem:s31+$0x0];
	v5 =	vand.u32 $0x1FFF, v5;
	v10 =	vshrl.u32 v9, $0x9;
	v9 =	vshll.u32 v9, $0x4  }
0xd2: {  	s6 =	sor.u32 $0x380, s6;
	[tilespmem:v6+s21+$0x0] =	vst.idx.add.s32.msk vm1, v2;
	vm1 =	veq.s32 v10, v3;
	v6 =	vor.u32 v1, v9  }
0xd3: {  	v9 =	vld [tilespmem:s6+$0x0];
	v6 =	vand.u32 $0x1FFF, v6  }
0xd4: {  	s4 =	sor.u32 $0x380, s4;
	[tilespmem:v8+s21+$0x0] =	vst.idx.add.s32.msk vm2, v2  }
0xd5: {  	v8 =	vld [tilespmem:s4+$0x0]  }
0xd6: {  	s26 =	sor.u32 $0x380, s10;
	v10 =	vshrl.u32 v4, $0x9;
	v4 =	vshll.u32 v4, $0x4;
	[tilespmem:v5+s21+$0x0] =	vst.idx.add.s32.msk vm0, v2  }
0xd7: {  	v4 =	vor.u32 v1, v4;
	vm0 =	veq.s32 v10, v3;
	v5 =	vshll.u32 v7, $0x4;
	v10 =	vld [tilespmem:s26+$0x0]  }
0xd8: {  	s0 =	sor.u32 $0x380, s0;
	v4 =	vand.u32 $0x1FFF, v4;
	v7 =	vshrl.u32 v7, $0x9;
	v5 =	vor.u32 v1, v5;
	[tilespmem:v6+s21+$0x0] =	vst.idx.add.s32.msk vm1, v2  }
0xd9: {  	vm1 =	veq.s32 v7, v3;
	v6 =	vshrl.u32 v9, $0x9;
	v7 =	vshll.u32 v9, $0x4;
	v9 =	vld [tilespmem:s0+$0x0]  }
0xda: {  	v5 =	vand.u32 $0x1FFF, v5;
	vm2 =	veq.s32 v6, v3;
	v6 =	vor.u32 v1, v7  }
0xdb: {  	v7 =	vshll.u32 v8, $0x4;
	v8 =	vshrl.u32 v8, $0x9;
	v6 =	vand.u32 $0x1FFF, v6  }
0xdc: {  	v7 =	vor.u32 v1, v7;
	vm3 =	veq.s32 v8, v3;
	v8 =	vshrl.u32 v10, $0x9  }
0xdd: {  	v10 =	vshll.u32 v10, $0x4;
	v7 =	vand.u32 $0x1FFF, v7;
	vm4 =	veq.s32 v8, v3  }
0xde: {  	v8 =	vor.u32 v1, v10;
	v10 =	vshll.u32 v9, $0x4;
	v9 =	vshrl.u32 v9, $0x9  }
0xdf: {  	v8 =	vand.u32 $0x1FFF, v8;
	v10 =	vor.u32 v1, v10;
	vm5 =	veq.s32 v9, v3  }
0xe0: {  	[tilespmem:v4+s21+$0x0] =	vst.idx.add.s32.msk vm0, v2;
	v4 =	vand.u32 $0x1FFF, v10  }
0xe1: {  	[tilespmem:v5+s21+$0x0] =	vst.idx.add.s32.msk vm1, v2  }
0xe2: {  	p0 =	seq.s32 s17, $0x7;
	[tilespmem:v6+s21+$0x0] =	vst.idx.add.s32.msk vm2, v2  }
0xe3: {  	s0 =	sadd.s32 @!p0 s25, s7;
	[tilespmem:v7+s21+$0x0] =	vst.idx.add.s32.msk vm3, v2  }
0xe4: {  	s0 =	sshll.u32 @!p0 s0, $0x9;
	[tilespmem:v8+s21+$0x0] =	vst.idx.add.s32.msk vm4, v2  }
0xe5: {  	s4 =	simm.s32 @!p0 $0x0;
	s0 =	sadd.s32 @!p0 s2, s0;
	[tilespmem:v4+s21+$0x0] =	vst.idx.add.s32.msk vm5, v2  }
0xe6: {  	[tilespmem:s4], [sflag:$0x1] =	stream.linear.gather @!p0 [hbm4b:s0+s4], $0x8000, $0x38;
	[tilespmem:$0x12080] =	vst v63  }
0xe7: {  	s25 =	simm.s32 $0x0;
	_ =	swait.ge [sflag:s22], $0x8000  }
0xe8: {  	s6 =	sand.u32 $0x7C00, s25;
	s4 =	sand.u32 $0x60, s25;
	[sflag:s22] =	ssyncset.done $0x0  }
0xe9: {  	s0 =	sor.u32 s4, s6;
	[sflag:s22] =	ssyncadd.s32 $0xFFFF8000  }
0xea: {  	v4 =	vld [tilespmem:s0+$0x8010];
	_ =	sdelay $0x4  }
0xeb: {  	v5 =	vld [tilespmem:s0+$0x8000];
	v6 =	vshrl.u32 v4, $0x9;
	v4 =	vshll.u32 v4, $0x4  }
0xec: {  	vm0 =	veq.s32 v6, v3;
	v4 =	vor.u32 v1, v4  }
0xed: {  	v4 =	vand.u32 $0x1FFF, v4;
	_ =	sdelay $0x2  }
0xee: {  	v6 =	vshll.u32 v5, $0x4;
	v5 =	vshrl.u32 v5, $0x9  }
0xef: {  	v6 =	vor.u32 v1, v6;
	vm1 =	veq.s32 v5, v3  }
0xf0: {  	v5 =	vand.u32 $0x1FFF, v6;
	[tilespmem:v4+s21+$0x0] =	vst.idx.add.s32.msk vm0, v2  }
0xf1: {  	v4 =	vld [tilespmem:s0+$0x8090];
	_ =	sdelay $0x3  }
0xf2: {  	[tilespmem:v5+s21+$0x0] =	vst.idx.add.s32.msk vm1, v2  }
0xf3: {  	v5 =	vld [tilespmem:s0+$0x8080];
	v6 =	vshrl.u32 v4, $0x9;
	v4 =	vshll.u32 v4, $0x4  }
0xf4: {  	vm0 =	veq.s32 v6, v3;
	v4 =	vor.u32 v1, v4  }
0xf5: {  	v4 =	vand.u32 $0x1FFF, v4;
	_ =	sdelay $0x2  }
0xf6: {  	v6 =	vshrl.u32 v5, $0x9;
	v5 =	vshll.u32 v5, $0x4  }
0xf7: {  	vm1 =	veq.s32 v6, v3;
	v5 =	vor.u32 v1, v5  }
0xf8: {  	v5 =	vand.u32 $0x1FFF, v5;
	[tilespmem:v4+s21+$0x0] =	vst.idx.add.s32.msk vm0, v2  }
0xf9: {  	v4 =	vld [tilespmem:s0+$0x8110];
	_ =	sdelay $0x3  }
0xfa: {  	s8 =	simm.s32 $0x20;
	s26 =	simm.s32 $0x100;
	[tilespmem:v5+s21+$0x0] =	vst.idx.add.s32.msk vm1, v2  }
0xfb: {  	s9 =	sand.u32 $0x7C00, s26;
	s4 =	sand.u32 $0x60, s8;
	v5 =	vld [tilespmem:s0+$0x8100];
	v6 =	vshrl.u32 v4, $0x9;
	v4 =	vshll.u32 v4, $0x4  }
0xfc: {  	s28 =	sor.u32 s4, s9;
	vm0 =	veq.s32 v6, v3;
	v4 =	vor.u32 v1, v4  }
0xfd: {  	v6 =	vld [tilespmem:s28+$0x8010];
	v4 =	vand.u32 $0x1FFF, v4;
	_ =	sdelay $0x1  }
0xfe: {  	v7 =	vld [tilespmem:s28+$0x8000]  }
0xff: {  	v8 =	vshrl.u32 v5, $0x9;
	v5 =	vshll.u32 v5, $0x4  }
0x100: {  	vm1 =	veq.s32 v8, v3;
	v5 =	vor.u32 v1, v5  }
0x101: {  	v5 =	vand.u32 $0x1FFF, v5;
	v8 =	vshrl.u32 v6, $0x9;
	v6 =	vshll.u32 v6, $0x4;
	[tilespmem:v4+s21+$0x0] =	vst.idx.add.s32.msk vm0, v2  }
0x102: {  	vm0 =	veq.s32 v8, v3;
	v4 =	vor.u32 v1, v6;
	v6 =	vld [tilespmem:s0+$0x8190]  }
0x103: {  	v8 =	vshll.u32 v7, $0x4;
	v7 =	vshrl.u32 v7, $0x9;
	v4 =	vand.u32 $0x1FFF, v4  }
0x104: {  	v8 =	vor.u32 v1, v8;
	vm2 =	veq.s32 v7, v3  }
0x105: {  	v7 =	vand.u32 $0x1FFF, v8  }
0x106: {  	[tilespmem:v5+s21+$0x0] =	vst.idx.add.s32.msk vm1, v2  }
0x107: {  	v5 =	vld [tilespmem:s0+$0x8180];
	v8 =	vshrl.u32 v6, $0x9;
	v6 =	vshll.u32 v6, $0x4  }
0x108: {  	[tilespmem:v4+s21+$0x0] =	vst.idx.add.s32.msk vm0, v2;
	vm0 =	veq.s32 v8, v3;
	v4 =	vor.u32 v1, v6  }
0x109: {  	v6 =	vld [tilespmem:s28+$0x8090];
	v4 =	vand.u32 $0x1FFF, v4  }
0x10a: {  	[tilespmem:v7+s21+$0x0] =	vst.idx.add.s32.msk vm2, v2  }
0x10b: {  	v7 =	vld [tilespmem:s28+$0x8080]  }
0x10c: {  	v8 =	vshrl.u32 v5, $0x9;
	v5 =	vshll.u32 v5, $0x4  }
0x10d: {  	vm1 =	veq.s32 v8, v3;
	v5 =	vor.u32 v1, v5  }
0x10e: {  	v5 =	vand.u32 $0x1FFF, v5;
	v8 =	vshrl.u32 v6, $0x9;
	v6 =	vshll.u32 v6, $0x4;
	[tilespmem:v4+s21+$0x0] =	vst.idx.add.s32.msk vm0, v2  }
0x10f: {  	vm0 =	veq.s32 v8, v3;
	v4 =	vor.u32 v1, v6;
	v6 =	vld [tilespmem:s0+$0x8210]  }
0x110: {  	v8 =	vshrl.u32 v7, $0x9;
	v7 =	vshll.u32 v7, $0x4;
	v4 =	vand.u32 $0x1FFF, v4  }
0x111: {  	vm2 =	veq.s32 v8, v3;
	v7 =	vor.u32 v1, v7  }
0x112: {  	v7 =	vand.u32 $0x1FFF, v7  }
0x113: {  	[tilespmem:v5+s21+$0x0] =	vst.idx.add.s32.msk vm1, v2  }
0x114: {  	v5 =	vld [tilespmem:s0+$0x8200];
	v8 =	vshrl.u32 v6, $0x9;
	v6 =	vshll.u32 v6, $0x4  }
0x115: {  	[tilespmem:v4+s21+$0x0] =	vst.idx.add.s32.msk vm0, v2;
	vm0 =	veq.s32 v8, v3;
	v4 =	vor.u32 v1, v6  }
0x116: {  	v6 =	vld [tilespmem:s28+$0x8110];
	v4 =	vand.u32 $0x1FFF, v4  }
0x117: {  	s29 =	simm.s32 $0x200;
	s10 =	simm.s32 $0x40;
	[tilespmem:v7+s21+$0x0] =	vst.idx.add.s32.msk vm2, v2  }
0x118: {  	s11 =	sand.u32 $0x7C00, s29;
	s4 =	sand.u32 $0x60, s10;
	v7 =	vld [tilespmem:s28+$0x8100]  }
0x119: {  	s30 =	sor.u32 s4, s11;
	v8 =	vshrl.u32 v5, $0x9;
	v5 =	vshll.u32 v5, $0x4  }
0x11a: {  	vm1 =	veq.s32 v8, v3;
	v5 =	vor.u32 v1, v5;
	v8 =	vld [tilespmem:s30+$0x8010]  }
0x11b: {  	v5 =	vand.u32 $0x1FFF, v5;
	v9 =	vshrl.u32 v6, $0x9;
	v6 =	vshll.u32 v6, $0x4;
	[tilespmem:v4+s21+$0x0] =	vst.idx.add.s32.msk vm0, v2  }
0x11c: {  	vm0 =	veq.s32 v9, v3;
	v4 =	vor.u32 v1, v6;
	v6 =	vld [tilespmem:s0+$0x8290]  }
0x11d: {  	v9 =	vshrl.u32 v7, $0x9;
	v7 =	vshll.u32 v7, $0x4;
	v4 =	vand.u32 $0x1FFF, v4  }
0x11e: {  	v10 =	vld [tilespmem:s30+$0x8000];
	vm2 =	veq.s32 v9, v3;
	v7 =	vor.u32 v1, v7  }
0x11f: {  	v9 =	vshrl.u32 v8, $0x9;
	v8 =	vshll.u32 v8, $0x4;
	v7 =	vand.u32 $0x1FFF, v7  }
0x120: {  	[tilespmem:v5+s21+$0x0] =	vst.idx.add.s32.msk vm1, v2;
	vm1 =	veq.s32 v9, v3;
	v5 =	vor.u32 v1, v8  }
0x121: {  	v8 =	vld [tilespmem:s0+$0x8280];
	v5 =	vand.u32 $0x1FFF, v5;
	v9 =	vshrl.u32 v6, $0x9;
	v6 =	vshll.u32 v6, $0x4  }
0x122: {  	[tilespmem:v4+s21+$0x0] =	vst.idx.add.s32.msk vm0, v2;
	vm0 =	veq.s32 v9, v3;
	v4 =	vor.u32 v1, v6  }
0x123: {  	v6 =	vld [tilespmem:s28+$0x8190];
	v9 =	vshll.u32 v10, $0x4;
	v10 =	vshrl.u32 v10, $0x9;
	v4 =	vand.u32 $0x1FFF, v4  }
0x124: {  	s6 =	sand.u32 $0x3, s25;
	[tilespmem:v7+s21+$0x0] =	vst.idx.add.s32.msk vm2, v2;
	v9 =	vor.u32 v1, v9;
	vm3 =	veq.s32 v10, v3  }
0x125: {  	s0 =	sshll.u32 s6, $0x5;
	v7 =	vand.u32 $0x1FFF, v9;
	v9 =	vld [tilespmem:s28+$0x8180]  }
0x126: {  	s8 =	sadd.s32 $0x0, s0;
	v10 =	vshll.u32 v8, $0x4;
	v8 =	vshrl.u32 v8, $0x9;
	[tilespmem:v5+s21+$0x0] =	vst.idx.add.s32.msk vm1, v2  }
0x127: {  	s0 =	sadd.s32 $0x10, s8;
	v5 =	vor.u32 v1, v10;
	vm1 =	veq.s32 v8, v3;
	v8 =	vld [tilespmem:s30+$0x8090]  }
0x128: {  	s9 =	sor.u32 $0x300, s0;
	v5 =	vand.u32 $0x1FFF, v5;
	v10 =	vshrl.u32 v6, $0x9;
	v6 =	vshll.u32 v6, $0x4;
	[tilespmem:v4+s21+$0x0] =	vst.idx.add.s32.msk vm0, v2  }
0x129: {  	vm0 =	veq.s32 v10, v3;
	v4 =	vor.u32 v1, v6;
	v6 =	vld [tilespmem:s9+$0x8000]  }
0x12a: {  	v4 =	vand.u32 $0x1FFF, v4;
	[tilespmem:v7+s21+$0x0] =	vst.idx.add.s32.msk vm3, v2;
	v7 =	vshrl.u32 v9, $0x9;
	v9 =	vshll.u32 v9, $0x4  }
0x12b: {  	vm2 =	veq.s32 v7, v3;
	v7 =	vor.u32 v1, v9  }
0x12c: {  	v10 =	vld [tilespmem:s30+$0x8080];
	v9 =	vshrl.u32 v8, $0x9;
	v8 =	vshll.u32 v8, $0x4;
	v7 =	vand.u32 $0x1FFF, v7  }
0x12d: {  	s10 =	sor.u32 $0x300, s8;
	[tilespmem:v5+s21+$0x0] =	vst.idx.add.s32.msk vm1, v2;
	vm1 =	veq.s32 v9, v3;
	v5 =	vor.u32 v1, v8  }
0x12e: {  	v8 =	vld [tilespmem:s10+$0x8000];
	v5 =	vand.u32 $0x1FFF, v5  }
0x12f: {  	v9 =	vshrl.u32 v6, $0x9;
	v6 =	vshll.u32 v6, $0x4;
	[tilespmem:v4+s21+$0x0] =	vst.idx.add.s32.msk vm0, v2  }
0x130: {  	vm3 =	veq.s32 v9, v3;
	v4 =	vor.u32 v1, v6;
	v6 =	vld [tilespmem:s28+$0x8210]  }
0x131: {  	v9 =	vshrl.u32 v10, $0x9;
	v10 =	vshll.u32 v10, $0x4;
	v4 =	vand.u32 $0x1FFF, v4;
	[tilespmem:v7+s21+$0x0] =	vst.idx.add.s32.msk vm2, v2  }
0x132: {  	vm15 =	veq.s32 v9, v3;
	v9 =	vor.u32 v1, v10;
	v10 =	vld [tilespmem:s28+$0x8200]  }
0x133: {  	v7 =	vshrl.u32 v8, $0x9;
	v9 =	vand.u32 $0x1FFF, v9;
	[tilespmem:v5+s21+$0x0] =	vst.idx.add.s32.msk vm1, v2;
	v5 =	vshll.u32 v8, $0x4  }
0x134: {  	vm0 =	veq.s32 v7, v3;
	v5 =	vor.u32 v1, v5  }
0x135: {  	v7 =	vld [tilespmem:s30+$0x8110];
	v5 =	vand.u32 $0x1FFF, v5;
	v8 =	vshrl.u32 v6, $0x9;
	v6 =	vshll.u32 v6, $0x4  }
0x136: {  	s11 =	sor.u32 $0x380, s0;
	[tilespmem:v4+s21+$0x0] =	vst.idx.add.s32.msk vm3, v2;
	vm1 =	veq.s32 v8, v3;
	v6 =	vor.u32 v1, v6  }
0x137: {  	s4 =	simm.s32 $0x300;
	v4 =	vld [tilespmem:s11+$0x8000];
	v6 =	vand.u32 $0x1FFF, v6  }
0x138: {  	s6 =	simm.s32 $0x60;
	s31 =	sor.u32 $0x380, s8;
	s0 =	simm.s32 $0x4;
	[tilespmem:v9+s21+$0x0] =	vst.idx.add.s32.msk vm15, v2;
	v8 =	vshrl.u32 v10, $0x9;
	v9 =	vshll.u32 v10, $0x4  }
.LBB2_7:
0x139: {  	s8 =	sand.u32 $0x60, s6;
	s9 =	sand.u32 $0x7C00, s4;
	v10 =	vld [tilespmem:s30+$0x8100];
	vm3 =	veq.s32 v8, v3;
	v8 =	vor.u32 v1, v9  }
0x13a: {  	s0 =	sadd.s32 $0x2, s0;
	s8 =	sor.u32 s8, s9;
	v9 =	vshrl.u32 v7, $0x9;
	v7 =	vshll.u32 v7, $0x4;
	v8 =	vand.u32 $0x1FFF, v8;
	[tilespmem:v5+s21+$0x0] =	vst.idx.add.s32.msk vm0, v2  }
0x13b: {  	p0 =	slt.u32 s0, $0xFE;
	v5 =	vld [tilespmem:s8+$0x8010];
	vm0 =	veq.s32 v9, v3;
	v7 =	vor.u32 v1, v7  }
0x13c: {  	v7 =	vand.u32 $0x1FFF, v7;
	[tilespmem:v6+s21+$0x0] =	vst.idx.add.s32.msk vm1, v2;
	v6 =	vshrl.u32 v4, $0x9;
	v4 =	vshll.u32 v4, $0x4  }
0x13d: {  	v9 =	vld [tilespmem:s28+$0x8290];
	vm1 =	veq.s32 v6, v3;
	v4 =	vor.u32 v1, v4  }
0x13e: {  	v6 =	vld [tilespmem:s8+$0x8000];
	v11 =	vshrl.u32 v10, $0x9;
	v10 =	vshll.u32 v10, $0x4;
	v4 =	vand.u32 $0x1FFF, v4  }
0x13f: {  	vm2 =	veq.s32 v11, v3;
	v10 =	vor.u32 v1, v10;
	[tilespmem:v8+s21+$0x0] =	vst.idx.add.s32.msk vm3, v2  }
0x140: {  	v8 =	vshrl.u32 v5, $0x9;
	v5 =	vshll.u32 v5, $0x4;
	v10 =	vand.u32 $0x1FFF, v10;
	v11 =	vld [tilespmem:s28+$0x8280];
	s28 =	smov.u32 s30;
	s30 =	smov.u32 s8  }
0x141: {  	vm3 =	veq.s32 v8, v3;
	v5 =	vor.u32 v1, v5;
	[tilespmem:v7+s21+$0x0] =	vst.idx.add.s32.msk vm0, v2  }
0x142: {  	v5 =	vand.u32 $0x1FFF, v5;
	v7 =	vld [tilespmem:s28+$0x8190];
	v8 =	vshrl.u32 v9, $0x9;
	v9 =	vshll.u32 v9, $0x4  }
0x143: {  	v12 =	vshll.u32 v6, $0x4;
	vm0 =	veq.s32 v8, v3;
	v8 =	vor.u32 v1, v9;
	[tilespmem:v4+s21+$0x0] =	vst.idx.add.s32.msk vm1, v2  }
0x144: {  	s25 =	sadd.s32 $0x1, s25;
	v4 =	vshrl.u32 v6, $0x9;
	v6 =	vor.u32 v1, v12;
	v8 =	vand.u32 $0x1FFF, v8;
	v9 =	vld [tilespmem:s31+$0x8000]  }
0x145: {  	s8 =	sand.u32 $0x3, s25;
	vm1 =	veq.s32 v4, v3;
	v4 =	vand.u32 $0x1FFF, v6;
	[tilespmem:v10+s21+$0x0] =	vst.idx.add.s32.msk vm2, v2;
	v6 =	vshll.u32 v11, $0x4  }
0x146: {  	s8 =	sshll.u32 s8, $0x5;
	v11 =	vshrl.u32 v11, $0x9;
	v10 =	vld [tilespmem:s28+$0x8180];
	v6 =	vor.u32 v1, v6  }
0x147: {  	s8 =	sadd.s32 s8, s26;
	s26 =	smov.u32 s29;
	s29 =	smov.u32 s4;
	vm2 =	veq.s32 v11, v3;
	[tilespmem:v5+s21+$0x0] =	vst.idx.add.s32.msk vm3, v2;
	v5 =	vand.u32 $0x1FFF, v6  }
0x148: {  	s9 =	sor.u32 $0x300, s8;
	s31 =	sor.u32 $0x380, s8;
	s8 =	sadd.s32 $0x10, s8;
	v11 =	vshrl.u32 v7, $0x9;
	v7 =	vshll.u32 v7, $0x4;
	v6 =	vld [tilespmem:s30+$0x8090]  }
0x149: {  	s10 =	sor.u32 $0x300, s8;
	vm3 =	veq.s32 v11, v3;
	v7 =	vor.u32 v1, v7;
	[tilespmem:v8+s21+$0x0] =	vst.idx.add.s32.msk vm0, v2;
	v8 =	vshll.u32 v9, $0x4  }
0x14a: {  	v7 =	vand.u32 $0x1FFF, v7;
	v9 =	vshrl.u32 v9, $0x9;
	v11 =	vld [tilespmem:s10+$0x8000];
	v8 =	vor.u32 v1, v8  }
0x14b: {  	vm0 =	veq.s32 v9, v3;
	[tilespmem:v4+s21+$0x0] =	vst.idx.add.s32.msk vm1, v2;
	v4 =	vshrl.u32 v10, $0x9;
	v10 =	vshll.u32 v10, $0x4  }
0x14c: {  	v8 =	vand.u32 $0x1FFF, v8;
	v9 =	vld [tilespmem:s30+$0x8080];
	vm1 =	veq.s32 v4, v3;
	v4 =	vor.u32 v1, v10  }
0x14d: {  	v10 =	vshrl.u32 v6, $0x9;
	v6 =	vshll.u32 v6, $0x4;
	v4 =	vand.u32 $0x1FFF, v4;
	[tilespmem:v5+s21+$0x0] =	vst.idx.add.s32.msk vm2, v2  }
0x14e: {  	vm2 =	veq.s32 v10, v3;
	v5 =	vor.u32 v1, v6;
	v6 =	vld [tilespmem:s9+$0x8000]  }
0x14f: {  	v5 =	vand.u32 $0x1FFF, v5;
	[tilespmem:v7+s21+$0x0] =	vst.idx.add.s32.msk vm3, v2;
	v7 =	vshrl.u32 v11, $0x9;
	v10 =	vshll.u32 v11, $0x4  }
0x150: {  	v11 =	vld [tilespmem:s28+$0x8210];
	vm3 =	veq.s32 v7, v3;
	v7 =	vor.u32 v1, v10  }
0x151: {  	v10 =	vshrl.u32 v9, $0x9;
	v9 =	vshll.u32 v9, $0x4;
	v12 =	vand.u32 $0x1FFF, v7;
	[tilespmem:v8+s21+$0x0] =	vst.idx.add.s32.msk vm0, v2  }
0x152: {  	vm4 =	veq.s32 v10, v3;
	v7 =	vor.u32 v1, v9;
	[tilespmem:v4+s21+$0x0] =	vst.idx.add.s32.msk vm1, v2  }
0x153: {  	v8 =	vand.u32 $0x1FFF, v7;
	v9 =	vld [tilespmem:s28+$0x8200];
	v4 =	vshrl.u32 v6, $0x9;
	v6 =	vshll.u32 v6, $0x4  }
.Ltmp2:
0x154: {  	[tilespmem:v5+s21+$0x0] =	vst.idx.add.s32.msk vm2, v2;
	vm0 =	veq.s32 v4, v3;
	v4 =	vor.u32 v1, v6;
	(pc) =	sbr.rel @p0 .LBB2_7-.Ltmp2, $4  }
0x155: {  	v7 =	vld [tilespmem:s30+$0x8110];
	v6 =	vshrl.u32 v11, $0x9;
	v10 =	vshll.u32 v11, $0x4;
	v5 =	vand.u32 $0x1FFF, v4  }
0x156: {  	s8 =	sor.u32 $0x380, s8;
	vm1 =	veq.s32 v6, v3;
	v4 =	vor.u32 v1, v10;
	[tilespmem:v12+s21+$0x0] =	vst.idx.add.s32.msk vm3, v2  }
0x157: {  	v6 =	vand.u32 $0x1FFF, v4;
	v4 =	vld [tilespmem:s8+$0x8000]  }
0x158: {  	s6 =	sadd.s32 $0x20, s6;
	s4 =	sadd.s32 $0x100, s4;
	[tilespmem:v8+s21+$0x0] =	vst.idx.add.s32.msk vm4, v2;
	v8 =	vshrl.u32 v9, $0x9;
	v9 =	vshll.u32 v9, $0x4  }
0x159: {  	v10 =	vld [tilespmem:s30+$0x8100];
	_ =	sdelay $0x2  }
0x15a: {  	v11 =	vshrl.u32 v7, $0x9;
	v27 =	vshll.u32 v7, $0x4  }
0x15b: {  	vm2 =	veq.s32 v11, v3;
	v7 =	vor.u32 v1, v27  }
0x15c: {  	v7 =	vand.u32 $0x1FFF, v7;
	v28 =	vshrl.u32 v10, $0x9;
	v10 =	vshll.u32 v10, $0x4  }
0x15d: {  	vm3 =	veq.s32 v28, v3;
	v10 =	vor.u32 v1, v10  }
0x15e: {  	v10 =	vand.u32 $0x1FFF, v10;
	_ =	sdelay $0x2  }
0x15f: {  	[tilespmem:v7+s21+$0x0] =	vst.idx.add.s32.msk vm2, v2  }
0x160: {  	v7 =	vld [tilespmem:s30+$0x8190]  }
0x161: {  	[tilespmem:v10+s21+$0x0] =	vst.idx.add.s32.msk vm3, v2  }
0x162: {  	v10 =	vld [tilespmem:s30+$0x8180];
	_ =	sdelay $0x2  }
0x163: {  	v29 =	vshrl.u32 v7, $0x9;
	v7 =	vshll.u32 v7, $0x4  }
0x164: {  	vm9 =	veq.s32 v29, v3;
	v7 =	vor.u32 v1, v7  }
0x165: {  	v7 =	vand.u32 $0x1FFF, v7;
	v30 =	vshrl.u32 v10, $0x9;
	v10 =	vshll.u32 v10, $0x4  }
0x166: {  	vm10 =	veq.s32 v30, v3;
	v10 =	vor.u32 v1, v10  }
0x167: {  	v10 =	vand.u32 $0x1FFF, v10;
	_ =	sdelay $0x2  }
0x168: {  	[tilespmem:v7+s21+$0x0] =	vst.idx.add.s32.msk vm9, v2  }
0x169: {  	v7 =	vld [tilespmem:s30+$0x8210]  }
0x16a: {  	vm11 =	veq.s32 v8, v3;
	v31 =	vor.u32 v1, v9;
	[tilespmem:v10+s21+$0x0] =	vst.idx.add.s32.msk vm10, v2  }
0x16b: {  	v8 =	vand.u32 $0x1FFF, v31;
	v10 =	vld [tilespmem:s30+$0x8200];
	_ =	sdelay $0x2  }
0x16c: {  	v32 =	vshrl.u32 v7, $0x9;
	v7 =	vshll.u32 v7, $0x4  }
0x16d: {  	vm12 =	veq.s32 v32, v3;
	v7 =	vor.u32 v1, v7  }
0x16e: {  	[tilespmem:v8+s21+$0x0] =	vst.idx.add.s32.msk vm11, v2;
	v7 =	vand.u32 $0x1FFF, v7;
	v33 =	vshrl.u32 v10, $0x9;
	v10 =	vshll.u32 v10, $0x4  }
0x16f: {  	v8 =	vld [tilespmem:s28+$0x8280];
	vm13 =	veq.s32 v33, v3;
	v34 =	vor.u32 v1, v10  }
0x170: {  	[tilespmem:v6+s21+$0x0] =	vst.idx.add.s32.msk vm1, v2;
	v6 =	vand.u32 $0x1FFF, v34  }
0x171: {  	v35 =	vld [tilespmem:s28+$0x8290];
	_ =	sdelay $0x1  }
0x172: {  	[tilespmem:v7+s21+$0x0] =	vst.idx.add.s32.msk vm12, v2  }
0x173: {  	v39 =	vshll.u32 v8, $0x4;
	v8 =	vshrl.u32 v8, $0x9;
	v7 =	vld [tilespmem:s30+$0x8290]  }
0x174: {  	vm15 =	veq.s32 v8, v3;
	v10 =	vor.u32 v1, v39;
	[tilespmem:v6+s21+$0x0] =	vst.idx.add.s32.msk vm13, v2  }
0x175: {  	v36 =	vshrl.u32 v35, $0x9;
	v9 =	vshll.u32 v35, $0x4;
	v40 =	vand.u32 $0x1FFF, v10;
	v38 =	vld [tilespmem:s30+$0x8280]  }
0x176: {  	s0 =	sadd.s32 $0x1, s25;
	vm14 =	veq.s32 v36, v3;
	v37 =	vor.u32 v1, v9  }
0x177: {  	s4 =	sand.u32 $0x3, s0;
	v6 =	vand.u32 $0x1FFF, v37  }
0x178: {  	s4 =	sshll.u32 s4, $0x5;
	v41 =	vshrl.u32 v7, $0x9;
	v7 =	vshll.u32 v7, $0x4  }
0x179: {  	s4 =	sadd.s32 s4, s26;
	vm6 =	veq.s32 v41, v3;
	v7 =	vor.u32 v1, v7  }
0x17a: {  	s0 =	sadd.s32 $0x1, s0;
	s28 =	sor.u32 $0x300, s4;
	[tilespmem:v40+s21+$0x0] =	vst.idx.add.s32.msk vm15, v2;
	v7 =	vand.u32 $0x1FFF, v7;
	v42 =	vshll.u32 v38, $0x4;
	v9 =	vshrl.u32 v38, $0x9  }
0x17b: {  	s0 =	sand.u32 $0x3, s0;
	s6 =	sadd.s32 $0x10, s4;
	v8 =	vld [tilespmem:s28+$0x8000];
	v43 =	vor.u32 v1, v42;
	vm7 =	veq.s32 v9, v3  }
0x17c: {  	s0 =	sshll.u32 s0, $0x5;
	s8 =	sor.u32 $0x300, s6;
	[tilespmem:v6+s21+$0x0] =	vst.idx.add.s32.msk vm14, v2;
	v6 =	vand.u32 $0x1FFF, v43  }
0x17d: {  	s0 =	sadd.s32 s0, s29;
	v44 =	vld [tilespmem:s8+$0x8000]  }
0x17e: {  	s29 =	sadd.s32 $0x10, s0  }
0x17f: {  	s9 =	sor.u32 $0x300, s29;
	[tilespmem:v7+s21+$0x0] =	vst.idx.add.s32.msk vm6, v2  }
0x180: {  	v48 =	vshrl.u32 v8, $0x9;
	v8 =	vshll.u32 v8, $0x4;
	v7 =	vld [tilespmem:s9+$0x8000]  }
0x181: {  	s30 =	sor.u32 $0x300, s0;
	vm9 =	veq.s32 v48, v3;
	v8 =	vor.u32 v1, v8;
	[tilespmem:v6+s21+$0x0] =	vst.idx.add.s32.msk vm7, v2  }
0x182: {  	v8 =	vand.u32 $0x1FFF, v8;
	v45 =	vshrl.u32 v44, $0x9;
	v9 =	vshll.u32 v44, $0x4;
	v47 =	vld [tilespmem:s30+$0x8000]  }
0x183: {  	vm8 =	veq.s32 v45, v3;
	v46 =	vor.u32 v1, v9  }
0x184: {  	v6 =	vand.u32 $0x1FFF, v46  }
0x185: {  	[tilespmem:v5+s21+$0x0] =	vst.idx.add.s32.msk vm0, v2;
	v49 =	vshrl.u32 v7, $0x9;
	v7 =	vshll.u32 v7, $0x4  }
0x186: {  	v50 =	vld [tilespmem:s31+$0x8000];
	vm10 =	veq.s32 v49, v3;
	v5 =	vor.u32 v1, v7  }
0x187: {  	s4 =	sor.u32 $0x380, s4;
	[tilespmem:v8+s21+$0x0] =	vst.idx.add.s32.msk vm9, v2;
	v5 =	vand.u32 $0x1FFF, v5;
	v51 =	vshrl.u32 v47, $0x9;
	v9 =	vshll.u32 v47, $0x4  }
0x188: {  	v8 =	vld [tilespmem:s4+$0x8000];
	vm11 =	veq.s32 v51, v3;
	v52 =	vor.u32 v1, v9  }
0x189: {  	[tilespmem:v6+s21+$0x0] =	vst.idx.add.s32.msk vm8, v2;
	v6 =	vand.u32 $0x1FFF, v52  }
0x18a: {  	s6 =	sor.u32 $0x380, s6  }
0x18b: {  	v54 =	vshrl.u32 v4, $0x9;
	v4 =	vshll.u32 v4, $0x4;
	v53 =	vld [tilespmem:s6+$0x8000]  }
0x18c: {  	v4 =	vor.u32 v1, v4;
	s31 =	sor.u32 $0x380, s29;
	[tilespmem:v5+s21+$0x0] =	vst.idx.add.s32.msk vm10, v2  }
0x18d: {  	v4 =	vand.u32 $0x1FFF, v4;
	v7 =	vshrl.u32 v50, $0x9;
	v55 =	vld [tilespmem:s31+$0x8000]  }
0x18e: {  	vm12 =	veq.s32 v54, v3;
	s0 =	sor.u32 $0x380, s0;
	vm13 =	veq.s32 v7, v3;
	v60 =	vshll.u32 v8, $0x4;
	[tilespmem:v6+s21+$0x0] =	vst.idx.add.s32.msk vm11, v2  }
0x18f: {  	v8 =	vshrl.u32 v8, $0x9;
	v7 =	vor.u32 v1, v60;
	v5 =	vshll.u32 v50, $0x4;
	v58 =	vld [tilespmem:s0+$0x8000]  }
0x190: {  	vm15 =	veq.s32 v8, v3;
	v7 =	vand.u32 $0x1FFF, v7;
	v5 =	vor.u32 v1, v5  }
0x191: {  	v56 =	vshrl.u32 v53, $0x9;
	v57 =	vshll.u32 v53, $0x4;
	v5 =	vand.u32 $0x1FFF, v5  }
0x192: {  	vm14 =	veq.s32 v56, v3;
	v59 =	vor.u32 v1, v57;
	v61 =	vshrl.u32 v55, $0x9  }
0x193: {  	v6 =	vand.u32 $0x1FFF, v59;
	v10 =	vshll.u32 v55, $0x4;
	vm4 =	veq.s32 v61, v3  }
0x194: {  	v62 =	vor.u32 v1, v10;
	v63 =	vshll.u32 v58, $0x4;
	v9 =	vshrl.u32 v58, $0x9  }
0x195: {  	s17 =	sadd.s32 $0x1, s17;
	v8 =	vand.u32 $0x1FFF, v62;
	v10 =	vor.u32 v1, v63;
	vm5 =	veq.s32 v9, v3  }
0x196: {  	p0 =	sne.s32 s17, $0x8;
	[tilespmem:v4+s21+$0x0] =	vst.idx.add.s32.msk vm12, v2;
	v4 =	vand.u32 $0x1FFF, v10  }
.Ltmp3:
0x197: {  	[tilespmem:v7+s21+$0x0] =	vst.idx.add.s32.msk vm15, v2;
	(pc) =	sbr.rel @p0 .LBB2_4-.Ltmp3, $4  }
0x198: {  	[tilespmem:v5+s21+$0x0] =	vst.idx.add.s32.msk vm13, v2  }
0x199: {  	[tilespmem:v6+s21+$0x0] =	vst.idx.add.s32.msk vm14, v2  }
0x19a: {  	[tilespmem:v8+s21+$0x0] =	vst.idx.add.s32.msk vm4, v2  }
0x19b: {  	[tilespmem:v4+s21+$0x0] =	vst.idx.add.s32.msk vm5, v2  }
0x19c: {  	s0 =	rddreg [dreg:$0x5]  }
0x19d: {  	[hbm4b:s0+s23] =	stream.strided.scatter [tilespmem:s21], [sflag:$0x3], $0x400, s24, s23, $0x38;
	[tilespmem:$0x12080] =	vst v63  }
0x19e: {  	_ =	swait.ge [sflag:s18], $0x400  }
0x19f: {  	[sflag:s18] =	ssyncset.done $0x0  }
0x1a0: {  	s1 =	simm.s32 $0x10400;
	s10 =	rddreg [dreg:$0x6];
	[sflag:s18] =	ssyncadd.s32 $0xFFFFFC00  }
0x1a1: {  	[hbm4b:s10+s23] =	stream.strided.scatter [tilespmem:s1], [sflag:$0x3], $0x400, s24, s23, $0x38;
	[tilespmem:$0x12080] =	vst v63  }
0x1a2: {  	_ =	swait.ge [sflag:s18], $0x400  }
0x1a3: {  	[sflag:s18] =	ssyncset.done $0x0  }
0x1a4: {  	s17 =	simm.s32 $0x10800;
	s11 =	rddreg [dreg:$0x7];
	[sflag:s18] =	ssyncadd.s32 $0xFFFFFC00  }
0x1a5: {  	[hbm4b:s11+s23] =	stream.strided.scatter [tilespmem:s17], [sflag:$0x3], $0x400, s24, s23, $0x38;
	[tilespmem:$0x12080] =	vst v63  }
0x1a6: {  	_ =	swait.ge [sflag:s18], $0x400  }
0x1a7: {  	[sflag:s18] =	ssyncset.done $0x0  }
0x1a8: {  	s26 =	simm.s32 $0x10C00;
	s25 =	rddreg [dreg:$0x8];
	[sflag:s18] =	ssyncadd.s32 $0xFFFFFC00  }
0x1a9: {  	[hbm4b:s25+s23] =	stream.strided.scatter [tilespmem:s26], [sflag:$0x3], $0x400, s24, s23, $0x38;
	[tilespmem:$0x12080] =	vst v63  }
0x1aa: {  	_ =	swait.ge [sflag:s18], $0x400  }
0x1ab: {  	[sflag:s18] =	ssyncset.done $0x0  }
0x1ac: {  	s28 =	simm.s32 $0x11000;
	[sflag:s18] =	ssyncadd.s32 $0xFFFFFC00  }
0x1ad: {  	[hbm4b:s12+s23] =	stream.strided.scatter [tilespmem:s28], [sflag:$0x3], $0x400, s24, s23, $0x38;
	[tilespmem:$0x12080] =	vst v63  }
0x1ae: {  	_ =	swait.ge [sflag:s18], $0x400  }
0x1af: {  	[sflag:s18] =	ssyncset.done $0x0  }
0x1b0: {  	s29 =	simm.s32 $0x11400;
	[sflag:s18] =	ssyncadd.s32 $0xFFFFFC00  }
0x1b1: {  	[hbm4b:s13+s23] =	stream.strided.scatter [tilespmem:s29], [sflag:$0x3], $0x400, s24, s23, $0x38;
	[tilespmem:$0x12080] =	vst v63  }
0x1b2: {  	_ =	swait.ge [sflag:s18], $0x400  }
0x1b3: {  	[sflag:s18] =	ssyncset.done $0x0  }
0x1b4: {  	s30 =	simm.s32 $0x11800;
	[sflag:s18] =	ssyncadd.s32 $0xFFFFFC00  }
0x1b5: {  	[hbm4b:s14+s23] =	stream.strided.scatter [tilespmem:s30], [sflag:$0x3], $0x400, s24, s23, $0x38;
	[tilespmem:$0x12080] =	vst v63  }
0x1b6: {  	s3 =	sadd.s32 $0x1, s3;
	_ =	swait.ge [sflag:s18], $0x400  }
0x1b7: {  	p0 =	sne.s32 s3, s16;
	[sflag:s18] =	ssyncset.done $0x0  }
.Ltmp4:
0x1b8: {  	s31 =	simm.s32 $0x11C00;
	[sflag:s18] =	ssyncadd.s32 $0xFFFFFC00;
	(pc) =	sbr.rel @p0 .LBB2_1-.Ltmp4, $4  }
0x1b9: {  	[hbm4b:s15+s23] =	stream.strided.scatter [tilespmem:s31], [sflag:$0x3], $0x400, s24, s23, $0x38;
	[tilespmem:$0x12080] =	vst v63  }
0x1ba: {  	_ =	swait.ge [sflag:s18], $0x400  }
0x1bb: {  	[sflag:s18] =	ssyncset.done $0x0  }
0x1bc: {  	[sflag:s18] =	ssyncadd.s32 $0xFFFFFC00  }
0x1bd: {  	_ =	sfence.sel $0x180000  }
0x1be: {  	[bflag:$0x0] =	sbarrier.arrive $0xFFFF  }
0x1bf: {  	_ =	strace $0x9000004D  }
0x1c0: {  	s0 =	stileid.u32;
	[bflag:$0x2] =	sbarrier.arrive $0xFFFF  }
0x1c1: {  	p0 =	sne.s32 s0, $0x0;
	s0 =	rddreg [dreg:$0x2]  }
0x1c2: {  	s0 =	sadd.s32 @!p0 $0x100000, s0  }
0x1c3: {  	[sflag:s0] =	ssyncadd.tile.s32 @!p0 $0x1;
	_ =	shalt  }
.Lfunc_end2:
_tile_overlayer_lowered:
.L_overlay_start_2:
0x1c4: {  	(tag) =	ssettag $0x2  }
0x1c5: {  	s0 =	rddreg [dreg:$0x0];
	s2 =	stileid.u32  }
0x1c6: {  	s1 =	rddreg [dreg:$0x1];
	p0 =	sne.s32 s2, $0x0  }
0x1c7: {  	s3 =	rddreg [dreg:$0x2];
	[bflag:$0x3] =	sbarrier.arrive $0xFFFF;
	s2 =	simm.s32 @!p0 $0x1C03  }
0x1c8: {  	[timem:s3], [sflag:s2] =	dma.local @!p0 [hbm:s0], s1  }
0x1c9: {  	s0 =	simm.s32 @!p0 $0x3  }
0x1ca: {  	_ =	swait.ge @!p0 [sflag:s0], s1  }
0x1cb: {  	s1 =	ssub.s32 @!p0 $0x0, s1;
	[sflag:s0] =	ssyncset.done @!p0 $0x0  }
0x1cc: {  	[sflag:s0] =	ssyncadd.s32 @!p0 s1  }
0x1cd: {  	[bflag:$0x3] =	sbarrier.arrive $0xFFFF  }
0x1ce: {  	_ =	shalt  }

// kernel: kernel.9.cloned.1.call-start
scs
__scs_entry_jumppad:
0x0: {  	(pc) =	sbr.rel $0x88, $3  }
0x1: {  	(tag) =	ssettag $0x0;
	lr =	simm.s32 $0x1  }
0x2: {  	[smem:$0x3F9F] =	sst lr;
	_ =	strace $0xD0000000  }
0x3: {  	_ = 	snop  }
0x4: {  	_ = 	snop  }
0x5: {  	_ = 	snop  }
0x6: {  	_ = 	snop  }
0x7: {  	_ = 	snop  }
__scs_overlays_trampoline_lowered:
0x8: {  	[smem:$0x3FAE] =	sst s0  }
0x9: {  	[smem:$0x3FAF] =	sst s1  }
0xa: {  	[smem:$0x3FB0] =	sst s2  }
0xb: {  	[smem:$0x3FB1] =	sst s3  }
0xc: {  	[smem:$0x3FB2] =	sst s4  }
0xd: {  	[smem:$0x3FB3] =	sst s5  }
0xe: {  	[smem:$0x3FB4] =	sst s6  }
0xf: {  	[smem:$0x3FB5] =	sst s7  }
0x10: {  	[smem:$0x3FB6] =	sst s8  }
0x11: {  	[smem:$0x3FB7] =	sst s9;
	s0 =	simm.s32 @!p0 $0x0  }
0x12: {  	s1 =	sld [smem:$0x3F9D];
	s0 =	simm.s32 @p0 $0x1  }
0x13: {  	[smem:$0x3FB8] =	sst s0;
	s0 =	simm.s32 @!p1 $0x0  }
0x14: {  	s2 =	sld [smem:$0x3F9C];
	s0 =	simm.s32 @p1 $0x1  }
0x15: {  	[smem:$0x3FB9] =	sst s0;
	s0 =	simm.s32 @!p2 $0x0  }
0x16: {  	s3 =	sld [smem:$0x3FDB];
	s0 =	simm.s32 @p2 $0x1  }
0x17: {  	s4 =	simm.s32 $0x1BF5;
	[smem:$0x3FBB] =	sst s0  }
0x18: {  	s0 =	sld [smem:$0x3F9E];
	_ =	swait.ge [sflag:s4], $0x0  }
0x19: {  	s7 =	sld [smem:$0x3F9F]  }
0x1a: {  	s8 =	sadd.s32 $0xFFFFE003, lr  }
0x1b: {  	s9 =	sadd.s32 $0xFFFFFEF7, lr;
	s5 =	simm.s32 $0xFFFFFFFF;
	p2 =	slt.u32 s8, $0xFFFFF086  }
0x1c: {  	p1 =	slt.u32 s9, $0xF7A;
	s5 =	simm.s32 @!p2 $0x0  }
0x1d: {  	s5 =	simm.s32 @p1 $0x1;
	p0 =	seq.s32 s7, s2  }
0x1e: {  	s7 =	smul.u32 @!p0 $0xF7A, s2;
	p2 =	seq.s32 @!p0 s5, $0x0  }
0x1f: {  	s9 =	smul.u32 $0xF7A, s1;
	s8 =	simm.s32 @!p0 $0x1BF5;
	p2 =	por !p2, p0  }
0x20: {  	[sflag:s8] =	ssyncset.s32 @!p0 $0xFFFFF086;
	s6 =	sadd.s32 @!p0 s3, s7;
	s7 =	simm.s32 @!p0 $0x108  }
0x21: {  	s3 =	sadd.s32 s3, s9;
	s6 =	sadd.s32 @!p0 $0x88, s6;
	s7 =	simm.s32 @p2 $0x1082  }
0x22: {  	[simem:s7], [sflag:s8] =	dma.local @!p0 [hbm:s6], $0xF7A  }
0x23: {  	s9 =	sor.u32 $0xD0000000, s2;
	s6 =	simm.s32 $0x108;
	_ =	swait.ge @!p0 [sflag:s8], $0x0  }
0x24: {  	s3 =	sadd.s32 $0x88, s3;
	s6 =	simm.s32 @!p1 $0x1082;
	[sflag:s4] =	ssyncset.s32 $0xFFFFF086  }
0x25: {  	[simem:s6], [sflag:s4] =	dma.local [hbm:s3], $0xF7A  }
0x26: {  	[smem:$0x3F9F] =	sst s1;
	(tag) =	ssettag s2;
	_ =	strace s9  }
0x27: {  	s1 =	sld [smem:$0x3FAF]  }
0x28: {  	s2 =	sld [smem:$0x3FB0]  }
0x29: {  	s4 =	sld [smem:$0x3FB2]  }
0x2a: {  	p0 =	seq.s32 s5, $0x0;
	s5 =	sld [smem:$0x3FB3]  }
0x2b: {  	s6 =	sld [smem:$0x3FB4]  }
0x2c: {  	s7 =	sld [smem:$0x3FB5]  }
0x2d: {  	s3 =	simm.s32 $0x108;
	s8 =	sld [smem:$0x3FB6]  }
0x2e: {  	s3 =	simm.s32 @!p0 $0x1082;
	s9 =	sld [smem:$0x3FB7]  }
0x2f: {  	lr =	sadd.s32 s0, s3;
	s0 =	sld [smem:$0x3FAE]  }
0x30: {  	s3 =	sld [smem:$0x3FB1]  }
0x31: {  	[smem:$0x3FBA] =	sst s10  }
0x32: {  	s10 =	sld [smem:$0x3FB8];
	_ =	sdelay $0x3  }
0x33: {  	p0 =	seq.s32 s10, $0x1;
	s10 =	sld [smem:$0x3FBA];
	_ =	sdelay $0x3  }
0x34: {  	[smem:$0x3FBA] =	sst s10  }
0x35: {  	s10 =	sld [smem:$0x3FB9];
	_ =	sdelay $0x3  }
0x36: {  	p1 =	seq.s32 s10, $0x1;
	s10 =	sld [smem:$0x3FBA];
	_ =	sdelay $0x3  }
0x37: {  	[smem:$0x3FBA] =	sst s10  }
0x38: {  	s10 =	sld [smem:$0x3FBB]  }
0x39: {  	_ = 	snop;
	(pc) =	sbr.ind lr, $3  }
0x3a: {  	_ = 	snop  }
0x3b: {  	_ = 	snop  }
0x3c: {  	p2 =	seq.s32 s10, $0x1;
	s10 =	sld [smem:$0x3FBA]  }
0x3d: {  	_ =	shalt  }
0x3e: {  	_ =	shalt  }
0x3f: {  	_ =	shalt  }
0x40: {  	_ =	shalt  }
0x41: {  	_ =	shalt  }
0x42: {  	_ =	shalt  }
0x43: {  	_ =	shalt  }
0x44: {  	_ =	shalt  }
0x45: {  	_ =	shalt  }
0x46: {  	_ =	shalt  }
0x47: {  	_ =	shalt  }
0x48: {  	_ =	shalt  }
0x49: {  	_ =	shalt  }
0x4a: {  	_ =	shalt  }
0x4b: {  	_ =	shalt  }
0x4c: {  	_ =	shalt  }
0x4d: {  	_ =	shalt  }
0x4e: {  	_ =	shalt  }
0x4f: {  	_ =	shalt  }
0x50: {  	_ =	shalt  }
0x51: {  	_ =	shalt  }
0x52: {  	_ =	shalt  }
0x53: {  	_ =	shalt  }
0x54: {  	_ =	shalt  }
0x55: {  	_ =	shalt  }
0x56: {  	_ =	shalt  }
0x57: {  	_ =	shalt  }
0x58: {  	_ =	shalt  }
0x59: {  	_ =	shalt  }
0x5a: {  	_ =	shalt  }
0x5b: {  	_ =	shalt  }
0x5c: {  	_ =	shalt  }
0x5d: {  	_ =	shalt  }
0x5e: {  	_ =	shalt  }
0x5f: {  	_ =	shalt  }
0x60: {  	_ =	shalt  }
0x61: {  	_ =	shalt  }
0x62: {  	_ =	shalt  }
0x63: {  	_ =	shalt  }
0x64: {  	_ =	shalt  }
0x65: {  	_ =	shalt  }
0x66: {  	_ =	shalt  }
0x67: {  	_ =	shalt  }
0x68: {  	_ =	shalt  }
0x69: {  	_ =	shalt  }
0x6a: {  	_ =	shalt  }
0x6b: {  	_ =	shalt  }
0x6c: {  	_ =	shalt  }
0x6d: {  	_ =	shalt  }
0x6e: {  	_ =	shalt  }
0x6f: {  	_ =	shalt  }
0x70: {  	_ =	shalt  }
0x71: {  	_ =	shalt  }
0x72: {  	_ =	shalt  }
0x73: {  	_ =	shalt  }
0x74: {  	_ =	shalt  }
0x75: {  	_ =	shalt  }
0x76: {  	_ =	shalt  }
0x77: {  	_ =	shalt  }
0x78: {  	_ =	shalt  }
0x79: {  	_ =	shalt  }
0x7a: {  	_ =	shalt  }
0x7b: {  	_ =	shalt  }
0x7c: {  	_ =	shalt  }
0x7d: {  	_ =	shalt  }
0x7e: {  	_ =	shalt  }
0x7f: {  	_ =	shalt  }
0x80: {  	_ =	shalt  }
0x81: {  	_ =	shalt  }
0x82: {  	_ =	shalt  }
0x83: {  	_ =	shalt  }
0x84: {  	_ =	shalt  }
0x85: {  	_ =	shalt  }
0x86: {  	_ =	shalt  }
0x87: {  	_ =	shalt  }
.Lfunc_end0:
.L_simem_size_0:
called_computation_lowered:
.L_overlay_start_0:
0x88: {  	s2 =	sld [smem:$0x3FD9]  }
0x89: {  	s3 =	sld [smem:$0x3FFE];
	_ =	sdelay $0x1  }
0x8a: {  	s1 =	srdreg.scid  }
0x8b: {  	s0 =	sand.u32 $0x1, s1  }
0x8c: {  	s17 =	sshll.u32 s0, $0xA;
	s2 =	sadd.s32 s3, s2  }
0x8d: {  	s2 =	sadd.s32 s2, s17  }
0x8e: {  	[smem:$0x3FC6] =	sst s2  }
0x8f: {  	_ = 	snop  }
0x90: {  	s2 =	sld [smem:$0x3FD0];
	(tm) =	ssettm $0x1  }
0x91: {  	s18 =	sld [smem:$0x3FFB];
	_ =	sdelay $0x3  }
0x92: {  	_ =	strace s18  }
0x93: {  	s3 =	sld [smem:$0x3FFC];
	_ =	sdelay $0x3  }
0x94: {  	_ =	strace s3  }
0x95: {  	s3 =	sld [smem:$0x3FFD];
	_ =	sdelay $0x3  }
0x96: {  	_ =	strace s3  }
0x97: {  	_ =	strace $0x8FFFFFFF  }
0x98: {  	s19 =	sld [smem:$0x3FDB];
	_ =	sdelay $0x1  }
0x99: {  	s4 =	simm.s32 $_scs_section_size  }
0x9a: {  	s5 =	simm.s32 $_size__tile_overlayer_lowered;
	s6 =	simm.s32 $_tile_overlayer_lowered  }
0x9b: {  	s22 =	simm.s32 $0x1BFF;
	s21 =	sshll.u32 s6, $0x1;
	s3 =	sadd.s32 s4, s19  }
0x9c: {  	s7 =	simm.s32 $0x0;
	s20 =	sshll.u32 s5, $0x1;
	s5 =	sadd.s32 s21, s3  }
0x9d: {  	[timem:s7], [sflag:s22] =	dma.local [hbm:s5], s20  }
0x9e: {  	_ =	swait.ge [sflag:s22], s20  }
0x9f: {  	s4 =	ssub.s32 $0x0, s20;
	[sflag:s22] =	ssyncset.done $0x0  }
0xa0: {  	[sflag:s22] =	ssyncadd.s32 s4;
	_ =	sdelay $0x1  }
0xa1: {  	s23 =	simm.s32 $0x1B8B  }
0xa2: {  	_ =	swait.ge [sflag:s23], $0x1  }
0xa3: {  	[sflag:s23] =	ssyncset.done $0x0  }
0xa4: {  	s25 =	simm.s32 $0x1B8E;
	s24 =	sld [smem:$0x3FFE];
	[sflag:s23] =	ssyncadd.s32 $0xFFFFFFFF  }
0xa5: {  	s26 =	simm.s32 $execute0_lowered;
	[smem:$0x3FD2] =	sst s25  }
0xa6: {  	s5 =	sshll.u32 s26, $0x1;
	_ =	strace $0x80000046;
	[dreg:$0x1] =	wrdreg $0xFFFFFFFF  }
0xa7: {  	s28 =	simm.s32 $_size_execute0_lowered;
	s3 =	sadd.s32 s3, s5;
	[dreg:$0x0] =	wrdreg $0x0  }
0xa8: {  	s5 =	sshll.u32 s28, $0x1;
	[dreg:$0x2] =	wrdreg s3  }
0xa9: {  	[dreg:$0x3] =	wrdreg s5  }
0xaa: {  	[dreg:$0x4] =	wrdreg $0xC0  }
0xab: {  	_ =	task [dreg:s7], $0x5FFFF  }
0xac: {  	[dreg:$0x1] =	wrdreg $0xFFFFFFFF  }
0xad: {  	[dreg:$0x0] =	wrdreg $0x60  }
0xae: {  	[dreg:$0x2] =	wrdreg s2  }
0xaf: {  	[dreg:$0x3] =	wrdreg s24  }
0xb0: {  	[dreg:$0x4] =	wrdreg $0x9  }
0xb1: {  	_ =	task.clear_ibuf [dreg:s7], $0x5FFFF;
	_ =	strace $0x90000046  }
0xb2: {  	s29 =	simm.s32 $0x9;
	_ =	strace $0x80000048  }
0xb3: {  	_ =	swait.ge [sflag:s29], $0x1  }
0xb4: {  	[sflag:s29] =	ssyncadd.s32 $0xFFFFFFFF  }
0xb5: {  	_ =	strace $0x90000048  }
0xb6: {  	_ =	sfence  }
0xb7: {  	s30 =	sld [smem:$0x0];
	_ =	sdelay $0x2  }
0xb8: {  	s31 =	sshll.u32 s1, $0xD;
	s1 =	sshrl.u32 s1, $0x2  }
0xb9: {  	s3 =	sand.u32 $0x4000, s31;
	s1 =	sadd.s32 s1, s30  }
0xba: {  	s0 =	sor.u32 s3, s0;
	s1 =	sshll.u32 s1, $0x11  }
0xbb: {  	s0 =	sor.u32 s1, s0  }
0xbc: {  	s0 =	sadd.s32 $0x8F2B, s0  }
0xbd: {  	[sflag:s0] =	ssyncadd.remote.s32 $0x1  }
0xbe: {  	_ =	sfence.sel $0xFFFF  }
0xbf: {  	[dreg:$0x0] =	wrdreg $0xFFFFFFFF;
	(pc) =	sbr.abs _section_cstart, $3  }
0xc0: {  	[dreg:$0x1] =	wrdreg $0xFFFFFFFF  }
0xc1: {  	_ =	task.clear_ibuf [dreg:s7], $0x2FFFF;
	_ =	strace $0x9FFFFFFF  }
0xc2: {  	(tm) =	ssettm $0x7FFFFFFF  }
0xc3: {  	_ =	shalt  }
tec
execute0_lowered:
.L_overlay_start_1:
0x0: {  	(tag) =	ssettag $0x1  }
0x1: {  	s2 =	rddreg [dreg:$0x0]  }
0x2: {  	s0 =	rddreg [dreg:$0x1]  }
0x3: {  	s1 =	srdreg.scid;
	s4 =	stileid.u32;
	s3 =	simm.s32 $0x0  }
0x4: {  	s16 =	simm.s32 $0x8000;
	s17 =	simm.s32 $0x1;
	s18 =	simm.s32 $0x10000  }
0x5: {  	s19 =	simm.s32 $0x2;
	s20 =	simm.s32 $0x80;
	s21 =	simm.s32 $0x400  }
0x6: {  	s22 =	simm.s32 $0x3;
	s1 =	sand.u32 $0x1, s1;
	s4 =	sshll.u32 s4, $0x1  }
0x7: {  	s31 =	simm.s32 $0x0;
	[smem:$0x7FF] =	sst s3;
	s4 =	sor.u32 s1, s4  }
0x8: {  	_ =	strace $0x80000047;
	s1 =	ssub.s32 $0x2, s1;
	s5 =	sshll.u32 s4, $0xC  }
0x9: {  	s24 =	sshrl.u32 s1, $0x1;
	s6 =	sshll.u32 s4, $0x10;
	s4 =	sshll.u32 s4, $0x7  }
0xa: {  	s0 =	sadd.s32 s5, s0;
	s1 =	ssub.s32 s1, s24;
	s25 =	sadd.s32 s2, s6  }
0xb: {  	s6 =	sor.u32 $0x10, s4;
	[dreg:$0x3] =	wrdreg s25;
	s26 =	sadd.s32 $0x22200, s0  }
0xc: {  	s28 =	sadd.s32 $0x22210, s0;
	s29 =	sadd.s32 $0x22220, s0;
	[dreg:$0x4] =	wrdreg s26  }
0xd: {  	s30 =	sadd.s32 $0x22230, s0;
	s11 =	sadd.s32 $0x22240, s0;
	[dreg:$0x5] =	wrdreg s28  }
0xe: {  	s12 =	sadd.s32 $0x22250, s0;
	s13 =	sadd.s32 $0x22260, s0;
	[dreg:$0x6] =	wrdreg s29  }
0xf: {  	v0 =	vimm.s32 $0x0;
	v1 =	vlaneseq.u32;
	v2 =	vimm.s32 $0x1;
	s14 =	sadd.s32 $0x22270, s0;
	s15 =	smax.u32 s1, $0x1;
	[dreg:$0x7] =	wrdreg s30  }
.LBB2_1:
0x10: {  	s0 =	simm.s32 $0x10040  }
0x11: {  	[tilespmem:s0+$0xFFFFFFC0] =	vst v0  }
0x12: {  	[tilespmem:s0+$0x30] =	vst v0  }
0x13: {  	[tilespmem:s0+$0x20] =	vst v0  }
0x14: {  	[tilespmem:s0+$0x10] =	vst v0  }
0x15: {  	[tilespmem:s0+$0x0] =	vst v0  }
0x16: {  	[tilespmem:s0+$0xFFFFFFF0] =	vst v0  }
0x17: {  	s1 =	simm.s32 $0x0;
	[tilespmem:s0+$0xFFFFFFE0] =	vst v0  }
.LBB2_2:
0x18: {  	s1 =	sadd.s32 $0x8, s1;
	[tilespmem:s0+$0xFFFFFFD0] =	vst v0;
	s0 =	sadd.s32 $0x80, s0  }
0x19: {  	[tilespmem:s0+$0xFFFFFFC0] =	vst v0;
	p0 =	slt.u32 s1, $0x7F8  }
0x1a: {  	[tilespmem:s0+$0x30] =	vst v0  }
.Ltmp0:
0x1b: {  	[tilespmem:s0+$0x20] =	vst v0;
	(pc) =	sbr.rel @p0 .LBB2_2-.Ltmp0, $4  }
0x1c: {  	[tilespmem:s0+$0x10] =	vst v0  }
0x1d: {  	[tilespmem:s0+$0x0] =	vst v0  }
0x1e: {  	[tilespmem:s0+$0xFFFFFFF0] =	vst v0  }
0x1f: {  	[tilespmem:s0+$0xFFFFFFE0] =	vst v0  }
0x20: {  	[tilespmem:s0+$0xFFFFFFD0] =	vst v0  }
0x21: {  	s0 =	rddreg [dreg:$0x3]  }
0x22: {  	[tilespmem:s31], [sflag:$0x1] =	stream.linear.gather [hbm4b:s0+s31], $0x8000, $0x38;
	[tilespmem:$0x18000] =	vst v63  }
0x23: {  	s0 =	simm.s32 $0x0  }
.LBB2_4:
0x24: {  	s1 =	sshll.u32 s0, $0x4  }
0x25: {  	s5 =	sadd.s32 s1, s4  }
0x26: {  	s5 =	sshll.u32 s5, $0x9  }
0x27: {  	s5 =	sadd.s32 s2, s5  }
0x28: {  	s5 =	sadd.s32 $0x1000, s5  }
0x29: {  	[tilespmem:s16], [sflag:$0x2] =	stream.linear.gather [hbm4b:s5+s31], $0x8000, $0x38;
	[tilespmem:$0x18000] =	vst v63  }
0x2a: {  	_ =	swait.ge [sflag:s17], $0x8000  }
0x2b: {  	s25 =	sand.u32 $0x60, s31;
	s7 =	sand.u32 $0x7C00, s31;
	[sflag:s17] =	ssyncset.done $0x0  }
0x2c: {  	s5 =	sor.u32 s25, s7;
	[sflag:s17] =	ssyncadd.s32 $0xFFFF8000  }
0x2d: {  	v3 =	vld [tilespmem:s5+$0x10];
	_ =	sdelay $0x3  }
0x2e: {  	v4 =	vld [tilespmem:s5+$0x0]  }
0x2f: {  	v3 =	vshrl.u32 v3, $0x10  }
0x30: {  	v3 =	vand.u32 $0xFFF0, v3  }
0x31: {  	v3 =	vor.u32 v1, v3;
	_ =	sdelay $0x1  }
0x32: {  	v4 =	vshrl.u32 v4, $0x10  }
0x33: {  	v4 =	vand.u32 $0xFFF0, v4  }
0x34: {  	v4 =	vor.u32 v1, v4  }
0x35: {  	[tilespmem:v3+s18+$0x0] =	vst.idx.add.s32.msk $0xffff, v2  }
0x36: {  	v3 =	vld [tilespmem:s5+$0x90];
	_ =	sdelay $0x2  }
0x37: {  	[tilespmem:v4+s18+$0x0] =	vst.idx.add.s32.msk $0xffff, v2  }
0x38: {  	v4 =	vld [tilespmem:s5+$0x80]  }
0x39: {  	v3 =	vshrl.u32 v3, $0x10  }
0x3a: {  	v3 =	vand.u32 $0xFFF0, v3  }
0x3b: {  	v3 =	vor.u32 v1, v3;
	_ =	sdelay $0x1  }
0x3c: {  	v4 =	vshrl.u32 v4, $0x10  }
0x3d: {  	v4 =	vand.u32 $0xFFF0, v4  }
0x3e: {  	v4 =	vor.u32 v1, v4  }
0x3f: {  	s23 =	simm.s32 $0x100;
	s26 =	simm.s32 $0x20;
	[tilespmem:v3+s18+$0x0] =	vst.idx.add.s32.msk $0xffff, v2  }
0x40: {  	s24 =	sand.u32 $0x7C00, s23;
	s7 =	sand.u32 $0x60, s26;
	v3 =	vld [tilespmem:s5+$0x110]  }
0x41: {  	s24 =	sor.u32 s7, s24  }
0x42: {  	v6 =	vld [tilespmem:s24+$0x0]  }
0x43: {  	[tilespmem:v4+s18+$0x0] =	vst.idx.add.s32.msk $0xffff, v2  }
0x44: {  	v4 =	vld [tilespmem:s5+$0x100]  }
0x45: {  	v3 =	vshrl.u32 v3, $0x10  }
0x46: {  	v5 =	vld [tilespmem:s24+$0x10];
	v3 =	vand.u32 $0xFFF0, v3  }
0x47: {  	v6 =	vshrl.u32 v6, $0x10;
	v3 =	vor.u32 v1, v3  }
0x48: {  	v6 =	vand.u32 $0xFFF0, v6  }
0x49: {  	v6 =	vor.u32 v1, v6;
	v4 =	vshrl.u32 v4, $0x10  }
0x4a: {  	v4 =	vand.u32 $0xFFF0, v4  }
0x4b: {  	v5 =	vshrl.u32 v5, $0x10;
	v4 =	vor.u32 v1, v4  }
0x4c: {  	[tilespmem:v3+s18+$0x0] =	vst.idx.add.s32.msk $0xffff, v2;
	v3 =	vand.u32 $0xFFF0, v5  }
0x4d: {  	v5 =	vld [tilespmem:s5+$0x190];
	v3 =	vor.u32 v1, v3  }
0x4e: {  	[tilespmem:v6+s18+$0x0] =	vst.idx.add.s32.msk $0xffff, v2  }
0x4f: {  	v6 =	vld [tilespmem:s24+$0x80]  }
0x50: {  	[tilespmem:v4+s18+$0x0] =	vst.idx.add.s32.msk $0xffff, v2  }
0x51: {  	v4 =	vld [tilespmem:s5+$0x180]  }
0x52: {  	v5 =	vshrl.u32 v5, $0x10;
	[tilespmem:v3+s18+$0x0] =	vst.idx.add.s32.msk $0xffff, v2  }
0x53: {  	v3 =	vand.u32 $0xFFF0, v5;
	v5 =	vld [tilespmem:s24+$0x90]  }
0x54: {  	v6 =	vshrl.u32 v6, $0x10;
	v3 =	vor.u32 v1, v3  }
0x55: {  	v6 =	vand.u32 $0xFFF0, v6  }
0x56: {  	v6 =	vor.u32 v1, v6;
	v4 =	vshrl.u32 v4, $0x10  }
0x57: {  	v4 =	vand.u32 $0xFFF0, v4  }
0x58: {  	v4 =	vor.u32 v1, v4;
	v5 =	vshrl.u32 v5, $0x10  }
0x59: {  	[tilespmem:v3+s18+$0x0] =	vst.idx.add.s32.msk $0xffff, v2;
	v3 =	vand.u32 $0xFFF0, v5  }
0x5a: {  	v5 =	vld [tilespmem:s5+$0x210];
	v3 =	vor.u32 v1, v3  }
0x5b: {  	[tilespmem:v6+s18+$0x0] =	vst.idx.add.s32.msk $0xffff, v2  }
0x5c: {  	v6 =	vld [tilespmem:s24+$0x100]  }
0x5d: {  	[tilespmem:v4+s18+$0x0] =	vst.idx.add.s32.msk $0xffff, v2  }
0x5e: {  	v4 =	vld [tilespmem:s5+$0x200]  }
0x5f: {  	v5 =	vshrl.u32 v5, $0x10;
	[tilespmem:v3+s18+$0x0] =	vst.idx.add.s32.msk $0xffff, v2  }
0x60: {  	v3 =	vand.u32 $0xFFF0, v5;
	v5 =	vld [tilespmem:s24+$0x110]  }
0x61: {  	s8 =	simm.s32 $0x40;
	s25 =	simm.s32 $0x200;
	v3 =	vor.u32 v1, v3  }
0x62: {  	s7 =	sand.u32 $0x60, s8;
	s26 =	sand.u32 $0x7C00, s25;
	v6 =	vshrl.u32 v6, $0x10  }
0x63: {  	s26 =	sor.u32 s7, s26;
	v6 =	vand.u32 $0xFFF0, v6;
	v4 =	vshrl.u32 v4, $0x10  }
0x64: {  	v7 =	vld [tilespmem:s26+$0x10];
	v6 =	vor.u32 v1, v6;
	v4 =	vand.u32 $0xFFF0, v4  }
0x65: {  	v8 =	vld [tilespmem:s26+$0x0];
	v4 =	vor.u32 v1, v4;
	v5 =	vshrl.u32 v5, $0x10  }
0x66: {  	[tilespmem:v3+s18+$0x0] =	vst.idx.add.s32.msk $0xffff, v2;
	v3 =	vand.u32 $0xFFF0, v5  }
0x67: {  	v5 =	vld [tilespmem:s5+$0x290];
	v3 =	vor.u32 v1, v3;
	_ =	sdelay $0x1  }
0x68: {  	v7 =	vshrl.u32 v7, $0x10;
	[tilespmem:v6+s18+$0x0] =	vst.idx.add.s32.msk $0xffff, v2  }
0x69: {  	[tilespmem:v4+s18+$0x0] =	vst.idx.add.s32.msk $0xffff, v2;
	v4 =	vand.u32 $0xFFF0, v7  }
0x6a: {  	v8 =	vshrl.u32 v8, $0x10;
	v7 =	vld [tilespmem:s5+$0x280];
	v4 =	vor.u32 v1, v4  }
0x6b: {  	v8 =	vand.u32 $0xFFF0, v8;
	v5 =	vshrl.u32 v5, $0x10;
	[tilespmem:v3+s18+$0x0] =	vst.idx.add.s32.msk $0xffff, v2  }
0x6c: {  	v6 =	vor.u32 v1, v8;
	v3 =	vand.u32 $0xFFF0, v5;
	v5 =	vld [tilespmem:s24+$0x190]  }
0x6d: {  	v3 =	vor.u32 v1, v3  }
0x6e: {  	s9 =	sand.u32 $0x3, s31;
	v8 =	vld [tilespmem:s24+$0x180]  }
0x6f: {  	s5 =	sshll.u32 s9, $0x5;
	v7 =	vshrl.u32 v7, $0x10;
	[tilespmem:v4+s18+$0x0] =	vst.idx.add.s32.msk $0xffff, v2  }
0x70: {  	s5 =	sadd.s32 $0x0, s5;
	v4 =	vand.u32 $0xFFF0, v7;
	v7 =	vld [tilespmem:s26+$0x90]  }
0x71: {  	[tilespmem:v6+s18+$0x0] =	vst.idx.add.s32.msk $0xffff, v2;
	s10 =	sadd.s32 $0x10, s5;
	v4 =	vor.u32 v1, v4;
	v5 =	vshrl.u32 v5, $0x10  }
0x72: {  	s28 =	sor.u32 $0x300, s10;
	[tilespmem:v3+s18+$0x0] =	vst.idx.add.s32.msk $0xffff, v2;
	v3 =	vand.u32 $0xFFF0, v5  }
0x73: {  	v6 =	vshrl.u32 v8, $0x10;
	v5 =	vld [tilespmem:s28+$0x0];
	v3 =	vor.u32 v1, v3  }
0x74: {  	v6 =	vand.u32 $0xFFF0, v6  }
0x75: {  	v8 =	vld [tilespmem:s26+$0x80];
	v6 =	vor.u32 v1, v6;
	v7 =	vshrl.u32 v7, $0x10  }
0x76: {  	[tilespmem:v4+s18+$0x0] =	vst.idx.add.s32.msk $0xffff, v2;
	v4 =	vand.u32 $0xFFF0, v7;
	s28 =	sor.u32 $0x300, s5  }
0x77: {  	v4 =	vor.u32 v1, v4;
	v7 =	vld [tilespmem:s28+$0x0]  }
0x78: {  	v5 =	vshrl.u32 v5, $0x10;
	[tilespmem:v3+s18+$0x0] =	vst.idx.add.s32.msk $0xffff, v2  }
0x79: {  	v3 =	vand.u32 $0xFFF0, v5;
	v5 =	vld [tilespmem:s24+$0x210]  }
0x7a: {  	v8 =	vshrl.u32 v8, $0x10;
	[tilespmem:v6+s18+$0x0] =	vst.idx.add.s32.msk $0xffff, v2;
	v3 =	vor.u32 v1, v3  }
0x7b: {  	v8 =	vand.u32 $0xFFF0, v8;
	v9 =	vld [tilespmem:s24+$0x200]  }
0x7c: {  	v8 =	vor.u32 v1, v8;
	[tilespmem:v4+s18+$0x0] =	vst.idx.add.s32.msk $0xffff, v2;
	v4 =	vshrl.u32 v7, $0x10  }
0x7d: {  	v4 =	vand.u32 $0xFFF0, v4  }
0x7e: {  	v6 =	vld [tilespmem:s26+$0x110];
	v4 =	vor.u32 v1, v4;
	v5 =	vshrl.u32 v5, $0x10  }
0x7f: {  	s7 =	sor.u32 $0x380, s10;
	[tilespmem:v3+s18+$0x0] =	vst.idx.add.s32.msk $0xffff, v2;
	v5 =	vand.u32 $0xFFF0, v5  }
0x80: {  	s30 =	simm.s32 $0x4;
	s29 =	simm.s32 $0x0;
	v3 =	vld [tilespmem:s7+$0x0];
	v5 =	vor.u32 v1, v5  }
0x81: {  	[tilespmem:v8+s18+$0x0] =	vst.idx.add.s32.msk $0xffff, v2;
	s28 =	sor.u32 $0x380, s5;
	s5 =	simm.s32 $0x300;
	v7 =	vshrl.u32 v9, $0x10;
	s7 =	simm.s32 $0x60  }
.LBB2_5:
0x82: {  	s8 =	sand.u32 $0x60, s7;
	s9 =	sand.u32 $0x7C00, s5;
	v8 =	vld [tilespmem:s26+$0x100];
	v7 =	vand.u32 $0xFFF0, v7  }
0x83: {  	s30 =	sadd.s32 $0x2, s30;
	s8 =	sor.u32 s8, s9;
	v6 =	vshrl.u32 v6, $0x10;
	v7 =	vor.u32 v1, v7;
	[tilespmem:v4+s18+$0x0] =	vst.idx.add.s32.msk $0xffff, v2  }
0x84: {  	p0 =	slt.u32 s30, $0xFE;
	v4 =	vld [tilespmem:s8+$0x10];
	v6 =	vand.u32 $0xFFF0, v6  }
0x85: {  	v6 =	vor.u32 v1, v6;
	[tilespmem:v5+s18+$0x0] =	vst.idx.add.s32.msk $0xffff, v2;
	v3 =	vshrl.u32 v3, $0x10  }
0x86: {  	v5 =	vld [tilespmem:s24+$0x290];
	v3 =	vand.u32 $0xFFF0, v3  }
0x87: {  	v9 =	vld [tilespmem:s8+$0x0];
	v8 =	vshrl.u32 v8, $0x10;
	v3 =	vor.u32 v1, v3  }
0x88: {  	v8 =	vand.u32 $0xFFF0, v8;
	[tilespmem:v7+s18+$0x0] =	vst.idx.add.s32.msk $0xffff, v2  }
0x89: {  	v4 =	vshrl.u32 v4, $0x10;
	v7 =	vor.u32 v1, v8;
	v8 =	vld [tilespmem:s24+$0x280];
	s24 =	smov.u32 s26;
	s26 =	smov.u32 s8  }
0x8a: {  	v4 =	vand.u32 $0xFFF0, v4;
	[tilespmem:v6+s18+$0x0] =	vst.idx.add.s32.msk $0xffff, v2  }
0x8b: {  	v4 =	vor.u32 v1, v4;
	v6 =	vld [tilespmem:s24+$0x190];
	v5 =	vshrl.u32 v5, $0x10  }
0x8c: {  	v9 =	vshrl.u32 v9, $0x10;
	v5 =	vand.u32 $0xFFF0, v5;
	[tilespmem:v3+s18+$0x0] =	vst.idx.add.s32.msk $0xffff, v2  }
0x8d: {  	s29 =	sadd.s32 $0x1, s29;
	v3 =	vand.u32 $0xFFF0, v9;
	v5 =	vor.u32 v1, v5;
	v9 =	vld [tilespmem:s28+$0x0]  }
0x8e: {  	s8 =	sand.u32 $0x3, s29;
	v3 =	vor.u32 v1, v3;
	[tilespmem:v7+s18+$0x0] =	vst.idx.add.s32.msk $0xffff, v2;
	v7 =	vshrl.u32 v8, $0x10  }
0x8f: {  	s8 =	sshll.u32 s8, $0x5;
	v8 =	vld [tilespmem:s24+$0x180];
	v7 =	vand.u32 $0xFFF0, v7  }
0x90: {  	s8 =	sadd.s32 s8, s23;
	s23 =	smov.u32 s25;
	s25 =	smov.u32 s5;
	[tilespmem:v4+s18+$0x0] =	vst.idx.add.s32.msk $0xffff, v2;
	v4 =	vor.u32 v1, v7  }
0x91: {  	s9 =	sor.u32 $0x300, s8;
	s28 =	sor.u32 $0x380, s8;
	s8 =	sadd.s32 $0x10, s8;
	v6 =	vshrl.u32 v6, $0x10;
	v7 =	vld [tilespmem:s26+$0x90]  }
0x92: {  	s10 =	sor.u32 $0x300, s8;
	v6 =	vand.u32 $0xFFF0, v6;
	[tilespmem:v5+s18+$0x0] =	vst.idx.add.s32.msk $0xffff, v2;
	v5 =	vshrl.u32 v9, $0x10  }
0x93: {  	v6 =	vor.u32 v1, v6;
	v9 =	vld [tilespmem:s10+$0x0];
	v5 =	vand.u32 $0xFFF0, v5  }
0x94: {  	[tilespmem:v3+s18+$0x0] =	vst.idx.add.s32.msk $0xffff, v2;
	v3 =	vshrl.u32 v8, $0x10;
	v5 =	vor.u32 v1, v5  }
0x95: {  	v8 =	vld [tilespmem:s26+$0x80];
	v3 =	vand.u32 $0xFFF0, v3  }
0x96: {  	v7 =	vshrl.u32 v7, $0x10;
	v3 =	vor.u32 v1, v3;
	[tilespmem:v4+s18+$0x0] =	vst.idx.add.s32.msk $0xffff, v2  }
0x97: {  	v4 =	vand.u32 $0xFFF0, v7;
	v7 =	vld [tilespmem:s9+$0x0]  }
0x98: {  	v4 =	vor.u32 v1, v4;
	[tilespmem:v6+s18+$0x0] =	vst.idx.add.s32.msk $0xffff, v2;
	v6 =	vshrl.u32 v9, $0x10  }
0x99: {  	v9 =	vld [tilespmem:s24+$0x210];
	v6 =	vand.u32 $0xFFF0, v6  }
0x9a: {  	v8 =	vshrl.u32 v8, $0x10;
	v10 =	vor.u32 v1, v6;
	[tilespmem:v5+s18+$0x0] =	vst.idx.add.s32.msk $0xffff, v2  }
0x9b: {  	v5 =	vand.u32 $0xFFF0, v8;
	[tilespmem:v3+s18+$0x0] =	vst.idx.add.s32.msk $0xffff, v2  }
0x9c: {  	v8 =	vor.u32 v1, v5;
	v11 =	vld [tilespmem:s24+$0x200];
	v3 =	vshrl.u32 v7, $0x10  }
.Ltmp1:
0x9d: {  	[tilespmem:v4+s18+$0x0] =	vst.idx.add.s32.msk $0xffff, v2;
	v3 =	vand.u32 $0xFFF0, v3;
	(pc) =	sbr.rel @p0 .LBB2_5-.Ltmp1, $4  }
0x9e: {  	v6 =	vld [tilespmem:s26+$0x110];
	v5 =	vshrl.u32 v9, $0x10;
	v4 =	vor.u32 v1, v3  }
0x9f: {  	s8 =	sor.u32 $0x380, s8;
	v3 =	vand.u32 $0xFFF0, v5;
	[tilespmem:v10+s18+$0x0] =	vst.idx.add.s32.msk $0xffff, v2  }
0xa0: {  	v5 =	vor.u32 v1, v3;
	v3 =	vld [tilespmem:s8+$0x0]  }
0xa1: {  	s7 =	sadd.s32 $0x20, s7;
	s5 =	sadd.s32 $0x100, s5;
	[tilespmem:v8+s18+$0x0] =	vst.idx.add.s32.msk $0xffff, v2;
	v7 =	vshrl.u32 v11, $0x10  }
0xa2: {  	v8 =	vld [tilespmem:s26+$0x100];
	_ =	sdelay $0x2  }
0xa3: {  	v6 =	vshrl.u32 v6, $0x10  }
0xa4: {  	v6 =	vand.u32 $0xFFF0, v6  }
0xa5: {  	v6 =	vor.u32 v1, v6;
	v8 =	vshrl.u32 v8, $0x10  }
0xa6: {  	v8 =	vand.u32 $0xFFF0, v8  }
0xa7: {  	v8 =	vor.u32 v1, v8;
	_ =	sdelay $0x2  }
0xa8: {  	[tilespmem:v6+s18+$0x0] =	vst.idx.add.s32.msk $0xffff, v2  }
0xa9: {  	v6 =	vld [tilespmem:s26+$0x190]  }
0xaa: {  	[tilespmem:v8+s18+$0x0] =	vst.idx.add.s32.msk $0xffff, v2  }
0xab: {  	v8 =	vld [tilespmem:s26+$0x180];
	_ =	sdelay $0x2  }
0xac: {  	v6 =	vshrl.u32 v6, $0x10  }
0xad: {  	v6 =	vand.u32 $0xFFF0, v6  }
0xae: {  	v6 =	vor.u32 v1, v6;
	v8 =	vshrl.u32 v8, $0x10  }
0xaf: {  	v8 =	vand.u32 $0xFFF0, v8  }
0xb0: {  	v8 =	vor.u32 v1, v8;
	_ =	sdelay $0x2  }
0xb1: {  	[tilespmem:v6+s18+$0x0] =	vst.idx.add.s32.msk $0xffff, v2  }
0xb2: {  	v7 =	vand.u32 $0xFFF0, v7;
	v6 =	vld [tilespmem:s26+$0x210]  }
0xb3: {  	v7 =	vor.u32 v1, v7;
	[tilespmem:v8+s18+$0x0] =	vst.idx.add.s32.msk $0xffff, v2  }
0xb4: {  	v8 =	vld [tilespmem:s26+$0x200];
	_ =	sdelay $0x2  }
0xb5: {  	v6 =	vshrl.u32 v6, $0x10  }
0xb6: {  	[tilespmem:v7+s18+$0x0] =	vst.idx.add.s32.msk $0xffff, v2;
	v6 =	vand.u32 $0xFFF0, v6  }
0xb7: {  	v7 =	vld [tilespmem:s24+$0x280];
	v6 =	vor.u32 v1, v6;
	v8 =	vshrl.u32 v8, $0x10  }
0xb8: {  	[tilespmem:v5+s18+$0x0] =	vst.idx.add.s32.msk $0xffff, v2;
	v5 =	vand.u32 $0xFFF0, v8  }
0xb9: {  	v8 =	vld [tilespmem:s24+$0x290];
	v5 =	vor.u32 v1, v5;
	_ =	sdelay $0x2  }
0xba: {  	v7 =	vshrl.u32 v7, $0x10;
	[tilespmem:v6+s18+$0x0] =	vst.idx.add.s32.msk $0xffff, v2  }
0xbb: {  	v7 =	vand.u32 $0xFFF0, v7;
	v6 =	vld [tilespmem:s26+$0x290]  }
0xbc: {  	v7 =	vor.u32 v1, v7;
	v8 =	vshrl.u32 v8, $0x10;
	[tilespmem:v5+s18+$0x0] =	vst.idx.add.s32.msk $0xffff, v2  }
0xbd: {  	s5 =	sadd.s32 $0x1, s29;
	v5 =	vand.u32 $0xFFF0, v8;
	v8 =	vld [tilespmem:s26+$0x280]  }
0xbe: {  	s7 =	sand.u32 $0x3, s5;
	v5 =	vor.u32 v1, v5  }
0xbf: {  	s7 =	sshll.u32 s7, $0x5  }
0xc0: {  	s7 =	sadd.s32 s7, s23;
	v6 =	vshrl.u32 v6, $0x10  }
0xc1: {  	[tilespmem:v7+s18+$0x0] =	vst.idx.add.s32.msk $0xffff, v2;
	s24 =	sor.u32 $0x300, s7;
	v6 =	vand.u32 $0xFFF0, v6  }
0xc2: {  	s5 =	sadd.s32 $0x1, s5;
	s8 =	sadd.s32 $0x10, s7;
	v7 =	vld [tilespmem:s24+$0x0];
	v6 =	vor.u32 v1, v6;
	v8 =	vshrl.u32 v8, $0x10  }
0xc3: {  	s5 =	sand.u32 $0x3, s5;
	s9 =	sor.u32 $0x300, s8;
	[tilespmem:v5+s18+$0x0] =	vst.idx.add.s32.msk $0xffff, v2;
	v5 =	vand.u32 $0xFFF0, v8  }
0xc4: {  	s5 =	sshll.u32 s5, $0x5;
	v8 =	vld [tilespmem:s9+$0x0];
	v5 =	vor.u32 v1, v5  }
0xc5: {  	s5 =	sadd.s32 s5, s25  }
0xc6: {  	s26 =	sadd.s32 $0x10, s5  }
0xc7: {  	s10 =	sor.u32 $0x300, s26;
	[tilespmem:v6+s18+$0x0] =	vst.idx.add.s32.msk $0xffff, v2  }
0xc8: {  	v7 =	vshrl.u32 v7, $0x10;
	v6 =	vld [tilespmem:s10+$0x0]  }
0xc9: {  	s30 =	sor.u32 $0x300, s5;
	v7 =	vand.u32 $0xFFF0, v7;
	v8 =	vshrl.u32 v8, $0x10;
	[tilespmem:v5+s18+$0x0] =	vst.idx.add.s32.msk $0xffff, v2  }
0xca: {  	v7 =	vor.u32 v1, v7;
	v5 =	vand.u32 $0xFFF0, v8;
	v8 =	vld [tilespmem:s30+$0x0]  }
0xcb: {  	v5 =	vor.u32 v1, v5;
	_ =	sdelay $0x1  }
0xcc: {  	v6 =	vshrl.u32 v6, $0x10  }
0xcd: {  	[tilespmem:v4+s18+$0x0] =	vst.idx.add.s32.msk $0xffff, v2;
	v4 =	vand.u32 $0xFFF0, v6  }
0xce: {  	[tilespmem:v7+s18+$0x0] =	vst.idx.add.s32.msk $0xffff, v2;
	v4 =	vor.u32 v1, v4;
	v8 =	vshrl.u32 v8, $0x10  }
0xcf: {  	s7 =	sor.u32 $0x380, s7;
	[tilespmem:v5+s18+$0x0] =	vst.idx.add.s32.msk $0xffff, v2;
	v5 =	vand.u32 $0xFFF0, v8  }
0xd0: {  	v7 =	vld [tilespmem:s7+$0x0];
	v5 =	vor.u32 v1, v5  }
0xd1: {  	s8 =	sor.u32 $0x380, s8;
	v6 =	vld [tilespmem:s28+$0x0]  }
0xd2: {  	v8 =	vld [tilespmem:s8+$0x0]  }
0xd3: {  	s9 =	sor.u32 $0x380, s26;
	[tilespmem:v4+s18+$0x0] =	vst.idx.add.s32.msk $0xffff, v2  }
0xd4: {  	v4 =	vld [tilespmem:s9+$0x0]  }
0xd5: {  	s5 =	sor.u32 $0x380, s5;
	[tilespmem:v5+s18+$0x0] =	vst.idx.add.s32.msk $0xffff, v2  }
0xd6: {  	v3 =	vshrl.u32 v3, $0x10;
	v5 =	vld [tilespmem:s5+$0x0]  }
0xd7: {  	v3 =	vand.u32 $0xFFF0, v3;
	v7 =	vshrl.u32 v7, $0x10  }
0xd8: {  	v3 =	vor.u32 v1, v3;
	v7 =	vand.u32 $0xFFF0, v7;
	v6 =	vshrl.u32 v6, $0x10  }
0xd9: {  	v7 =	vor.u32 v1, v7;
	v6 =	vand.u32 $0xFFF0, v6;
	v8 =	vshrl.u32 v8, $0x10  }
0xda: {  	v6 =	vor.u32 v1, v6;
	v8 =	vand.u32 $0xFFF0, v8;
	v4 =	vshrl.u32 v4, $0x10  }
0xdb: {  	v8 =	vor.u32 v1, v8;
	v4 =	vand.u32 $0xFFF0, v4;
	v5 =	vshrl.u32 v5, $0x10  }
0xdc: {  	v4 =	vor.u32 v1, v4;
	v5 =	vand.u32 $0xFFF0, v5  }
0xdd: {  	[tilespmem:v3+s18+$0x0] =	vst.idx.add.s32.msk $0xffff, v2;
	v3 =	vor.u32 v1, v5  }
0xde: {  	[tilespmem:v7+s18+$0x0] =	vst.idx.add.s32.msk $0xffff, v2  }
0xdf: {  	p0 =	seq.s32 s0, $0x7;
	[tilespmem:v6+s18+$0x0] =	vst.idx.add.s32.msk $0xffff, v2  }
0xe0: {  	s1 =	sadd.s32 @!p0 s1, s6;
	[tilespmem:v8+s18+$0x0] =	vst.idx.add.s32.msk $0xffff, v2  }
0xe1: {  	s1 =	sshll.u32 @!p0 s1, $0x9;
	[tilespmem:v4+s18+$0x0] =	vst.idx.add.s32.msk $0xffff, v2  }
0xe2: {  	s1 =	sadd.s32 @!p0 s2, s1;
	s5 =	simm.s32 @!p0 $0x0;
	[tilespmem:v3+s18+$0x0] =	vst.idx.add.s32.msk $0xffff, v2  }
0xe3: {  	[tilespmem:s5], [sflag:$0x1] =	stream.linear.gather @!p0 [hbm4b:s1+s5], $0x8000, $0x38;
	[tilespmem:$0x18000] =	vst v63  }
0xe4: {  	s1 =	simm.s32 $0x0;
	_ =	swait.ge [sflag:s19], $0x8000  }
0xe5: {  	s10 =	sand.u32 $0x60, s1;
	s23 =	sand.u32 $0x7C00, s1;
	[sflag:s19] =	ssyncset.done $0x0  }
0xe6: {  	s5 =	sor.u32 s10, s23;
	[sflag:s19] =	ssyncadd.s32 $0xFFFF8000  }
0xe7: {  	v3 =	vld [tilespmem:s5+$0x8010];
	_ =	sdelay $0x3  }
0xe8: {  	v4 =	vld [tilespmem:s5+$0x8000]  }
0xe9: {  	v3 =	vshrl.u32 v3, $0x10  }
0xea: {  	v3 =	vand.u32 $0xFFF0, v3  }
0xeb: {  	v3 =	vor.u32 v1, v3;
	_ =	sdelay $0x1  }
0xec: {  	v4 =	vshrl.u32 v4, $0x10  }
0xed: {  	v4 =	vand.u32 $0xFFF0, v4  }
0xee: {  	v4 =	vor.u32 v1, v4  }
0xef: {  	[tilespmem:v3+s18+$0x0] =	vst.idx.add.s32.msk $0xffff, v2  }
0xf0: {  	v3 =	vld [tilespmem:s5+$0x8090];
	_ =	sdelay $0x2  }
0xf1: {  	[tilespmem:v4+s18+$0x0] =	vst.idx.add.s32.msk $0xffff, v2  }
0xf2: {  	v4 =	vld [tilespmem:s5+$0x8080]  }
0xf3: {  	v3 =	vshrl.u32 v3, $0x10  }
0xf4: {  	v3 =	vand.u32 $0xFFF0, v3  }
0xf5: {  	v3 =	vor.u32 v1, v3;
	_ =	sdelay $0x1  }
0xf6: {  	v4 =	vshrl.u32 v4, $0x10  }
0xf7: {  	v4 =	vand.u32 $0xFFF0, v4  }
0xf8: {  	v4 =	vor.u32 v1, v4  }
0xf9: {  	s24 =	simm.s32 $0x20;
	s23 =	simm.s32 $0x100;
	[tilespmem:v3+s18+$0x0] =	vst.idx.add.s32.msk $0xffff, v2  }
0xfa: {  	s7 =	sand.u32 $0x60, s24;
	s25 =	sand.u32 $0x7C00, s23;
	v3 =	vld [tilespmem:s5+$0x8110]  }
0xfb: {  	s24 =	sor.u32 s7, s25  }
0xfc: {  	v6 =	vld [tilespmem:s24+$0x8000]  }
0xfd: {  	[tilespmem:v4+s18+$0x0] =	vst.idx.add.s32.msk $0xffff, v2  }
0xfe: {  	v4 =	vld [tilespmem:s5+$0x8100]  }
0xff: {  	v3 =	vshrl.u32 v3, $0x10  }
0x100: {  	v5 =	vld [tilespmem:s24+$0x8010];
	v3 =	vand.u32 $0xFFF0, v3  }
0x101: {  	v6 =	vshrl.u32 v6, $0x10;
	v3 =	vor.u32 v1, v3  }
0x102: {  	v6 =	vand.u32 $0xFFF0, v6  }
0x103: {  	v6 =	vor.u32 v1, v6;
	v4 =	vshrl.u32 v4, $0x10  }
0x104: {  	v4 =	vand.u32 $0xFFF0, v4  }
0x105: {  	v5 =	vshrl.u32 v5, $0x10;
	v4 =	vor.u32 v1, v4  }
0x106: {  	[tilespmem:v3+s18+$0x0] =	vst.idx.add.s32.msk $0xffff, v2;
	v3 =	vand.u32 $0xFFF0, v5  }
0x107: {  	v5 =	vld [tilespmem:s5+$0x8190];
	v3 =	vor.u32 v1, v3  }
0x108: {  	[tilespmem:v6+s18+$0x0] =	vst.idx.add.s32.msk $0xffff, v2  }
0x109: {  	v6 =	vld [tilespmem:s24+$0x8080]  }
0x10a: {  	[tilespmem:v4+s18+$0x0] =	vst.idx.add.s32.msk $0xffff, v2  }
0x10b: {  	v4 =	vld [tilespmem:s5+$0x8180]  }
0x10c: {  	v5 =	vshrl.u32 v5, $0x10;
	[tilespmem:v3+s18+$0x0] =	vst.idx.add.s32.msk $0xffff, v2  }
0x10d: {  	v3 =	vand.u32 $0xFFF0, v5;
	v5 =	vld [tilespmem:s24+$0x8090]  }
0x10e: {  	v6 =	vshrl.u32 v6, $0x10;
	v3 =	vor.u32 v1, v3  }
0x10f: {  	v6 =	vand.u32 $0xFFF0, v6  }
0x110: {  	v6 =	vor.u32 v1, v6;
	v4 =	vshrl.u32 v4, $0x10  }
0x111: {  	v4 =	vand.u32 $0xFFF0, v4  }
0x112: {  	v4 =	vor.u32 v1, v4;
	v5 =	vshrl.u32 v5, $0x10  }
0x113: {  	[tilespmem:v3+s18+$0x0] =	vst.idx.add.s32.msk $0xffff, v2;
	v3 =	vand.u32 $0xFFF0, v5  }
0x114: {  	v5 =	vld [tilespmem:s5+$0x8210];
	v3 =	vor.u32 v1, v3  }
0x115: {  	[tilespmem:v6+s18+$0x0] =	vst.idx.add.s32.msk $0xffff, v2  }
0x116: {  	v6 =	vld [tilespmem:s24+$0x8100]  }
0x117: {  	[tilespmem:v4+s18+$0x0] =	vst.idx.add.s32.msk $0xffff, v2  }
0x118: {  	v4 =	vld [tilespmem:s5+$0x8200]  }
0x119: {  	v5 =	vshrl.u32 v5, $0x10;
	[tilespmem:v3+s18+$0x0] =	vst.idx.add.s32.msk $0xffff, v2  }
0x11a: {  	v3 =	vand.u32 $0xFFF0, v5;
	v5 =	vld [tilespmem:s24+$0x8110]  }
0x11b: {  	s26 =	simm.s32 $0x40;
	s25 =	simm.s32 $0x200;
	v3 =	vor.u32 v1, v3  }
0x11c: {  	s7 =	sand.u32 $0x60, s26;
	s30 =	sand.u32 $0x7C00, s25;
	v6 =	vshrl.u32 v6, $0x10  }
0x11d: {  	s26 =	sor.u32 s7, s30;
	v6 =	vand.u32 $0xFFF0, v6;
	v4 =	vshrl.u32 v4, $0x10  }
0x11e: {  	v7 =	vld [tilespmem:s26+$0x8010];
	v6 =	vor.u32 v1, v6;
	v4 =	vand.u32 $0xFFF0, v4  }
0x11f: {  	v8 =	vld [tilespmem:s26+$0x8000];
	v4 =	vor.u32 v1, v4;
	v5 =	vshrl.u32 v5, $0x10  }
0x120: {  	[tilespmem:v3+s18+$0x0] =	vst.idx.add.s32.msk $0xffff, v2;
	v3 =	vand.u32 $0xFFF0, v5  }
0x121: {  	v5 =	vld [tilespmem:s5+$0x8290];
	v3 =	vor.u32 v1, v3;
	_ =	sdelay $0x1  }
0x122: {  	v7 =	vshrl.u32 v7, $0x10;
	[tilespmem:v6+s18+$0x0] =	vst.idx.add.s32.msk $0xffff, v2  }
0x123: {  	[tilespmem:v4+s18+$0x0] =	vst.idx.add.s32.msk $0xffff, v2;
	v4 =	vand.u32 $0xFFF0, v7  }
0x124: {  	v8 =	vshrl.u32 v8, $0x10;
	v7 =	vld [tilespmem:s5+$0x8280];
	v4 =	vor.u32 v1, v4  }
0x125: {  	v8 =	vand.u32 $0xFFF0, v8;
	v5 =	vshrl.u32 v5, $0x10;
	[tilespmem:v3+s18+$0x0] =	vst.idx.add.s32.msk $0xffff, v2  }
0x126: {  	v6 =	vor.u32 v1, v8;
	v3 =	vand.u32 $0xFFF0, v5;
	v5 =	vld [tilespmem:s24+$0x8190]  }
0x127: {  	v3 =	vor.u32 v1, v3  }
0x128: {  	s8 =	sand.u32 $0x3, s1;
	v8 =	vld [tilespmem:s24+$0x8180]  }
0x129: {  	s5 =	sshll.u32 s8, $0x5;
	v7 =	vshrl.u32 v7, $0x10;
	[tilespmem:v4+s18+$0x0] =	vst.idx.add.s32.msk $0xffff, v2  }
0x12a: {  	s5 =	sadd.s32 $0x0, s5;
	v4 =	vand.u32 $0xFFF0, v7;
	v7 =	vld [tilespmem:s26+$0x8090]  }
0x12b: {  	[tilespmem:v6+s18+$0x0] =	vst.idx.add.s32.msk $0xffff, v2;
	s9 =	sadd.s32 $0x10, s5;
	v4 =	vor.u32 v1, v4;
	v5 =	vshrl.u32 v5, $0x10  }
0x12c: {  	s10 =	sor.u32 $0x300, s9;
	[tilespmem:v3+s18+$0x0] =	vst.idx.add.s32.msk $0xffff, v2;
	v3 =	vand.u32 $0xFFF0, v5  }
0x12d: {  	v6 =	vshrl.u32 v8, $0x10;
	v5 =	vld [tilespmem:s10+$0x8000];
	v3 =	vor.u32 v1, v3  }
0x12e: {  	v6 =	vand.u32 $0xFFF0, v6  }
0x12f: {  	v8 =	vld [tilespmem:s26+$0x8080];
	v6 =	vor.u32 v1, v6;
	v7 =	vshrl.u32 v7, $0x10  }
0x130: {  	s30 =	sor.u32 $0x300, s5;
	[tilespmem:v4+s18+$0x0] =	vst.idx.add.s32.msk $0xffff, v2;
	v4 =	vand.u32 $0xFFF0, v7  }
0x131: {  	v7 =	vld [tilespmem:s30+$0x8000];
	v4 =	vor.u32 v1, v4  }
0x132: {  	v5 =	vshrl.u32 v5, $0x10;
	[tilespmem:v3+s18+$0x0] =	vst.idx.add.s32.msk $0xffff, v2  }
0x133: {  	v3 =	vand.u32 $0xFFF0, v5;
	v5 =	vld [tilespmem:s24+$0x8210]  }
0x134: {  	v8 =	vshrl.u32 v8, $0x10;
	[tilespmem:v6+s18+$0x0] =	vst.idx.add.s32.msk $0xffff, v2;
	v3 =	vor.u32 v1, v3  }
0x135: {  	v8 =	vand.u32 $0xFFF0, v8;
	v9 =	vld [tilespmem:s24+$0x8200]  }
0x136: {  	v8 =	vor.u32 v1, v8;
	[tilespmem:v4+s18+$0x0] =	vst.idx.add.s32.msk $0xffff, v2;
	v4 =	vshrl.u32 v7, $0x10  }
0x137: {  	v4 =	vand.u32 $0xFFF0, v4  }
0x138: {  	v6 =	vld [tilespmem:s26+$0x8110];
	v4 =	vor.u32 v1, v4;
	v5 =	vshrl.u32 v5, $0x10  }
0x139: {  	s7 =	sor.u32 $0x380, s9;
	[tilespmem:v3+s18+$0x0] =	vst.idx.add.s32.msk $0xffff, v2;
	v5 =	vand.u32 $0xFFF0, v5  }
0x13a: {  	s29 =	simm.s32 $0x4;
	v3 =	vld [tilespmem:s7+$0x8000];
	v5 =	vor.u32 v1, v5  }
0x13b: {  	[tilespmem:v8+s18+$0x0] =	vst.idx.add.s32.msk $0xffff, v2;
	s28 =	sor.u32 $0x380, s5;
	s5 =	simm.s32 $0x300;
	v7 =	vshrl.u32 v9, $0x10;
	s7 =	simm.s32 $0x60  }
.LBB2_7:
0x13c: {  	s8 =	sand.u32 $0x60, s7;
	s9 =	sand.u32 $0x7C00, s5;
	v8 =	vld [tilespmem:s26+$0x8100];
	v7 =	vand.u32 $0xFFF0, v7  }
0x13d: {  	s29 =	sadd.s32 $0x2, s29;
	s8 =	sor.u32 s8, s9;
	v6 =	vshrl.u32 v6, $0x10;
	v7 =	vor.u32 v1, v7;
	[tilespmem:v4+s18+$0x0] =	vst.idx.add.s32.msk $0xffff, v2  }
0x13e: {  	p0 =	slt.u32 s29, $0xFE;
	v4 =	vld [tilespmem:s8+$0x8010];
	v6 =	vand.u32 $0xFFF0, v6  }
0x13f: {  	v6 =	vor.u32 v1, v6;
	[tilespmem:v5+s18+$0x0] =	vst.idx.add.s32.msk $0xffff, v2;
	v3 =	vshrl.u32 v3, $0x10  }
0x140: {  	v5 =	vld [tilespmem:s24+$0x8290];
	v3 =	vand.u32 $0xFFF0, v3  }
0x141: {  	v9 =	vld [tilespmem:s8+$0x8000];
	v8 =	vshrl.u32 v8, $0x10;
	v3 =	vor.u32 v1, v3  }
0x142: {  	v8 =	vand.u32 $0xFFF0, v8;
	[tilespmem:v7+s18+$0x0] =	vst.idx.add.s32.msk $0xffff, v2  }
0x143: {  	v4 =	vshrl.u32 v4, $0x10;
	v7 =	vor.u32 v1, v8;
	v8 =	vld [tilespmem:s24+$0x8280];
	s24 =	smov.u32 s26;
	s26 =	smov.u32 s8  }
0x144: {  	v4 =	vand.u32 $0xFFF0, v4;
	[tilespmem:v6+s18+$0x0] =	vst.idx.add.s32.msk $0xffff, v2  }
0x145: {  	v4 =	vor.u32 v1, v4;
	v6 =	vld [tilespmem:s24+$0x8190];
	v5 =	vshrl.u32 v5, $0x10  }
0x146: {  	v9 =	vshrl.u32 v9, $0x10;
	v5 =	vand.u32 $0xFFF0, v5;
	[tilespmem:v3+s18+$0x0] =	vst.idx.add.s32.msk $0xffff, v2  }
0x147: {  	s1 =	sadd.s32 $0x1, s1;
	v3 =	vand.u32 $0xFFF0, v9;
	v5 =	vor.u32 v1, v5;
	v9 =	vld [tilespmem:s28+$0x8000]  }
0x148: {  	s8 =	sand.u32 $0x3, s1;
	v3 =	vor.u32 v1, v3;
	[tilespmem:v7+s18+$0x0] =	vst.idx.add.s32.msk $0xffff, v2;
	v7 =	vshrl.u32 v8, $0x10  }
0x149: {  	s8 =	sshll.u32 s8, $0x5;
	v8 =	vld [tilespmem:s24+$0x8180];
	v7 =	vand.u32 $0xFFF0, v7  }
0x14a: {  	s8 =	sadd.s32 s8, s23;
	s23 =	smov.u32 s25;
	s25 =	smov.u32 s5;
	[tilespmem:v4+s18+$0x0] =	vst.idx.add.s32.msk $0xffff, v2;
	v4 =	vor.u32 v1, v7  }
0x14b: {  	s9 =	sor.u32 $0x300, s8;
	s28 =	sor.u32 $0x380, s8;
	s8 =	sadd.s32 $0x10, s8;
	v6 =	vshrl.u32 v6, $0x10;
	v7 =	vld [tilespmem:s26+$0x8090]  }
0x14c: {  	s10 =	sor.u32 $0x300, s8;
	v6 =	vand.u32 $0xFFF0, v6;
	[tilespmem:v5+s18+$0x0] =	vst.idx.add.s32.msk $0xffff, v2;
	v5 =	vshrl.u32 v9, $0x10  }
0x14d: {  	v6 =	vor.u32 v1, v6;
	v9 =	vld [tilespmem:s10+$0x8000];
	v5 =	vand.u32 $0xFFF0, v5  }
0x14e: {  	[tilespmem:v3+s18+$0x0] =	vst.idx.add.s32.msk $0xffff, v2;
	v3 =	vshrl.u32 v8, $0x10;
	v5 =	vor.u32 v1, v5  }
0x14f: {  	v8 =	vld [tilespmem:s26+$0x8080];
	v3 =	vand.u32 $0xFFF0, v3  }
0x150: {  	v7 =	vshrl.u32 v7, $0x10;
	v3 =	vor.u32 v1, v3;
	[tilespmem:v4+s18+$0x0] =	vst.idx.add.s32.msk $0xffff, v2  }
0x151: {  	v4 =	vand.u32 $0xFFF0, v7;
	v7 =	vld [tilespmem:s9+$0x8000]  }
0x152: {  	v4 =	vor.u32 v1, v4;
	[tilespmem:v6+s18+$0x0] =	vst.idx.add.s32.msk $0xffff, v2;
	v6 =	vshrl.u32 v9, $0x10  }
0x153: {  	v9 =	vld [tilespmem:s24+$0x8210];
	v6 =	vand.u32 $0xFFF0, v6  }
0x154: {  	v8 =	vshrl.u32 v8, $0x10;
	v10 =	vor.u32 v1, v6;
	[tilespmem:v5+s18+$0x0] =	vst.idx.add.s32.msk $0xffff, v2  }
0x155: {  	v5 =	vand.u32 $0xFFF0, v8;
	[tilespmem:v3+s18+$0x0] =	vst.idx.add.s32.msk $0xffff, v2  }
0x156: {  	v8 =	vor.u32 v1, v5;
	v11 =	vld [tilespmem:s24+$0x8200];
	v3 =	vshrl.u32 v7, $0x10  }
.Ltmp2:
0x157: {  	[tilespmem:v4+s18+$0x0] =	vst.idx.add.s32.msk $0xffff, v2;
	v3 =	vand.u32 $0xFFF0, v3;
	(pc) =	sbr.rel @p0 .LBB2_7-.Ltmp2, $4  }
0x158: {  	v6 =	vld [tilespmem:s26+$0x8110];
	v5 =	vshrl.u32 v9, $0x10;
	v4 =	vor.u32 v1, v3  }
0x159: {  	s8 =	sor.u32 $0x380, s8;
	v3 =	vand.u32 $0xFFF0, v5;
	[tilespmem:v10+s18+$0x0] =	vst.idx.add.s32.msk $0xffff, v2  }
0x15a: {  	v5 =	vor.u32 v1, v3;
	v3 =	vld [tilespmem:s8+$0x8000]  }
0x15b: {  	s7 =	sadd.s32 $0x20, s7;
	s5 =	sadd.s32 $0x100, s5;
	[tilespmem:v8+s18+$0x0] =	vst.idx.add.s32.msk $0xffff, v2;
	v7 =	vshrl.u32 v11, $0x10  }
0x15c: {  	v8 =	vld [tilespmem:s26+$0x8100];
	_ =	sdelay $0x2  }
0x15d: {  	v6 =	vshrl.u32 v6, $0x10  }
0x15e: {  	v6 =	vand.u32 $0xFFF0, v6  }
0x15f: {  	v6 =	vor.u32 v1, v6;
	v8 =	vshrl.u32 v8, $0x10  }
0x160: {  	v8 =	vand.u32 $0xFFF0, v8  }
0x161: {  	v8 =	vor.u32 v1, v8;
	_ =	sdelay $0x2  }
0x162: {  	[tilespmem:v6+s18+$0x0] =	vst.idx.add.s32.msk $0xffff, v2  }
0x163: {  	v6 =	vld [tilespmem:s26+$0x8190]  }
0x164: {  	[tilespmem:v8+s18+$0x0] =	vst.idx.add.s32.msk $0xffff, v2  }
0x165: {  	v8 =	vld [tilespmem:s26+$0x8180];
	_ =	sdelay $0x2  }
0x166: {  	v6 =	vshrl.u32 v6, $0x10  }
0x167: {  	v6 =	vand.u32 $0xFFF0, v6  }
0x168: {  	v6 =	vor.u32 v1, v6;
	v8 =	vshrl.u32 v8, $0x10  }
0x169: {  	v8 =	vand.u32 $0xFFF0, v8  }
0x16a: {  	v8 =	vor.u32 v1, v8;
	_ =	sdelay $0x2  }
0x16b: {  	[tilespmem:v6+s18+$0x0] =	vst.idx.add.s32.msk $0xffff, v2  }
0x16c: {  	v6 =	vld [tilespmem:s26+$0x8210]  }
0x16d: {  	v7 =	vand.u32 $0xFFF0, v7;
	[tilespmem:v8+s18+$0x0] =	vst.idx.add.s32.msk $0xffff, v2  }
0x16e: {  	v7 =	vor.u32 v1, v7;
	v8 =	vld [tilespmem:s26+$0x8200];
	_ =	sdelay $0x2  }
0x16f: {  	v6 =	vshrl.u32 v6, $0x10  }
0x170: {  	v6 =	vand.u32 $0xFFF0, v6  }
0x171: {  	[tilespmem:v7+s18+$0x0] =	vst.idx.add.s32.msk $0xffff, v2;
	v6 =	vor.u32 v1, v6;
	v8 =	vshrl.u32 v8, $0x10  }
0x172: {  	v7 =	vld [tilespmem:s24+$0x8280];
	v52 =	vand.u32 $0xFFF0, v8  }
0x173: {  	[tilespmem:v5+s18+$0x0] =	vst.idx.add.s32.msk $0xffff, v2;
	v5 =	vor.u32 v1, v52  }
0x174: {  	v53 =	vld [tilespmem:s24+$0x8290];
	_ =	sdelay $0x1  }
0x175: {  	[tilespmem:v6+s18+$0x0] =	vst.idx.add.s32.msk $0xffff, v2  }
0x176: {  	v7 =	vshrl.u32 v7, $0x10;
	v6 =	vld [tilespmem:s26+$0x8290]  }
0x177: {  	v7 =	vand.u32 $0xFFF0, v7;
	[tilespmem:v5+s18+$0x0] =	vst.idx.add.s32.msk $0xffff, v2  }
0x178: {  	v7 =	vor.u32 v1, v7;
	v8 =	vshrl.u32 v53, $0x10;
	v55 =	vld [tilespmem:s26+$0x8280]  }
0x179: {  	s1 =	sadd.s32 $0x1, s1;
	v54 =	vand.u32 $0xFFF0, v8  }
0x17a: {  	s5 =	sand.u32 $0x3, s1;
	v5 =	vor.u32 v1, v54  }
0x17b: {  	s5 =	sshll.u32 s5, $0x5;
	v6 =	vshrl.u32 v6, $0x10  }
0x17c: {  	s5 =	sadd.s32 s5, s23;
	v6 =	vand.u32 $0xFFF0, v6  }
0x17d: {  	s1 =	sadd.s32 $0x1, s1;
	s24 =	sor.u32 $0x300, s5;
	[tilespmem:v7+s18+$0x0] =	vst.idx.add.s32.msk $0xffff, v2;
	v6 =	vor.u32 v1, v6;
	v8 =	vshrl.u32 v55, $0x10  }
0x17e: {  	s1 =	sand.u32 $0x3, s1;
	s7 =	sadd.s32 $0x10, s5;
	v7 =	vld [tilespmem:s24+$0x8000];
	v56 =	vand.u32 $0xFFF0, v8  }
0x17f: {  	s1 =	sshll.u32 s1, $0x5;
	s8 =	sor.u32 $0x300, s7;
	[tilespmem:v5+s18+$0x0] =	vst.idx.add.s32.msk $0xffff, v2;
	v5 =	vor.u32 v1, v56  }
0x180: {  	s1 =	sadd.s32 s1, s25;
	v57 =	vld [tilespmem:s8+$0x8000]  }
0x181: {  	s26 =	sadd.s32 $0x10, s1  }
0x182: {  	s9 =	sor.u32 $0x300, s26;
	[tilespmem:v6+s18+$0x0] =	vst.idx.add.s32.msk $0xffff, v2  }
0x183: {  	v6 =	vld [tilespmem:s9+$0x8000]  }
0x184: {  	s29 =	sor.u32 $0x300, s1;
	v7 =	vshrl.u32 v7, $0x10;
	[tilespmem:v5+s18+$0x0] =	vst.idx.add.s32.msk $0xffff, v2  }
0x185: {  	v7 =	vand.u32 $0xFFF0, v7;
	v8 =	vshrl.u32 v57, $0x10;
	v59 =	vld [tilespmem:s29+$0x8000]  }
0x186: {  	v7 =	vor.u32 v1, v7;
	v58 =	vand.u32 $0xFFF0, v8  }
0x187: {  	v5 =	vor.u32 v1, v58  }
0x188: {  	v6 =	vshrl.u32 v6, $0x10  }
0x189: {  	[tilespmem:v4+s18+$0x0] =	vst.idx.add.s32.msk $0xffff, v2;
	v60 =	vand.u32 $0xFFF0, v6  }
0x18a: {  	v61 =	vld [tilespmem:s28+$0x8000];
	v4 =	vor.u32 v1, v60;
	v8 =	vshrl.u32 v59, $0x10  }
0x18b: {  	[tilespmem:v7+s18+$0x0] =	vst.idx.add.s32.msk $0xffff, v2;
	v62 =	vand.u32 $0xFFF0, v8  }
0x18c: {  	s5 =	sor.u32 $0x380, s5;
	[tilespmem:v5+s18+$0x0] =	vst.idx.add.s32.msk $0xffff, v2;
	v5 =	vor.u32 v1, v62  }
0x18d: {  	s7 =	sor.u32 $0x380, s7;
	v7 =	vld [tilespmem:s5+$0x8000]  }
0x18e: {  	v63 =	vld [tilespmem:s7+$0x8000]  }
0x18f: {  	s30 =	sor.u32 $0x380, s26;
	[tilespmem:v4+s18+$0x0] =	vst.idx.add.s32.msk $0xffff, v2  }
0x190: {  	v4 =	vld [tilespmem:s30+$0x8000]  }
0x191: {  	s1 =	sor.u32 $0x380, s1;
	[tilespmem:v5+s18+$0x0] =	vst.idx.add.s32.msk $0xffff, v2  }
0x192: {  	v3 =	vshrl.u32 v3, $0x10;
	v5 =	vld [tilespmem:s1+$0x8000]  }
0x193: {  	v3 =	vand.u32 $0xFFF0, v3;
	v7 =	vshrl.u32 v7, $0x10  }
0x194: {  	v3 =	vor.u32 v1, v3;
	v7 =	vand.u32 $0xFFF0, v7;
	v6 =	vshrl.u32 v61, $0x10  }
0x195: {  	v7 =	vor.u32 v1, v7;
	v6 =	vand.u32 $0xFFF0, v6;
	v8 =	vshrl.u32 v63, $0x10  }
0x196: {  	v6 =	vor.u32 v1, v6;
	v8 =	vand.u32 $0xFFF0, v8;
	v4 =	vshrl.u32 v4, $0x10  }
0x197: {  	v8 =	vor.u32 v1, v8;
	v4 =	vand.u32 $0xFFF0, v4;
	v5 =	vshrl.u32 v5, $0x10  }
0x198: {  	s0 =	sadd.s32 $0x1, s0;
	v4 =	vor.u32 v1, v4;
	v5 =	vand.u32 $0xFFF0, v5  }
0x199: {  	p0 =	sne.s32 s0, $0x8;
	[tilespmem:v3+s18+$0x0] =	vst.idx.add.s32.msk $0xffff, v2;
	v3 =	vor.u32 v1, v5  }
.Ltmp3:
0x19a: {  	[tilespmem:v7+s18+$0x0] =	vst.idx.add.s32.msk $0xffff, v2;
	(pc) =	sbr.rel @p0 .LBB2_4-.Ltmp3, $4  }
0x19b: {  	[tilespmem:v6+s18+$0x0] =	vst.idx.add.s32.msk $0xffff, v2  }
0x19c: {  	[tilespmem:v8+s18+$0x0] =	vst.idx.add.s32.msk $0xffff, v2  }
0x19d: {  	[tilespmem:v4+s18+$0x0] =	vst.idx.add.s32.msk $0xffff, v2  }
0x19e: {  	[tilespmem:v3+s18+$0x0] =	vst.idx.add.s32.msk $0xffff, v2  }
0x19f: {  	s0 =	rddreg [dreg:$0x4]  }
0x1a0: {  	[hbm4b:s0+s20] =	stream.strided.scatter [tilespmem:s18], [sflag:$0x3], $0x1000, s21, s20, $0x38;
	[tilespmem:$0x18000] =	vst v63  }
0x1a1: {  	_ =	swait.ge [sflag:s22], $0x1000  }
0x1a2: {  	[sflag:s22] =	ssyncset.done $0x0  }
0x1a3: {  	s1 =	simm.s32 $0x11000;
	s9 =	rddreg [dreg:$0x5];
	[sflag:s22] =	ssyncadd.s32 $0xFFFFF000  }
0x1a4: {  	[hbm4b:s9+s20] =	stream.strided.scatter [tilespmem:s1], [sflag:$0x3], $0x1000, s21, s20, $0x38;
	[tilespmem:$0x18000] =	vst v63  }
0x1a5: {  	_ =	swait.ge [sflag:s22], $0x1000  }
0x1a6: {  	[sflag:s22] =	ssyncset.done $0x0  }
0x1a7: {  	s23 =	simm.s32 $0x12000;
	s10 =	rddreg [dreg:$0x6];
	[sflag:s22] =	ssyncadd.s32 $0xFFFFF000  }
0x1a8: {  	[hbm4b:s10+s20] =	stream.strided.scatter [tilespmem:s23], [sflag:$0x3], $0x1000, s21, s20, $0x38;
	[tilespmem:$0x18000] =	vst v63  }
0x1a9: {  	_ =	swait.ge [sflag:s22], $0x1000  }
0x1aa: {  	[sflag:s22] =	ssyncset.done $0x0  }
0x1ab: {  	s25 =	simm.s32 $0x13000;
	s24 =	rddreg [dreg:$0x7];
	[sflag:s22] =	ssyncadd.s32 $0xFFFFF000  }
0x1ac: {  	[hbm4b:s24+s20] =	stream.strided.scatter [tilespmem:s25], [sflag:$0x3], $0x1000, s21, s20, $0x38;
	[tilespmem:$0x18000] =	vst v63  }
0x1ad: {  	_ =	swait.ge [sflag:s22], $0x1000  }
0x1ae: {  	[sflag:s22] =	ssyncset.done $0x0  }
0x1af: {  	s26 =	simm.s32 $0x14000;
	[sflag:s22] =	ssyncadd.s32 $0xFFFFF000  }
0x1b0: {  	[hbm4b:s11+s20] =	stream.strided.scatter [tilespmem:s26], [sflag:$0x3], $0x1000, s21, s20, $0x38;
	[tilespmem:$0x18000] =	vst v63  }
0x1b1: {  	_ =	swait.ge [sflag:s22], $0x1000  }
0x1b2: {  	[sflag:s22] =	ssyncset.done $0x0  }
0x1b3: {  	s28 =	simm.s32 $0x15000;
	[sflag:s22] =	ssyncadd.s32 $0xFFFFF000  }
0x1b4: {  	[hbm4b:s12+s20] =	stream.strided.scatter [tilespmem:s28], [sflag:$0x3], $0x1000, s21, s20, $0x38;
	[tilespmem:$0x18000] =	vst v63  }
0x1b5: {  	_ =	swait.ge [sflag:s22], $0x1000  }
0x1b6: {  	[sflag:s22] =	ssyncset.done $0x0  }
0x1b7: {  	s29 =	simm.s32 $0x16000;
	[sflag:s22] =	ssyncadd.s32 $0xFFFFF000  }
0x1b8: {  	[hbm4b:s13+s20] =	stream.strided.scatter [tilespmem:s29], [sflag:$0x3], $0x1000, s21, s20, $0x38;
	[tilespmem:$0x18000] =	vst v63  }
0x1b9: {  	s3 =	sadd.s32 $0x1, s3;
	_ =	swait.ge [sflag:s22], $0x1000  }
0x1ba: {  	p0 =	sne.s32 s3, s15;
	[sflag:s22] =	ssyncset.done $0x0  }
.Ltmp4:
0x1bb: {  	s30 =	simm.s32 $0x17000;
	[sflag:s22] =	ssyncadd.s32 $0xFFFFF000;
	(pc) =	sbr.rel @p0 .LBB2_1-.Ltmp4, $4  }
0x1bc: {  	[hbm4b:s14+s20] =	stream.strided.scatter [tilespmem:s30], [sflag:$0x3], $0x1000, s21, s20, $0x38;
	[tilespmem:$0x18000] =	vst v63  }
0x1bd: {  	_ =	swait.ge [sflag:s22], $0x1000  }
0x1be: {  	[sflag:s22] =	ssyncset.done $0x0  }
0x1bf: {  	[sflag:s22] =	ssyncadd.s32 $0xFFFFF000  }
0x1c0: {  	_ =	sfence.sel $0x180000  }
0x1c1: {  	[bflag:$0x0] =	sbarrier.arrive $0xFFFF  }
0x1c2: {  	_ =	strace $0x90000047  }
0x1c3: {  	s0 =	stileid.u32;
	[bflag:$0x2] =	sbarrier.arrive $0xFFFF  }
0x1c4: {  	p0 =	sne.s32 s0, $0x0;
	s0 =	rddreg [dreg:$0x2]  }
0x1c5: {  	s0 =	sadd.s32 @!p0 $0x100000, s0  }
0x1c6: {  	[sflag:s0] =	ssyncadd.tile.s32 @!p0 $0x1;
	_ =	shalt  }
.Lfunc_end2:
_tile_overlayer_lowered:
.L_overlay_start_2:
0x1c7: {  	(tag) =	ssettag $0x2  }
0x1c8: {  	s0 =	rddreg [dreg:$0x0];
	s2 =	stileid.u32  }
0x1c9: {  	s1 =	rddreg [dreg:$0x1];
	p0 =	sne.s32 s2, $0x0  }
0x1ca: {  	s3 =	rddreg [dreg:$0x2];
	[bflag:$0x3] =	sbarrier.arrive $0xFFFF;
	s2 =	simm.s32 @!p0 $0x1C03  }
0x1cb: {  	[timem:s3], [sflag:s2] =	dma.local @!p0 [hbm:s0], s1  }
0x1cc: {  	s0 =	simm.s32 @!p0 $0x3  }
0x1cd: {  	_ =	swait.ge @!p0 [sflag:s0], s1  }
0x1ce: {  	s1 =	ssub.s32 @!p0 $0x0, s1;
	[sflag:s0] =	ssyncset.done @!p0 $0x0  }
0x1cf: {  	[sflag:s0] =	ssyncadd.s32 @!p0 s1  }
0x1d0: {  	[bflag:$0x3] =	sbarrier.arrive $0xFFFF  }
0x1d1: {  	_ =	shalt  }

</sc_bundles>
